<compile_context>
chip_gen: v7x
topology: tpu7x:2x2x1
jax: 0.10.2.dev20260603
libtpu: 0.0.44.dev20260713+nightly
codegen_flags: <defaults>
</compile_context>

<pallas_src>
import functools

import jax
import jax.numpy as jnp
from jax import lax
from jax.experimental import pallas as pl
from jax.experimental.pallas import tpu as pltpu
from jax.experimental.pallas import tpu_sc as plsc

N_NODES = 10000
E_EDGES = 320000
D = 128
DH = D // 2
NC = 2
NS = 16
L = 16

CH = 32
NCHT = E_EDGES // CH
KK = NCHT // NS

NP = 10240
PERT = NP // NS



def _h_pre_body(h_ref, g_ref, b_ref, wa_ref, ba_ref, wb_ref, bb_ref,
                wc_ref, bc_ref, wd_ref, bd_ref,
                ah_ref, bh_ref, ch_ref, dh_ref):
    x = h_ref[...]
    mean = jnp.mean(x, axis=0, keepdims=True)
    xc = x - mean
    var = jnp.mean(xc * xc, axis=0, keepdims=True)
    xn = g_ref[...] * xc * jax.lax.rsqrt(var + 1e-5) + b_ref[...]
    ah_ref[...] = jnp.dot(xn, wa_ref[...], preferred_element_type=jnp.float32) + ba_ref[...]
    bh_ref[...] = jnp.dot(xn, wb_ref[...], preferred_element_type=jnp.float32) + bb_ref[...]
    ch_ref[...] = jnp.dot(xn, wc_ref[...], preferred_element_type=jnp.float32) + bc_ref[...]
    dh_ref[...] = jnp.dot(xn, wd_ref[...], preferred_element_type=jnp.float32) + bd_ref[...]


def _colstats_body(x_ref, o_ref):
    i = pl.program_id(0)
    x = x_ref[...]
    s1 = jnp.sum(x, axis=0, keepdims=True)
    s2 = jnp.sum(x * x, axis=0, keepdims=True)
    blk = jnp.concatenate([s1, s2, jnp.zeros((6, D), jnp.float32)], axis=0)

    @pl.when(i == 0)
    def _init():
        o_ref[...] = blk

    @pl.when(i != 0)
    def _acc():
        o_ref[...] += blk


def _e_pre_body(x_ref, st_ref, g_ref, b_ref, we_ref, be_ref, o_ref):
    x = x_ref[...]
    mean = st_ref[0:1, :] / E_EDGES
    var = st_ref[1:2, :] / E_EDGES - mean * mean
    xn = g_ref[...] * (x - mean) * jax.lax.rsqrt(var + 1e-5) + b_ref[...]
    ee = jnp.dot(xn, we_ref[...], preferred_element_type=jnp.float32) + be_ref[...]
    o_ref[0] = jnp.concatenate([ee[:, :DH], x[:, :DH]], axis=1)
    o_ref[1] = jnp.concatenate([ee[:, DH:], x[:, DH:]], axis=1)


def _h_post_body(ah_ref, acch_ref, accs_ref, hin_ref, g_ref, b_ref,
                 w1_ref, b1_ref, w2_ref, b2_ref, o_ref):
    hmid = ah_ref[...] + acch_ref[...] / (accs_ref[...] + 1e-10)
    h2 = hin_ref[...] + hmid
    mean = jnp.mean(h2, axis=0, keepdims=True)
    xc = h2 - mean
    var = jnp.mean(xc * xc, axis=0, keepdims=True)
    xn = g_ref[...] * xc * jax.lax.rsqrt(var + 1e-5) + b_ref[...]
    f = jnp.maximum(jnp.dot(xn, w1_ref[...], preferred_element_type=jnp.float32) + b1_ref[...], 0.0)
    o_ref[...] = h2 + jnp.dot(f, w2_ref[...], preferred_element_type=jnp.float32) + b2_ref[...]


def _e_post_body(xp_ref, s1_ref, s2_ref, g_ref, b_ref, w1_ref, b1_ref, w2_ref, b2_ref, o_ref):
    xp = xp_ref[...]
    nb = xp.shape[0]
    x_even = jnp.concatenate([xp[:, 0:DH], xp[:, D:D + DH]], axis=1)
    x_odd = jnp.concatenate([xp[:, DH:D], xp[:, D + DH:]], axis=1)
    x = jnp.stack([x_even, x_odd], axis=1).reshape(2 * nb, D)
    mean = jnp.sum(s1_ref[...], axis=0, keepdims=True) / E_EDGES
    var = jnp.sum(s2_ref[...], axis=0, keepdims=True) / E_EDGES - mean * mean
    xn = g_ref[...] * (x - mean) * jax.lax.rsqrt(var + 1e-5) + b_ref[...]
    f = jnp.maximum(jnp.dot(xn, w1_ref[...], preferred_element_type=jnp.float32) + b1_ref[...], 0.0)
    o_ref[...] = x + jnp.dot(f, w2_ref[...], preferred_element_type=jnp.float32) + b2_ref[...]



def _sc_edge_body(src_hbm, dst_hbm, tbl_hbm, ei_hbm,
                  e2_hbm, acc_hbm, st_hbm,
                  src_v, dst_v, gidx_v, sdst_v, dat_v, stage_v, e2p_v, st_v,
                  acc_sh,
                  ssem0, ssem1, dsem0, dsem1,
                  csem0, csem1, gsem0, gsem1, osem0, osem1):
    c = lax.axis_index("c")
    s = lax.axis_index("s")
    c0 = pl.multiple_of(c * DH, DH)
    ssem = (ssem0, ssem1)
    dsem = (dsem0, dsem1)
    csem = (csem0, csem1)
    gsem = (gsem0, gsem1)
    osem = (osem0, osem1)

    def _zst(i, _):
        for j in range(D // L):
            st_v[i, pl.ds(j * L, L)] = jnp.zeros((L,), jnp.float32)
        return 0
    lax.fori_loop(0, 8, _zst, 0)

    def _zrow(i, _):
        for j in range(D // L):
            stage_v[0, i, pl.ds(j * L, L)] = jnp.zeros((L,), jnp.float32)
        return 0
    lax.fori_loop(0, CH, _zrow, 0)

    def _zcopy(k, _):
        pltpu.sync_copy(stage_v.at[0], acc_sh.at[pl.ds(s * PERT + k * CH, CH)])
        return 0
    lax.fori_loop(0, PERT // CH, _zcopy, 0)
    plsc.subcore_barrier()

    off = c * N_NODES

    def _gbase(i):
        return pl.multiple_of((i * NS + s) * CH, 8)

    def _issue_idx(i, b):
        base = _gbase(i)
        pltpu.async_copy(src_hbm.at[pl.ds(base, CH)], src_v.at[b], ssem[b])
        pltpu.async_copy(dst_hbm.at[pl.ds(base, CH)], dst_v.at[b], dsem[b])

    def _wait_idx(i, b):
        base = _gbase(i)
        pltpu.make_async_copy(src_hbm.at[pl.ds(base, CH)], src_v.at[b], ssem[b]).wait()
        pltpu.make_async_copy(dst_hbm.at[pl.ds(base, CH)], dst_v.at[b], dsem[b]).wait()

    def _issue_gathers(i, b):
        for j in range(CH // L):
            sl = pl.ds(j * L, L)
            gidx_v[b, sl] = src_v[b, sl] + off
            gidx_v[b, pl.ds(CH + j * L, L)] = dst_v[b, sl] + (2 * N_NODES + off)
        base = _gbase(i)
        pltpu.async_copy(tbl_hbm.at[gidx_v.at[b]], dat_v.at[b, pl.ds(0, 2 * CH)], csem[b])
        pltpu.async_copy(ei_hbm.at[c, pl.ds(base, CH)], dat_v.at[b, pl.ds(2 * CH, CH)], csem[b])

    def _wait_gathers(i, b):
        pltpu.make_async_copy(ei_hbm.at[c, pl.ds(0, 3 * CH)], dat_v.at[b],
                              csem[b]).wait()

    def _snap(b):
        for j in range(CH // L):
            sl = pl.ds(j * L, L)
            sdst_v[b, sl] = dst_v[b, sl]

    def _e2dst(i):
        base = _gbase(i)
        return e2_hbm.at[pl.ds(pl.multiple_of(base // 2, 8), CH // 2),
                         pl.ds(c * D, D)]

    def _wait_outs(i, b):
        @pl.when(i >= 2)
        def _():
            pltpu.make_async_copy(stage_v.at[b], acc_sh.at[sdst_v.at[b]],
                                  gsem[b]).wait()
            pltpu.make_async_copy(e2p_v.at[b], _e2dst(i), osem[b]).wait()

    NJ = DH // L

    def _compute(i, b):
        init = tuple(jnp.zeros((L,), jnp.float32) for _ in range(2 * NJ))

        def _pair_body(q, cr):
            acc = list(cr)
            for r_par in range(2):
                r = q * 2 + r_par
                e2col = r_par * DH
                for j in range(NJ):
                    jL = j * L
                    sl = pl.ds(jL, L)
                    t = dat_v[b, r, sl] + dat_v[b, CH + r, sl] \
                        + dat_v[b, 2 * CH + r, sl]
                    sg = 1.0 / (1.0 + jnp.exp(-t))
                    e2 = t + dat_v[b, 2 * CH + r, pl.ds(DH + jL, L)]
                    e2p_v[b, q, pl.ds(e2col + jL, L)] = e2
                    stage_v[b, r, sl] = dat_v[b, r, pl.ds(DH + jL, L)] * sg
                    stage_v[b, r, pl.ds(DH + jL, L)] = sg
                    acc[j] = acc[j] + e2
                    acc[NJ + j] = acc[NJ + j] + e2 * e2
            return tuple(acc)

        fin = plsc.parallel_loop(0, CH // 2, unroll=4, carry=init)(_pair_body)
        for j in range(NJ):
            plsc.addupdate(st_v.at[0, pl.ds(c0 + j * L, L)], fin[j])
            plsc.addupdate(st_v.at[1, pl.ds(c0 + j * L, L)], fin[NJ + j])

        pltpu.async_copy(e2p_v.at[b], _e2dst(i), osem[b])
        pltpu.async_copy(stage_v.at[b], acc_sh.at[sdst_v.at[b]], gsem[b],
                         add=True)

    _issue_idx(0, 0)
    _wait_idx(0, 0)
    _issue_gathers(0, 0)
    _issue_idx(1, 1)

    def _two(i2, _):
        for b in (1, 0):
            i = 2 * i2 + (1 if b == 1 else 2)
            _wait_idx(i, b)
            _issue_gathers(i, b)
            _wait_gathers(i - 1, 1 - b)
            _wait_outs(i - 1, 1 - b)
            _snap(1 - b)

            @pl.when(i + 1 < KK)
            def _():
                _issue_idx(i + 1, 1 - b)
            _compute(i - 1, 1 - b)
        return 0

    lax.fori_loop(0, (KK - 1) // 2, _two, 0)

    lastb = (KK - 1) % 2
    _wait_gathers(KK - 1, lastb)
    _wait_outs(KK - 1, lastb)
    _snap(lastb)
    _compute(KK - 1, lastb)

    for b in (0, 1):
        pltpu.make_async_copy(stage_v.at[b], acc_sh.at[sdst_v.at[b]],
                              gsem[b]).wait()
        pltpu.make_async_copy(e2p_v.at[b], _e2dst(KK - 1), osem[b]).wait()

    pltpu.sync_copy(st_v, st_hbm.at[c * NS + s])

    plsc.subcore_barrier()
    pltpu.sync_copy(acc_sh.at[pl.ds(s * PERT, PERT)],
                    acc_hbm.at[c, pl.ds(s * PERT, PERT)])


@functools.lru_cache(maxsize=None)
def _sc_kernels():
    mesh = plsc.VectorSubcoreMesh(core_axis_name="c", subcore_axis_name="s",
                                  num_cores=NC, num_subcores=NS)
    edge_pass = pl.kernel(
        _sc_edge_body,
        out_type=(
            jax.ShapeDtypeStruct((E_EDGES // 2, 2 * D), jnp.float32),
            jax.ShapeDtypeStruct((NC, NP, D), jnp.float32),
            jax.ShapeDtypeStruct((NC * NS, 8, D), jnp.float32),
        ),
        mesh=mesh,
        scratch_types=[
            pltpu.VMEM((2, CH), jnp.int32),
            pltpu.VMEM((2, CH), jnp.int32),
            pltpu.VMEM((2, 2 * CH), jnp.int32),
            pltpu.VMEM((2, CH), jnp.int32),
            pltpu.VMEM((2, 3 * CH, D), jnp.float32),
            pltpu.VMEM((2, CH, D), jnp.float32),
            pltpu.VMEM((2, CH // 2, D), jnp.float32),
            pltpu.VMEM((8, D), jnp.float32),
            pltpu.VMEM_SHARED((NP, D), jnp.float32),
        ] + [pltpu.SemaphoreType.DMA] * 10,
    )
    return edge_pass



def kernel(h, e, edge_index, W_A, b_A, W_B, b_B, W_C, b_C, W_D, b_D, W_E, b_E,
           ffh_W1, ffh_b1, ffh_W2, ffh_b2, ffe_W1, ffe_b1, ffe_W2, ffe_b2,
           g1h_g, g1h_b, g1e_g, g1e_b, g2h_g, g2h_b, g2e_g, g2e_b):
    src = edge_index[0]
    dst = edge_index[1]
    row = lambda v: v.reshape(1, D)

    ah, bh, ch, dh = pl.pallas_call(
        _h_pre_body,
        out_shape=[jax.ShapeDtypeStruct((N_NODES, D), jnp.float32)] * 4,
    )(h, row(g1h_g), row(g1h_b), W_A, row(b_A), W_B, row(b_B),
      W_C, row(b_C), W_D, row(b_D))

    BLK = 2000
    grid = E_EDGES // BLK
    estats = pl.pallas_call(
        _colstats_body,
        grid=(grid,),
        in_specs=[pl.BlockSpec((BLK, D), lambda i: (i, 0))],
        out_specs=pl.BlockSpec((8, D), lambda i: (0, 0)),
        out_shape=jax.ShapeDtypeStruct((8, D), jnp.float32),
    )(e)

    ei = pl.pallas_call(
        _e_pre_body,
        grid=(grid,),
        in_specs=[
            pl.BlockSpec((BLK, D), lambda i: (i, 0)),
            pl.BlockSpec((8, D), lambda i: (0, 0)),
            pl.BlockSpec((1, D), lambda i: (0, 0)),
            pl.BlockSpec((1, D), lambda i: (0, 0)),
            pl.BlockSpec((D, D), lambda i: (0, 0)),
            pl.BlockSpec((1, D), lambda i: (0, 0)),
        ],
        out_specs=pl.BlockSpec((NC, BLK, D), lambda i: (0, i, 0)),
        out_shape=jax.ShapeDtypeStruct((NC, E_EDGES, D), jnp.float32),
    )(e, estats, row(g1e_g), row(g1e_b), W_E, row(b_E))

    zpad = jnp.zeros((N_NODES, DH), jnp.float32)
    tbl = jnp.concatenate([
        jnp.concatenate([ch[:, :DH], bh[:, :DH]], axis=1),
        jnp.concatenate([ch[:, DH:], bh[:, DH:]], axis=1),
        jnp.concatenate([dh[:, :DH], zpad], axis=1),
        jnp.concatenate([dh[:, DH:], zpad], axis=1),
    ], axis=0)

    sc_edge = _sc_kernels()
    e2p, acc, st = sc_edge(src, dst, tbl, ei)

    acc_h = jnp.concatenate([acc[0, :N_NODES, :DH], acc[1, :N_NODES, :DH]], axis=1)
    acc_s = jnp.concatenate([acc[0, :N_NODES, DH:], acc[1, :N_NODES, DH:]], axis=1)

    h_out = pl.pallas_call(
        _h_post_body,
        out_shape=jax.ShapeDtypeStruct((N_NODES, D), jnp.float32),
    )(ah, acc_h, acc_s, h, row(g2h_g), row(g2h_b),
      ffh_W1, row(ffh_b1), ffh_W2, row(ffh_b2))

    e_out = pl.pallas_call(
        _e_post_body,
        grid=(grid,),
        in_specs=[
            pl.BlockSpec((BLK // 2, 2 * D), lambda i: (i, 0)),
            pl.BlockSpec((NC * NS, D), lambda i: (0, 0)),
            pl.BlockSpec((NC * NS, D), lambda i: (0, 0)),
            pl.BlockSpec((1, D), lambda i: (0, 0)),
            pl.BlockSpec((1, D), lambda i: (0, 0)),
            pl.BlockSpec((D, D), lambda i: (0, 0)),
            pl.BlockSpec((1, D), lambda i: (0, 0)),
            pl.BlockSpec((D, D), lambda i: (0, 0)),
            pl.BlockSpec((1, D), lambda i: (0, 0)),
        ],
        out_specs=pl.BlockSpec((BLK, D), lambda i: (i, 0)),
        out_shape=jax.ShapeDtypeStruct((E_EDGES, D), jnp.float32),
    )(e2p, st[:, 0, :], st[:, 1, :], row(g2e_g), row(g2e_b),
      ffe_W1, row(ffe_b1), ffe_W2, row(ffe_b2))

    return (h_out, e_out)

# --- scband reference (transcript-rebuilt; emitter-appended) ---
"""Pipeline reference for scband-gated-gcnlayer-33586644255160 (READ-ONLY COPY).

The authoritative reference and input builder live on the scoring server;
editing this copy changes nothing except your own understanding.
"""

import jax, jax.numpy as jnp
import numpy as np

N = 10000
E_EDGES = 320000
D = 128
H = 128


def _bn(x, gamma, beta):
    mean = jnp.mean(x, axis=0)
    var = jnp.var(x, axis=0)
    return gamma * (x - mean) / jnp.sqrt(var + 1e-5) + beta


def setup_inputs(seed: int = 0):
    key = jax.random.key(seed)
    ks = jax.random.split(key, 16)
    s = 1.0 / np.sqrt(D)
    inp = {}
    inp['h'] = jax.random.normal(ks[0], (N, D), dtype=jnp.float32)
    inp['e'] = jax.random.normal(ks[1], (E_EDGES, D), dtype=jnp.float32)
    inp['edge_index'] = jax.random.randint(ks[2], (2, E_EDGES), 0, N, dtype=jnp.int32)
    for i, nm in enumerate(['A', 'B', 'C', 'D', 'E']):
        inp['W_' + nm] = jax.random.normal(ks[3 + i], (D, D), dtype=jnp.float32) * s
        inp['b_' + nm] = jnp.zeros((D,), dtype=jnp.float32)
    inp['ffh_W1'] = jax.random.normal(ks[8], (D, H), dtype=jnp.float32) * s
    inp['ffh_b1'] = jnp.zeros((H,), dtype=jnp.float32)
    inp['ffh_W2'] = jax.random.normal(ks[9], (H, D), dtype=jnp.float32) * (1.0 / np.sqrt(H))
    inp['ffh_b2'] = jnp.zeros((D,), dtype=jnp.float32)
    inp['ffe_W1'] = jax.random.normal(ks[10], (D, H), dtype=jnp.float32) * s
    inp['ffe_b1'] = jnp.zeros((H,), dtype=jnp.float32)
    inp['ffe_W2'] = jax.random.normal(ks[11], (H, D), dtype=jnp.float32) * (1.0 / np.sqrt(H))
    inp['ffe_b2'] = jnp.zeros((D,), dtype=jnp.float32)
    for nm in ['g1h', 'g1e', 'g2h', 'g2e']:
        inp[nm + '_g'] = jnp.ones((D,), dtype=jnp.float32)
        inp[nm + '_b'] = jnp.zeros((D,), dtype=jnp.float32)
    return inp


def reference(h, e, edge_index, W_A, b_A, W_B, b_B, W_C, b_C, W_D, b_D, W_E, b_E,
              ffh_W1, ffh_b1, ffh_W2, ffh_b2, ffe_W1, ffe_b1, ffe_W2, ffe_b2,
              g1h_g, g1h_b, g1e_g, g1e_b, g2h_g, g2h_b, g2e_g, g2e_b):
    src = edge_index[0]
    dst = edge_index[1]
    h_in = h
    e_in = e
    h = _bn(h, g1h_g, g1h_b)
    e = _bn(e, g1e_g, g1e_b)
    Ah = h @ W_A + b_A
    Bh = h @ W_B + b_B
    Ch = h @ W_C + b_C
    Dh = h @ W_D + b_D
    Ee = e @ W_E + b_E
    # u_add_v: Ch at src + Dh at dst, plus edge transform
    e_new = Ch[src] + Dh[dst] + Ee
    sigma = jax.nn.sigmoid(e_new)
    # u_mul_e then sum to dst; copy_e then sum to dst
    sum_sigma_h = jax.ops.segment_sum(Bh[src] * sigma, dst, num_segments=N)
    sum_sigma = jax.ops.segment_sum(sigma, dst, num_segments=N)
    h = Ah + sum_sigma_h / (sum_sigma + 1e-10)
    e = e_new
    h = h_in + h
    e = e_in + e
    h_in2 = h
    e_in2 = e
    h = _bn(h, g2h_g, g2h_b)
    e = _bn(e, g2e_g, g2e_b)
    h = jax.nn.relu(h @ ffh_W1 + ffh_b1) @ ffh_W2 + ffh_b2
    e = jax.nn.relu(e @ ffe_W1 + ffe_b1) @ ffe_W2 + ffe_b2
    h = h_in2 + h
    e = e_in2 + e
    return (h, e)

if __name__ == "__main__":
    import jax
    _d = setup_inputs()
    print(jax.jit(kernel)(*tuple(_d.values())))

</pallas_src>

<mosaic_0001>
#map = affine_map<(d0, d1) -> (0)>
#map1 = affine_map<(d0, d1) -> (0, 0)>
#map2 = affine_map<(d0, d1) -> (0, 0, 0)>
module attributes {stable_mosaic.version = 14 : i64} {
  func.func @_sc_edge_body(%arg0: i32, %arg1: i32, %arg2: memref<320000xi32, #tpu.memory_space<hbm>>, %arg3: memref<320000xi32, #tpu.memory_space<hbm>>, %arg4: memref<40000x128xf32, #tpu.memory_space<hbm>>, %arg5: memref<2x320000x128xf32, #tpu.memory_space<hbm>>, %arg6: memref<160000x256xf32, #tpu.memory_space<hbm>>, %arg7: memref<2x10240x128xf32, #tpu.memory_space<hbm>>, %arg8: memref<32x8x128xf32, #tpu.memory_space<hbm>>, %arg9: memref<2x32xi32, #tpu.memory_space<vmem>>, %arg10: memref<2x32xi32, #tpu.memory_space<vmem>>, %arg11: memref<2x64xi32, #tpu.memory_space<vmem>>, %arg12: memref<2x32xi32, #tpu.memory_space<vmem>>, %arg13: memref<2x96x128xf32, #tpu.memory_space<vmem>>, %arg14: memref<2x32x128xf32, #tpu.memory_space<vmem>>, %arg15: memref<2x16x128xf32, #tpu.memory_space<vmem>>, %arg16: memref<8x128xf32, #tpu.memory_space<vmem>>, %arg17: memref<10240x128xf32, #tpu.memory_space<vmem_shared>>, %arg18: memref<!tpu.dma_semaphore, #tpu.memory_space<semaphore_mem>>, %arg19: memref<!tpu.dma_semaphore, #tpu.memory_space<semaphore_mem>>, %arg20: memref<!tpu.dma_semaphore, #tpu.memory_space<semaphore_mem>>, %arg21: memref<!tpu.dma_semaphore, #tpu.memory_space<semaphore_mem>>, %arg22: memref<!tpu.dma_semaphore, #tpu.memory_space<semaphore_mem>>, %arg23: memref<!tpu.dma_semaphore, #tpu.memory_space<semaphore_mem>>, %arg24: memref<!tpu.dma_semaphore, #tpu.memory_space<semaphore_mem>>, %arg25: memref<!tpu.dma_semaphore, #tpu.memory_space<semaphore_mem>>, %arg26: memref<!tpu.dma_semaphore, #tpu.memory_space<semaphore_mem>>, %arg27: memref<!tpu.dma_semaphore, #tpu.memory_space<semaphore_mem>>) attributes {dimension_semantics = [#tpu.dimension_semantics<core_parallel>, #tpu.dimension_semantics<subcore_parallel>], iteration_bounds = array<i64: 2, 16>, scalar_prefetch = 0 : i64, scratch_operands = 19 : i64, tpu.core_type = #tpu.core_type<sc_vector_subcore>, window_params = [{transform_indices = #map}, {transform_indices = #map}, {transform_indices = #map1}, {transform_indices = #map2}, {transform_indices = #map1}, {transform_indices = #map2}, {transform_indices = #map2}]} {
    %mul3A = arith.constant 64 : i32
    %mul3A_0 = arith.muli %arg0, %mul3A : i32
    %multiple_of3A = tpu.assume_multiple %mul3A_0, 64 : i32
    %scan3A = arith.constant 0 : i32
    %scan3A_1 = arith.constant 0 : i32
    %scan3A_2 = arith.constant 8 : i32
    %scan3A_3 = arith.addi %scan3A_1, %scan3A_2 : i32
    %scan3A_4 = arith.constant 1 : i32
    %scan3A_5 = scf.for %scan3A_523 = %scan3A_1 to %scan3A_3 step %scan3A_4 iter_args(%scan3A_524 = %scan3A) -> (i32)  : i32 {
      %broadcast_in_dim3A_525 = arith.constant 0.000000e+00 : f32
      %broadcast_in_dim3A_526 = vector.broadcast %broadcast_in_dim3A_525 : f32 to vector<16xf32>
      %swap3A_527 = arith.index_cast %scan3A_523 : i32 to index
      %swap3A_528 = arith.constant 0 : index
      %swap3A_529 = tpu.vector_load %arg16[%swap3A_527, %swap3A_528] {strides = array<i32>} : memref<8x128xf32, #tpu.memory_space<vmem>>, vector<1x16xf32>,
      %swap3A_530 = vector.shape_cast %swap3A_529 : vector<1x16xf32> to vector<16xf32>
      %swap3A_531 = vector.shape_cast %broadcast_in_dim3A_526 : vector<16xf32> to vector<1x16xf32>
      tpu.vector_store %arg16[%swap3A_527, %swap3A_528], %swap3A_531 {strides = array<i32>} : memref<8x128xf32, #tpu.memory_space<vmem>>, vector<1x16xf32>,
      %broadcast_in_dim3A_532 = arith.constant 0.000000e+00 : f32
      %broadcast_in_dim3A_533 = vector.broadcast %broadcast_in_dim3A_532 : f32 to vector<16xf32>
      %swap3A_534 = arith.index_cast %scan3A_523 : i32 to index
      %swap3A_535 = arith.constant 16 : index
      %swap3A_536 = tpu.vector_load %arg16[%swap3A_534, %swap3A_535] {strides = array<i32>} : memref<8x128xf32, #tpu.memory_space<vmem>>, vector<1x16xf32>,
      %swap3A_537 = vector.shape_cast %swap3A_536 : vector<1x16xf32> to vector<16xf32>
      %swap3A_538 = vector.shape_cast %broadcast_in_dim3A_533 : vector<16xf32> to vector<1x16xf32>
      tpu.vector_store %arg16[%swap3A_534, %swap3A_535], %swap3A_538 {strides = array<i32>} : memref<8x128xf32, #tpu.memory_space<vmem>>, vector<1x16xf32>,
      %broadcast_in_dim3A_539 = arith.constant 0.000000e+00 : f32
      %broadcast_in_dim3A_540 = vector.broadcast %broadcast_in_dim3A_539 : f32 to vector<16xf32>
      %swap3A_541 = arith.index_cast %scan3A_523 : i32 to index
      %swap3A_542 = arith.constant 32 : index
      %swap3A_543 = tpu.vector_load %arg16[%swap3A_541, %swap3A_542] {strides = array<i32>} : memref<8x128xf32, #tpu.memory_space<vmem>>, vector<1x16xf32>,
      %swap3A_544 = vector.shape_cast %swap3A_543 : vector<1x16xf32> to vector<16xf32>
      %swap3A_545 = vector.shape_cast %broadcast_in_dim3A_540 : vector<16xf32> to vector<1x16xf32>
      tpu.vector_store %arg16[%swap3A_541, %swap3A_542], %swap3A_545 {strides = array<i32>} : memref<8x128xf32, #tpu.memory_space<vmem>>, vector<1x16xf32>,
      %broadcast_in_dim3A_546 = arith.constant 0.000000e+00 : f32
      %broadcast_in_dim3A_547 = vector.broadcast %broadcast_in_dim3A_546 : f32 to vector<16xf32>
      %swap3A_548 = arith.index_cast %scan3A_523 : i32 to index
      %swap3A_549 = arith.constant 48 : index
      %swap3A_550 = tpu.vector_load %arg16[%swap3A_548, %swap3A_549] {strides = array<i32>} : memref<8x128xf32, #tpu.memory_space<vmem>>, vector<1x16xf32>,
      %swap3A_551 = vector.shape_cast %swap3A_550 : vector<1x16xf32> to vector<16xf32>
      %swap3A_552 = vector.shape_cast %broadcast_in_dim3A_547 : vector<16xf32> to vector<1x16xf32>
      tpu.vector_store %arg16[%swap3A_548, %swap3A_549], %swap3A_552 {strides = array<i32>} : memref<8x128xf32, #tpu.memory_space<vmem>>, vector<1x16xf32>,
      %broadcast_in_dim3A_553 = arith.constant 0.000000e+00 : f32
      %broadcast_in_dim3A_554 = vector.broadcast %broadcast_in_dim3A_553 : f32 to vector<16xf32>
      %swap3A_555 = arith.index_cast %scan3A_523 : i32 to index
      %swap3A_556 = arith.constant 64 : index
      %swap3A_557 = tpu.vector_load %arg16[%swap3A_555, %swap3A_556] {strides = array<i32>} : memref<8x128xf32, #tpu.memory_space<vmem>>, vector<1x16xf32>,
      %swap3A_558 = vector.shape_cast %swap3A_557 : vector<1x16xf32> to vector<16xf32>
      %swap3A_559 = vector.shape_cast %broadcast_in_dim3A_554 : vector<16xf32> to vector<1x16xf32>
      tpu.vector_store %arg16[%swap3A_555, %swap3A_556], %swap3A_559 {strides = array<i32>} : memref<8x128xf32, #tpu.memory_space<vmem>>, vector<1x16xf32>,
      %broadcast_in_dim3A_560 = arith.constant 0.000000e+00 : f32
      %broadcast_in_dim3A_561 = vector.broadcast %broadcast_in_dim3A_560 : f32 to vector<16xf32>
      %swap3A_562 = arith.index_cast %scan3A_523 : i32 to index
      %swap3A_563 = arith.constant 80 : index
      %swap3A_564 = tpu.vector_load %arg16[%swap3A_562, %swap3A_563] {strides = array<i32>} : memref<8x128xf32, #tpu.memory_space<vmem>>, vector<1x16xf32>,
      %swap3A_565 = vector.shape_cast %swap3A_564 : vector<1x16xf32> to vector<16xf32>
      %swap3A_566 = vector.shape_cast %broadcast_in_dim3A_561 : vector<16xf32> to vector<1x16xf32>
      tpu.vector_store %arg16[%swap3A_562, %swap3A_563], %swap3A_566 {strides = array<i32>} : memref<8x128xf32, #tpu.memory_space<vmem>>, vector<1x16xf32>,
      %broadcast_in_dim3A_567 = arith.constant 0.000000e+00 : f32
      %broadcast_in_dim3A_568 = vector.broadcast %broadcast_in_dim3A_567 : f32 to vector<16xf32>
      %swap3A_569 = arith.index_cast %scan3A_523 : i32 to index
      %swap3A_570 = arith.constant 96 : index
      %swap3A_571 = tpu.vector_load %arg16[%swap3A_569, %swap3A_570] {strides = array<i32>} : memref<8x128xf32, #tpu.memory_space<vmem>>, vector<1x16xf32>,
      %swap3A_572 = vector.shape_cast %swap3A_571 : vector<1x16xf32> to vector<16xf32>
      %swap3A_573 = vector.shape_cast %broadcast_in_dim3A_568 : vector<16xf32> to vector<1x16xf32>
      tpu.vector_store %arg16[%swap3A_569, %swap3A_570], %swap3A_573 {strides = array<i32>} : memref<8x128xf32, #tpu.memory_space<vmem>>, vector<1x16xf32>,
      %broadcast_in_dim3A_574 = arith.constant 0.000000e+00 : f32
      %broadcast_in_dim3A_575 = vector.broadcast %broadcast_in_dim3A_574 : f32 to vector<16xf32>
      %swap3A_576 = arith.index_cast %scan3A_523 : i32 to index
      %swap3A_577 = arith.constant 112 : index
      %swap3A_578 = tpu.vector_load %arg16[%swap3A_576, %swap3A_577] {strides = array<i32>} : memref<8x128xf32, #tpu.memory_space<vmem>>, vector<1x16xf32>,
      %swap3A_579 = vector.shape_cast %swap3A_578 : vector<1x16xf32> to vector<16xf32>
      %swap3A_580 = vector.shape_cast %broadcast_in_dim3A_575 : vector<16xf32> to vector<1x16xf32>
      tpu.vector_store %arg16[%swap3A_576, %swap3A_577], %swap3A_580 {strides = array<i32>} : memref<8x128xf32, #tpu.memory_space<vmem>>, vector<1x16xf32>,
      %scan3A_581 = arith.constant 0 : i32
      scf.yield %scan3A_581 : i32
    }
    %scan3A_6 = arith.constant 8 : i32
    %scan3A_7 = arith.constant 0 : i32
    %scan3A_8 = arith.constant 0 : i32
    %scan3A_9 = arith.constant 32 : i32
    %scan3A_10 = arith.addi %scan3A_8, %scan3A_9 : i32
    %scan3A_11 = arith.constant 1 : i32
    %scan3A_12 = scf.for %scan3A_523 = %scan3A_8 to %scan3A_10 step %scan3A_11 iter_args(%scan3A_524 = %scan3A_7) -> (i32)  : i32 {
      %broadcast_in_dim3A_525 = arith.constant 0.000000e+00 : f32
      %broadcast_in_dim3A_526 = vector.broadcast %broadcast_in_dim3A_525 : f32 to vector<16xf32>
      %swap3A_527 = arith.constant 0 : i32
      %swap3A_528 = arith.index_cast %swap3A_527 : i32 to index
      %swap3A_529 = arith.index_cast %scan3A_523 : i32 to index
      %swap3A_530 = arith.constant 0 : index
      %swap3A_531 = tpu.vector_load %arg14[%swap3A_528, %swap3A_529, %swap3A_530] {strides = array<i32>} : memref<2x32x128xf32, #tpu.memory_space<vmem>>, vector<1x1x16xf32>,
      %swap3A_532 = vector.shape_cast %swap3A_531 : vector<1x1x16xf32> to vector<16xf32>
      %swap3A_533 = vector.shape_cast %broadcast_in_dim3A_526 : vector<16xf32> to vector<1x1x16xf32>
      tpu.vector_store %arg14[%swap3A_528, %swap3A_529, %swap3A_530], %swap3A_533 {strides = array<i32>} : memref<2x32x128xf32, #tpu.memory_space<vmem>>, vector<1x1x16xf32>,
      %broadcast_in_dim3A_534 = arith.constant 0.000000e+00 : f32
      %broadcast_in_dim3A_535 = vector.broadcast %broadcast_in_dim3A_534 : f32 to vector<16xf32>
      %swap3A_536 = arith.constant 0 : i32
      %swap3A_537 = arith.index_cast %swap3A_536 : i32 to index
      %swap3A_538 = arith.index_cast %scan3A_523 : i32 to index
      %swap3A_539 = arith.constant 16 : index
      %swap3A_540 = tpu.vector_load %arg14[%swap3A_537, %swap3A_538, %swap3A_539] {strides = array<i32>} : memref<2x32x128xf32, #tpu.memory_space<vmem>>, vector<1x1x16xf32>,
      %swap3A_541 = vector.shape_cast %swap3A_540 : vector<1x1x16xf32> to vector<16xf32>
      %swap3A_542 = vector.shape_cast %broadcast_in_dim3A_535 : vector<16xf32> to vector<1x1x16xf32>
      tpu.vector_store %arg14[%swap3A_537, %swap3A_538, %swap3A_539], %swap3A_542 {strides = array<i32>} : memref<2x32x128xf32, #tpu.memory_space<vmem>>, vector<1x1x16xf32>,
      %broadcast_in_dim3A_543 = arith.constant 0.000000e+00 : f32
      %broadcast_in_dim3A_544 = vector.broadcast %broadcast_in_dim3A_543 : f32 to vector<16xf32>
      %swap3A_545 = arith.constant 0 : i32
      %swap3A_546 = arith.index_cast %swap3A_545 : i32 to index
      %swap3A_547 = arith.index_cast %scan3A_523 : i32 to index
      %swap3A_548 = arith.constant 32 : index
      %swap3A_549 = tpu.vector_load %arg14[%swap3A_546, %swap3A_547, %swap3A_548] {strides = array<i32>} : memref<2x32x128xf32, #tpu.memory_space<vmem>>, vector<1x1x16xf32>,
      %swap3A_550 = vector.shape_cast %swap3A_549 : vector<1x1x16xf32> to vector<16xf32>
      %swap3A_551 = vector.shape_cast %broadcast_in_dim3A_544 : vector<16xf32> to vector<1x1x16xf32>
      tpu.vector_store %arg14[%swap3A_546, %swap3A_547, %swap3A_548], %swap3A_551 {strides = array<i32>} : memref<2x32x128xf32, #tpu.memory_space<vmem>>, vector<1x1x16xf32>,
      %broadcast_in_dim3A_552 = arith.constant 0.000000e+00 : f32
      %broadcast_in_dim3A_553 = vector.broadcast %broadcast_in_dim3A_552 : f32 to vector<16xf32>
      %swap3A_554 = arith.constant 0 : i32
      %swap3A_555 = arith.index_cast %swap3A_554 : i32 to index
      %swap3A_556 = arith.index_cast %scan3A_523 : i32 to index
      %swap3A_557 = arith.constant 48 : index
      %swap3A_558 = tpu.vector_load %arg14[%swap3A_555, %swap3A_556, %swap3A_557] {strides = array<i32>} : memref<2x32x128xf32, #tpu.memory_space<vmem>>, vector<1x1x16xf32>,
      %swap3A_559 = vector.shape_cast %swap3A_558 : vector<1x1x16xf32> to vector<16xf32>
      %swap3A_560 = vector.shape_cast %broadcast_in_dim3A_553 : vector<16xf32> to vector<1x1x16xf32>
      tpu.vector_store %arg14[%swap3A_555, %swap3A_556, %swap3A_557], %swap3A_560 {strides = array<i32>} : memref<2x32x128xf32, #tpu.memory_space<vmem>>, vector<1x1x16xf32>,
      %broadcast_in_dim3A_561 = arith.constant 0.000000e+00 : f32
      %broadcast_in_dim3A_562 = vector.broadcast %broadcast_in_dim3A_561 : f32 to vector<16xf32>
      %swap3A_563 = arith.constant 0 : i32
      %swap3A_564 = arith.index_cast %swap3A_563 : i32 to index
      %swap3A_565 = arith.index_cast %scan3A_523 : i32 to index
      %swap3A_566 = arith.constant 64 : index
      %swap3A_567 = tpu.vector_load %arg14[%swap3A_564, %swap3A_565, %swap3A_566] {strides = array<i32>} : memref<2x32x128xf32, #tpu.memory_space<vmem>>, vector<1x1x16xf32>,
      %swap3A_568 = vector.shape_cast %swap3A_567 : vector<1x1x16xf32> to vector<16xf32>
      %swap3A_569 = vector.shape_cast %broadcast_in_dim3A_562 : vector<16xf32> to vector<1x1x16xf32>
      tpu.vector_store %arg14[%swap3A_564, %swap3A_565, %swap3A_566], %swap3A_569 {strides = array<i32>} : memref<2x32x128xf32, #tpu.memory_space<vmem>>, vector<1x1x16xf32>,
      %broadcast_in_dim3A_570 = arith.constant 0.000000e+00 : f32
      %broadcast_in_dim3A_571 = vector.broadcast %broadcast_in_dim3A_570 : f32 to vector<16xf32>
      %swap3A_572 = arith.constant 0 : i32
      %swap3A_573 = arith.index_cast %swap3A_572 : i32 to index
      %swap3A_574 = arith.index_cast %scan3A_523 : i32 to index
      %swap3A_575 = arith.constant 80 : index
      %swap3A_576 = tpu.vector_load %arg14[%swap3A_573, %swap3A_574, %swap3A_575] {strides = array<i32>} : memref<2x32x128xf32, #tpu.memory_space<vmem>>, vector<1x1x16xf32>,
      %swap3A_577 = vector.shape_cast %swap3A_576 : vector<1x1x16xf32> to vector<16xf32>
      %swap3A_578 = vector.shape_cast %broadcast_in_dim3A_571 : vector<16xf32> to vector<1x1x16xf32>
      tpu.vector_store %arg14[%swap3A_573, %swap3A_574, %swap3A_575], %swap3A_578 {strides = array<i32>} : memref<2x32x128xf32, #tpu.memory_space<vmem>>, vector<1x1x16xf32>,
      %broadcast_in_dim3A_579 = arith.constant 0.000000e+00 : f32
      %broadcast_in_dim3A_580 = vector.broadcast %broadcast_in_dim3A_579 : f32 to vector<16xf32>
      %swap3A_581 = arith.constant 0 : i32
      %swap3A_582 = arith.index_cast %swap3A_581 : i32 to index
      %swap3A_583 = arith.index_cast %scan3A_523 : i32 to index
      %swap3A_584 = arith.constant 96 : index
      %swap3A_585 = tpu.vector_load %arg14[%swap3A_582, %swap3A_583, %swap3A_584] {strides = array<i32>} : memref<2x32x128xf32, #tpu.memory_space<vmem>>, vector<1x1x16xf32>,
      %swap3A_586 = vector.shape_cast %swap3A_585 : vector<1x1x16xf32> to vector<16xf32>
      %swap3A_587 = vector.shape_cast %broadcast_in_dim3A_580 : vector<16xf32> to vector<1x1x16xf32>
      tpu.vector_store %arg14[%swap3A_582, %swap3A_583, %swap3A_584], %swap3A_587 {strides = array<i32>} : memref<2x32x128xf32, #tpu.memory_space<vmem>>, vector<1x1x16xf32>,
      %broadcast_in_dim3A_588 = arith.constant 0.000000e+00 : f32
      %broadcast_in_dim3A_589 = vector.broadcast %broadcast_in_dim3A_588 : f32 to vector<16xf32>
      %swap3A_590 = arith.constant 0 : i32
      %swap3A_591 = arith.index_cast %swap3A_590 : i32 to index
      %swap3A_592 = arith.index_cast %scan3A_523 : i32 to index
      %swap3A_593 = arith.constant 112 : index
      %swap3A_594 = tpu.vector_load %arg14[%swap3A_591, %swap3A_592, %swap3A_593] {strides = array<i32>} : memref<2x32x128xf32, #tpu.memory_space<vmem>>, vector<1x1x16xf32>,
      %swap3A_595 = vector.shape_cast %swap3A_594 : vector<1x1x16xf32> to vector<16xf32>
      %swap3A_596 = vector.shape_cast %broadcast_in_dim3A_589 : vector<16xf32> to vector<1x1x16xf32>
      tpu.vector_store %arg14[%swap3A_591, %swap3A_592, %swap3A_593], %swap3A_596 {strides = array<i32>} : memref<2x32x128xf32, #tpu.memory_space<vmem>>, vector<1x1x16xf32>,
      %scan3A_597 = arith.constant 0 : i32
      scf.yield %scan3A_597 : i32
    }
    %scan3A_13 = arith.constant 32 : i32
    %scan3A_14 = arith.constant 0 : i32
    %scan3A_15 = arith.constant 0 : i32
    %scan3A_16 = arith.constant 20 : i32
    %scan3A_17 = arith.addi %scan3A_15, %scan3A_16 : i32
    %scan3A_18 = arith.constant 1 : i32
    %scan3A_19 = scf.for %scan3A_523 = %scan3A_15 to %scan3A_17 step %scan3A_18 iter_args(%scan3A_524 = %scan3A_14) -> (i32)  : i32 {
      %mul3A_525 = arith.constant 640 : i32
      %mul3A_526 = arith.muli %arg1, %mul3A_525 : i32
      %mul3A_527 = arith.constant 32 : i32
      %mul3A_528 = arith.muli %scan3A_523, %mul3A_527 : i32
      %add3A_529 = arith.addi %mul3A_526, %mul3A_528 : i32
      %run_scoped3A = arith.constant 0 : i32
      "tpu.region"() ({
        %run_scoped3A_531 = tpu.sem_alloc : memref<!tpu.dma_semaphore, #tpu.memory_space<semaphore_mem>>
        %dma_start3A_532 = arith.constant 0 : i32
        %dma_start3A_533 = arith.constant 0 : i32
        %dma_start3A_534 = tpu.memref_slice %arg14[%run_scoped3A, %dma_start3A_532, %dma_start3A_533] : memref<2x32x128xf32, #tpu.memory_space<vmem>> -> memref<1x32x128xf32, #tpu.memory_space<vmem>>
        %dma_start3A_535 = tpu.memref_squeeze %dma_start3A_534 : memref<1x32x128xf32, #tpu.memory_space<vmem>> -> memref<32x128xf32, #tpu.memory_space<vmem>>
        %dma_start3A_536 = arith.constant 0 : i32
        %dma_start3A_537 = tpu.memref_slice %arg17[%add3A_529, %dma_start3A_536] : memref<10240x128xf32, #tpu.memory_space<vmem_shared>> -> memref<32x128xf32, #tpu.memory_space<vmem_shared>>
        %dma_start3A_538 = arith.constant 0 : i32
        %dma_start3A_539 = tpu.memref_slice %arg17[%add3A_529, %dma_start3A_538] : memref<10240x128xf32, #tpu.memory_space<vmem_shared>> -> memref<32x128xf32, #tpu.memory_space<vmem_shared>>
        %dma_start3A_540 = arith.constant 0 : i32
        %dma_start3A_541 = arith.constant 0 : i32
        %dma_start3A_542 = tpu.memref_slice %arg14[%run_scoped3A, %dma_start3A_540, %dma_start3A_541] : memref<2x32x128xf32, #tpu.memory_space<vmem>> -> memref<1x32x128xf32, #tpu.memory_space<vmem>>
        %dma_start3A_543 = tpu.memref_squeeze %dma_start3A_542 : memref<1x32x128xf32, #tpu.memory_space<vmem>> -> memref<32x128xf32, #tpu.memory_space<vmem>>
        tpu.enqueue_dma source(%dma_start3A_543 : memref<32x128xf32, #tpu.memory_space<vmem>>) target(%dma_start3A_539 : memref<32x128xf32, #tpu.memory_space<vmem_shared>>) target_semaphore(%run_scoped3A_531 : memref<!tpu.dma_semaphore, #tpu.memory_space<semaphore_mem>>)
        %dma_wait3A_544 = arith.constant 0 : i32
        %dma_wait3A_545 = arith.constant 0 : i32
        %dma_wait3A_546 = tpu.memref_slice %arg14[%run_scoped3A, %dma_wait3A_544, %dma_wait3A_545] : memref<2x32x128xf32, #tpu.memory_space<vmem>> -> memref<1x32x128xf32, #tpu.memory_space<vmem>>
        %dma_wait3A_547 = tpu.memref_squeeze %dma_wait3A_546 : memref<1x32x128xf32, #tpu.memory_space<vmem>> -> memref<32x128xf32, #tpu.memory_space<vmem>>
        %dma_wait3A_548 = arith.constant 0 : i32
        %dma_wait3A_549 = tpu.memref_slice %arg17[%add3A_529, %dma_wait3A_548] : memref<10240x128xf32, #tpu.memory_space<vmem_shared>> -> memref<32x128xf32, #tpu.memory_space<vmem_shared>>
        %dma_wait3A_550 = arith.constant 0 : i32
        %dma_wait3A_551 = tpu.memref_slice %arg17[%add3A_529, %dma_wait3A_550] : memref<10240x128xf32, #tpu.memory_space<vmem_shared>> -> memref<32x128xf32, #tpu.memory_space<vmem_shared>>
        %dma_wait3A_552 = arith.constant 0 : i32
        %dma_wait3A_553 = arith.constant 0 : i32
        %dma_wait3A_554 = tpu.memref_slice %arg14[%run_scoped3A, %dma_wait3A_552, %dma_wait3A_553] : memref<2x32x128xf32, #tpu.memory_space<vmem>> -> memref<1x32x128xf32, #tpu.memory_space<vmem>>
        %dma_wait3A_555 = tpu.memref_squeeze %dma_wait3A_554 : memref<1x32x128xf32, #tpu.memory_space<vmem>> -> memref<32x128xf32, #tpu.memory_space<vmem>>
        tpu.wait_dma2 semaphore(%run_scoped3A_531 : memref<!tpu.dma_semaphore, #tpu.memory_space<semaphore_mem>>) src(%dma_wait3A_555 : memref<32x128xf32, #tpu.memory_space<vmem>>) dst(%dma_wait3A_551 : memref<32x128xf32, #tpu.memory_space<vmem_shared>>)
        tpu.yield
      }) : () -> ()
      %scan3A_530 = arith.constant 0 : i32
      scf.yield %scan3A_530 : i32
    }
    %scan3A_20 = arith.constant 20 : i32
    %barrier3A = arith.constant 0 : index
    tpu.barrier barrier_id(%barrier3A)
    %mul3A_21 = arith.constant 10000 : i32
    %mul3A_22 = arith.muli %arg0, %mul3A_21 : i32
    %add3A = arith.constant 0 : i32
    %add3A_23 = arith.addi %add3A, %arg1 : i32
    %mul3A_24 = arith.constant 32 : i32
    %mul3A_25 = arith.muli %add3A_23, %mul3A_24 : i32
    %multiple_of3A_26 = tpu.assume_multiple %mul3A_25, 8 : i32
    %dma_start3A = arith.constant 0 : i32
    %dma_start3A_27 = arith.constant 0 : i32
    %dma_start3A_28 = tpu.memref_slice %arg9[%dma_start3A, %dma_start3A_27] : memref<2x32xi32, #tpu.memory_space<vmem>> -> memref<1x32xi32, #tpu.memory_space<vmem>>
    %dma_start3A_29 = tpu.memref_squeeze %dma_start3A_28 : memref<1x32xi32, #tpu.memory_space<vmem>> -> memref<32xi32, #tpu.memory_space<vmem>>
    %dma_start3A_30 = tpu.memref_slice %arg2[%multiple_of3A_26] : memref<320000xi32, #tpu.memory_space<hbm>> -> memref<32xi32, #tpu.memory_space<hbm>>
    %dma_start3A_31 = arith.constant 0 : i32
    %dma_start3A_32 = tpu.memref_slice %arg9[%dma_start3A, %dma_start3A_31] : memref<2x32xi32, #tpu.memory_space<vmem>> -> memref<1x32xi32, #tpu.memory_space<vmem>>
    %dma_start3A_33 = tpu.memref_squeeze %dma_start3A_32 : memref<1x32xi32, #tpu.memory_space<vmem>> -> memref<32xi32, #tpu.memory_space<vmem>>
    %dma_start3A_34 = tpu.memref_slice %arg2[%multiple_of3A_26] : memref<320000xi32, #tpu.memory_space<hbm>> -> memref<32xi32, #tpu.memory_space<hbm>>
    tpu.enqueue_dma source(%dma_start3A_34 : memref<32xi32, #tpu.memory_space<hbm>>) target(%dma_start3A_33 : memref<32xi32, #tpu.memory_space<vmem>>) target_semaphore(%arg18 : memref<!tpu.dma_semaphore, #tpu.memory_space<semaphore_mem>>)
    %dma_start3A_35 = arith.constant 0 : i32
    %dma_start3A_36 = arith.constant 0 : i32
    %dma_start3A_37 = tpu.memref_slice %arg10[%dma_start3A_35, %dma_start3A_36] : memref<2x32xi32, #tpu.memory_space<vmem>> -> memref<1x32xi32, #tpu.memory_space<vmem>>
    %dma_start3A_38 = tpu.memref_squeeze %dma_start3A_37 : memref<1x32xi32, #tpu.memory_space<vmem>> -> memref<32xi32, #tpu.memory_space<vmem>>
    %dma_start3A_39 = tpu.memref_slice %arg3[%multiple_of3A_26] : memref<320000xi32, #tpu.memory_space<hbm>> -> memref<32xi32, #tpu.memory_space<hbm>>
    %dma_start3A_40 = arith.constant 0 : i32
    %dma_start3A_41 = tpu.memref_slice %arg10[%dma_start3A_35, %dma_start3A_40] : memref<2x32xi32, #tpu.memory_space<vmem>> -> memref<1x32xi32, #tpu.memory_space<vmem>>
    %dma_start3A_42 = tpu.memref_squeeze %dma_start3A_41 : memref<1x32xi32, #tpu.memory_space<vmem>> -> memref<32xi32, #tpu.memory_space<vmem>>
    %dma_start3A_43 = tpu.memref_slice %arg3[%multiple_of3A_26] : memref<320000xi32, #tpu.memory_space<hbm>> -> memref<32xi32, #tpu.memory_space<hbm>>
    tpu.enqueue_dma source(%dma_start3A_43 : memref<32xi32, #tpu.memory_space<hbm>>) target(%dma_start3A_42 : memref<32xi32, #tpu.memory_space<vmem>>) target_semaphore(%arg20 : memref<!tpu.dma_semaphore, #tpu.memory_space<semaphore_mem>>)
    %add3A_44 = arith.constant 0 : i32
    %add3A_45 = arith.addi %add3A_44, %arg1 : i32
    %mul3A_46 = arith.constant 32 : i32
    %mul3A_47 = arith.muli %add3A_45, %mul3A_46 : i32
    %multiple_of3A_48 = tpu.assume_multiple %mul3A_47, 8 : i32
    %dma_wait3A = arith.constant 0 : i32
    %dma_wait3A_49 = arith.constant 0 : i32
    %dma_wait3A_50 = tpu.memref_slice %arg9[%dma_wait3A, %dma_wait3A_49] : memref<2x32xi32, #tpu.memory_space<vmem>> -> memref<1x32xi32, #tpu.memory_space<vmem>>
    %dma_wait3A_51 = tpu.memref_squeeze %dma_wait3A_50 : memref<1x32xi32, #tpu.memory_space<vmem>> -> memref<32xi32, #tpu.memory_space<vmem>>
    %dma_wait3A_52 = tpu.memref_slice %arg2[%multiple_of3A_48] : memref<320000xi32, #tpu.memory_space<hbm>> -> memref<32xi32, #tpu.memory_space<hbm>>
    %dma_wait3A_53 = arith.constant 0 : i32
    %dma_wait3A_54 = tpu.memref_slice %arg9[%dma_wait3A, %dma_wait3A_53] : memref<2x32xi32, #tpu.memory_space<vmem>> -> memref<1x32xi32, #tpu.memory_space<vmem>>
    %dma_wait3A_55 = tpu.memref_squeeze %dma_wait3A_54 : memref<1x32xi32, #tpu.memory_space<vmem>> -> memref<32xi32, #tpu.memory_space<vmem>>
    %dma_wait3A_56 = tpu.memref_slice %arg2[%multiple_of3A_48] : memref<320000xi32, #tpu.memory_space<hbm>> -> memref<32xi32, #tpu.memory_space<hbm>>
    tpu.wait_dma2 semaphore(%arg18 : memref<!tpu.dma_semaphore, #tpu.memory_space<semaphore_mem>>) src(%dma_wait3A_56 : memref<32xi32, #tpu.memory_space<hbm>>) dst(%dma_wait3A_55 : memref<32xi32, #tpu.memory_space<vmem>>)
    %dma_wait3A_57 = arith.constant 0 : i32
    %dma_wait3A_58 = arith.constant 0 : i32
    %dma_wait3A_59 = tpu.memref_slice %arg10[%dma_wait3A_57, %dma_wait3A_58] : memref<2x32xi32, #tpu.memory_space<vmem>> -> memref<1x32xi32, #tpu.memory_space<vmem>>
    %dma_wait3A_60 = tpu.memref_squeeze %dma_wait3A_59 : memref<1x32xi32, #tpu.memory_space<vmem>> -> memref<32xi32, #tpu.memory_space<vmem>>
    %dma_wait3A_61 = tpu.memref_slice %arg3[%multiple_of3A_48] : memref<320000xi32, #tpu.memory_space<hbm>> -> memref<32xi32, #tpu.memory_space<hbm>>
    %dma_wait3A_62 = arith.constant 0 : i32
    %dma_wait3A_63 = tpu.memref_slice %arg10[%dma_wait3A_57, %dma_wait3A_62] : memref<2x32xi32, #tpu.memory_space<vmem>> -> memref<1x32xi32, #tpu.memory_space<vmem>>
    %dma_wait3A_64 = tpu.memref_squeeze %dma_wait3A_63 : memref<1x32xi32, #tpu.memory_space<vmem>> -> memref<32xi32, #tpu.memory_space<vmem>>
    %dma_wait3A_65 = tpu.memref_slice %arg3[%multiple_of3A_48] : memref<320000xi32, #tpu.memory_space<hbm>> -> memref<32xi32, #tpu.memory_space<hbm>>
    tpu.wait_dma2 semaphore(%arg20 : memref<!tpu.dma_semaphore, #tpu.memory_space<semaphore_mem>>) src(%dma_wait3A_65 : memref<32xi32, #tpu.memory_space<hbm>>) dst(%dma_wait3A_64 : memref<32xi32, #tpu.memory_space<vmem>>)
    %get3A = arith.constant 0 : i32
    %get3A_66 = arith.index_cast %get3A : i32 to index
    %get3A_67 = arith.constant 0 : index
    %get3A_68 = tpu.vector_load %arg9[%get3A_66, %get3A_67] {strides = array<i32>} : memref<2x32xi32, #tpu.memory_space<vmem>>, vector<1x16xi32>,
    %get3A_69 = vector.shape_cast %get3A_68 : vector<1x16xi32> to vector<16xi32>
    %add3A_70 = vector.broadcast %mul3A_22 : i32 to vector<16xi32>
    %add3A_71 = arith.addi %get3A_69, %add3A_70 : vector<16xi32>
    %swap3A = arith.constant 0 : i32
    %swap3A_72 = arith.index_cast %swap3A : i32 to index
    %swap3A_73 = arith.constant 0 : index
    %swap3A_74 = tpu.vector_load %arg11[%swap3A_72, %swap3A_73] {strides = array<i32>} : memref<2x64xi32, #tpu.memory_space<vmem>>, vector<1x16xi32>,
    %swap3A_75 = vector.shape_cast %swap3A_74 : vector<1x16xi32> to vector<16xi32>
    %swap3A_76 = vector.shape_cast %add3A_71 : vector<16xi32> to vector<1x16xi32>
    tpu.vector_store %arg11[%swap3A_72, %swap3A_73], %swap3A_76 {strides = array<i32>} : memref<2x64xi32, #tpu.memory_space<vmem>>, vector<1x16xi32>,
    %get3A_77 = arith.constant 0 : i32
    %get3A_78 = arith.index_cast %get3A_77 : i32 to index
    %get3A_79 = arith.constant 0 : index
    %get3A_80 = tpu.vector_load %arg10[%get3A_78, %get3A_79] {strides = array<i32>} : memref<2x32xi32, #tpu.memory_space<vmem>>, vector<1x16xi32>,
    %get3A_81 = vector.shape_cast %get3A_80 : vector<1x16xi32> to vector<16xi32>
    %add3A_82 = arith.constant 20000 : i32
    %add3A_83 = arith.addi %add3A_82, %mul3A_22 : i32
    %add3A_84 = vector.broadcast %add3A_83 : i32 to vector<16xi32>
    %add3A_85 = arith.addi %get3A_81, %add3A_84 : vector<16xi32>
    %swap3A_86 = arith.constant 0 : i32
    %swap3A_87 = arith.index_cast %swap3A_86 : i32 to index
    %swap3A_88 = arith.constant 32 : index
    %swap3A_89 = tpu.vector_load %arg11[%swap3A_87, %swap3A_88] {strides = array<i32>} : memref<2x64xi32, #tpu.memory_space<vmem>>, vector<1x16xi32>,
    %swap3A_90 = vector.shape_cast %swap3A_89 : vector<1x16xi32> to vector<16xi32>
    %swap3A_91 = vector.shape_cast %add3A_85 : vector<16xi32> to vector<1x16xi32>
    tpu.vector_store %arg11[%swap3A_87, %swap3A_88], %swap3A_91 {strides = array<i32>} : memref<2x64xi32, #tpu.memory_space<vmem>>, vector<1x16xi32>,
    %get3A_92 = arith.constant 0 : i32
    %get3A_93 = arith.index_cast %get3A_92 : i32 to index
    %get3A_94 = arith.constant 16 : index
    %get3A_95 = tpu.vector_load %arg9[%get3A_93, %get3A_94] {strides = array<i32>} : memref<2x32xi32, #tpu.memory_space<vmem>>, vector<1x16xi32>,
    %get3A_96 = vector.shape_cast %get3A_95 : vector<1x16xi32> to vector<16xi32>
    %add3A_97 = vector.broadcast %mul3A_22 : i32 to vector<16xi32>
    %add3A_98 = arith.addi %get3A_96, %add3A_97 : vector<16xi32>
    %swap3A_99 = arith.constant 0 : i32
    %swap3A_100 = arith.index_cast %swap3A_99 : i32 to index
    %swap3A_101 = arith.constant 16 : index
    %swap3A_102 = tpu.vector_load %arg11[%swap3A_100, %swap3A_101] {strides = array<i32>} : memref<2x64xi32, #tpu.memory_space<vmem>>, vector<1x16xi32>,
    %swap3A_103 = vector.shape_cast %swap3A_102 : vector<1x16xi32> to vector<16xi32>
    %swap3A_104 = vector.shape_cast %add3A_98 : vector<16xi32> to vector<1x16xi32>
    tpu.vector_store %arg11[%swap3A_100, %swap3A_101], %swap3A_104 {strides = array<i32>} : memref<2x64xi32, #tpu.memory_space<vmem>>, vector<1x16xi32>,
    %get3A_105 = arith.constant 0 : i32
    %get3A_106 = arith.index_cast %get3A_105 : i32 to index
    %get3A_107 = arith.constant 16 : index
    %get3A_108 = tpu.vector_load %arg10[%get3A_106, %get3A_107] {strides = array<i32>} : memref<2x32xi32, #tpu.memory_space<vmem>>, vector<1x16xi32>,
    %get3A_109 = vector.shape_cast %get3A_108 : vector<1x16xi32> to vector<16xi32>
    %add3A_110 = arith.constant 20000 : i32
    %add3A_111 = arith.addi %add3A_110, %mul3A_22 : i32
    %add3A_112 = vector.broadcast %add3A_111 : i32 to vector<16xi32>
    %add3A_113 = arith.addi %get3A_109, %add3A_112 : vector<16xi32>
    %swap3A_114 = arith.constant 0 : i32
    %swap3A_115 = arith.index_cast %swap3A_114 : i32 to index
    %swap3A_116 = arith.constant 48 : index
    %swap3A_117 = tpu.vector_load %arg11[%swap3A_115, %swap3A_116] {strides = array<i32>} : memref<2x64xi32, #tpu.memory_space<vmem>>, vector<1x16xi32>,
    %swap3A_118 = vector.shape_cast %swap3A_117 : vector<1x16xi32> to vector<16xi32>
    %swap3A_119 = vector.shape_cast %add3A_113 : vector<16xi32> to vector<1x16xi32>
    tpu.vector_store %arg11[%swap3A_115, %swap3A_116], %swap3A_119 {strides = array<i32>} : memref<2x64xi32, #tpu.memory_space<vmem>>, vector<1x16xi32>,
    %add3A_120 = arith.constant 0 : i32
    %add3A_121 = arith.addi %add3A_120, %arg1 : i32
    %mul3A_122 = arith.constant 32 : i32
    %mul3A_123 = arith.muli %add3A_121, %mul3A_122 : i32
    %multiple_of3A_124 = tpu.assume_multiple %mul3A_123, 8 : i32
    %dma_start3A_125 = arith.constant 0 : i32
    %dma_start3A_126 = arith.constant 0 : i32
    %dma_start3A_127 = arith.constant 0 : i32
    %dma_start3A_128 = arith.constant 0 : i32
    %dma_start3A_129 = tpu.memref_slice %arg13[%dma_start3A_126, %dma_start3A_127, %dma_start3A_128] : memref<2x96x128xf32, #tpu.memory_space<vmem>> -> memref<1x64x128xf32, #tpu.memory_space<vmem>>
    %dma_start3A_130 = tpu.memref_squeeze %dma_start3A_129 : memref<1x64x128xf32, #tpu.memory_space<vmem>> -> memref<64x128xf32, #tpu.memory_space<vmem>>
    %dma_start3A_131 = arith.constant 0 : i32
    %dma_start3A_132 = tpu.memref_slice %arg11[%dma_start3A_125, %dma_start3A_131] : memref<2x64xi32, #tpu.memory_space<vmem>> -> memref<1x64xi32, #tpu.memory_space<vmem>>
    %dma_start3A_133 = tpu.memref_squeeze %dma_start3A_132 : memref<1x64xi32, #tpu.memory_space<vmem>> -> memref<64xi32, #tpu.memory_space<vmem>>
    %dma_start3A_134 = arith.constant 0 : i32
    %dma_start3A_135 = arith.constant 0 : i32
    %dma_start3A_136 = tpu.memref_slice %arg4[%dma_start3A_134, %dma_start3A_135] : memref<40000x128xf32, #tpu.memory_space<hbm>> -> memref<40000x128xf32, #tpu.memory_space<hbm>>
    tpu.enqueue_indirect_dma source(%dma_start3A_136 : memref<40000x128xf32, #tpu.memory_space<hbm>>) target(%dma_start3A_130 : memref<64x128xf32, #tpu.memory_space<vmem>>) offsets(%dma_start3A_133 : memref<64xi32, #tpu.memory_space<vmem>>) semaphore(%arg22 : memref<!tpu.dma_semaphore, #tpu.memory_space<semaphore_mem>>)
    %dma_start3A_137 = arith.constant 0 : i32
    %dma_start3A_138 = arith.constant 64 : i32
    %dma_start3A_139 = arith.constant 0 : i32
    %dma_start3A_140 = tpu.memref_slice %arg13[%dma_start3A_137, %dma_start3A_138, %dma_start3A_139] : memref<2x96x128xf32, #tpu.memory_space<vmem>> -> memref<1x32x128xf32, #tpu.memory_space<vmem>>
    %dma_start3A_141 = tpu.memref_squeeze %dma_start3A_140 : memref<1x32x128xf32, #tpu.memory_space<vmem>> -> memref<32x128xf32, #tpu.memory_space<vmem>>
    %dma_start3A_142 = arith.constant 0 : i32
    %dma_start3A_143 = tpu.memref_slice %arg5[%arg0, %multiple_of3A_124, %dma_start3A_142] : memref<2x320000x128xf32, #tpu.memory_space<hbm>> -> memref<1x32x128xf32, #tpu.memory_space<hbm>>
    %dma_start3A_144 = tpu.memref_squeeze %dma_start3A_143 : memref<1x32x128xf32, #tpu.memory_space<hbm>> -> memref<32x128xf32, #tpu.memory_space<hbm>>
    %dma_start3A_145 = arith.constant 64 : i32
    %dma_start3A_146 = arith.constant 0 : i32
    %dma_start3A_147 = tpu.memref_slice %arg13[%dma_start3A_137, %dma_start3A_145, %dma_start3A_146] : memref<2x96x128xf32, #tpu.memory_space<vmem>> -> memref<1x32x128xf32, #tpu.memory_space<vmem>>
    %dma_start3A_148 = tpu.memref_squeeze %dma_start3A_147 : memref<1x32x128xf32, #tpu.memory_space<vmem>> -> memref<32x128xf32, #tpu.memory_space<vmem>>
    %dma_start3A_149 = arith.constant 0 : i32
    %dma_start3A_150 = tpu.memref_slice %arg5[%arg0, %multiple_of3A_124, %dma_start3A_149] : memref<2x320000x128xf32, #tpu.memory_space<hbm>> -> memref<1x32x128xf32, #tpu.memory_space<hbm>>
    %dma_start3A_151 = tpu.memref_squeeze %dma_start3A_150 : memref<1x32x128xf32, #tpu.memory_space<hbm>> -> memref<32x128xf32, #tpu.memory_space<hbm>>
    tpu.enqueue_dma source(%dma_start3A_151 : memref<32x128xf32, #tpu.memory_space<hbm>>) target(%dma_start3A_148 : memref<32x128xf32, #tpu.memory_space<vmem>>) target_semaphore(%arg22 : memref<!tpu.dma_semaphore, #tpu.memory_space<semaphore_mem>>)
    %add3A_152 = arith.constant 16 : i32
    %add3A_153 = arith.addi %add3A_152, %arg1 : i32
    %mul3A_154 = arith.constant 32 : i32
    %mul3A_155 = arith.muli %add3A_153, %mul3A_154 : i32
    %multiple_of3A_156 = tpu.assume_multiple %mul3A_155, 8 : i32
    %dma_start3A_157 = arith.constant 1 : i32
    %dma_start3A_158 = arith.constant 0 : i32
    %dma_start3A_159 = tpu.memref_slice %arg9[%dma_start3A_157, %dma_start3A_158] : memref<2x32xi32, #tpu.memory_space<vmem>> -> memref<1x32xi32, #tpu.memory_space<vmem>>
    %dma_start3A_160 = tpu.memref_squeeze %dma_start3A_159 : memref<1x32xi32, #tpu.memory_space<vmem>> -> memref<32xi32, #tpu.memory_space<vmem>>
    %dma_start3A_161 = tpu.memref_slice %arg2[%multiple_of3A_156] : memref<320000xi32, #tpu.memory_space<hbm>> -> memref<32xi32, #tpu.memory_space<hbm>>
    %dma_start3A_162 = arith.constant 0 : i32
    %dma_start3A_163 = tpu.memref_slice %arg9[%dma_start3A_157, %dma_start3A_162] : memref<2x32xi32, #tpu.memory_space<vmem>> -> memref<1x32xi32, #tpu.memory_space<vmem>>
    %dma_start3A_164 = tpu.memref_squeeze %dma_start3A_163 : memref<1x32xi32, #tpu.memory_space<vmem>> -> memref<32xi32, #tpu.memory_space<vmem>>
    %dma_start3A_165 = tpu.memref_slice %arg2[%multiple_of3A_156] : memref<320000xi32, #tpu.memory_space<hbm>> -> memref<32xi32, #tpu.memory_space<hbm>>
    tpu.enqueue_dma source(%dma_start3A_165 : memref<32xi32, #tpu.memory_space<hbm>>) target(%dma_start3A_164 : memref<32xi32, #tpu.memory_space<vmem>>) target_semaphore(%arg19 : memref<!tpu.dma_semaphore, #tpu.memory_space<semaphore_mem>>)
    %dma_start3A_166 = arith.constant 1 : i32
    %dma_start3A_167 = arith.constant 0 : i32
    %dma_start3A_168 = tpu.memref_slice %arg10[%dma_start3A_166, %dma_start3A_167] : memref<2x32xi32, #tpu.memory_space<vmem>> -> memref<1x32xi32, #tpu.memory_space<vmem>>
    %dma_start3A_169 = tpu.memref_squeeze %dma_start3A_168 : memref<1x32xi32, #tpu.memory_space<vmem>> -> memref<32xi32, #tpu.memory_space<vmem>>
    %dma_start3A_170 = tpu.memref_slice %arg3[%multiple_of3A_156] : memref<320000xi32, #tpu.memory_space<hbm>> -> memref<32xi32, #tpu.memory_space<hbm>>
    %dma_start3A_171 = arith.constant 0 : i32
    %dma_start3A_172 = tpu.memref_slice %arg10[%dma_start3A_166, %dma_start3A_171] : memref<2x32xi32, #tpu.memory_space<vmem>> -> memref<1x32xi32, #tpu.memory_space<vmem>>
    %dma_start3A_173 = tpu.memref_squeeze %dma_start3A_172 : memref<1x32xi32, #tpu.memory_space<vmem>> -> memref<32xi32, #tpu.memory_space<vmem>>
    %dma_start3A_174 = tpu.memref_slice %arg3[%multiple_of3A_156] : memref<320000xi32, #tpu.memory_space<hbm>> -> memref<32xi32, #tpu.memory_space<hbm>>
    tpu.enqueue_dma source(%dma_start3A_174 : memref<32xi32, #tpu.memory_space<hbm>>) target(%dma_start3A_173 : memref<32xi32, #tpu.memory_space<vmem>>) target_semaphore(%arg21 : memref<!tpu.dma_semaphore, #tpu.memory_space<semaphore_mem>>)
    %scan3A_175 = arith.constant 0 : i32
    %scan3A_176 = arith.constant 0 : i32
    %scan3A_177 = arith.constant 312 : i32
    %scan3A_178 = arith.addi %scan3A_176, %scan3A_177 : i32
    %scan3A_179 = arith.constant 1 : i32
    %scan3A_180 = scf.for %scan3A_523 = %scan3A_176 to %scan3A_178 step %scan3A_179 iter_args(%scan3A_524 = %scan3A_175) -> (i32)  : i32 {
      %mul3A_525 = arith.constant 2 : i32
      %mul3A_526 = arith.muli %mul3A_525, %scan3A_523 : i32
      %add3A_527 = arith.constant 1 : i32
      %add3A_528 = arith.addi %mul3A_526, %add3A_527 : i32
      %mul3A_529 = arith.constant 16 : i32
      %mul3A_530 = arith.muli %add3A_528, %mul3A_529 : i32
      %add3A_531 = arith.addi %mul3A_530, %arg1 : i32
      %mul3A_532 = arith.constant 32 : i32
      %mul3A_533 = arith.muli %add3A_531, %mul3A_532 : i32
      %multiple_of3A_534 = tpu.assume_multiple %mul3A_533, 8 : i32
      %dma_wait3A_535 = arith.constant 1 : i32
      %dma_wait3A_536 = arith.constant 0 : i32
      %dma_wait3A_537 = tpu.memref_slice %arg9[%dma_wait3A_535, %dma_wait3A_536] : memref<2x32xi32, #tpu.memory_space<vmem>> -> memref<1x32xi32, #tpu.memory_space<vmem>>
      %dma_wait3A_538 = tpu.memref_squeeze %dma_wait3A_537 : memref<1x32xi32, #tpu.memory_space<vmem>> -> memref<32xi32, #tpu.memory_space<vmem>>
      %dma_wait3A_539 = tpu.memref_slice %arg2[%multiple_of3A_534] : memref<320000xi32, #tpu.memory_space<hbm>> -> memref<32xi32, #tpu.memory_space<hbm>>
      %dma_wait3A_540 = arith.constant 0 : i32
      %dma_wait3A_541 = tpu.memref_slice %arg9[%dma_wait3A_535, %dma_wait3A_540] : memref<2x32xi32, #tpu.memory_space<vmem>> -> memref<1x32xi32, #tpu.memory_space<vmem>>
      %dma_wait3A_542 = tpu.memref_squeeze %dma_wait3A_541 : memref<1x32xi32, #tpu.memory_space<vmem>> -> memref<32xi32, #tpu.memory_space<vmem>>
      %dma_wait3A_543 = tpu.memref_slice %arg2[%multiple_of3A_534] : memref<320000xi32, #tpu.memory_space<hbm>> -> memref<32xi32, #tpu.memory_space<hbm>>
      tpu.wait_dma2 semaphore(%arg19 : memref<!tpu.dma_semaphore, #tpu.memory_space<semaphore_mem>>) src(%dma_wait3A_543 : memref<32xi32, #tpu.memory_space<hbm>>) dst(%dma_wait3A_542 : memref<32xi32, #tpu.memory_space<vmem>>)
      %dma_wait3A_544 = arith.constant 1 : i32
      %dma_wait3A_545 = arith.constant 0 : i32
      %dma_wait3A_546 = tpu.memref_slice %arg10[%dma_wait3A_544, %dma_wait3A_545] : memref<2x32xi32, #tpu.memory_space<vmem>> -> memref<1x32xi32, #tpu.memory_space<vmem>>
      %dma_wait3A_547 = tpu.memref_squeeze %dma_wait3A_546 : memref<1x32xi32, #tpu.memory_space<vmem>> -> memref<32xi32, #tpu.memory_space<vmem>>
      %dma_wait3A_548 = tpu.memref_slice %arg3[%multiple_of3A_534] : memref<320000xi32, #tpu.memory_space<hbm>> -> memref<32xi32, #tpu.memory_space<hbm>>
      %dma_wait3A_549 = arith.constant 0 : i32
      %dma_wait3A_550 = tpu.memref_slice %arg10[%dma_wait3A_544, %dma_wait3A_549] : memref<2x32xi32, #tpu.memory_space<vmem>> -> memref<1x32xi32, #tpu.memory_space<vmem>>
      %dma_wait3A_551 = tpu.memref_squeeze %dma_wait3A_550 : memref<1x32xi32, #tpu.memory_space<vmem>> -> memref<32xi32, #tpu.memory_space<vmem>>
      %dma_wait3A_552 = tpu.memref_slice %arg3[%multiple_of3A_534] : memref<320000xi32, #tpu.memory_space<hbm>> -> memref<32xi32, #tpu.memory_space<hbm>>
      tpu.wait_dma2 semaphore(%arg21 : memref<!tpu.dma_semaphore, #tpu.memory_space<semaphore_mem>>) src(%dma_wait3A_552 : memref<32xi32, #tpu.memory_space<hbm>>) dst(%dma_wait3A_551 : memref<32xi32, #tpu.memory_space<vmem>>)
      %get3A_553 = arith.constant 1 : i32
      %get3A_554 = arith.index_cast %get3A_553 : i32 to index
      %get3A_555 = arith.constant 0 : index
      %get3A_556 = tpu.vector_load %arg9[%get3A_554, %get3A_555] {strides = array<i32>} : memref<2x32xi32, #tpu.memory_space<vmem>>, vector<1x16xi32>,
      %get3A_557 = vector.shape_cast %get3A_556 : vector<1x16xi32> to vector<16xi32>
      %add3A_558 = vector.broadcast %mul3A_22 : i32 to vector<16xi32>
      %add3A_559 = arith.addi %get3A_557, %add3A_558 : vector<16xi32>
      %swap3A_560 = arith.constant 1 : i32
      %swap3A_561 = arith.index_cast %swap3A_560 : i32 to index
      %swap3A_562 = arith.constant 0 : index
      %swap3A_563 = tpu.vector_load %arg11[%swap3A_561, %swap3A_562] {strides = array<i32>} : memref<2x64xi32, #tpu.memory_space<vmem>>, vector<1x16xi32>,
      %swap3A_564 = vector.shape_cast %swap3A_563 : vector<1x16xi32> to vector<16xi32>
      %swap3A_565 = vector.shape_cast %add3A_559 : vector<16xi32> to vector<1x16xi32>
      tpu.vector_store %arg11[%swap3A_561, %swap3A_562], %swap3A_565 {strides = array<i32>} : memref<2x64xi32, #tpu.memory_space<vmem>>, vector<1x16xi32>,
      %get3A_566 = arith.constant 1 : i32
      %get3A_567 = arith.index_cast %get3A_566 : i32 to index
      %get3A_568 = arith.constant 0 : index
      %get3A_569 = tpu.vector_load %arg10[%get3A_567, %get3A_568] {strides = array<i32>} : memref<2x32xi32, #tpu.memory_space<vmem>>, vector<1x16xi32>,
      %get3A_570 = vector.shape_cast %get3A_569 : vector<1x16xi32> to vector<16xi32>
      %add3A_571 = arith.constant 20000 : i32
      %add3A_572 = arith.addi %add3A_571, %mul3A_22 : i32
      %add3A_573 = vector.broadcast %add3A_572 : i32 to vector<16xi32>
      %add3A_574 = arith.addi %get3A_570, %add3A_573 : vector<16xi32>
      %swap3A_575 = arith.constant 1 : i32
      %swap3A_576 = arith.index_cast %swap3A_575 : i32 to index
      %swap3A_577 = arith.constant 32 : index
      %swap3A_578 = tpu.vector_load %arg11[%swap3A_576, %swap3A_577] {strides = array<i32>} : memref<2x64xi32, #tpu.memory_space<vmem>>, vector<1x16xi32>,
      %swap3A_579 = vector.shape_cast %swap3A_578 : vector<1x16xi32> to vector<16xi32>
      %swap3A_580 = vector.shape_cast %add3A_574 : vector<16xi32> to vector<1x16xi32>
      tpu.vector_store %arg11[%swap3A_576, %swap3A_577], %swap3A_580 {strides = array<i32>} : memref<2x64xi32, #tpu.memory_space<vmem>>, vector<1x16xi32>,
      %get3A_581 = arith.constant 1 : i32
      %get3A_582 = arith.index_cast %get3A_581 : i32 to index
      %get3A_583 = arith.constant 16 : index
      %get3A_584 = tpu.vector_load %arg9[%get3A_582, %get3A_583] {strides = array<i32>} : memref<2x32xi32, #tpu.memory_space<vmem>>, vector<1x16xi32>,
      %get3A_585 = vector.shape_cast %get3A_584 : vector<1x16xi32> to vector<16xi32>
      %add3A_586 = vector.broadcast %mul3A_22 : i32 to vector<16xi32>
      %add3A_587 = arith.addi %get3A_585, %add3A_586 : vector<16xi32>
      %swap3A_588 = arith.constant 1 : i32
      %swap3A_589 = arith.index_cast %swap3A_588 : i32 to index
      %swap3A_590 = arith.constant 16 : index
      %swap3A_591 = tpu.vector_load %arg11[%swap3A_589, %swap3A_590] {strides = array<i32>} : memref<2x64xi32, #tpu.memory_space<vmem>>, vector<1x16xi32>,
      %swap3A_592 = vector.shape_cast %swap3A_591 : vector<1x16xi32> to vector<16xi32>
      %swap3A_593 = vector.shape_cast %add3A_587 : vector<16xi32> to vector<1x16xi32>
      tpu.vector_store %arg11[%swap3A_589, %swap3A_590], %swap3A_593 {strides = array<i32>} : memref<2x64xi32, #tpu.memory_space<vmem>>, vector<1x16xi32>,
      %get3A_594 = arith.constant 1 : i32
      %get3A_595 = arith.index_cast %get3A_594 : i32 to index
      %get3A_596 = arith.constant 16 : index
      %get3A_597 = tpu.vector_load %arg10[%get3A_595, %get3A_596] {strides = array<i32>} : memref<2x32xi32, #tpu.memory_space<vmem>>, vector<1x16xi32>,
      %get3A_598 = vector.shape_cast %get3A_597 : vector<1x16xi32> to vector<16xi32>
      %add3A_599 = arith.constant 20000 : i32
      %add3A_600 = arith.addi %add3A_599, %mul3A_22 : i32
      %add3A_601 = vector.broadcast %add3A_600 : i32 to vector<16xi32>
      %add3A_602 = arith.addi %get3A_598, %add3A_601 : vector<16xi32>
      %swap3A_603 = arith.constant 1 : i32
      %swap3A_604 = arith.index_cast %swap3A_603 : i32 to index
      %swap3A_605 = arith.constant 48 : index
      %swap3A_606 = tpu.vector_load %arg11[%swap3A_604, %swap3A_605] {strides = array<i32>} : memref<2x64xi32, #tpu.memory_space<vmem>>, vector<1x16xi32>,
      %swap3A_607 = vector.shape_cast %swap3A_606 : vector<1x16xi32> to vector<16xi32>
      %swap3A_608 = vector.shape_cast %add3A_602 : vector<16xi32> to vector<1x16xi32>
      tpu.vector_store %arg11[%swap3A_604, %swap3A_605], %swap3A_608 {strides = array<i32>} : memref<2x64xi32, #tpu.memory_space<vmem>>, vector<1x16xi32>,
      %mul3A_609 = arith.constant 16 : i32
      %mul3A_610 = arith.muli %add3A_528, %mul3A_609 : i32
      %add3A_611 = arith.addi %mul3A_610, %arg1 : i32
      %mul3A_612 = arith.constant 32 : i32
      %mul3A_613 = arith.muli %add3A_611, %mul3A_612 : i32
      %multiple_of3A_614 = tpu.assume_multiple %mul3A_613, 8 : i32
      %dma_start3A_615 = arith.constant 1 : i32
      %dma_start3A_616 = arith.constant 1 : i32
      %dma_start3A_617 = arith.constant 0 : i32
      %dma_start3A_618 = arith.constant 0 : i32
      %dma_start3A_619 = tpu.memref_slice %arg13[%dma_start3A_616, %dma_start3A_617, %dma_start3A_618] : memref<2x96x128xf32, #tpu.memory_space<vmem>> -> memref<1x64x128xf32, #tpu.memory_space<vmem>>
      %dma_start3A_620 = tpu.memref_squeeze %dma_start3A_619 : memref<1x64x128xf32, #tpu.memory_space<vmem>> -> memref<64x128xf32, #tpu.memory_space<vmem>>
      %dma_start3A_621 = arith.constant 0 : i32
      %dma_start3A_622 = tpu.memref_slice %arg11[%dma_start3A_615, %dma_start3A_621] : memref<2x64xi32, #tpu.memory_space<vmem>> -> memref<1x64xi32, #tpu.memory_space<vmem>>
      %dma_start3A_623 = tpu.memref_squeeze %dma_start3A_622 : memref<1x64xi32, #tpu.memory_space<vmem>> -> memref<64xi32, #tpu.memory_space<vmem>>
      %dma_start3A_624 = arith.constant 0 : i32
      %dma_start3A_625 = arith.constant 0 : i32
      %dma_start3A_626 = tpu.memref_slice %arg4[%dma_start3A_624, %dma_start3A_625] : memref<40000x128xf32, #tpu.memory_space<hbm>> -> memref<40000x128xf32, #tpu.memory_space<hbm>>
      tpu.enqueue_indirect_dma source(%dma_start3A_626 : memref<40000x128xf32, #tpu.memory_space<hbm>>) target(%dma_start3A_620 : memref<64x128xf32, #tpu.memory_space<vmem>>) offsets(%dma_start3A_623 : memref<64xi32, #tpu.memory_space<vmem>>) semaphore(%arg23 : memref<!tpu.dma_semaphore, #tpu.memory_space<semaphore_mem>>)
      %dma_start3A_627 = arith.constant 1 : i32
      %dma_start3A_628 = arith.constant 64 : i32
      %dma_start3A_629 = arith.constant 0 : i32
      %dma_start3A_630 = tpu.memref_slice %arg13[%dma_start3A_627, %dma_start3A_628, %dma_start3A_629] : memref<2x96x128xf32, #tpu.memory_space<vmem>> -> memref<1x32x128xf32, #tpu.memory_space<vmem>>
      %dma_start3A_631 = tpu.memref_squeeze %dma_start3A_630 : memref<1x32x128xf32, #tpu.memory_space<vmem>> -> memref<32x128xf32, #tpu.memory_space<vmem>>
      %dma_start3A_632 = arith.constant 0 : i32
      %dma_start3A_633 = tpu.memref_slice %arg5[%arg0, %multiple_of3A_614, %dma_start3A_632] : memref<2x320000x128xf32, #tpu.memory_space<hbm>> -> memref<1x32x128xf32, #tpu.memory_space<hbm>>
      %dma_start3A_634 = tpu.memref_squeeze %dma_start3A_633 : memref<1x32x128xf32, #tpu.memory_space<hbm>> -> memref<32x128xf32, #tpu.memory_space<hbm>>
      %dma_start3A_635 = arith.constant 64 : i32
      %dma_start3A_636 = arith.constant 0 : i32
      %dma_start3A_637 = tpu.memref_slice %arg13[%dma_start3A_627, %dma_start3A_635, %dma_start3A_636] : memref<2x96x128xf32, #tpu.memory_space<vmem>> -> memref<1x32x128xf32, #tpu.memory_space<vmem>>
      %dma_start3A_638 = tpu.memref_squeeze %dma_start3A_637 : memref<1x32x128xf32, #tpu.memory_space<vmem>> -> memref<32x128xf32, #tpu.memory_space<vmem>>
      %dma_start3A_639 = arith.constant 0 : i32
      %dma_start3A_640 = tpu.memref_slice %arg5[%arg0, %multiple_of3A_614, %dma_start3A_639] : memref<2x320000x128xf32, #tpu.memory_space<hbm>> -> memref<1x32x128xf32, #tpu.memory_space<hbm>>
      %dma_start3A_641 = tpu.memref_squeeze %dma_start3A_640 : memref<1x32x128xf32, #tpu.memory_space<hbm>> -> memref<32x128xf32, #tpu.memory_space<hbm>>
      tpu.enqueue_dma source(%dma_start3A_641 : memref<32x128xf32, #tpu.memory_space<hbm>>) target(%dma_start3A_638 : memref<32x128xf32, #tpu.memory_space<vmem>>) target_semaphore(%arg23 : memref<!tpu.dma_semaphore, #tpu.memory_space<semaphore_mem>>)
      %sub3A_642 = arith.constant 1 : i32
      %sub3A_643 = arith.subi %add3A_528, %sub3A_642 : i32
      %dma_wait3A_644 = arith.constant 0 : i32
      %dma_wait3A_645 = arith.constant 0 : i32
      %dma_wait3A_646 = arith.constant 0 : i32
      %dma_wait3A_647 = tpu.memref_slice %arg13[%dma_wait3A_644, %dma_wait3A_645, %dma_wait3A_646] : memref<2x96x128xf32, #tpu.memory_space<vmem>> -> memref<1x96x128xf32, #tpu.memory_space<vmem>>
      %dma_wait3A_648 = tpu.memref_squeeze %dma_wait3A_647 : memref<1x96x128xf32, #tpu.memory_space<vmem>> -> memref<96x128xf32, #tpu.memory_space<vmem>>
      %dma_wait3A_649 = arith.constant 0 : i32
      %dma_wait3A_650 = arith.constant 0 : i32
      %dma_wait3A_651 = tpu.memref_slice %arg5[%arg0, %dma_wait3A_649, %dma_wait3A_650] : memref<2x320000x128xf32, #tpu.memory_space<hbm>> -> memref<1x96x128xf32, #tpu.memory_space<hbm>>
      %dma_wait3A_652 = tpu.memref_squeeze %dma_wait3A_651 : memref<1x96x128xf32, #tpu.memory_space<hbm>> -> memref<96x128xf32, #tpu.memory_space<hbm>>
      %dma_wait3A_653 = arith.constant 0 : i32
      %dma_wait3A_654 = arith.constant 0 : i32
      %dma_wait3A_655 = tpu.memref_slice %arg13[%dma_wait3A_644, %dma_wait3A_653, %dma_wait3A_654] : memref<2x96x128xf32, #tpu.memory_space<vmem>> -> memref<1x96x128xf32, #tpu.memory_space<vmem>>
      %dma_wait3A_656 = tpu.memref_squeeze %dma_wait3A_655 : memref<1x96x128xf32, #tpu.memory_space<vmem>> -> memref<96x128xf32, #tpu.memory_space<vmem>>
      %dma_wait3A_657 = arith.constant 0 : i32
      %dma_wait3A_658 = arith.constant 0 : i32
      %dma_wait3A_659 = tpu.memref_slice %arg5[%arg0, %dma_wait3A_657, %dma_wait3A_658] : memref<2x320000x128xf32, #tpu.memory_space<hbm>> -> memref<1x96x128xf32, #tpu.memory_space<hbm>>
      %dma_wait3A_660 = tpu.memref_squeeze %dma_wait3A_659 : memref<1x96x128xf32, #tpu.memory_space<hbm>> -> memref<96x128xf32, #tpu.memory_space<hbm>>
      tpu.wait_dma2 semaphore(%arg22 : memref<!tpu.dma_semaphore, #tpu.memory_space<semaphore_mem>>) src(%dma_wait3A_660 : memref<96x128xf32, #tpu.memory_space<hbm>>) dst(%dma_wait3A_656 : memref<96x128xf32, #tpu.memory_space<vmem>>)
      %sub3A_661 = arith.constant 1 : i32
      %sub3A_662 = arith.subi %add3A_528, %sub3A_661 : i32
      %ge3A = arith.constant 2 : i32
      %ge3A_663 = arith.cmpi sge, %sub3A_662, %ge3A : i32
      %convert_element_type3A = arith.extui %ge3A_663 : i1 to i32
      %cond3A = arith.constant 0 : i32
      %cond3A_664 = arith.cmpi ne, %convert_element_type3A, %cond3A : i32
      scf.if %cond3A_664 {
        %dma_wait3A_1150 = arith.constant 0 : i32
        %dma_wait3A_1151 = arith.constant 0 : i32
        %dma_wait3A_1152 = arith.constant 0 : i32
        %dma_wait3A_1153 = arith.constant 0 : i32
        %dma_wait3A_1154 = tpu.memref_slice %arg14[%dma_wait3A_1150, %dma_wait3A_1152, %dma_wait3A_1153] : memref<2x32x128xf32, #tpu.memory_space<vmem>> -> memref<1x32x128xf32, #tpu.memory_space<vmem>>
        %dma_wait3A_1155 = tpu.memref_squeeze %dma_wait3A_1154 : memref<1x32x128xf32, #tpu.memory_space<vmem>> -> memref<32x128xf32, #tpu.memory_space<vmem>>
        %dma_wait3A_1156 = arith.constant 0 : i32
        %dma_wait3A_1157 = tpu.memref_slice %arg12[%dma_wait3A_1151, %dma_wait3A_1156] : memref<2x32xi32, #tpu.memory_space<vmem>> -> memref<1x32xi32, #tpu.memory_space<vmem>>
        %dma_wait3A_1158 = tpu.memref_squeeze %dma_wait3A_1157 : memref<1x32xi32, #tpu.memory_space<vmem>> -> memref<32xi32, #tpu.memory_space<vmem>>
        %dma_wait3A_1159 = arith.constant 0 : i32
        %dma_wait3A_1160 = arith.constant 0 : i32
        %dma_wait3A_1161 = tpu.memref_slice %arg17[%dma_wait3A_1159, %dma_wait3A_1160] : memref<10240x128xf32, #tpu.memory_space<vmem_shared>> -> memref<10240x128xf32, #tpu.memory_space<vmem_shared>>
        tpu.wait_indirect_dma semaphore(%arg24 : memref<!tpu.dma_semaphore, #tpu.memory_space<semaphore_mem>>) src(%dma_wait3A_1155 : memref<32x128xf32, #tpu.memory_space<vmem>>) dst(%dma_wait3A_1161 : memref<10240x128xf32, #tpu.memory_space<vmem_shared>>)
        %mul3A_1162 = arith.constant 16 : i32
        %mul3A_1163 = arith.muli %sub3A_662, %mul3A_1162 : i32
        %add3A_1164 = arith.addi %mul3A_1163, %arg1 : i32
        %mul3A_1165 = arith.constant 32 : i32
        %mul3A_1166 = arith.muli %add3A_1164, %mul3A_1165 : i32
        %multiple_of3A_1167 = tpu.assume_multiple %mul3A_1166, 8 : i32
        %jit3A_1168 = arith.constant 2 : i32
        %div3A_1169 = arith.divsi %multiple_of3A_1167, %jit3A_1168 : i32
        %sign3A_1170 = arith.constant 0 : i32
        %sign3A_1171 = arith.cmpi sgt, %multiple_of3A_1167, %sign3A_1170 : i32
        %sign3A_1172 = arith.extui %sign3A_1171 : i1 to i32
        %sign3A_1173 = arith.constant 0 : i32
        %sign3A_1174 = arith.cmpi slt, %multiple_of3A_1167, %sign3A_1173 : i32
        %sign3A_1175 = arith.extui %sign3A_1174 : i1 to i32
        %sign3A_1176 = arith.subi %sign3A_1172, %sign3A_1175 : i32
        %sign3A_1177 = arith.constant 0 : i32
        %sign3A_1178 = arith.cmpi sgt, %jit3A_1168, %sign3A_1177 : i32
        %sign3A_1179 = arith.extui %sign3A_1178 : i1 to i32
        %sign3A_1180 = arith.constant 0 : i32
        %sign3A_1181 = arith.cmpi slt, %jit3A_1168, %sign3A_1180 : i32
        %sign3A_1182 = arith.extui %sign3A_1181 : i1 to i32
        %sign3A_1183 = arith.subi %sign3A_1179, %sign3A_1182 : i32
        %ne3A_1184 = arith.cmpi ne, %sign3A_1176, %sign3A_1183 : i32
        %rem3A_1185 = arith.remsi %multiple_of3A_1167, %jit3A_1168 : i32
        %ne3A_1186 = arith.constant 0 : i32
        %ne3A_1187 = arith.cmpi ne, %rem3A_1185, %ne3A_1186 : i32
        %and3A_1188 = arith.andi %ne3A_1184, %ne3A_1187 : i1
        %sub3A_1189 = arith.constant 1 : i32
        %sub3A_1190 = arith.subi %div3A_1169, %sub3A_1189 : i32
        %select_n3A_1191 = arith.select %and3A_1188, %sub3A_1190, %div3A_1169 : i32
        %multiple_of3A_1192 = tpu.assume_multiple %select_n3A_1191, 8 : i32
        %mul3A_1193 = arith.constant 128 : i32
        %mul3A_1194 = arith.muli %arg0, %mul3A_1193 : i32
        %dma_wait3A_1195 = arith.constant 0 : i32
        %dma_wait3A_1196 = arith.constant 0 : i32
        %dma_wait3A_1197 = arith.constant 0 : i32
        %dma_wait3A_1198 = tpu.memref_slice %arg15[%dma_wait3A_1195, %dma_wait3A_1196, %dma_wait3A_1197] : memref<2x16x128xf32, #tpu.memory_space<vmem>> -> memref<1x16x128xf32, #tpu.memory_space<vmem>>
        %dma_wait3A_1199 = tpu.memref_squeeze %dma_wait3A_1198 : memref<1x16x128xf32, #tpu.memory_space<vmem>> -> memref<16x128xf32, #tpu.memory_space<vmem>>
        %dma_wait3A_1200 = tpu.memref_slice %arg6[%multiple_of3A_1192, %mul3A_1194] : memref<160000x256xf32, #tpu.memory_space<hbm>> -> memref<16x128xf32, #tpu.memory_space<hbm>>
        %dma_wait3A_1201 = tpu.memref_slice %arg6[%multiple_of3A_1192, %mul3A_1194] : memref<160000x256xf32, #tpu.memory_space<hbm>> -> memref<16x128xf32, #tpu.memory_space<hbm>>
        %dma_wait3A_1202 = arith.constant 0 : i32
        %dma_wait3A_1203 = arith.constant 0 : i32
        %dma_wait3A_1204 = tpu.memref_slice %arg15[%dma_wait3A_1195, %dma_wait3A_1202, %dma_wait3A_1203] : memref<2x16x128xf32, #tpu.memory_space<vmem>> -> memref<1x16x128xf32, #tpu.memory_space<vmem>>
        %dma_wait3A_1205 = tpu.memref_squeeze %dma_wait3A_1204 : memref<1x16x128xf32, #tpu.memory_space<vmem>> -> memref<16x128xf32, #tpu.memory_space<vmem>>
        tpu.wait_dma2 semaphore(%arg26 : memref<!tpu.dma_semaphore, #tpu.memory_space<semaphore_mem>>) src(%dma_wait3A_1205 : memref<16x128xf32, #tpu.memory_space<vmem>>) dst(%dma_wait3A_1201 : memref<16x128xf32, #tpu.memory_space<hbm>>)
      } else {
      }
      %get3A_665 = arith.constant 0 : i32
      %get3A_666 = arith.index_cast %get3A_665 : i32 to index
      %get3A_667 = arith.constant 0 : index
      %get3A_668 = tpu.vector_load %arg10[%get3A_666, %get3A_667] {strides = array<i32>} : memref<2x32xi32, #tpu.memory_space<vmem>>, vector<1x16xi32>,
      %get3A_669 = vector.shape_cast %get3A_668 : vector<1x16xi32> to vector<16xi32>
      %swap3A_670 = arith.constant 0 : i32
      %swap3A_671 = arith.index_cast %swap3A_670 : i32 to index
      %swap3A_672 = arith.constant 0 : index
      %swap3A_673 = tpu.vector_load %arg12[%swap3A_671, %swap3A_672] {strides = array<i32>} : memref<2x32xi32, #tpu.memory_space<vmem>>, vector<1x16xi32>,
      %swap3A_674 = vector.shape_cast %swap3A_673 : vector<1x16xi32> to vector<16xi32>
      %swap3A_675 = vector.shape_cast %get3A_669 : vector<16xi32> to vector<1x16xi32>
      tpu.vector_store %arg12[%swap3A_671, %swap3A_672], %swap3A_675 {strides = array<i32>} : memref<2x32xi32, #tpu.memory_space<vmem>>, vector<1x16xi32>,
      %get3A_676 = arith.constant 0 : i32
      %get3A_677 = arith.index_cast %get3A_676 : i32 to index
      %get3A_678 = arith.constant 16 : index
      %get3A_679 = tpu.vector_load %arg10[%get3A_677, %get3A_678] {strides = array<i32>} : memref<2x32xi32, #tpu.memory_space<vmem>>, vector<1x16xi32>,
      %get3A_680 = vector.shape_cast %get3A_679 : vector<1x16xi32> to vector<16xi32>
      %swap3A_681 = arith.constant 0 : i32
      %swap3A_682 = arith.index_cast %swap3A_681 : i32 to index
      %swap3A_683 = arith.constant 16 : index
      %swap3A_684 = tpu.vector_load %arg12[%swap3A_682, %swap3A_683] {strides = array<i32>} : memref<2x32xi32, #tpu.memory_space<vmem>>, vector<1x16xi32>,
      %swap3A_685 = vector.shape_cast %swap3A_684 : vector<1x16xi32> to vector<16xi32>
      %swap3A_686 = vector.shape_cast %get3A_680 : vector<16xi32> to vector<1x16xi32>
      tpu.vector_store %arg12[%swap3A_682, %swap3A_683], %swap3A_686 {strides = array<i32>} : memref<2x32xi32, #tpu.memory_space<vmem>>, vector<1x16xi32>,
      %add3A_687 = arith.constant 1 : i32
      %add3A_688 = arith.addi %add3A_528, %add3A_687 : i32
      %lt3A = arith.constant 625 : i32
      %lt3A_689 = arith.cmpi slt, %add3A_688, %lt3A : i32
      %convert_element_type3A_690 = arith.extui %lt3A_689 : i1 to i32
      %cond3A_691 = arith.constant 0 : i32
      %cond3A_692 = arith.cmpi ne, %convert_element_type3A_690, %cond3A_691 : i32
      scf.if %cond3A_692 {
        %add3A_1150 = arith.constant 1 : i32
        %add3A_1151 = arith.addi %add3A_528, %add3A_1150 : i32
        %mul3A_1152 = arith.constant 16 : i32
        %mul3A_1153 = arith.muli %add3A_1151, %mul3A_1152 : i32
        %add3A_1154 = arith.addi %mul3A_1153, %arg1 : i32
        %mul3A_1155 = arith.constant 32 : i32
        %mul3A_1156 = arith.muli %add3A_1154, %mul3A_1155 : i32
        %multiple_of3A_1157 = tpu.assume_multiple %mul3A_1156, 8 : i32
        %dma_start3A_1158 = arith.constant 0 : i32
        %dma_start3A_1159 = arith.constant 0 : i32
        %dma_start3A_1160 = tpu.memref_slice %arg9[%dma_start3A_1158, %dma_start3A_1159] : memref<2x32xi32, #tpu.memory_space<vmem>> -> memref<1x32xi32, #tpu.memory_space<vmem>>
        %dma_start3A_1161 = tpu.memref_squeeze %dma_start3A_1160 : memref<1x32xi32, #tpu.memory_space<vmem>> -> memref<32xi32, #tpu.memory_space<vmem>>
        %dma_start3A_1162 = tpu.memref_slice %arg2[%multiple_of3A_1157] : memref<320000xi32, #tpu.memory_space<hbm>> -> memref<32xi32, #tpu.memory_space<hbm>>
        %dma_start3A_1163 = arith.constant 0 : i32
        %dma_start3A_1164 = tpu.memref_slice %arg9[%dma_start3A_1158, %dma_start3A_1163] : memref<2x32xi32, #tpu.memory_space<vmem>> -> memref<1x32xi32, #tpu.memory_space<vmem>>
        %dma_start3A_1165 = tpu.memref_squeeze %dma_start3A_1164 : memref<1x32xi32, #tpu.memory_space<vmem>> -> memref<32xi32, #tpu.memory_space<vmem>>
        %dma_start3A_1166 = tpu.memref_slice %arg2[%multiple_of3A_1157] : memref<320000xi32, #tpu.memory_space<hbm>> -> memref<32xi32, #tpu.memory_space<hbm>>
        tpu.enqueue_dma source(%dma_start3A_1166 : memref<32xi32, #tpu.memory_space<hbm>>) target(%dma_start3A_1165 : memref<32xi32, #tpu.memory_space<vmem>>) target_semaphore(%arg18 : memref<!tpu.dma_semaphore, #tpu.memory_space<semaphore_mem>>)
        %dma_start3A_1167 = arith.constant 0 : i32
        %dma_start3A_1168 = arith.constant 0 : i32
        %dma_start3A_1169 = tpu.memref_slice %arg10[%dma_start3A_1167, %dma_start3A_1168] : memref<2x32xi32, #tpu.memory_space<vmem>> -> memref<1x32xi32, #tpu.memory_space<vmem>>
        %dma_start3A_1170 = tpu.memref_squeeze %dma_start3A_1169 : memref<1x32xi32, #tpu.memory_space<vmem>> -> memref<32xi32, #tpu.memory_space<vmem>>
        %dma_start3A_1171 = tpu.memref_slice %arg3[%multiple_of3A_1157] : memref<320000xi32, #tpu.memory_space<hbm>> -> memref<32xi32, #tpu.memory_space<hbm>>
        %dma_start3A_1172 = arith.constant 0 : i32
        %dma_start3A_1173 = tpu.memref_slice %arg10[%dma_start3A_1167, %dma_start3A_1172] : memref<2x32xi32, #tpu.memory_space<vmem>> -> memref<1x32xi32, #tpu.memory_space<vmem>>
        %dma_start3A_1174 = tpu.memref_squeeze %dma_start3A_1173 : memref<1x32xi32, #tpu.memory_space<vmem>> -> memref<32xi32, #tpu.memory_space<vmem>>
        %dma_start3A_1175 = tpu.memref_slice %arg3[%multiple_of3A_1157] : memref<320000xi32, #tpu.memory_space<hbm>> -> memref<32xi32, #tpu.memory_space<hbm>>
        tpu.enqueue_dma source(%dma_start3A_1175 : memref<32xi32, #tpu.memory_space<hbm>>) target(%dma_start3A_1174 : memref<32xi32, #tpu.memory_space<vmem>>) target_semaphore(%arg20 : memref<!tpu.dma_semaphore, #tpu.memory_space<semaphore_mem>>)
      } else {
      }
      %sub3A_693 = arith.constant 1 : i32
      %sub3A_694 = arith.subi %add3A_528, %sub3A_693 : i32
      %broadcast_in_dim3A_695 = arith.constant 0.000000e+00 : f32
      %broadcast_in_dim3A_696 = vector.broadcast %broadcast_in_dim3A_695 : f32 to vector<16xf32>
      %broadcast_in_dim3A_697 = arith.constant 0.000000e+00 : f32
      %broadcast_in_dim3A_698 = vector.broadcast %broadcast_in_dim3A_697 : f32 to vector<16xf32>
      %broadcast_in_dim3A_699 = arith.constant 0.000000e+00 : f32
      %broadcast_in_dim3A_700 = vector.broadcast %broadcast_in_dim3A_699 : f32 to vector<16xf32>
      %broadcast_in_dim3A_701 = arith.constant 0.000000e+00 : f32
      %broadcast_in_dim3A_702 = vector.broadcast %broadcast_in_dim3A_701 : f32 to vector<16xf32>
      %broadcast_in_dim3A_703 = arith.constant 0.000000e+00 : f32
      %broadcast_in_dim3A_704 = vector.broadcast %broadcast_in_dim3A_703 : f32 to vector<16xf32>
      %broadcast_in_dim3A_705 = arith.constant 0.000000e+00 : f32
      %broadcast_in_dim3A_706 = vector.broadcast %broadcast_in_dim3A_705 : f32 to vector<16xf32>
      %broadcast_in_dim3A_707 = arith.constant 0.000000e+00 : f32
      %broadcast_in_dim3A_708 = vector.broadcast %broadcast_in_dim3A_707 : f32 to vector<16xf32>
      %broadcast_in_dim3A_709 = arith.constant 0.000000e+00 : f32
      %broadcast_in_dim3A_710 = vector.broadcast %broadcast_in_dim3A_709 : f32 to vector<16xf32>
      %parallel_loop3A_711 = arith.constant 0 : i32
      %parallel_loop3A_712 = arith.constant 16 : i32
      %parallel_loop3A_713 = arith.constant 1 : i32
      %parallel_loop3A_714:8 = scf.for %parallel_loop3A_1150 = %parallel_loop3A_711 to %parallel_loop3A_712 step %parallel_loop3A_713 iter_args(%parallel_loop3A_1151 = %broadcast_in_dim3A_696, %parallel_loop3A_1152 = %broadcast_in_dim3A_698, %parallel_loop3A_1153 = %broadcast_in_dim3A_700, %parallel_loop3A_1154 = %broadcast_in_dim3A_702, %parallel_loop3A_1155 = %broadcast_in_dim3A_704, %parallel_loop3A_1156 = %broadcast_in_dim3A_706, %parallel_loop3A_1157 = %broadcast_in_dim3A_708, %parallel_loop3A_1158 = %broadcast_in_dim3A_710) -> (vector<16xf32>, vector<16xf32>, vector<16xf32>, vector<16xf32>, vector<16xf32>, vector<16xf32>, vector<16xf32>, vector<16xf32>)  : i32 {
        %parallel_loop3A_1159 = arith.constant 2 : i32
        %parallel_loop3A_1160 = arith.muli %parallel_loop3A_1150, %parallel_loop3A_1159 : i32
        %parallel_loop3A_1161 = arith.constant 0 : i32
        %parallel_loop3A_1162 = arith.addi %parallel_loop3A_1160, %parallel_loop3A_1161 : i32
        %parallel_loop3A_1163 = arith.constant 0 : i32
        %parallel_loop3A_1164 = arith.index_cast %parallel_loop3A_1163 : i32 to index
        %parallel_loop3A_1165 = arith.index_cast %parallel_loop3A_1162 : i32 to index
        %parallel_loop3A_1166 = arith.constant 0 : index
        %parallel_loop3A_1167 = tpu.vector_load %arg13[%parallel_loop3A_1164, %parallel_loop3A_1165, %parallel_loop3A_1166] {strides = array<i32>} : memref<2x96x128xf32, #tpu.memory_space<vmem>>, vector<1x1x16xf32>,
        %parallel_loop3A_1168 = vector.shape_cast %parallel_loop3A_1167 : vector<1x1x16xf32> to vector<16xf32>
        %parallel_loop3A_1169 = arith.constant 32 : i32
        %parallel_loop3A_1170 = arith.addi %parallel_loop3A_1169, %parallel_loop3A_1162 : i32
        %parallel_loop3A_1171 = arith.constant 0 : i32
        %parallel_loop3A_1172 = arith.index_cast %parallel_loop3A_1171 : i32 to index
        %parallel_loop3A_1173 = arith.index_cast %parallel_loop3A_1170 : i32 to index
        %parallel_loop3A_1174 = arith.constant 0 : index
        %parallel_loop3A_1175 = tpu.vector_load %arg13[%parallel_loop3A_1172, %parallel_loop3A_1173, %parallel_loop3A_1174] {strides = array<i32>} : memref<2x96x128xf32, #tpu.memory_space<vmem>>, vector<1x1x16xf32>,
        %parallel_loop3A_1176 = vector.shape_cast %parallel_loop3A_1175 : vector<1x1x16xf32> to vector<16xf32>
        %parallel_loop3A_1177 = arith.addf %parallel_loop3A_1168, %parallel_loop3A_1176 : vector<16xf32>
        %parallel_loop3A_1178 = arith.constant 64 : i32
        %parallel_loop3A_1179 = arith.addi %parallel_loop3A_1178, %parallel_loop3A_1162 : i32
        %parallel_loop3A_1180 = arith.constant 0 : i32
        %parallel_loop3A_1181 = arith.index_cast %parallel_loop3A_1180 : i32 to index
        %parallel_loop3A_1182 = arith.index_cast %parallel_loop3A_1179 : i32 to index
        %parallel_loop3A_1183 = arith.constant 0 : index
        %parallel_loop3A_1184 = tpu.vector_load %arg13[%parallel_loop3A_1181, %parallel_loop3A_1182, %parallel_loop3A_1183] {strides = array<i32>} : memref<2x96x128xf32, #tpu.memory_space<vmem>>, vector<1x1x16xf32>,
        %parallel_loop3A_1185 = vector.shape_cast %parallel_loop3A_1184 : vector<1x1x16xf32> to vector<16xf32>
        %parallel_loop3A_1186 = arith.addf %parallel_loop3A_1177, %parallel_loop3A_1185 : vector<16xf32>
        %parallel_loop3A_1187 = arith.constant 0.000000e+00 : f32
        %parallel_loop3A_1188 = vector.broadcast %parallel_loop3A_1187 : f32 to vector<16xf32>
        %parallel_loop3A_1189 = arith.subf %parallel_loop3A_1188, %parallel_loop3A_1186 : vector<16xf32>
        %parallel_loop3A_1190 = math.exp %parallel_loop3A_1189 : vector<16xf32>
        %parallel_loop3A_1191 = arith.constant 1.000000e+00 : f32
        %parallel_loop3A_1192 = vector.broadcast %parallel_loop3A_1191 : f32 to vector<16xf32>
        %parallel_loop3A_1193 = arith.addf %parallel_loop3A_1192, %parallel_loop3A_1190 : vector<16xf32>
        %parallel_loop3A_1194 = arith.constant 1.000000e+00 : f32
        %parallel_loop3A_1195 = vector.broadcast %parallel_loop3A_1194 : f32 to vector<16xf32>
        %parallel_loop3A_1196 = arith.divf %parallel_loop3A_1195, %parallel_loop3A_1193 : vector<16xf32>
        %parallel_loop3A_1197 = arith.constant 64 : i32
        %parallel_loop3A_1198 = arith.addi %parallel_loop3A_1197, %parallel_loop3A_1162 : i32
        %parallel_loop3A_1199 = arith.constant 0 : i32
        %parallel_loop3A_1200 = arith.index_cast %parallel_loop3A_1199 : i32 to index
        %parallel_loop3A_1201 = arith.index_cast %parallel_loop3A_1198 : i32 to index
        %parallel_loop3A_1202 = arith.constant 64 : index
        %parallel_loop3A_1203 = tpu.vector_load %arg13[%parallel_loop3A_1200, %parallel_loop3A_1201, %parallel_loop3A_1202] {strides = array<i32>} : memref<2x96x128xf32, #tpu.memory_space<vmem>>, vector<1x1x16xf32>,
        %parallel_loop3A_1204 = vector.shape_cast %parallel_loop3A_1203 : vector<1x1x16xf32> to vector<16xf32>
        %parallel_loop3A_1205 = arith.addf %parallel_loop3A_1186, %parallel_loop3A_1204 : vector<16xf32>
        %parallel_loop3A_1206 = arith.constant 0 : i32
        %parallel_loop3A_1207 = arith.index_cast %parallel_loop3A_1206 : i32 to index
        %parallel_loop3A_1208 = arith.index_cast %parallel_loop3A_1150 : i32 to index
        %parallel_loop3A_1209 = arith.constant 0 : index
        %parallel_loop3A_1210 = tpu.vector_load %arg15[%parallel_loop3A_1207, %parallel_loop3A_1208, %parallel_loop3A_1209] {strides = array<i32>} : memref<2x16x128xf32, #tpu.memory_space<vmem>>, vector<1x1x16xf32>,
        %parallel_loop3A_1211 = vector.shape_cast %parallel_loop3A_1210 : vector<1x1x16xf32> to vector<16xf32>
        %parallel_loop3A_1212 = vector.shape_cast %parallel_loop3A_1205 : vector<16xf32> to vector<1x1x16xf32>
        tpu.vector_store %arg15[%parallel_loop3A_1207, %parallel_loop3A_1208, %parallel_loop3A_1209], %parallel_loop3A_1212 {strides = array<i32>} : memref<2x16x128xf32, #tpu.memory_space<vmem>>, vector<1x1x16xf32>,
        %parallel_loop3A_1213 = arith.constant 0 : i32
        %parallel_loop3A_1214 = arith.index_cast %parallel_loop3A_1213 : i32 to index
        %parallel_loop3A_1215 = arith.index_cast %parallel_loop3A_1162 : i32 to index
        %parallel_loop3A_1216 = arith.constant 64 : index
        %parallel_loop3A_1217 = tpu.vector_load %arg13[%parallel_loop3A_1214, %parallel_loop3A_1215, %parallel_loop3A_1216] {strides = array<i32>} : memref<2x96x128xf32, #tpu.memory_space<vmem>>, vector<1x1x16xf32>,
        %parallel_loop3A_1218 = vector.shape_cast %parallel_loop3A_1217 : vector<1x1x16xf32> to vector<16xf32>
        %parallel_loop3A_1219 = arith.mulf %parallel_loop3A_1218, %parallel_loop3A_1196 : vector<16xf32>
        %parallel_loop3A_1220 = arith.constant 0 : i32
        %parallel_loop3A_1221 = arith.index_cast %parallel_loop3A_1220 : i32 to index
        %parallel_loop3A_1222 = arith.index_cast %parallel_loop3A_1162 : i32 to index
        %parallel_loop3A_1223 = arith.constant 0 : index
        %parallel_loop3A_1224 = tpu.vector_load %arg14[%parallel_loop3A_1221, %parallel_loop3A_1222, %parallel_loop3A_1223] {strides = array<i32>} : memref<2x32x128xf32, #tpu.memory_space<vmem>>, vector<1x1x16xf32>,
        %parallel_loop3A_1225 = vector.shape_cast %parallel_loop3A_1224 : vector<1x1x16xf32> to vector<16xf32>
        %parallel_loop3A_1226 = vector.shape_cast %parallel_loop3A_1219 : vector<16xf32> to vector<1x1x16xf32>
        tpu.vector_store %arg14[%parallel_loop3A_1221, %parallel_loop3A_1222, %parallel_loop3A_1223], %parallel_loop3A_1226 {strides = array<i32>} : memref<2x32x128xf32, #tpu.memory_space<vmem>>, vector<1x1x16xf32>,
        %parallel_loop3A_1227 = arith.constant 0 : i32
        %parallel_loop3A_1228 = arith.index_cast %parallel_loop3A_1227 : i32 to index
        %parallel_loop3A_1229 = arith.index_cast %parallel_loop3A_1162 : i32 to index
        %parallel_loop3A_1230 = arith.constant 64 : index
        %parallel_loop3A_1231 = tpu.vector_load %arg14[%parallel_loop3A_1228, %parallel_loop3A_1229, %parallel_loop3A_1230] {strides = array<i32>} : memref<2x32x128xf32, #tpu.memory_space<vmem>>, vector<1x1x16xf32>,
        %parallel_loop3A_1232 = vector.shape_cast %parallel_loop3A_1231 : vector<1x1x16xf32> to vector<16xf32>
        %parallel_loop3A_1233 = vector.shape_cast %parallel_loop3A_1196 : vector<16xf32> to vector<1x1x16xf32>
        tpu.vector_store %arg14[%parallel_loop3A_1228, %parallel_loop3A_1229, %parallel_loop3A_1230], %parallel_loop3A_1233 {strides = array<i32>} : memref<2x32x128xf32, #tpu.memory_space<vmem>>, vector<1x1x16xf32>,
        %parallel_loop3A_1234 = arith.addf %parallel_loop3A_1151, %parallel_loop3A_1205 : vector<16xf32>
        %parallel_loop3A_1235 = arith.mulf %parallel_loop3A_1205, %parallel_loop3A_1205 : vector<16xf32>
        %parallel_loop3A_1236 = arith.addf %parallel_loop3A_1155, %parallel_loop3A_1235 : vector<16xf32>
        %parallel_loop3A_1237 = arith.constant 0 : i32
        %parallel_loop3A_1238 = arith.index_cast %parallel_loop3A_1237 : i32 to index
        %parallel_loop3A_1239 = arith.index_cast %parallel_loop3A_1162 : i32 to index
        %parallel_loop3A_1240 = arith.constant 16 : index
        %parallel_loop3A_1241 = tpu.vector_load %arg13[%parallel_loop3A_1238, %parallel_loop3A_1239, %parallel_loop3A_1240] {strides = array<i32>} : memref<2x96x128xf32, #tpu.memory_space<vmem>>, vector<1x1x16xf32>,
        %parallel_loop3A_1242 = vector.shape_cast %parallel_loop3A_1241 : vector<1x1x16xf32> to vector<16xf32>
        %parallel_loop3A_1243 = arith.constant 32 : i32
        %parallel_loop3A_1244 = arith.addi %parallel_loop3A_1243, %parallel_loop3A_1162 : i32
        %parallel_loop3A_1245 = arith.constant 0 : i32
        %parallel_loop3A_1246 = arith.index_cast %parallel_loop3A_1245 : i32 to index
        %parallel_loop3A_1247 = arith.index_cast %parallel_loop3A_1244 : i32 to index
        %parallel_loop3A_1248 = arith.constant 16 : index
        %parallel_loop3A_1249 = tpu.vector_load %arg13[%parallel_loop3A_1246, %parallel_loop3A_1247, %parallel_loop3A_1248] {strides = array<i32>} : memref<2x96x128xf32, #tpu.memory_space<vmem>>, vector<1x1x16xf32>,
        %parallel_loop3A_1250 = vector.shape_cast %parallel_loop3A_1249 : vector<1x1x16xf32> to vector<16xf32>
        %parallel_loop3A_1251 = arith.addf %parallel_loop3A_1242, %parallel_loop3A_1250 : vector<16xf32>
        %parallel_loop3A_1252 = arith.constant 64 : i32
        %parallel_loop3A_1253 = arith.addi %parallel_loop3A_1252, %parallel_loop3A_1162 : i32
        %parallel_loop3A_1254 = arith.constant 0 : i32
        %parallel_loop3A_1255 = arith.index_cast %parallel_loop3A_1254 : i32 to index
        %parallel_loop3A_1256 = arith.index_cast %parallel_loop3A_1253 : i32 to index
        %parallel_loop3A_1257 = arith.constant 16 : index
        %parallel_loop3A_1258 = tpu.vector_load %arg13[%parallel_loop3A_1255, %parallel_loop3A_1256, %parallel_loop3A_1257] {strides = array<i32>} : memref<2x96x128xf32, #tpu.memory_space<vmem>>, vector<1x1x16xf32>,
        %parallel_loop3A_1259 = vector.shape_cast %parallel_loop3A_1258 : vector<1x1x16xf32> to vector<16xf32>
        %parallel_loop3A_1260 = arith.addf %parallel_loop3A_1251, %parallel_loop3A_1259 : vector<16xf32>
        %parallel_loop3A_1261 = arith.constant 0.000000e+00 : f32
        %parallel_loop3A_1262 = vector.broadcast %parallel_loop3A_1261 : f32 to vector<16xf32>
        %parallel_loop3A_1263 = arith.subf %parallel_loop3A_1262, %parallel_loop3A_1260 : vector<16xf32>
        %parallel_loop3A_1264 = math.exp %parallel_loop3A_1263 : vector<16xf32>
        %parallel_loop3A_1265 = arith.constant 1.000000e+00 : f32
        %parallel_loop3A_1266 = vector.broadcast %parallel_loop3A_1265 : f32 to vector<16xf32>
        %parallel_loop3A_1267 = arith.addf %parallel_loop3A_1266, %parallel_loop3A_1264 : vector<16xf32>
        %parallel_loop3A_1268 = arith.constant 1.000000e+00 : f32
        %parallel_loop3A_1269 = vector.broadcast %parallel_loop3A_1268 : f32 to vector<16xf32>
        %parallel_loop3A_1270 = arith.divf %parallel_loop3A_1269, %parallel_loop3A_1267 : vector<16xf32>
        %parallel_loop3A_1271 = arith.constant 64 : i32
        %parallel_loop3A_1272 = arith.addi %parallel_loop3A_1271, %parallel_loop3A_1162 : i32
        %parallel_loop3A_1273 = arith.constant 0 : i32
        %parallel_loop3A_1274 = arith.index_cast %parallel_loop3A_1273 : i32 to index
        %parallel_loop3A_1275 = arith.index_cast %parallel_loop3A_1272 : i32 to index
        %parallel_loop3A_1276 = arith.constant 80 : index
        %parallel_loop3A_1277 = tpu.vector_load %arg13[%parallel_loop3A_1274, %parallel_loop3A_1275, %parallel_loop3A_1276] {strides = array<i32>} : memref<2x96x128xf32, #tpu.memory_space<vmem>>, vector<1x1x16xf32>,
        %parallel_loop3A_1278 = vector.shape_cast %parallel_loop3A_1277 : vector<1x1x16xf32> to vector<16xf32>
        %parallel_loop3A_1279 = arith.addf %parallel_loop3A_1260, %parallel_loop3A_1278 : vector<16xf32>
        %parallel_loop3A_1280 = arith.constant 0 : i32
        %parallel_loop3A_1281 = arith.index_cast %parallel_loop3A_1280 : i32 to index
        %parallel_loop3A_1282 = arith.index_cast %parallel_loop3A_1150 : i32 to index
        %parallel_loop3A_1283 = arith.constant 16 : index
        %parallel_loop3A_1284 = tpu.vector_load %arg15[%parallel_loop3A_1281, %parallel_loop3A_1282, %parallel_loop3A_1283] {strides = array<i32>} : memref<2x16x128xf32, #tpu.memory_space<vmem>>, vector<1x1x16xf32>,
        %parallel_loop3A_1285 = vector.shape_cast %parallel_loop3A_1284 : vector<1x1x16xf32> to vector<16xf32>
        %parallel_loop3A_1286 = vector.shape_cast %parallel_loop3A_1279 : vector<16xf32> to vector<1x1x16xf32>
        tpu.vector_store %arg15[%parallel_loop3A_1281, %parallel_loop3A_1282, %parallel_loop3A_1283], %parallel_loop3A_1286 {strides = array<i32>} : memref<2x16x128xf32, #tpu.memory_space<vmem>>, vector<1x1x16xf32>,
        %parallel_loop3A_1287 = arith.constant 0 : i32
        %parallel_loop3A_1288 = arith.index_cast %parallel_loop3A_1287 : i32 to index
        %parallel_loop3A_1289 = arith.index_cast %parallel_loop3A_1162 : i32 to index
        %parallel_loop3A_1290 = arith.constant 80 : index
        %parallel_loop3A_1291 = tpu.vector_load %arg13[%parallel_loop3A_1288, %parallel_loop3A_1289, %parallel_loop3A_1290] {strides = array<i32>} : memref<2x96x128xf32, #tpu.memory_space<vmem>>, vector<1x1x16xf32>,
        %parallel_loop3A_1292 = vector.shape_cast %parallel_loop3A_1291 : vector<1x1x16xf32> to vector<16xf32>
        %parallel_loop3A_1293 = arith.mulf %parallel_loop3A_1292, %parallel_loop3A_1270 : vector<16xf32>
        %parallel_loop3A_1294 = arith.constant 0 : i32
        %parallel_loop3A_1295 = arith.index_cast %parallel_loop3A_1294 : i32 to index
        %parallel_loop3A_1296 = arith.index_cast %parallel_loop3A_1162 : i32 to index
        %parallel_loop3A_1297 = arith.constant 16 : index
        %parallel_loop3A_1298 = tpu.vector_load %arg14[%parallel_loop3A_1295, %parallel_loop3A_1296, %parallel_loop3A_1297] {strides = array<i32>} : memref<2x32x128xf32, #tpu.memory_space<vmem>>, vector<1x1x16xf32>,
        %parallel_loop3A_1299 = vector.shape_cast %parallel_loop3A_1298 : vector<1x1x16xf32> to vector<16xf32>
        %parallel_loop3A_1300 = vector.shape_cast %parallel_loop3A_1293 : vector<16xf32> to vector<1x1x16xf32>
        tpu.vector_store %arg14[%parallel_loop3A_1295, %parallel_loop3A_1296, %parallel_loop3A_1297], %parallel_loop3A_1300 {strides = array<i32>} : memref<2x32x128xf32, #tpu.memory_space<vmem>>, vector<1x1x16xf32>,
        %parallel_loop3A_1301 = arith.constant 0 : i32
        %parallel_loop3A_1302 = arith.index_cast %parallel_loop3A_1301 : i32 to index
        %parallel_loop3A_1303 = arith.index_cast %parallel_loop3A_1162 : i32 to index
        %parallel_loop3A_1304 = arith.constant 80 : index
        %parallel_loop3A_1305 = tpu.vector_load %arg14[%parallel_loop3A_1302, %parallel_loop3A_1303, %parallel_loop3A_1304] {strides = array<i32>} : memref<2x32x128xf32, #tpu.memory_space<vmem>>, vector<1x1x16xf32>,
        %parallel_loop3A_1306 = vector.shape_cast %parallel_loop3A_1305 : vector<1x1x16xf32> to vector<16xf32>
        %parallel_loop3A_1307 = vector.shape_cast %parallel_loop3A_1270 : vector<16xf32> to vector<1x1x16xf32>
        tpu.vector_store %arg14[%parallel_loop3A_1302, %parallel_loop3A_1303, %parallel_loop3A_1304], %parallel_loop3A_1307 {strides = array<i32>} : memref<2x32x128xf32, #tpu.memory_space<vmem>>, vector<1x1x16xf32>,
        %parallel_loop3A_1308 = arith.addf %parallel_loop3A_1152, %parallel_loop3A_1279 : vector<16xf32>
        %parallel_loop3A_1309 = arith.mulf %parallel_loop3A_1279, %parallel_loop3A_1279 : vector<16xf32>
        %parallel_loop3A_1310 = arith.addf %parallel_loop3A_1156, %parallel_loop3A_1309 : vector<16xf32>
        %parallel_loop3A_1311 = arith.constant 0 : i32
        %parallel_loop3A_1312 = arith.index_cast %parallel_loop3A_1311 : i32 to index
        %parallel_loop3A_1313 = arith.index_cast %parallel_loop3A_1162 : i32 to index
        %parallel_loop3A_1314 = arith.constant 32 : index
        %parallel_loop3A_1315 = tpu.vector_load %arg13[%parallel_loop3A_1312, %parallel_loop3A_1313, %parallel_loop3A_1314] {strides = array<i32>} : memref<2x96x128xf32, #tpu.memory_space<vmem>>, vector<1x1x16xf32>,
        %parallel_loop3A_1316 = vector.shape_cast %parallel_loop3A_1315 : vector<1x1x16xf32> to vector<16xf32>
        %parallel_loop3A_1317 = arith.constant 32 : i32
        %parallel_loop3A_1318 = arith.addi %parallel_loop3A_1317, %parallel_loop3A_1162 : i32
        %parallel_loop3A_1319 = arith.constant 0 : i32
        %parallel_loop3A_1320 = arith.index_cast %parallel_loop3A_1319 : i32 to index
        %parallel_loop3A_1321 = arith.index_cast %parallel_loop3A_1318 : i32 to index
        %parallel_loop3A_1322 = arith.constant 32 : index
        %parallel_loop3A_1323 = tpu.vector_load %arg13[%parallel_loop3A_1320, %parallel_loop3A_1321, %parallel_loop3A_1322] {strides = array<i32>} : memref<2x96x128xf32, #tpu.memory_space<vmem>>, vector<1x1x16xf32>,
        %parallel_loop3A_1324 = vector.shape_cast %parallel_loop3A_1323 : vector<1x1x16xf32> to vector<16xf32>
        %parallel_loop3A_1325 = arith.addf %parallel_loop3A_1316, %parallel_loop3A_1324 : vector<16xf32>
        %parallel_loop3A_1326 = arith.constant 64 : i32
        %parallel_loop3A_1327 = arith.addi %parallel_loop3A_1326, %parallel_loop3A_1162 : i32
        %parallel_loop3A_1328 = arith.constant 0 : i32
        %parallel_loop3A_1329 = arith.index_cast %parallel_loop3A_1328 : i32 to index
        %parallel_loop3A_1330 = arith.index_cast %parallel_loop3A_1327 : i32 to index
        %parallel_loop3A_1331 = arith.constant 32 : index
        %parallel_loop3A_1332 = tpu.vector_load %arg13[%parallel_loop3A_1329, %parallel_loop3A_1330, %parallel_loop3A_1331] {strides = array<i32>} : memref<2x96x128xf32, #tpu.memory_space<vmem>>, vector<1x1x16xf32>,
        %parallel_loop3A_1333 = vector.shape_cast %parallel_loop3A_1332 : vector<1x1x16xf32> to vector<16xf32>
        %parallel_loop3A_1334 = arith.addf %parallel_loop3A_1325, %parallel_loop3A_1333 : vector<16xf32>
        %parallel_loop3A_1335 = arith.constant 0.000000e+00 : f32
        %parallel_loop3A_1336 = vector.broadcast %parallel_loop3A_1335 : f32 to vector<16xf32>
        %parallel_loop3A_1337 = arith.subf %parallel_loop3A_1336, %parallel_loop3A_1334 : vector<16xf32>
        %parallel_loop3A_1338 = math.exp %parallel_loop3A_1337 : vector<16xf32>
        %parallel_loop3A_1339 = arith.constant 1.000000e+00 : f32
        %parallel_loop3A_1340 = vector.broadcast %parallel_loop3A_1339 : f32 to vector<16xf32>
        %parallel_loop3A_1341 = arith.addf %parallel_loop3A_1340, %parallel_loop3A_1338 : vector<16xf32>
        %parallel_loop3A_1342 = arith.constant 1.000000e+00 : f32
        %parallel_loop3A_1343 = vector.broadcast %parallel_loop3A_1342 : f32 to vector<16xf32>
        %parallel_loop3A_1344 = arith.divf %parallel_loop3A_1343, %parallel_loop3A_1341 : vector<16xf32>
        %parallel_loop3A_1345 = arith.constant 64 : i32
        %parallel_loop3A_1346 = arith.addi %parallel_loop3A_1345, %parallel_loop3A_1162 : i32
        %parallel_loop3A_1347 = arith.constant 0 : i32
        %parallel_loop3A_1348 = arith.index_cast %parallel_loop3A_1347 : i32 to index
        %parallel_loop3A_1349 = arith.index_cast %parallel_loop3A_1346 : i32 to index
        %parallel_loop3A_1350 = arith.constant 96 : index
        %parallel_loop3A_1351 = tpu.vector_load %arg13[%parallel_loop3A_1348, %parallel_loop3A_1349, %parallel_loop3A_1350] {strides = array<i32>} : memref<2x96x128xf32, #tpu.memory_space<vmem>>, vector<1x1x16xf32>,
        %parallel_loop3A_1352 = vector.shape_cast %parallel_loop3A_1351 : vector<1x1x16xf32> to vector<16xf32>
        %parallel_loop3A_1353 = arith.addf %parallel_loop3A_1334, %parallel_loop3A_1352 : vector<16xf32>
        %parallel_loop3A_1354 = arith.constant 0 : i32
        %parallel_loop3A_1355 = arith.index_cast %parallel_loop3A_1354 : i32 to index
        %parallel_loop3A_1356 = arith.index_cast %parallel_loop3A_1150 : i32 to index
        %parallel_loop3A_1357 = arith.constant 32 : index
        %parallel_loop3A_1358 = tpu.vector_load %arg15[%parallel_loop3A_1355, %parallel_loop3A_1356, %parallel_loop3A_1357] {strides = array<i32>} : memref<2x16x128xf32, #tpu.memory_space<vmem>>, vector<1x1x16xf32>,
        %parallel_loop3A_1359 = vector.shape_cast %parallel_loop3A_1358 : vector<1x1x16xf32> to vector<16xf32>
        %parallel_loop3A_1360 = vector.shape_cast %parallel_loop3A_1353 : vector<16xf32> to vector<1x1x16xf32>
        tpu.vector_store %arg15[%parallel_loop3A_1355, %parallel_loop3A_1356, %parallel_loop3A_1357], %parallel_loop3A_1360 {strides = array<i32>} : memref<2x16x128xf32, #tpu.memory_space<vmem>>, vector<1x1x16xf32>,
        %parallel_loop3A_1361 = arith.constant 0 : i32
        %parallel_loop3A_1362 = arith.index_cast %parallel_loop3A_1361 : i32 to index
        %parallel_loop3A_1363 = arith.index_cast %parallel_loop3A_1162 : i32 to index
        %parallel_loop3A_1364 = arith.constant 96 : index
        %parallel_loop3A_1365 = tpu.vector_load %arg13[%parallel_loop3A_1362, %parallel_loop3A_1363, %parallel_loop3A_1364] {strides = array<i32>} : memref<2x96x128xf32, #tpu.memory_space<vmem>>, vector<1x1x16xf32>,
        %parallel_loop3A_1366 = vector.shape_cast %parallel_loop3A_1365 : vector<1x1x16xf32> to vector<16xf32>
        %parallel_loop3A_1367 = arith.mulf %parallel_loop3A_1366, %parallel_loop3A_1344 : vector<16xf32>
        %parallel_loop3A_1368 = arith.constant 0 : i32
        %parallel_loop3A_1369 = arith.index_cast %parallel_loop3A_1368 : i32 to index
        %parallel_loop3A_1370 = arith.index_cast %parallel_loop3A_1162 : i32 to index
        %parallel_loop3A_1371 = arith.constant 32 : index
        %parallel_loop3A_1372 = tpu.vector_load %arg14[%parallel_loop3A_1369, %parallel_loop3A_1370, %parallel_loop3A_1371] {strides = array<i32>} : memref<2x32x128xf32, #tpu.memory_space<vmem>>, vector<1x1x16xf32>,
        %parallel_loop3A_1373 = vector.shape_cast %parallel_loop3A_1372 : vector<1x1x16xf32> to vector<16xf32>
        %parallel_loop3A_1374 = vector.shape_cast %parallel_loop3A_1367 : vector<16xf32> to vector<1x1x16xf32>
        tpu.vector_store %arg14[%parallel_loop3A_1369, %parallel_loop3A_1370, %parallel_loop3A_1371], %parallel_loop3A_1374 {strides = array<i32>} : memref<2x32x128xf32, #tpu.memory_space<vmem>>, vector<1x1x16xf32>,
        %parallel_loop3A_1375 = arith.constant 0 : i32
        %parallel_loop3A_1376 = arith.index_cast %parallel_loop3A_1375 : i32 to index
        %parallel_loop3A_1377 = arith.index_cast %parallel_loop3A_1162 : i32 to index
        %parallel_loop3A_1378 = arith.constant 96 : index
        %parallel_loop3A_1379 = tpu.vector_load %arg14[%parallel_loop3A_1376, %parallel_loop3A_1377, %parallel_loop3A_1378] {strides = array<i32>} : memref<2x32x128xf32, #tpu.memory_space<vmem>>, vector<1x1x16xf32>,
        %parallel_loop3A_1380 = vector.shape_cast %parallel_loop3A_1379 : vector<1x1x16xf32> to vector<16xf32>
        %parallel_loop3A_1381 = vector.shape_cast %parallel_loop3A_1344 : vector<16xf32> to vector<1x1x16xf32>
        tpu.vector_store %arg14[%parallel_loop3A_1376, %parallel_loop3A_1377, %parallel_loop3A_1378], %parallel_loop3A_1381 {strides = array<i32>} : memref<2x32x128xf32, #tpu.memory_space<vmem>>, vector<1x1x16xf32>,
        %parallel_loop3A_1382 = arith.addf %parallel_loop3A_1153, %parallel_loop3A_1353 : vector<16xf32>
        %parallel_loop3A_1383 = arith.mulf %parallel_loop3A_1353, %parallel_loop3A_1353 : vector<16xf32>
        %parallel_loop3A_1384 = arith.addf %parallel_loop3A_1157, %parallel_loop3A_1383 : vector<16xf32>
        %parallel_loop3A_1385 = arith.constant 0 : i32
        %parallel_loop3A_1386 = arith.index_cast %parallel_loop3A_1385 : i32 to index
        %parallel_loop3A_1387 = arith.index_cast %parallel_loop3A_1162 : i32 to index
        %parallel_loop3A_1388 = arith.constant 48 : index
        %parallel_loop3A_1389 = tpu.vector_load %arg13[%parallel_loop3A_1386, %parallel_loop3A_1387, %parallel_loop3A_1388] {strides = array<i32>} : memref<2x96x128xf32, #tpu.memory_space<vmem>>, vector<1x1x16xf32>,
        %parallel_loop3A_1390 = vector.shape_cast %parallel_loop3A_1389 : vector<1x1x16xf32> to vector<16xf32>
        %parallel_loop3A_1391 = arith.constant 32 : i32
        %parallel_loop3A_1392 = arith.addi %parallel_loop3A_1391, %parallel_loop3A_1162 : i32
        %parallel_loop3A_1393 = arith.constant 0 : i32
        %parallel_loop3A_1394 = arith.index_cast %parallel_loop3A_1393 : i32 to index
        %parallel_loop3A_1395 = arith.index_cast %parallel_loop3A_1392 : i32 to index
        %parallel_loop3A_1396 = arith.constant 48 : index
        %parallel_loop3A_1397 = tpu.vector_load %arg13[%parallel_loop3A_1394, %parallel_loop3A_1395, %parallel_loop3A_1396] {strides = array<i32>} : memref<2x96x128xf32, #tpu.memory_space<vmem>>, vector<1x1x16xf32>,
        %parallel_loop3A_1398 = vector.shape_cast %parallel_loop3A_1397 : vector<1x1x16xf32> to vector<16xf32>
        %parallel_loop3A_1399 = arith.addf %parallel_loop3A_1390, %parallel_loop3A_1398 : vector<16xf32>
        %parallel_loop3A_1400 = arith.constant 64 : i32
        %parallel_loop3A_1401 = arith.addi %parallel_loop3A_1400, %parallel_loop3A_1162 : i32
        %parallel_loop3A_1402 = arith.constant 0 : i32
        %parallel_loop3A_1403 = arith.index_cast %parallel_loop3A_1402 : i32 to index
        %parallel_loop3A_1404 = arith.index_cast %parallel_loop3A_1401 : i32 to index
        %parallel_loop3A_1405 = arith.constant 48 : index
        %parallel_loop3A_1406 = tpu.vector_load %arg13[%parallel_loop3A_1403, %parallel_loop3A_1404, %parallel_loop3A_1405] {strides = array<i32>} : memref<2x96x128xf32, #tpu.memory_space<vmem>>, vector<1x1x16xf32>,
        %parallel_loop3A_1407 = vector.shape_cast %parallel_loop3A_1406 : vector<1x1x16xf32> to vector<16xf32>
        %parallel_loop3A_1408 = arith.addf %parallel_loop3A_1399, %parallel_loop3A_1407 : vector<16xf32>
        %parallel_loop3A_1409 = arith.constant 0.000000e+00 : f32
        %parallel_loop3A_1410 = vector.broadcast %parallel_loop3A_1409 : f32 to vector<16xf32>
        %parallel_loop3A_1411 = arith.subf %parallel_loop3A_1410, %parallel_loop3A_1408 : vector<16xf32>
        %parallel_loop3A_1412 = math.exp %parallel_loop3A_1411 : vector<16xf32>
        %parallel_loop3A_1413 = arith.constant 1.000000e+00 : f32
        %parallel_loop3A_1414 = vector.broadcast %parallel_loop3A_1413 : f32 to vector<16xf32>
        %parallel_loop3A_1415 = arith.addf %parallel_loop3A_1414, %parallel_loop3A_1412 : vector<16xf32>
        %parallel_loop3A_1416 = arith.constant 1.000000e+00 : f32
        %parallel_loop3A_1417 = vector.broadcast %parallel_loop3A_1416 : f32 to vector<16xf32>
        %parallel_loop3A_1418 = arith.divf %parallel_loop3A_1417, %parallel_loop3A_1415 : vector<16xf32>
        %parallel_loop3A_1419 = arith.constant 64 : i32
        %parallel_loop3A_1420 = arith.addi %parallel_loop3A_1419, %parallel_loop3A_1162 : i32
        %parallel_loop3A_1421 = arith.constant 0 : i32
        %parallel_loop3A_1422 = arith.index_cast %parallel_loop3A_1421 : i32 to index
        %parallel_loop3A_1423 = arith.index_cast %parallel_loop3A_1420 : i32 to index
        %parallel_loop3A_1424 = arith.constant 112 : index
        %parallel_loop3A_1425 = tpu.vector_load %arg13[%parallel_loop3A_1422, %parallel_loop3A_1423, %parallel_loop3A_1424] {strides = array<i32>} : memref<2x96x128xf32, #tpu.memory_space<vmem>>, vector<1x1x16xf32>,
        %parallel_loop3A_1426 = vector.shape_cast %parallel_loop3A_1425 : vector<1x1x16xf32> to vector<16xf32>
        %parallel_loop3A_1427 = arith.addf %parallel_loop3A_1408, %parallel_loop3A_1426 : vector<16xf32>
        %parallel_loop3A_1428 = arith.constant 0 : i32
        %parallel_loop3A_1429 = arith.index_cast %parallel_loop3A_1428 : i32 to index
        %parallel_loop3A_1430 = arith.index_cast %parallel_loop3A_1150 : i32 to index
        %parallel_loop3A_1431 = arith.constant 48 : index
        %parallel_loop3A_1432 = tpu.vector_load %arg15[%parallel_loop3A_1429, %parallel_loop3A_1430, %parallel_loop3A_1431] {strides = array<i32>} : memref<2x16x128xf32, #tpu.memory_space<vmem>>, vector<1x1x16xf32>,
        %parallel_loop3A_1433 = vector.shape_cast %parallel_loop3A_1432 : vector<1x1x16xf32> to vector<16xf32>
        %parallel_loop3A_1434 = vector.shape_cast %parallel_loop3A_1427 : vector<16xf32> to vector<1x1x16xf32>
        tpu.vector_store %arg15[%parallel_loop3A_1429, %parallel_loop3A_1430, %parallel_loop3A_1431], %parallel_loop3A_1434 {strides = array<i32>} : memref<2x16x128xf32, #tpu.memory_space<vmem>>, vector<1x1x16xf32>,
        %parallel_loop3A_1435 = arith.constant 0 : i32
        %parallel_loop3A_1436 = arith.index_cast %parallel_loop3A_1435 : i32 to index
        %parallel_loop3A_1437 = arith.index_cast %parallel_loop3A_1162 : i32 to index
        %parallel_loop3A_1438 = arith.constant 112 : index
        %parallel_loop3A_1439 = tpu.vector_load %arg13[%parallel_loop3A_1436, %parallel_loop3A_1437, %parallel_loop3A_1438] {strides = array<i32>} : memref<2x96x128xf32, #tpu.memory_space<vmem>>, vector<1x1x16xf32>,
        %parallel_loop3A_1440 = vector.shape_cast %parallel_loop3A_1439 : vector<1x1x16xf32> to vector<16xf32>
        %parallel_loop3A_1441 = arith.mulf %parallel_loop3A_1440, %parallel_loop3A_1418 : vector<16xf32>
        %parallel_loop3A_1442 = arith.constant 0 : i32
        %parallel_loop3A_1443 = arith.index_cast %parallel_loop3A_1442 : i32 to index
        %parallel_loop3A_1444 = arith.index_cast %parallel_loop3A_1162 : i32 to index
        %parallel_loop3A_1445 = arith.constant 48 : index
        %parallel_loop3A_1446 = tpu.vector_load %arg14[%parallel_loop3A_1443, %parallel_loop3A_1444, %parallel_loop3A_1445] {strides = array<i32>} : memref<2x32x128xf32, #tpu.memory_space<vmem>>, vector<1x1x16xf32>,
        %parallel_loop3A_1447 = vector.shape_cast %parallel_loop3A_1446 : vector<1x1x16xf32> to vector<16xf32>
        %parallel_loop3A_1448 = vector.shape_cast %parallel_loop3A_1441 : vector<16xf32> to vector<1x1x16xf32>
        tpu.vector_store %arg14[%parallel_loop3A_1443, %parallel_loop3A_1444, %parallel_loop3A_1445], %parallel_loop3A_1448 {strides = array<i32>} : memref<2x32x128xf32, #tpu.memory_space<vmem>>, vector<1x1x16xf32>,
        %parallel_loop3A_1449 = arith.constant 0 : i32
        %parallel_loop3A_1450 = arith.index_cast %parallel_loop3A_1449 : i32 to index
        %parallel_loop3A_1451 = arith.index_cast %parallel_loop3A_1162 : i32 to index
        %parallel_loop3A_1452 = arith.constant 112 : index
        %parallel_loop3A_1453 = tpu.vector_load %arg14[%parallel_loop3A_1450, %parallel_loop3A_1451, %parallel_loop3A_1452] {strides = array<i32>} : memref<2x32x128xf32, #tpu.memory_space<vmem>>, vector<1x1x16xf32>,
        %parallel_loop3A_1454 = vector.shape_cast %parallel_loop3A_1453 : vector<1x1x16xf32> to vector<16xf32>
        %parallel_loop3A_1455 = vector.shape_cast %parallel_loop3A_1418 : vector<16xf32> to vector<1x1x16xf32>
        tpu.vector_store %arg14[%parallel_loop3A_1450, %parallel_loop3A_1451, %parallel_loop3A_1452], %parallel_loop3A_1455 {strides = array<i32>} : memref<2x32x128xf32, #tpu.memory_space<vmem>>, vector<1x1x16xf32>,
        %parallel_loop3A_1456 = arith.addf %parallel_loop3A_1154, %parallel_loop3A_1427 : vector<16xf32>
        %parallel_loop3A_1457 = arith.mulf %parallel_loop3A_1427, %parallel_loop3A_1427 : vector<16xf32>
        %parallel_loop3A_1458 = arith.addf %parallel_loop3A_1158, %parallel_loop3A_1457 : vector<16xf32>
        %parallel_loop3A_1459 = arith.constant 2 : i32
        %parallel_loop3A_1460 = arith.muli %parallel_loop3A_1150, %parallel_loop3A_1459 : i32
        %parallel_loop3A_1461 = arith.constant 1 : i32
        %parallel_loop3A_1462 = arith.addi %parallel_loop3A_1460, %parallel_loop3A_1461 : i32
        %parallel_loop3A_1463 = arith.constant 0 : i32
        %parallel_loop3A_1464 = arith.index_cast %parallel_loop3A_1463 : i32 to index
        %parallel_loop3A_1465 = arith.index_cast %parallel_loop3A_1462 : i32 to index
        %parallel_loop3A_1466 = arith.constant 0 : index
        %parallel_loop3A_1467 = tpu.vector_load %arg13[%parallel_loop3A_1464, %parallel_loop3A_1465, %parallel_loop3A_1466] {strides = array<i32>} : memref<2x96x128xf32, #tpu.memory_space<vmem>>, vector<1x1x16xf32>,
        %parallel_loop3A_1468 = vector.shape_cast %parallel_loop3A_1467 : vector<1x1x16xf32> to vector<16xf32>
        %parallel_loop3A_1469 = arith.constant 32 : i32
        %parallel_loop3A_1470 = arith.addi %parallel_loop3A_1469, %parallel_loop3A_1462 : i32
        %parallel_loop3A_1471 = arith.constant 0 : i32
        %parallel_loop3A_1472 = arith.index_cast %parallel_loop3A_1471 : i32 to index
        %parallel_loop3A_1473 = arith.index_cast %parallel_loop3A_1470 : i32 to index
        %parallel_loop3A_1474 = arith.constant 0 : index
        %parallel_loop3A_1475 = tpu.vector_load %arg13[%parallel_loop3A_1472, %parallel_loop3A_1473, %parallel_loop3A_1474] {strides = array<i32>} : memref<2x96x128xf32, #tpu.memory_space<vmem>>, vector<1x1x16xf32>,
        %parallel_loop3A_1476 = vector.shape_cast %parallel_loop3A_1475 : vector<1x1x16xf32> to vector<16xf32>
        %parallel_loop3A_1477 = arith.addf %parallel_loop3A_1468, %parallel_loop3A_1476 : vector<16xf32>
        %parallel_loop3A_1478 = arith.constant 64 : i32
        %parallel_loop3A_1479 = arith.addi %parallel_loop3A_1478, %parallel_loop3A_1462 : i32
        %parallel_loop3A_1480 = arith.constant 0 : i32
        %parallel_loop3A_1481 = arith.index_cast %parallel_loop3A_1480 : i32 to index
        %parallel_loop3A_1482 = arith.index_cast %parallel_loop3A_1479 : i32 to index
        %parallel_loop3A_1483 = arith.constant 0 : index
        %parallel_loop3A_1484 = tpu.vector_load %arg13[%parallel_loop3A_1481, %parallel_loop3A_1482, %parallel_loop3A_1483] {strides = array<i32>} : memref<2x96x128xf32, #tpu.memory_space<vmem>>, vector<1x1x16xf32>,
        %parallel_loop3A_1485 = vector.shape_cast %parallel_loop3A_1484 : vector<1x1x16xf32> to vector<16xf32>
        %parallel_loop3A_1486 = arith.addf %parallel_loop3A_1477, %parallel_loop3A_1485 : vector<16xf32>
        %parallel_loop3A_1487 = arith.constant 0.000000e+00 : f32
        %parallel_loop3A_1488 = vector.broadcast %parallel_loop3A_1487 : f32 to vector<16xf32>
        %parallel_loop3A_1489 = arith.subf %parallel_loop3A_1488, %parallel_loop3A_1486 : vector<16xf32>
        %parallel_loop3A_1490 = math.exp %parallel_loop3A_1489 : vector<16xf32>
        %parallel_loop3A_1491 = arith.constant 1.000000e+00 : f32
        %parallel_loop3A_1492 = vector.broadcast %parallel_loop3A_1491 : f32 to vector<16xf32>
        %parallel_loop3A_1493 = arith.addf %parallel_loop3A_1492, %parallel_loop3A_1490 : vector<16xf32>
        %parallel_loop3A_1494 = arith.constant 1.000000e+00 : f32
        %parallel_loop3A_1495 = vector.broadcast %parallel_loop3A_1494 : f32 to vector<16xf32>
        %parallel_loop3A_1496 = arith.divf %parallel_loop3A_1495, %parallel_loop3A_1493 : vector<16xf32>
        %parallel_loop3A_1497 = arith.constant 64 : i32
        %parallel_loop3A_1498 = arith.addi %parallel_loop3A_1497, %parallel_loop3A_1462 : i32
        %parallel_loop3A_1499 = arith.constant 0 : i32
        %parallel_loop3A_1500 = arith.index_cast %parallel_loop3A_1499 : i32 to index
        %parallel_loop3A_1501 = arith.index_cast %parallel_loop3A_1498 : i32 to index
        %parallel_loop3A_1502 = arith.constant 64 : index
        %parallel_loop3A_1503 = tpu.vector_load %arg13[%parallel_loop3A_1500, %parallel_loop3A_1501, %parallel_loop3A_1502] {strides = array<i32>} : memref<2x96x128xf32, #tpu.memory_space<vmem>>, vector<1x1x16xf32>,
        %parallel_loop3A_1504 = vector.shape_cast %parallel_loop3A_1503 : vector<1x1x16xf32> to vector<16xf32>
        %parallel_loop3A_1505 = arith.addf %parallel_loop3A_1486, %parallel_loop3A_1504 : vector<16xf32>
        %parallel_loop3A_1506 = arith.constant 0 : i32
        %parallel_loop3A_1507 = arith.index_cast %parallel_loop3A_1506 : i32 to index
        %parallel_loop3A_1508 = arith.index_cast %parallel_loop3A_1150 : i32 to index
        %parallel_loop3A_1509 = arith.constant 64 : index
        %parallel_loop3A_1510 = tpu.vector_load %arg15[%parallel_loop3A_1507, %parallel_loop3A_1508, %parallel_loop3A_1509] {strides = array<i32>} : memref<2x16x128xf32, #tpu.memory_space<vmem>>, vector<1x1x16xf32>,
        %parallel_loop3A_1511 = vector.shape_cast %parallel_loop3A_1510 : vector<1x1x16xf32> to vector<16xf32>
        %parallel_loop3A_1512 = vector.shape_cast %parallel_loop3A_1505 : vector<16xf32> to vector<1x1x16xf32>
        tpu.vector_store %arg15[%parallel_loop3A_1507, %parallel_loop3A_1508, %parallel_loop3A_1509], %parallel_loop3A_1512 {strides = array<i32>} : memref<2x16x128xf32, #tpu.memory_space<vmem>>, vector<1x1x16xf32>,
        %parallel_loop3A_1513 = arith.constant 0 : i32
        %parallel_loop3A_1514 = arith.index_cast %parallel_loop3A_1513 : i32 to index
        %parallel_loop3A_1515 = arith.index_cast %parallel_loop3A_1462 : i32 to index
        %parallel_loop3A_1516 = arith.constant 64 : index
        %parallel_loop3A_1517 = tpu.vector_load %arg13[%parallel_loop3A_1514, %parallel_loop3A_1515, %parallel_loop3A_1516] {strides = array<i32>} : memref<2x96x128xf32, #tpu.memory_space<vmem>>, vector<1x1x16xf32>,
        %parallel_loop3A_1518 = vector.shape_cast %parallel_loop3A_1517 : vector<1x1x16xf32> to vector<16xf32>
        %parallel_loop3A_1519 = arith.mulf %parallel_loop3A_1518, %parallel_loop3A_1496 : vector<16xf32>
        %parallel_loop3A_1520 = arith.constant 0 : i32
        %parallel_loop3A_1521 = arith.index_cast %parallel_loop3A_1520 : i32 to index
        %parallel_loop3A_1522 = arith.index_cast %parallel_loop3A_1462 : i32 to index
        %parallel_loop3A_1523 = arith.constant 0 : index
        %parallel_loop3A_1524 = tpu.vector_load %arg14[%parallel_loop3A_1521, %parallel_loop3A_1522, %parallel_loop3A_1523] {strides = array<i32>} : memref<2x32x128xf32, #tpu.memory_space<vmem>>, vector<1x1x16xf32>,
        %parallel_loop3A_1525 = vector.shape_cast %parallel_loop3A_1524 : vector<1x1x16xf32> to vector<16xf32>
        %parallel_loop3A_1526 = vector.shape_cast %parallel_loop3A_1519 : vector<16xf32> to vector<1x1x16xf32>
        tpu.vector_store %arg14[%parallel_loop3A_1521, %parallel_loop3A_1522, %parallel_loop3A_1523], %parallel_loop3A_1526 {strides = array<i32>} : memref<2x32x128xf32, #tpu.memory_space<vmem>>, vector<1x1x16xf32>,
        %parallel_loop3A_1527 = arith.constant 0 : i32
        %parallel_loop3A_1528 = arith.index_cast %parallel_loop3A_1527 : i32 to index
        %parallel_loop3A_1529 = arith.index_cast %parallel_loop3A_1462 : i32 to index
        %parallel_loop3A_1530 = arith.constant 64 : index
        %parallel_loop3A_1531 = tpu.vector_load %arg14[%parallel_loop3A_1528, %parallel_loop3A_1529, %parallel_loop3A_1530] {strides = array<i32>} : memref<2x32x128xf32, #tpu.memory_space<vmem>>, vector<1x1x16xf32>,
        %parallel_loop3A_1532 = vector.shape_cast %parallel_loop3A_1531 : vector<1x1x16xf32> to vector<16xf32>
        %parallel_loop3A_1533 = vector.shape_cast %parallel_loop3A_1496 : vector<16xf32> to vector<1x1x16xf32>
        tpu.vector_store %arg14[%parallel_loop3A_1528, %parallel_loop3A_1529, %parallel_loop3A_1530], %parallel_loop3A_1533 {strides = array<i32>} : memref<2x32x128xf32, #tpu.memory_space<vmem>>, vector<1x1x16xf32>,
        %parallel_loop3A_1534 = arith.addf %parallel_loop3A_1234, %parallel_loop3A_1505 : vector<16xf32>
        %parallel_loop3A_1535 = arith.mulf %parallel_loop3A_1505, %parallel_loop3A_1505 : vector<16xf32>
        %parallel_loop3A_1536 = arith.addf %parallel_loop3A_1236, %parallel_loop3A_1535 : vector<16xf32>
        %parallel_loop3A_1537 = arith.constant 0 : i32
        %parallel_loop3A_1538 = arith.index_cast %parallel_loop3A_1537 : i32 to index
        %parallel_loop3A_1539 = arith.index_cast %parallel_loop3A_1462 : i32 to index
        %parallel_loop3A_1540 = arith.constant 16 : index
        %parallel_loop3A_1541 = tpu.vector_load %arg13[%parallel_loop3A_1538, %parallel_loop3A_1539, %parallel_loop3A_1540] {strides = array<i32>} : memref<2x96x128xf32, #tpu.memory_space<vmem>>, vector<1x1x16xf32>,
        %parallel_loop3A_1542 = vector.shape_cast %parallel_loop3A_1541 : vector<1x1x16xf32> to vector<16xf32>
        %parallel_loop3A_1543 = arith.constant 32 : i32
        %parallel_loop3A_1544 = arith.addi %parallel_loop3A_1543, %parallel_loop3A_1462 : i32
        %parallel_loop3A_1545 = arith.constant 0 : i32
        %parallel_loop3A_1546 = arith.index_cast %parallel_loop3A_1545 : i32 to index
        %parallel_loop3A_1547 = arith.index_cast %parallel_loop3A_1544 : i32 to index
        %parallel_loop3A_1548 = arith.constant 16 : index
        %parallel_loop3A_1549 = tpu.vector_load %arg13[%parallel_loop3A_1546, %parallel_loop3A_1547, %parallel_loop3A_1548] {strides = array<i32>} : memref<2x96x128xf32, #tpu.memory_space<vmem>>, vector<1x1x16xf32>,
        %parallel_loop3A_1550 = vector.shape_cast %parallel_loop3A_1549 : vector<1x1x16xf32> to vector<16xf32>
        %parallel_loop3A_1551 = arith.addf %parallel_loop3A_1542, %parallel_loop3A_1550 : vector<16xf32>
        %parallel_loop3A_1552 = arith.constant 64 : i32
        %parallel_loop3A_1553 = arith.addi %parallel_loop3A_1552, %parallel_loop3A_1462 : i32
        %parallel_loop3A_1554 = arith.constant 0 : i32
        %parallel_loop3A_1555 = arith.index_cast %parallel_loop3A_1554 : i32 to index
        %parallel_loop3A_1556 = arith.index_cast %parallel_loop3A_1553 : i32 to index
        %parallel_loop3A_1557 = arith.constant 16 : index
        %parallel_loop3A_1558 = tpu.vector_load %arg13[%parallel_loop3A_1555, %parallel_loop3A_1556, %parallel_loop3A_1557] {strides = array<i32>} : memref<2x96x128xf32, #tpu.memory_space<vmem>>, vector<1x1x16xf32>,
        %parallel_loop3A_1559 = vector.shape_cast %parallel_loop3A_1558 : vector<1x1x16xf32> to vector<16xf32>
        %parallel_loop3A_1560 = arith.addf %parallel_loop3A_1551, %parallel_loop3A_1559 : vector<16xf32>
        %parallel_loop3A_1561 = arith.constant 0.000000e+00 : f32
        %parallel_loop3A_1562 = vector.broadcast %parallel_loop3A_1561 : f32 to vector<16xf32>
        %parallel_loop3A_1563 = arith.subf %parallel_loop3A_1562, %parallel_loop3A_1560 : vector<16xf32>
        %parallel_loop3A_1564 = math.exp %parallel_loop3A_1563 : vector<16xf32>
        %parallel_loop3A_1565 = arith.constant 1.000000e+00 : f32
        %parallel_loop3A_1566 = vector.broadcast %parallel_loop3A_1565 : f32 to vector<16xf32>
        %parallel_loop3A_1567 = arith.addf %parallel_loop3A_1566, %parallel_loop3A_1564 : vector<16xf32>
        %parallel_loop3A_1568 = arith.constant 1.000000e+00 : f32
        %parallel_loop3A_1569 = vector.broadcast %parallel_loop3A_1568 : f32 to vector<16xf32>
        %parallel_loop3A_1570 = arith.divf %parallel_loop3A_1569, %parallel_loop3A_1567 : vector<16xf32>
        %parallel_loop3A_1571 = arith.constant 64 : i32
        %parallel_loop3A_1572 = arith.addi %parallel_loop3A_1571, %parallel_loop3A_1462 : i32
        %parallel_loop3A_1573 = arith.constant 0 : i32
        %parallel_loop3A_1574 = arith.index_cast %parallel_loop3A_1573 : i32 to index
        %parallel_loop3A_1575 = arith.index_cast %parallel_loop3A_1572 : i32 to index
        %parallel_loop3A_1576 = arith.constant 80 : index
        %parallel_loop3A_1577 = tpu.vector_load %arg13[%parallel_loop3A_1574, %parallel_loop3A_1575, %parallel_loop3A_1576] {strides = array<i32>} : memref<2x96x128xf32, #tpu.memory_space<vmem>>, vector<1x1x16xf32>,
        %parallel_loop3A_1578 = vector.shape_cast %parallel_loop3A_1577 : vector<1x1x16xf32> to vector<16xf32>
        %parallel_loop3A_1579 = arith.addf %parallel_loop3A_1560, %parallel_loop3A_1578 : vector<16xf32>
        %parallel_loop3A_1580 = arith.constant 0 : i32
        %parallel_loop3A_1581 = arith.index_cast %parallel_loop3A_1580 : i32 to index
        %parallel_loop3A_1582 = arith.index_cast %parallel_loop3A_1150 : i32 to index
        %parallel_loop3A_1583 = arith.constant 80 : index
        %parallel_loop3A_1584 = tpu.vector_load %arg15[%parallel_loop3A_1581, %parallel_loop3A_1582, %parallel_loop3A_1583] {strides = array<i32>} : memref<2x16x128xf32, #tpu.memory_space<vmem>>, vector<1x1x16xf32>,
        %parallel_loop3A_1585 = vector.shape_cast %parallel_loop3A_1584 : vector<1x1x16xf32> to vector<16xf32>
        %parallel_loop3A_1586 = vector.shape_cast %parallel_loop3A_1579 : vector<16xf32> to vector<1x1x16xf32>
        tpu.vector_store %arg15[%parallel_loop3A_1581, %parallel_loop3A_1582, %parallel_loop3A_1583], %parallel_loop3A_1586 {strides = array<i32>} : memref<2x16x128xf32, #tpu.memory_space<vmem>>, vector<1x1x16xf32>,
        %parallel_loop3A_1587 = arith.constant 0 : i32
        %parallel_loop3A_1588 = arith.index_cast %parallel_loop3A_1587 : i32 to index
        %parallel_loop3A_1589 = arith.index_cast %parallel_loop3A_1462 : i32 to index
        %parallel_loop3A_1590 = arith.constant 80 : index
        %parallel_loop3A_1591 = tpu.vector_load %arg13[%parallel_loop3A_1588, %parallel_loop3A_1589, %parallel_loop3A_1590] {strides = array<i32>} : memref<2x96x128xf32, #tpu.memory_space<vmem>>, vector<1x1x16xf32>,
        %parallel_loop3A_1592 = vector.shape_cast %parallel_loop3A_1591 : vector<1x1x16xf32> to vector<16xf32>
        %parallel_loop3A_1593 = arith.mulf %parallel_loop3A_1592, %parallel_loop3A_1570 : vector<16xf32>
        %parallel_loop3A_1594 = arith.constant 0 : i32
        %parallel_loop3A_1595 = arith.index_cast %parallel_loop3A_1594 : i32 to index
        %parallel_loop3A_1596 = arith.index_cast %parallel_loop3A_1462 : i32 to index
        %parallel_loop3A_1597 = arith.constant 16 : index
        %parallel_loop3A_1598 = tpu.vector_load %arg14[%parallel_loop3A_1595, %parallel_loop3A_1596, %parallel_loop3A_1597] {strides = array<i32>} : memref<2x32x128xf32, #tpu.memory_space<vmem>>, vector<1x1x16xf32>,
        %parallel_loop3A_1599 = vector.shape_cast %parallel_loop3A_1598 : vector<1x1x16xf32> to vector<16xf32>
        %parallel_loop3A_1600 = vector.shape_cast %parallel_loop3A_1593 : vector<16xf32> to vector<1x1x16xf32>
        tpu.vector_store %arg14[%parallel_loop3A_1595, %parallel_loop3A_1596, %parallel_loop3A_1597], %parallel_loop3A_1600 {strides = array<i32>} : memref<2x32x128xf32, #tpu.memory_space<vmem>>, vector<1x1x16xf32>,
        %parallel_loop3A_1601 = arith.constant 0 : i32
        %parallel_loop3A_1602 = arith.index_cast %parallel_loop3A_1601 : i32 to index
        %parallel_loop3A_1603 = arith.index_cast %parallel_loop3A_1462 : i32 to index
        %parallel_loop3A_1604 = arith.constant 80 : index
        %parallel_loop3A_1605 = tpu.vector_load %arg14[%parallel_loop3A_1602, %parallel_loop3A_1603, %parallel_loop3A_1604] {strides = array<i32>} : memref<2x32x128xf32, #tpu.memory_space<vmem>>, vector<1x1x16xf32>,
        %parallel_loop3A_1606 = vector.shape_cast %parallel_loop3A_1605 : vector<1x1x16xf32> to vector<16xf32>
        %parallel_loop3A_1607 = vector.shape_cast %parallel_loop3A_1570 : vector<16xf32> to vector<1x1x16xf32>
        tpu.vector_store %arg14[%parallel_loop3A_1602, %parallel_loop3A_1603, %parallel_loop3A_1604], %parallel_loop3A_1607 {strides = array<i32>} : memref<2x32x128xf32, #tpu.memory_space<vmem>>, vector<1x1x16xf32>,
        %parallel_loop3A_1608 = arith.addf %parallel_loop3A_1308, %parallel_loop3A_1579 : vector<16xf32>
        %parallel_loop3A_1609 = arith.mulf %parallel_loop3A_1579, %parallel_loop3A_1579 : vector<16xf32>
        %parallel_loop3A_1610 = arith.addf %parallel_loop3A_1310, %parallel_loop3A_1609 : vector<16xf32>
        %parallel_loop3A_1611 = arith.constant 0 : i32
        %parallel_loop3A_1612 = arith.index_cast %parallel_loop3A_1611 : i32 to index
        %parallel_loop3A_1613 = arith.index_cast %parallel_loop3A_1462 : i32 to index
        %parallel_loop3A_1614 = arith.constant 32 : index
        %parallel_loop3A_1615 = tpu.vector_load %arg13[%parallel_loop3A_1612, %parallel_loop3A_1613, %parallel_loop3A_1614] {strides = array<i32>} : memref<2x96x128xf32, #tpu.memory_space<vmem>>, vector<1x1x16xf32>,
        %parallel_loop3A_1616 = vector.shape_cast %parallel_loop3A_1615 : vector<1x1x16xf32> to vector<16xf32>
        %parallel_loop3A_1617 = arith.constant 32 : i32
        %parallel_loop3A_1618 = arith.addi %parallel_loop3A_1617, %parallel_loop3A_1462 : i32
        %parallel_loop3A_1619 = arith.constant 0 : i32
        %parallel_loop3A_1620 = arith.index_cast %parallel_loop3A_1619 : i32 to index
        %parallel_loop3A_1621 = arith.index_cast %parallel_loop3A_1618 : i32 to index
        %parallel_loop3A_1622 = arith.constant 32 : index
        %parallel_loop3A_1623 = tpu.vector_load %arg13[%parallel_loop3A_1620, %parallel_loop3A_1621, %parallel_loop3A_1622] {strides = array<i32>} : memref<2x96x128xf32, #tpu.memory_space<vmem>>, vector<1x1x16xf32>,
        %parallel_loop3A_1624 = vector.shape_cast %parallel_loop3A_1623 : vector<1x1x16xf32> to vector<16xf32>
        %parallel_loop3A_1625 = arith.addf %parallel_loop3A_1616, %parallel_loop3A_1624 : vector<16xf32>
        %parallel_loop3A_1626 = arith.constant 64 : i32
        %parallel_loop3A_1627 = arith.addi %parallel_loop3A_1626, %parallel_loop3A_1462 : i32
        %parallel_loop3A_1628 = arith.constant 0 : i32
        %parallel_loop3A_1629 = arith.index_cast %parallel_loop3A_1628 : i32 to index
        %parallel_loop3A_1630 = arith.index_cast %parallel_loop3A_1627 : i32 to index
        %parallel_loop3A_1631 = arith.constant 32 : index
        %parallel_loop3A_1632 = tpu.vector_load %arg13[%parallel_loop3A_1629, %parallel_loop3A_1630, %parallel_loop3A_1631] {strides = array<i32>} : memref<2x96x128xf32, #tpu.memory_space<vmem>>, vector<1x1x16xf32>,
        %parallel_loop3A_1633 = vector.shape_cast %parallel_loop3A_1632 : vector<1x1x16xf32> to vector<16xf32>
        %parallel_loop3A_1634 = arith.addf %parallel_loop3A_1625, %parallel_loop3A_1633 : vector<16xf32>
        %parallel_loop3A_1635 = arith.constant 0.000000e+00 : f32
        %parallel_loop3A_1636 = vector.broadcast %parallel_loop3A_1635 : f32 to vector<16xf32>
        %parallel_loop3A_1637 = arith.subf %parallel_loop3A_1636, %parallel_loop3A_1634 : vector<16xf32>
        %parallel_loop3A_1638 = math.exp %parallel_loop3A_1637 : vector<16xf32>
        %parallel_loop3A_1639 = arith.constant 1.000000e+00 : f32
        %parallel_loop3A_1640 = vector.broadcast %parallel_loop3A_1639 : f32 to vector<16xf32>
        %parallel_loop3A_1641 = arith.addf %parallel_loop3A_1640, %parallel_loop3A_1638 : vector<16xf32>
        %parallel_loop3A_1642 = arith.constant 1.000000e+00 : f32
        %parallel_loop3A_1643 = vector.broadcast %parallel_loop3A_1642 : f32 to vector<16xf32>
        %parallel_loop3A_1644 = arith.divf %parallel_loop3A_1643, %parallel_loop3A_1641 : vector<16xf32>
        %parallel_loop3A_1645 = arith.constant 64 : i32
        %parallel_loop3A_1646 = arith.addi %parallel_loop3A_1645, %parallel_loop3A_1462 : i32
        %parallel_loop3A_1647 = arith.constant 0 : i32
        %parallel_loop3A_1648 = arith.index_cast %parallel_loop3A_1647 : i32 to index
        %parallel_loop3A_1649 = arith.index_cast %parallel_loop3A_1646 : i32 to index
        %parallel_loop3A_1650 = arith.constant 96 : index
        %parallel_loop3A_1651 = tpu.vector_load %arg13[%parallel_loop3A_1648, %parallel_loop3A_1649, %parallel_loop3A_1650] {strides = array<i32>} : memref<2x96x128xf32, #tpu.memory_space<vmem>>, vector<1x1x16xf32>,
        %parallel_loop3A_1652 = vector.shape_cast %parallel_loop3A_1651 : vector<1x1x16xf32> to vector<16xf32>
        %parallel_loop3A_1653 = arith.addf %parallel_loop3A_1634, %parallel_loop3A_1652 : vector<16xf32>
        %parallel_loop3A_1654 = arith.constant 0 : i32
        %parallel_loop3A_1655 = arith.index_cast %parallel_loop3A_1654 : i32 to index
        %parallel_loop3A_1656 = arith.index_cast %parallel_loop3A_1150 : i32 to index
        %parallel_loop3A_1657 = arith.constant 96 : index
        %parallel_loop3A_1658 = tpu.vector_load %arg15[%parallel_loop3A_1655, %parallel_loop3A_1656, %parallel_loop3A_1657] {strides = array<i32>} : memref<2x16x128xf32, #tpu.memory_space<vmem>>, vector<1x1x16xf32>,
        %parallel_loop3A_1659 = vector.shape_cast %parallel_loop3A_1658 : vector<1x1x16xf32> to vector<16xf32>
        %parallel_loop3A_1660 = vector.shape_cast %parallel_loop3A_1653 : vector<16xf32> to vector<1x1x16xf32>
        tpu.vector_store %arg15[%parallel_loop3A_1655, %parallel_loop3A_1656, %parallel_loop3A_1657], %parallel_loop3A_1660 {strides = array<i32>} : memref<2x16x128xf32, #tpu.memory_space<vmem>>, vector<1x1x16xf32>,
        %parallel_loop3A_1661 = arith.constant 0 : i32
        %parallel_loop3A_1662 = arith.index_cast %parallel_loop3A_1661 : i32 to index
        %parallel_loop3A_1663 = arith.index_cast %parallel_loop3A_1462 : i32 to index
        %parallel_loop3A_1664 = arith.constant 96 : index
        %parallel_loop3A_1665 = tpu.vector_load %arg13[%parallel_loop3A_1662, %parallel_loop3A_1663, %parallel_loop3A_1664] {strides = array<i32>} : memref<2x96x128xf32, #tpu.memory_space<vmem>>, vector<1x1x16xf32>,
        %parallel_loop3A_1666 = vector.shape_cast %parallel_loop3A_1665 : vector<1x1x16xf32> to vector<16xf32>
        %parallel_loop3A_1667 = arith.mulf %parallel_loop3A_1666, %parallel_loop3A_1644 : vector<16xf32>
        %parallel_loop3A_1668 = arith.constant 0 : i32
        %parallel_loop3A_1669 = arith.index_cast %parallel_loop3A_1668 : i32 to index
        %parallel_loop3A_1670 = arith.index_cast %parallel_loop3A_1462 : i32 to index
        %parallel_loop3A_1671 = arith.constant 32 : index
        %parallel_loop3A_1672 = tpu.vector_load %arg14[%parallel_loop3A_1669, %parallel_loop3A_1670, %parallel_loop3A_1671] {strides = array<i32>} : memref<2x32x128xf32, #tpu.memory_space<vmem>>, vector<1x1x16xf32>,
        %parallel_loop3A_1673 = vector.shape_cast %parallel_loop3A_1672 : vector<1x1x16xf32> to vector<16xf32>
        %parallel_loop3A_1674 = vector.shape_cast %parallel_loop3A_1667 : vector<16xf32> to vector<1x1x16xf32>
        tpu.vector_store %arg14[%parallel_loop3A_1669, %parallel_loop3A_1670, %parallel_loop3A_1671], %parallel_loop3A_1674 {strides = array<i32>} : memref<2x32x128xf32, #tpu.memory_space<vmem>>, vector<1x1x16xf32>,
        %parallel_loop3A_1675 = arith.constant 0 : i32
        %parallel_loop3A_1676 = arith.index_cast %parallel_loop3A_1675 : i32 to index
        %parallel_loop3A_1677 = arith.index_cast %parallel_loop3A_1462 : i32 to index
        %parallel_loop3A_1678 = arith.constant 96 : index
        %parallel_loop3A_1679 = tpu.vector_load %arg14[%parallel_loop3A_1676, %parallel_loop3A_1677, %parallel_loop3A_1678] {strides = array<i32>} : memref<2x32x128xf32, #tpu.memory_space<vmem>>, vector<1x1x16xf32>,
        %parallel_loop3A_1680 = vector.shape_cast %parallel_loop3A_1679 : vector<1x1x16xf32> to vector<16xf32>
        %parallel_loop3A_1681 = vector.shape_cast %parallel_loop3A_1644 : vector<16xf32> to vector<1x1x16xf32>
        tpu.vector_store %arg14[%parallel_loop3A_1676, %parallel_loop3A_1677, %parallel_loop3A_1678], %parallel_loop3A_1681 {strides = array<i32>} : memref<2x32x128xf32, #tpu.memory_space<vmem>>, vector<1x1x16xf32>,
        %parallel_loop3A_1682 = arith.addf %parallel_loop3A_1382, %parallel_loop3A_1653 : vector<16xf32>
        %parallel_loop3A_1683 = arith.mulf %parallel_loop3A_1653, %parallel_loop3A_1653 : vector<16xf32>
        %parallel_loop3A_1684 = arith.addf %parallel_loop3A_1384, %parallel_loop3A_1683 : vector<16xf32>
        %parallel_loop3A_1685 = arith.constant 0 : i32
        %parallel_loop3A_1686 = arith.index_cast %parallel_loop3A_1685 : i32 to index
        %parallel_loop3A_1687 = arith.index_cast %parallel_loop3A_1462 : i32 to index
        %parallel_loop3A_1688 = arith.constant 48 : index
        %parallel_loop3A_1689 = tpu.vector_load %arg13[%parallel_loop3A_1686, %parallel_loop3A_1687, %parallel_loop3A_1688] {strides = array<i32>} : memref<2x96x128xf32, #tpu.memory_space<vmem>>, vector<1x1x16xf32>,
        %parallel_loop3A_1690 = vector.shape_cast %parallel_loop3A_1689 : vector<1x1x16xf32> to vector<16xf32>
        %parallel_loop3A_1691 = arith.constant 32 : i32
        %parallel_loop3A_1692 = arith.addi %parallel_loop3A_1691, %parallel_loop3A_1462 : i32
        %parallel_loop3A_1693 = arith.constant 0 : i32
        %parallel_loop3A_1694 = arith.index_cast %parallel_loop3A_1693 : i32 to index
        %parallel_loop3A_1695 = arith.index_cast %parallel_loop3A_1692 : i32 to index
        %parallel_loop3A_1696 = arith.constant 48 : index
        %parallel_loop3A_1697 = tpu.vector_load %arg13[%parallel_loop3A_1694, %parallel_loop3A_1695, %parallel_loop3A_1696] {strides = array<i32>} : memref<2x96x128xf32, #tpu.memory_space<vmem>>, vector<1x1x16xf32>,
        %parallel_loop3A_1698 = vector.shape_cast %parallel_loop3A_1697 : vector<1x1x16xf32> to vector<16xf32>
        %parallel_loop3A_1699 = arith.addf %parallel_loop3A_1690, %parallel_loop3A_1698 : vector<16xf32>
        %parallel_loop3A_1700 = arith.constant 64 : i32
        %parallel_loop3A_1701 = arith.addi %parallel_loop3A_1700, %parallel_loop3A_1462 : i32
        %parallel_loop3A_1702 = arith.constant 0 : i32
        %parallel_loop3A_1703 = arith.index_cast %parallel_loop3A_1702 : i32 to index
        %parallel_loop3A_1704 = arith.index_cast %parallel_loop3A_1701 : i32 to index
        %parallel_loop3A_1705 = arith.constant 48 : index
        %parallel_loop3A_1706 = tpu.vector_load %arg13[%parallel_loop3A_1703, %parallel_loop3A_1704, %parallel_loop3A_1705] {strides = array<i32>} : memref<2x96x128xf32, #tpu.memory_space<vmem>>, vector<1x1x16xf32>,
        %parallel_loop3A_1707 = vector.shape_cast %parallel_loop3A_1706 : vector<1x1x16xf32> to vector<16xf32>
        %parallel_loop3A_1708 = arith.addf %parallel_loop3A_1699, %parallel_loop3A_1707 : vector<16xf32>
        %parallel_loop3A_1709 = arith.constant 0.000000e+00 : f32
        %parallel_loop3A_1710 = vector.broadcast %parallel_loop3A_1709 : f32 to vector<16xf32>
        %parallel_loop3A_1711 = arith.subf %parallel_loop3A_1710, %parallel_loop3A_1708 : vector<16xf32>
        %parallel_loop3A_1712 = math.exp %parallel_loop3A_1711 : vector<16xf32>
        %parallel_loop3A_1713 = arith.constant 1.000000e+00 : f32
        %parallel_loop3A_1714 = vector.broadcast %parallel_loop3A_1713 : f32 to vector<16xf32>
        %parallel_loop3A_1715 = arith.addf %parallel_loop3A_1714, %parallel_loop3A_1712 : vector<16xf32>
        %parallel_loop3A_1716 = arith.constant 1.000000e+00 : f32
        %parallel_loop3A_1717 = vector.broadcast %parallel_loop3A_1716 : f32 to vector<16xf32>
        %parallel_loop3A_1718 = arith.divf %parallel_loop3A_1717, %parallel_loop3A_1715 : vector<16xf32>
        %parallel_loop3A_1719 = arith.constant 64 : i32
        %parallel_loop3A_1720 = arith.addi %parallel_loop3A_1719, %parallel_loop3A_1462 : i32
        %parallel_loop3A_1721 = arith.constant 0 : i32
        %parallel_loop3A_1722 = arith.index_cast %parallel_loop3A_1721 : i32 to index
        %parallel_loop3A_1723 = arith.index_cast %parallel_loop3A_1720 : i32 to index
        %parallel_loop3A_1724 = arith.constant 112 : index
        %parallel_loop3A_1725 = tpu.vector_load %arg13[%parallel_loop3A_1722, %parallel_loop3A_1723, %parallel_loop3A_1724] {strides = array<i32>} : memref<2x96x128xf32, #tpu.memory_space<vmem>>, vector<1x1x16xf32>,
        %parallel_loop3A_1726 = vector.shape_cast %parallel_loop3A_1725 : vector<1x1x16xf32> to vector<16xf32>
        %parallel_loop3A_1727 = arith.addf %parallel_loop3A_1708, %parallel_loop3A_1726 : vector<16xf32>
        %parallel_loop3A_1728 = arith.constant 0 : i32
        %parallel_loop3A_1729 = arith.index_cast %parallel_loop3A_1728 : i32 to index
        %parallel_loop3A_1730 = arith.index_cast %parallel_loop3A_1150 : i32 to index
        %parallel_loop3A_1731 = arith.constant 112 : index
        %parallel_loop3A_1732 = tpu.vector_load %arg15[%parallel_loop3A_1729, %parallel_loop3A_1730, %parallel_loop3A_1731] {strides = array<i32>} : memref<2x16x128xf32, #tpu.memory_space<vmem>>, vector<1x1x16xf32>,
        %parallel_loop3A_1733 = vector.shape_cast %parallel_loop3A_1732 : vector<1x1x16xf32> to vector<16xf32>
        %parallel_loop3A_1734 = vector.shape_cast %parallel_loop3A_1727 : vector<16xf32> to vector<1x1x16xf32>
        tpu.vector_store %arg15[%parallel_loop3A_1729, %parallel_loop3A_1730, %parallel_loop3A_1731], %parallel_loop3A_1734 {strides = array<i32>} : memref<2x16x128xf32, #tpu.memory_space<vmem>>, vector<1x1x16xf32>,
        %parallel_loop3A_1735 = arith.constant 0 : i32
        %parallel_loop3A_1736 = arith.index_cast %parallel_loop3A_1735 : i32 to index
        %parallel_loop3A_1737 = arith.index_cast %parallel_loop3A_1462 : i32 to index
        %parallel_loop3A_1738 = arith.constant 112 : index
        %parallel_loop3A_1739 = tpu.vector_load %arg13[%parallel_loop3A_1736, %parallel_loop3A_1737, %parallel_loop3A_1738] {strides = array<i32>} : memref<2x96x128xf32, #tpu.memory_space<vmem>>, vector<1x1x16xf32>,
        %parallel_loop3A_1740 = vector.shape_cast %parallel_loop3A_1739 : vector<1x1x16xf32> to vector<16xf32>
        %parallel_loop3A_1741 = arith.mulf %parallel_loop3A_1740, %parallel_loop3A_1718 : vector<16xf32>
        %parallel_loop3A_1742 = arith.constant 0 : i32
        %parallel_loop3A_1743 = arith.index_cast %parallel_loop3A_1742 : i32 to index
        %parallel_loop3A_1744 = arith.index_cast %parallel_loop3A_1462 : i32 to index
        %parallel_loop3A_1745 = arith.constant 48 : index
        %parallel_loop3A_1746 = tpu.vector_load %arg14[%parallel_loop3A_1743, %parallel_loop3A_1744, %parallel_loop3A_1745] {strides = array<i32>} : memref<2x32x128xf32, #tpu.memory_space<vmem>>, vector<1x1x16xf32>,
        %parallel_loop3A_1747 = vector.shape_cast %parallel_loop3A_1746 : vector<1x1x16xf32> to vector<16xf32>
        %parallel_loop3A_1748 = vector.shape_cast %parallel_loop3A_1741 : vector<16xf32> to vector<1x1x16xf32>
        tpu.vector_store %arg14[%parallel_loop3A_1743, %parallel_loop3A_1744, %parallel_loop3A_1745], %parallel_loop3A_1748 {strides = array<i32>} : memref<2x32x128xf32, #tpu.memory_space<vmem>>, vector<1x1x16xf32>,
        %parallel_loop3A_1749 = arith.constant 0 : i32
        %parallel_loop3A_1750 = arith.index_cast %parallel_loop3A_1749 : i32 to index
        %parallel_loop3A_1751 = arith.index_cast %parallel_loop3A_1462 : i32 to index
        %parallel_loop3A_1752 = arith.constant 112 : index
        %parallel_loop3A_1753 = tpu.vector_load %arg14[%parallel_loop3A_1750, %parallel_loop3A_1751, %parallel_loop3A_1752] {strides = array<i32>} : memref<2x32x128xf32, #tpu.memory_space<vmem>>, vector<1x1x16xf32>,
        %parallel_loop3A_1754 = vector.shape_cast %parallel_loop3A_1753 : vector<1x1x16xf32> to vector<16xf32>
        %parallel_loop3A_1755 = vector.shape_cast %parallel_loop3A_1718 : vector<16xf32> to vector<1x1x16xf32>
        tpu.vector_store %arg14[%parallel_loop3A_1750, %parallel_loop3A_1751, %parallel_loop3A_1752], %parallel_loop3A_1755 {strides = array<i32>} : memref<2x32x128xf32, #tpu.memory_space<vmem>>, vector<1x1x16xf32>,
        %parallel_loop3A_1756 = arith.addf %parallel_loop3A_1456, %parallel_loop3A_1727 : vector<16xf32>
        %parallel_loop3A_1757 = arith.mulf %parallel_loop3A_1727, %parallel_loop3A_1727 : vector<16xf32>
        %parallel_loop3A_1758 = arith.addf %parallel_loop3A_1458, %parallel_loop3A_1757 : vector<16xf32>
        scf.yield %parallel_loop3A_1534, %parallel_loop3A_1608, %parallel_loop3A_1682, %parallel_loop3A_1756, %parallel_loop3A_1536, %parallel_loop3A_1610, %parallel_loop3A_1684, %parallel_loop3A_1758 : vector<16xf32>, vector<16xf32>, vector<16xf32>, vector<16xf32>, vector<16xf32>, vector<16xf32>, vector<16xf32>, vector<16xf32>
      } {sc.loop_unroll_factor = 4 : i64, sc.parallel_access}
      %add3A_715 = arith.constant 0 : i32
      %add3A_716 = arith.addi %multiple_of3A, %add3A_715 : i32
      %swap3A_717 = arith.constant 0 : i32
      %swap3A_718 = arith.index_cast %swap3A_717 : i32 to index
      %swap3A_719 = arith.index_cast %add3A_716 : i32 to index
      %swap3A_720 = tpu.vector_load %arg16[%swap3A_718, %swap3A_719] {strides = array<i32>} : memref<8x128xf32, #tpu.memory_space<vmem>>, vector<1x16xf32>,
      %swap3A_721 = vector.shape_cast %swap3A_720 : vector<1x16xf32> to vector<16xf32>
      %swap3A_722 = vector.shape_cast %parallel_loop3A_714#0 : vector<16xf32> to vector<1x16xf32>
      tpu.vector_store %arg16[%swap3A_718, %swap3A_719], %swap3A_722 {add = true, strides = array<i32>} : memref<8x128xf32, #tpu.memory_space<vmem>>, vector<1x16xf32>,
      %add3A_723 = arith.constant 0 : i32
      %add3A_724 = arith.addi %multiple_of3A, %add3A_723 : i32
      %swap3A_725 = arith.constant 1 : i32
      %swap3A_726 = arith.index_cast %swap3A_725 : i32 to index
      %swap3A_727 = arith.index_cast %add3A_724 : i32 to index
      %swap3A_728 = tpu.vector_load %arg16[%swap3A_726, %swap3A_727] {strides = array<i32>} : memref<8x128xf32, #tpu.memory_space<vmem>>, vector<1x16xf32>,
      %swap3A_729 = vector.shape_cast %swap3A_728 : vector<1x16xf32> to vector<16xf32>
      %swap3A_730 = vector.shape_cast %parallel_loop3A_714#4 : vector<16xf32> to vector<1x16xf32>
      tpu.vector_store %arg16[%swap3A_726, %swap3A_727], %swap3A_730 {add = true, strides = array<i32>} : memref<8x128xf32, #tpu.memory_space<vmem>>, vector<1x16xf32>,
      %add3A_731 = arith.constant 16 : i32
      %add3A_732 = arith.addi %multiple_of3A, %add3A_731 : i32
      %swap3A_733 = arith.constant 0 : i32
      %swap3A_734 = arith.index_cast %swap3A_733 : i32 to index
      %swap3A_735 = arith.index_cast %add3A_732 : i32 to index
      %swap3A_736 = tpu.vector_load %arg16[%swap3A_734, %swap3A_735] {strides = array<i32>} : memref<8x128xf32, #tpu.memory_space<vmem>>, vector<1x16xf32>,
      %swap3A_737 = vector.shape_cast %swap3A_736 : vector<1x16xf32> to vector<16xf32>
      %swap3A_738 = vector.shape_cast %parallel_loop3A_714#1 : vector<16xf32> to vector<1x16xf32>
      tpu.vector_store %arg16[%swap3A_734, %swap3A_735], %swap3A_738 {add = true, strides = array<i32>} : memref<8x128xf32, #tpu.memory_space<vmem>>, vector<1x16xf32>,
      %add3A_739 = arith.constant 16 : i32
      %add3A_740 = arith.addi %multiple_of3A, %add3A_739 : i32
      %swap3A_741 = arith.constant 1 : i32
      %swap3A_742 = arith.index_cast %swap3A_741 : i32 to index
      %swap3A_743 = arith.index_cast %add3A_740 : i32 to index
      %swap3A_744 = tpu.vector_load %arg16[%swap3A_742, %swap3A_743] {strides = array<i32>} : memref<8x128xf32, #tpu.memory_space<vmem>>, vector<1x16xf32>,
      %swap3A_745 = vector.shape_cast %swap3A_744 : vector<1x16xf32> to vector<16xf32>
      %swap3A_746 = vector.shape_cast %parallel_loop3A_714#5 : vector<16xf32> to vector<1x16xf32>
      tpu.vector_store %arg16[%swap3A_742, %swap3A_743], %swap3A_746 {add = true, strides = array<i32>} : memref<8x128xf32, #tpu.memory_space<vmem>>, vector<1x16xf32>,
      %add3A_747 = arith.constant 32 : i32
      %add3A_748 = arith.addi %multiple_of3A, %add3A_747 : i32
      %swap3A_749 = arith.constant 0 : i32
      %swap3A_750 = arith.index_cast %swap3A_749 : i32 to index
      %swap3A_751 = arith.index_cast %add3A_748 : i32 to index
      %swap3A_752 = tpu.vector_load %arg16[%swap3A_750, %swap3A_751] {strides = array<i32>} : memref<8x128xf32, #tpu.memory_space<vmem>>, vector<1x16xf32>,
      %swap3A_753 = vector.shape_cast %swap3A_752 : vector<1x16xf32> to vector<16xf32>
      %swap3A_754 = vector.shape_cast %parallel_loop3A_714#2 : vector<16xf32> to vector<1x16xf32>
      tpu.vector_store %arg16[%swap3A_750, %swap3A_751], %swap3A_754 {add = true, strides = array<i32>} : memref<8x128xf32, #tpu.memory_space<vmem>>, vector<1x16xf32>,
      %add3A_755 = arith.constant 32 : i32
      %add3A_756 = arith.addi %multiple_of3A, %add3A_755 : i32
      %swap3A_757 = arith.constant 1 : i32
      %swap3A_758 = arith.index_cast %swap3A_757 : i32 to index
      %swap3A_759 = arith.index_cast %add3A_756 : i32 to index
      %swap3A_760 = tpu.vector_load %arg16[%swap3A_758, %swap3A_759] {strides = array<i32>} : memref<8x128xf32, #tpu.memory_space<vmem>>, vector<1x16xf32>,
      %swap3A_761 = vector.shape_cast %swap3A_760 : vector<1x16xf32> to vector<16xf32>
      %swap3A_762 = vector.shape_cast %parallel_loop3A_714#6 : vector<16xf32> to vector<1x16xf32>
      tpu.vector_store %arg16[%swap3A_758, %swap3A_759], %swap3A_762 {add = true, strides = array<i32>} : memref<8x128xf32, #tpu.memory_space<vmem>>, vector<1x16xf32>,
      %add3A_763 = arith.constant 48 : i32
      %add3A_764 = arith.addi %multiple_of3A, %add3A_763 : i32
      %swap3A_765 = arith.constant 0 : i32
      %swap3A_766 = arith.index_cast %swap3A_765 : i32 to index
      %swap3A_767 = arith.index_cast %add3A_764 : i32 to index
      %swap3A_768 = tpu.vector_load %arg16[%swap3A_766, %swap3A_767] {strides = array<i32>} : memref<8x128xf32, #tpu.memory_space<vmem>>, vector<1x16xf32>,
      %swap3A_769 = vector.shape_cast %swap3A_768 : vector<1x16xf32> to vector<16xf32>
      %swap3A_770 = vector.shape_cast %parallel_loop3A_714#3 : vector<16xf32> to vector<1x16xf32>
      tpu.vector_store %arg16[%swap3A_766, %swap3A_767], %swap3A_770 {add = true, strides = array<i32>} : memref<8x128xf32, #tpu.memory_space<vmem>>, vector<1x16xf32>,
      %add3A_771 = arith.constant 48 : i32
      %add3A_772 = arith.addi %multiple_of3A, %add3A_771 : i32
      %swap3A_773 = arith.constant 1 : i32
      %swap3A_774 = arith.index_cast %swap3A_773 : i32 to index
      %swap3A_775 = arith.index_cast %add3A_772 : i32 to index
      %swap3A_776 = tpu.vector_load %arg16[%swap3A_774, %swap3A_775] {strides = array<i32>} : memref<8x128xf32, #tpu.memory_space<vmem>>, vector<1x16xf32>,
      %swap3A_777 = vector.shape_cast %swap3A_776 : vector<1x16xf32> to vector<16xf32>
      %swap3A_778 = vector.shape_cast %parallel_loop3A_714#7 : vector<16xf32> to vector<1x16xf32>
      tpu.vector_store %arg16[%swap3A_774, %swap3A_775], %swap3A_778 {add = true, strides = array<i32>} : memref<8x128xf32, #tpu.memory_space<vmem>>, vector<1x16xf32>,
      %mul3A_779 = arith.constant 16 : i32
      %mul3A_780 = arith.muli %sub3A_694, %mul3A_779 : i32
      %add3A_781 = arith.addi %mul3A_780, %arg1 : i32
      %mul3A_782 = arith.constant 32 : i32
      %mul3A_783 = arith.muli %add3A_781, %mul3A_782 : i32
      %multiple_of3A_784 = tpu.assume_multiple %mul3A_783, 8 : i32
      %jit3A_785 = arith.constant 2 : i32
      %div3A_786 = arith.divsi %multiple_of3A_784, %jit3A_785 : i32
      %sign3A_787 = arith.constant 0 : i32
      %sign3A_788 = arith.cmpi sgt, %multiple_of3A_784, %sign3A_787 : i32
      %sign3A_789 = arith.extui %sign3A_788 : i1 to i32
      %sign3A_790 = arith.constant 0 : i32
      %sign3A_791 = arith.cmpi slt, %multiple_of3A_784, %sign3A_790 : i32
      %sign3A_792 = arith.extui %sign3A_791 : i1 to i32
      %sign3A_793 = arith.subi %sign3A_789, %sign3A_792 : i32
      %sign3A_794 = arith.constant 0 : i32
      %sign3A_795 = arith.cmpi sgt, %jit3A_785, %sign3A_794 : i32
      %sign3A_796 = arith.extui %sign3A_795 : i1 to i32
      %sign3A_797 = arith.constant 0 : i32
      %sign3A_798 = arith.cmpi slt, %jit3A_785, %sign3A_797 : i32
      %sign3A_799 = arith.extui %sign3A_798 : i1 to i32
      %sign3A_800 = arith.subi %sign3A_796, %sign3A_799 : i32
      %ne3A_801 = arith.cmpi ne, %sign3A_793, %sign3A_800 : i32
      %rem3A_802 = arith.remsi %multiple_of3A_784, %jit3A_785 : i32
      %ne3A_803 = arith.constant 0 : i32
      %ne3A_804 = arith.cmpi ne, %rem3A_802, %ne3A_803 : i32
      %and3A_805 = arith.andi %ne3A_801, %ne3A_804 : i1
      %sub3A_806 = arith.constant 1 : i32
      %sub3A_807 = arith.subi %div3A_786, %sub3A_806 : i32
      %select_n3A_808 = arith.select %and3A_805, %sub3A_807, %div3A_786 : i32
      %multiple_of3A_809 = tpu.assume_multiple %select_n3A_808, 8 : i32
      %mul3A_810 = arith.constant 128 : i32
      %mul3A_811 = arith.muli %arg0, %mul3A_810 : i32
      %dma_start3A_812 = arith.constant 0 : i32
      %dma_start3A_813 = arith.constant 0 : i32
      %dma_start3A_814 = arith.constant 0 : i32
      %dma_start3A_815 = tpu.memref_slice %arg15[%dma_start3A_812, %dma_start3A_813, %dma_start3A_814] : memref<2x16x128xf32, #tpu.memory_space<vmem>> -> memref<1x16x128xf32, #tpu.memory_space<vmem>>
      %dma_start3A_816 = tpu.memref_squeeze %dma_start3A_815 : memref<1x16x128xf32, #tpu.memory_space<vmem>> -> memref<16x128xf32, #tpu.memory_space<vmem>>
      %dma_start3A_817 = tpu.memref_slice %arg6[%multiple_of3A_809, %mul3A_811] : memref<160000x256xf32, #tpu.memory_space<hbm>> -> memref<16x128xf32, #tpu.memory_space<hbm>>
      %dma_start3A_818 = tpu.memref_slice %arg6[%multiple_of3A_809, %mul3A_811] : memref<160000x256xf32, #tpu.memory_space<hbm>> -> memref<16x128xf32, #tpu.memory_space<hbm>>
      %dma_start3A_819 = arith.constant 0 : i32
      %dma_start3A_820 = arith.constant 0 : i32
      %dma_start3A_821 = tpu.memref_slice %arg15[%dma_start3A_812, %dma_start3A_819, %dma_start3A_820] : memref<2x16x128xf32, #tpu.memory_space<vmem>> -> memref<1x16x128xf32, #tpu.memory_space<vmem>>
      %dma_start3A_822 = tpu.memref_squeeze %dma_start3A_821 : memref<1x16x128xf32, #tpu.memory_space<vmem>> -> memref<16x128xf32, #tpu.memory_space<vmem>>
      tpu.enqueue_dma source(%dma_start3A_822 : memref<16x128xf32, #tpu.memory_space<vmem>>) target(%dma_start3A_818 : memref<16x128xf32, #tpu.memory_space<hbm>>) target_semaphore(%arg26 : memref<!tpu.dma_semaphore, #tpu.memory_space<semaphore_mem>>)
      %dma_start3A_823 = arith.constant 0 : i32
      %dma_start3A_824 = arith.constant 0 : i32
      %dma_start3A_825 = arith.constant 0 : i32
      %dma_start3A_826 = arith.constant 0 : i32
      %dma_start3A_827 = tpu.memref_slice %arg14[%dma_start3A_823, %dma_start3A_825, %dma_start3A_826] : memref<2x32x128xf32, #tpu.memory_space<vmem>> -> memref<1x32x128xf32, #tpu.memory_space<vmem>>
      %dma_start3A_828 = tpu.memref_squeeze %dma_start3A_827 : memref<1x32x128xf32, #tpu.memory_space<vmem>> -> memref<32x128xf32, #tpu.memory_space<vmem>>
      %dma_start3A_829 = arith.constant 0 : i32
      %dma_start3A_830 = tpu.memref_slice %arg12[%dma_start3A_824, %dma_start3A_829] : memref<2x32xi32, #tpu.memory_space<vmem>> -> memref<1x32xi32, #tpu.memory_space<vmem>>
      %dma_start3A_831 = tpu.memref_squeeze %dma_start3A_830 : memref<1x32xi32, #tpu.memory_space<vmem>> -> memref<32xi32, #tpu.memory_space<vmem>>
      %dma_start3A_832 = arith.constant 0 : i32
      %dma_start3A_833 = arith.constant 0 : i32
      %dma_start3A_834 = tpu.memref_slice %arg17[%dma_start3A_832, %dma_start3A_833] : memref<10240x128xf32, #tpu.memory_space<vmem_shared>> -> memref<10240x128xf32, #tpu.memory_space<vmem_shared>>
      tpu.enqueue_indirect_dma source(%dma_start3A_828 : memref<32x128xf32, #tpu.memory_space<vmem>>) target(%dma_start3A_834 : memref<10240x128xf32, #tpu.memory_space<vmem_shared>>) offsets(%dma_start3A_831 : memref<32xi32, #tpu.memory_space<vmem>>) semaphore(%arg24 : memref<!tpu.dma_semaphore, #tpu.memory_space<semaphore_mem>>) {add = true}
      %mul3A_835 = arith.constant 2 : i32
      %mul3A_836 = arith.muli %mul3A_835, %scan3A_523 : i32
      %add3A_837 = arith.constant 2 : i32
      %add3A_838 = arith.addi %mul3A_836, %add3A_837 : i32
      %mul3A_839 = arith.constant 16 : i32
      %mul3A_840 = arith.muli %add3A_838, %mul3A_839 : i32
      %add3A_841 = arith.addi %mul3A_840, %arg1 : i32
      %mul3A_842 = arith.constant 32 : i32
      %mul3A_843 = arith.muli %add3A_841, %mul3A_842 : i32
      %multiple_of3A_844 = tpu.assume_multiple %mul3A_843, 8 : i32
      %dma_wait3A_845 = arith.constant 0 : i32
      %dma_wait3A_846 = arith.constant 0 : i32
      %dma_wait3A_847 = tpu.memref_slice %arg9[%dma_wait3A_845, %dma_wait3A_846] : memref<2x32xi32, #tpu.memory_space<vmem>> -> memref<1x32xi32, #tpu.memory_space<vmem>>
      %dma_wait3A_848 = tpu.memref_squeeze %dma_wait3A_847 : memref<1x32xi32, #tpu.memory_space<vmem>> -> memref<32xi32, #tpu.memory_space<vmem>>
      %dma_wait3A_849 = tpu.memref_slice %arg2[%multiple_of3A_844] : memref<320000xi32, #tpu.memory_space<hbm>> -> memref<32xi32, #tpu.memory_space<hbm>>
      %dma_wait3A_850 = arith.constant 0 : i32
      %dma_wait3A_851 = tpu.memref_slice %arg9[%dma_wait3A_845, %dma_wait3A_850] : memref<2x32xi32, #tpu.memory_space<vmem>> -> memref<1x32xi32, #tpu.memory_space<vmem>>
      %dma_wait3A_852 = tpu.memref_squeeze %dma_wait3A_851 : memref<1x32xi32, #tpu.memory_space<vmem>> -> memref<32xi32, #tpu.memory_space<vmem>>
      %dma_wait3A_853 = tpu.memref_slice %arg2[%multiple_of3A_844] : memref<320000xi32, #tpu.memory_space<hbm>> -> memref<32xi32, #tpu.memory_space<hbm>>
      tpu.wait_dma2 semaphore(%arg18 : memref<!tpu.dma_semaphore, #tpu.memory_space<semaphore_mem>>) src(%dma_wait3A_853 : memref<32xi32, #tpu.memory_space<hbm>>) dst(%dma_wait3A_852 : memref<32xi32, #tpu.memory_space<vmem>>)
      %dma_wait3A_854 = arith.constant 0 : i32
      %dma_wait3A_855 = arith.constant 0 : i32
      %dma_wait3A_856 = tpu.memref_slice %arg10[%dma_wait3A_854, %dma_wait3A_855] : memref<2x32xi32, #tpu.memory_space<vmem>> -> memref<1x32xi32, #tpu.memory_space<vmem>>
      %dma_wait3A_857 = tpu.memref_squeeze %dma_wait3A_856 : memref<1x32xi32, #tpu.memory_space<vmem>> -> memref<32xi32, #tpu.memory_space<vmem>>
      %dma_wait3A_858 = tpu.memref_slice %arg3[%multiple_of3A_844] : memref<320000xi32, #tpu.memory_space<hbm>> -> memref<32xi32, #tpu.memory_space<hbm>>
      %dma_wait3A_859 = arith.constant 0 : i32
      %dma_wait3A_860 = tpu.memref_slice %arg10[%dma_wait3A_854, %dma_wait3A_859] : memref<2x32xi32, #tpu.memory_space<vmem>> -> memref<1x32xi32, #tpu.memory_space<vmem>>
      %dma_wait3A_861 = tpu.memref_squeeze %dma_wait3A_860 : memref<1x32xi32, #tpu.memory_space<vmem>> -> memref<32xi32, #tpu.memory_space<vmem>>
      %dma_wait3A_862 = tpu.memref_slice %arg3[%multiple_of3A_844] : memref<320000xi32, #tpu.memory_space<hbm>> -> memref<32xi32, #tpu.memory_space<hbm>>
      tpu.wait_dma2 semaphore(%arg20 : memref<!tpu.dma_semaphore, #tpu.memory_space<semaphore_mem>>) src(%dma_wait3A_862 : memref<32xi32, #tpu.memory_space<hbm>>) dst(%dma_wait3A_861 : memref<32xi32, #tpu.memory_space<vmem>>)
      %get3A_863 = arith.constant 0 : i32
      %get3A_864 = arith.index_cast %get3A_863 : i32 to index
      %get3A_865 = arith.constant 0 : index
      %get3A_866 = tpu.vector_load %arg9[%get3A_864, %get3A_865] {strides = array<i32>} : memref<2x32xi32, #tpu.memory_space<vmem>>, vector<1x16xi32>,
      %get3A_867 = vector.shape_cast %get3A_866 : vector<1x16xi32> to vector<16xi32>
      %add3A_868 = vector.broadcast %mul3A_22 : i32 to vector<16xi32>
      %add3A_869 = arith.addi %get3A_867, %add3A_868 : vector<16xi32>
      %swap3A_870 = arith.constant 0 : i32
      %swap3A_871 = arith.index_cast %swap3A_870 : i32 to index
      %swap3A_872 = arith.constant 0 : index
      %swap3A_873 = tpu.vector_load %arg11[%swap3A_871, %swap3A_872] {strides = array<i32>} : memref<2x64xi32, #tpu.memory_space<vmem>>, vector<1x16xi32>,
      %swap3A_874 = vector.shape_cast %swap3A_873 : vector<1x16xi32> to vector<16xi32>
      %swap3A_875 = vector.shape_cast %add3A_869 : vector<16xi32> to vector<1x16xi32>
      tpu.vector_store %arg11[%swap3A_871, %swap3A_872], %swap3A_875 {strides = array<i32>} : memref<2x64xi32, #tpu.memory_space<vmem>>, vector<1x16xi32>,
      %get3A_876 = arith.constant 0 : i32
      %get3A_877 = arith.index_cast %get3A_876 : i32 to index
      %get3A_878 = arith.constant 0 : index
      %get3A_879 = tpu.vector_load %arg10[%get3A_877, %get3A_878] {strides = array<i32>} : memref<2x32xi32, #tpu.memory_space<vmem>>, vector<1x16xi32>,
      %get3A_880 = vector.shape_cast %get3A_879 : vector<1x16xi32> to vector<16xi32>
      %add3A_881 = arith.constant 20000 : i32
      %add3A_882 = arith.addi %add3A_881, %mul3A_22 : i32
      %add3A_883 = vector.broadcast %add3A_882 : i32 to vector<16xi32>
      %add3A_884 = arith.addi %get3A_880, %add3A_883 : vector<16xi32>
      %swap3A_885 = arith.constant 0 : i32
      %swap3A_886 = arith.index_cast %swap3A_885 : i32 to index
      %swap3A_887 = arith.constant 32 : index
      %swap3A_888 = tpu.vector_load %arg11[%swap3A_886, %swap3A_887] {strides = array<i32>} : memref<2x64xi32, #tpu.memory_space<vmem>>, vector<1x16xi32>,
      %swap3A_889 = vector.shape_cast %swap3A_888 : vector<1x16xi32> to vector<16xi32>
      %swap3A_890 = vector.shape_cast %add3A_884 : vector<16xi32> to vector<1x16xi32>
      tpu.vector_store %arg11[%swap3A_886, %swap3A_887], %swap3A_890 {strides = array<i32>} : memref<2x64xi32, #tpu.memory_space<vmem>>, vector<1x16xi32>,
      %get3A_891 = arith.constant 0 : i32
      %get3A_892 = arith.index_cast %get3A_891 : i32 to index
      %get3A_893 = arith.constant 16 : index
      %get3A_894 = tpu.vector_load %arg9[%get3A_892, %get3A_893] {strides = array<i32>} : memref<2x32xi32, #tpu.memory_space<vmem>>, vector<1x16xi32>,
      %get3A_895 = vector.shape_cast %get3A_894 : vector<1x16xi32> to vector<16xi32>
      %add3A_896 = vector.broadcast %mul3A_22 : i32 to vector<16xi32>
      %add3A_897 = arith.addi %get3A_895, %add3A_896 : vector<16xi32>
      %swap3A_898 = arith.constant 0 : i32
      %swap3A_899 = arith.index_cast %swap3A_898 : i32 to index
      %swap3A_900 = arith.constant 16 : index
      %swap3A_901 = tpu.vector_load %arg11[%swap3A_899, %swap3A_900] {strides = array<i32>} : memref<2x64xi32, #tpu.memory_space<vmem>>, vector<1x16xi32>,
      %swap3A_902 = vector.shape_cast %swap3A_901 : vector<1x16xi32> to vector<16xi32>
      %swap3A_903 = vector.shape_cast %add3A_897 : vector<16xi32> to vector<1x16xi32>
      tpu.vector_store %arg11[%swap3A_899, %swap3A_900], %swap3A_903 {strides = array<i32>} : memref<2x64xi32, #tpu.memory_space<vmem>>, vector<1x16xi32>,
      %get3A_904 = arith.constant 0 : i32
      %get3A_905 = arith.index_cast %get3A_904 : i32 to index
      %get3A_906 = arith.constant 16 : index
      %get3A_907 = tpu.vector_load %arg10[%get3A_905, %get3A_906] {strides = array<i32>} : memref<2x32xi32, #tpu.memory_space<vmem>>, vector<1x16xi32>,
      %get3A_908 = vector.shape_cast %get3A_907 : vector<1x16xi32> to vector<16xi32>
      %add3A_909 = arith.constant 20000 : i32
      %add3A_910 = arith.addi %add3A_909, %mul3A_22 : i32
      %add3A_911 = vector.broadcast %add3A_910 : i32 to vector<16xi32>
      %add3A_912 = arith.addi %get3A_908, %add3A_911 : vector<16xi32>
      %swap3A_913 = arith.constant 0 : i32
      %swap3A_914 = arith.index_cast %swap3A_913 : i32 to index
      %swap3A_915 = arith.constant 48 : index
      %swap3A_916 = tpu.vector_load %arg11[%swap3A_914, %swap3A_915] {strides = array<i32>} : memref<2x64xi32, #tpu.memory_space<vmem>>, vector<1x16xi32>,
      %swap3A_917 = vector.shape_cast %swap3A_916 : vector<1x16xi32> to vector<16xi32>
      %swap3A_918 = vector.shape_cast %add3A_912 : vector<16xi32> to vector<1x16xi32>
      tpu.vector_store %arg11[%swap3A_914, %swap3A_915], %swap3A_918 {strides = array<i32>} : memref<2x64xi32, #tpu.memory_space<vmem>>, vector<1x16xi32>,
      %mul3A_919 = arith.constant 16 : i32
      %mul3A_920 = arith.muli %add3A_838, %mul3A_919 : i32
      %add3A_921 = arith.addi %mul3A_920, %arg1 : i32
      %mul3A_922 = arith.constant 32 : i32
      %mul3A_923 = arith.muli %add3A_921, %mul3A_922 : i32
      %multiple_of3A_924 = tpu.assume_multiple %mul3A_923, 8 : i32
      %dma_start3A_925 = arith.constant 0 : i32
      %dma_start3A_926 = arith.constant 0 : i32
      %dma_start3A_927 = arith.constant 0 : i32
      %dma_start3A_928 = arith.constant 0 : i32
      %dma_start3A_929 = tpu.memref_slice %arg13[%dma_start3A_926, %dma_start3A_927, %dma_start3A_928] : memref<2x96x128xf32, #tpu.memory_space<vmem>> -> memref<1x64x128xf32, #tpu.memory_space<vmem>>
      %dma_start3A_930 = tpu.memref_squeeze %dma_start3A_929 : memref<1x64x128xf32, #tpu.memory_space<vmem>> -> memref<64x128xf32, #tpu.memory_space<vmem>>
      %dma_start3A_931 = arith.constant 0 : i32
      %dma_start3A_932 = tpu.memref_slice %arg11[%dma_start3A_925, %dma_start3A_931] : memref<2x64xi32, #tpu.memory_space<vmem>> -> memref<1x64xi32, #tpu.memory_space<vmem>>
      %dma_start3A_933 = tpu.memref_squeeze %dma_start3A_932 : memref<1x64xi32, #tpu.memory_space<vmem>> -> memref<64xi32, #tpu.memory_space<vmem>>
      %dma_start3A_934 = arith.constant 0 : i32
      %dma_start3A_935 = arith.constant 0 : i32
      %dma_start3A_936 = tpu.memref_slice %arg4[%dma_start3A_934, %dma_start3A_935] : memref<40000x128xf32, #tpu.memory_space<hbm>> -> memref<40000x128xf32, #tpu.memory_space<hbm>>
      tpu.enqueue_indirect_dma source(%dma_start3A_936 : memref<40000x128xf32, #tpu.memory_space<hbm>>) target(%dma_start3A_930 : memref<64x128xf32, #tpu.memory_space<vmem>>) offsets(%dma_start3A_933 : memref<64xi32, #tpu.memory_space<vmem>>) semaphore(%arg22 : memref<!tpu.dma_semaphore, #tpu.memory_space<semaphore_mem>>)
      %dma_start3A_937 = arith.constant 0 : i32
      %dma_start3A_938 = arith.constant 64 : i32
      %dma_start3A_939 = arith.constant 0 : i32
      %dma_start3A_940 = tpu.memref_slice %arg13[%dma_start3A_937, %dma_start3A_938, %dma_start3A_939] : memref<2x96x128xf32, #tpu.memory_space<vmem>> -> memref<1x32x128xf32, #tpu.memory_space<vmem>>
      %dma_start3A_941 = tpu.memref_squeeze %dma_start3A_940 : memref<1x32x128xf32, #tpu.memory_space<vmem>> -> memref<32x128xf32, #tpu.memory_space<vmem>>
      %dma_start3A_942 = arith.constant 0 : i32
      %dma_start3A_943 = tpu.memref_slice %arg5[%arg0, %multiple_of3A_924, %dma_start3A_942] : memref<2x320000x128xf32, #tpu.memory_space<hbm>> -> memref<1x32x128xf32, #tpu.memory_space<hbm>>
      %dma_start3A_944 = tpu.memref_squeeze %dma_start3A_943 : memref<1x32x128xf32, #tpu.memory_space<hbm>> -> memref<32x128xf32, #tpu.memory_space<hbm>>
      %dma_start3A_945 = arith.constant 64 : i32
      %dma_start3A_946 = arith.constant 0 : i32
      %dma_start3A_947 = tpu.memref_slice %arg13[%dma_start3A_937, %dma_start3A_945, %dma_start3A_946] : memref<2x96x128xf32, #tpu.memory_space<vmem>> -> memref<1x32x128xf32, #tpu.memory_space<vmem>>
      %dma_start3A_948 = tpu.memref_squeeze %dma_start3A_947 : memref<1x32x128xf32, #tpu.memory_space<vmem>> -> memref<32x128xf32, #tpu.memory_space<vmem>>
      %dma_start3A_949 = arith.constant 0 : i32
      %dma_start3A_950 = tpu.memref_slice %arg5[%arg0, %multiple_of3A_924, %dma_start3A_949] : memref<2x320000x128xf32, #tpu.memory_space<hbm>> -> memref<1x32x128xf32, #tpu.memory_space<hbm>>
      %dma_start3A_951 = tpu.memref_squeeze %dma_start3A_950 : memref<1x32x128xf32, #tpu.memory_space<hbm>> -> memref<32x128xf32, #tpu.memory_space<hbm>>
      tpu.enqueue_dma source(%dma_start3A_951 : memref<32x128xf32, #tpu.memory_space<hbm>>) target(%dma_start3A_948 : memref<32x128xf32, #tpu.memory_space<vmem>>) target_semaphore(%arg22 : memref<!tpu.dma_semaphore, #tpu.memory_space<semaphore_mem>>)
      %sub3A_952 = arith.constant 1 : i32
      %sub3A_953 = arith.subi %add3A_838, %sub3A_952 : i32
      %dma_wait3A_954 = arith.constant 1 : i32
      %dma_wait3A_955 = arith.constant 0 : i32
      %dma_wait3A_956 = arith.constant 0 : i32
      %dma_wait3A_957 = tpu.memref_slice %arg13[%dma_wait3A_954, %dma_wait3A_955, %dma_wait3A_956] : memref<2x96x128xf32, #tpu.memory_space<vmem>> -> memref<1x96x128xf32, #tpu.memory_space<vmem>>
      %dma_wait3A_958 = tpu.memref_squeeze %dma_wait3A_957 : memref<1x96x128xf32, #tpu.memory_space<vmem>> -> memref<96x128xf32, #tpu.memory_space<vmem>>
      %dma_wait3A_959 = arith.constant 0 : i32
      %dma_wait3A_960 = arith.constant 0 : i32
      %dma_wait3A_961 = tpu.memref_slice %arg5[%arg0, %dma_wait3A_959, %dma_wait3A_960] : memref<2x320000x128xf32, #tpu.memory_space<hbm>> -> memref<1x96x128xf32, #tpu.memory_space<hbm>>
      %dma_wait3A_962 = tpu.memref_squeeze %dma_wait3A_961 : memref<1x96x128xf32, #tpu.memory_space<hbm>> -> memref<96x128xf32, #tpu.memory_space<hbm>>
      %dma_wait3A_963 = arith.constant 0 : i32
      %dma_wait3A_964 = arith.constant 0 : i32
      %dma_wait3A_965 = tpu.memref_slice %arg13[%dma_wait3A_954, %dma_wait3A_963, %dma_wait3A_964] : memref<2x96x128xf32, #tpu.memory_space<vmem>> -> memref<1x96x128xf32, #tpu.memory_space<vmem>>
      %dma_wait3A_966 = tpu.memref_squeeze %dma_wait3A_965 : memref<1x96x128xf32, #tpu.memory_space<vmem>> -> memref<96x128xf32, #tpu.memory_space<vmem>>
      %dma_wait3A_967 = arith.constant 0 : i32
      %dma_wait3A_968 = arith.constant 0 : i32
      %dma_wait3A_969 = tpu.memref_slice %arg5[%arg0, %dma_wait3A_967, %dma_wait3A_968] : memref<2x320000x128xf32, #tpu.memory_space<hbm>> -> memref<1x96x128xf32, #tpu.memory_space<hbm>>
      %dma_wait3A_970 = tpu.memref_squeeze %dma_wait3A_969 : memref<1x96x128xf32, #tpu.memory_space<hbm>> -> memref<96x128xf32, #tpu.memory_space<hbm>>
      tpu.wait_dma2 semaphore(%arg23 : memref<!tpu.dma_semaphore, #tpu.memory_space<semaphore_mem>>) src(%dma_wait3A_970 : memref<96x128xf32, #tpu.memory_space<hbm>>) dst(%dma_wait3A_966 : memref<96x128xf32, #tpu.memory_space<vmem>>)
      %sub3A_971 = arith.constant 1 : i32
      %sub3A_972 = arith.subi %add3A_838, %sub3A_971 : i32
      %ge3A_973 = arith.constant 2 : i32
      %ge3A_974 = arith.cmpi sge, %sub3A_972, %ge3A_973 : i32
      %convert_element_type3A_975 = arith.extui %ge3A_974 : i1 to i32
      %cond3A_976 = arith.constant 0 : i32
      %cond3A_977 = arith.cmpi ne, %convert_element_type3A_975, %cond3A_976 : i32
      scf.if %cond3A_977 {
        %dma_wait3A_1150 = arith.constant 1 : i32
        %dma_wait3A_1151 = arith.constant 1 : i32
        %dma_wait3A_1152 = arith.constant 0 : i32
        %dma_wait3A_1153 = arith.constant 0 : i32
        %dma_wait3A_1154 = tpu.memref_slice %arg14[%dma_wait3A_1150, %dma_wait3A_1152, %dma_wait3A_1153] : memref<2x32x128xf32, #tpu.memory_space<vmem>> -> memref<1x32x128xf32, #tpu.memory_space<vmem>>
        %dma_wait3A_1155 = tpu.memref_squeeze %dma_wait3A_1154 : memref<1x32x128xf32, #tpu.memory_space<vmem>> -> memref<32x128xf32, #tpu.memory_space<vmem>>
        %dma_wait3A_1156 = arith.constant 0 : i32
        %dma_wait3A_1157 = tpu.memref_slice %arg12[%dma_wait3A_1151, %dma_wait3A_1156] : memref<2x32xi32, #tpu.memory_space<vmem>> -> memref<1x32xi32, #tpu.memory_space<vmem>>
        %dma_wait3A_1158 = tpu.memref_squeeze %dma_wait3A_1157 : memref<1x32xi32, #tpu.memory_space<vmem>> -> memref<32xi32, #tpu.memory_space<vmem>>
        %dma_wait3A_1159 = arith.constant 0 : i32
        %dma_wait3A_1160 = arith.constant 0 : i32
        %dma_wait3A_1161 = tpu.memref_slice %arg17[%dma_wait3A_1159, %dma_wait3A_1160] : memref<10240x128xf32, #tpu.memory_space<vmem_shared>> -> memref<10240x128xf32, #tpu.memory_space<vmem_shared>>
        tpu.wait_indirect_dma semaphore(%arg25 : memref<!tpu.dma_semaphore, #tpu.memory_space<semaphore_mem>>) src(%dma_wait3A_1155 : memref<32x128xf32, #tpu.memory_space<vmem>>) dst(%dma_wait3A_1161 : memref<10240x128xf32, #tpu.memory_space<vmem_shared>>)
        %mul3A_1162 = arith.constant 16 : i32
        %mul3A_1163 = arith.muli %sub3A_972, %mul3A_1162 : i32
        %add3A_1164 = arith.addi %mul3A_1163, %arg1 : i32
        %mul3A_1165 = arith.constant 32 : i32
        %mul3A_1166 = arith.muli %add3A_1164, %mul3A_1165 : i32
        %multiple_of3A_1167 = tpu.assume_multiple %mul3A_1166, 8 : i32
        %jit3A_1168 = arith.constant 2 : i32
        %div3A_1169 = arith.divsi %multiple_of3A_1167, %jit3A_1168 : i32
        %sign3A_1170 = arith.constant 0 : i32
        %sign3A_1171 = arith.cmpi sgt, %multiple_of3A_1167, %sign3A_1170 : i32
        %sign3A_1172 = arith.extui %sign3A_1171 : i1 to i32
        %sign3A_1173 = arith.constant 0 : i32
        %sign3A_1174 = arith.cmpi slt, %multiple_of3A_1167, %sign3A_1173 : i32
        %sign3A_1175 = arith.extui %sign3A_1174 : i1 to i32
        %sign3A_1176 = arith.subi %sign3A_1172, %sign3A_1175 : i32
        %sign3A_1177 = arith.constant 0 : i32
        %sign3A_1178 = arith.cmpi sgt, %jit3A_1168, %sign3A_1177 : i32
        %sign3A_1179 = arith.extui %sign3A_1178 : i1 to i32
        %sign3A_1180 = arith.constant 0 : i32
        %sign3A_1181 = arith.cmpi slt, %jit3A_1168, %sign3A_1180 : i32
        %sign3A_1182 = arith.extui %sign3A_1181 : i1 to i32
        %sign3A_1183 = arith.subi %sign3A_1179, %sign3A_1182 : i32
        %ne3A_1184 = arith.cmpi ne, %sign3A_1176, %sign3A_1183 : i32
        %rem3A_1185 = arith.remsi %multiple_of3A_1167, %jit3A_1168 : i32
        %ne3A_1186 = arith.constant 0 : i32
        %ne3A_1187 = arith.cmpi ne, %rem3A_1185, %ne3A_1186 : i32
        %and3A_1188 = arith.andi %ne3A_1184, %ne3A_1187 : i1
        %sub3A_1189 = arith.constant 1 : i32
        %sub3A_1190 = arith.subi %div3A_1169, %sub3A_1189 : i32
        %select_n3A_1191 = arith.select %and3A_1188, %sub3A_1190, %div3A_1169 : i32
        %multiple_of3A_1192 = tpu.assume_multiple %select_n3A_1191, 8 : i32
        %mul3A_1193 = arith.constant 128 : i32
        %mul3A_1194 = arith.muli %arg0, %mul3A_1193 : i32
        %dma_wait3A_1195 = arith.constant 1 : i32
        %dma_wait3A_1196 = arith.constant 0 : i32
        %dma_wait3A_1197 = arith.constant 0 : i32
        %dma_wait3A_1198 = tpu.memref_slice %arg15[%dma_wait3A_1195, %dma_wait3A_1196, %dma_wait3A_1197] : memref<2x16x128xf32, #tpu.memory_space<vmem>> -> memref<1x16x128xf32, #tpu.memory_space<vmem>>
        %dma_wait3A_1199 = tpu.memref_squeeze %dma_wait3A_1198 : memref<1x16x128xf32, #tpu.memory_space<vmem>> -> memref<16x128xf32, #tpu.memory_space<vmem>>
        %dma_wait3A_1200 = tpu.memref_slice %arg6[%multiple_of3A_1192, %mul3A_1194] : memref<160000x256xf32, #tpu.memory_space<hbm>> -> memref<16x128xf32, #tpu.memory_space<hbm>>
        %dma_wait3A_1201 = tpu.memref_slice %arg6[%multiple_of3A_1192, %mul3A_1194] : memref<160000x256xf32, #tpu.memory_space<hbm>> -> memref<16x128xf32, #tpu.memory_space<hbm>>
        %dma_wait3A_1202 = arith.constant 0 : i32
        %dma_wait3A_1203 = arith.constant 0 : i32
        %dma_wait3A_1204 = tpu.memref_slice %arg15[%dma_wait3A_1195, %dma_wait3A_1202, %dma_wait3A_1203] : memref<2x16x128xf32, #tpu.memory_space<vmem>> -> memref<1x16x128xf32, #tpu.memory_space<vmem>>
        %dma_wait3A_1205 = tpu.memref_squeeze %dma_wait3A_1204 : memref<1x16x128xf32, #tpu.memory_space<vmem>> -> memref<16x128xf32, #tpu.memory_space<vmem>>
        tpu.wait_dma2 semaphore(%arg27 : memref<!tpu.dma_semaphore, #tpu.memory_space<semaphore_mem>>) src(%dma_wait3A_1205 : memref<16x128xf32, #tpu.memory_space<vmem>>) dst(%dma_wait3A_1201 : memref<16x128xf32, #tpu.memory_space<hbm>>)
      } else {
      }
      %get3A_978 = arith.constant 1 : i32
      %get3A_979 = arith.index_cast %get3A_978 : i32 to index
      %get3A_980 = arith.constant 0 : index
      %get3A_981 = tpu.vector_load %arg10[%get3A_979, %get3A_980] {strides = array<i32>} : memref<2x32xi32, #tpu.memory_space<vmem>>, vector<1x16xi32>,
      %get3A_982 = vector.shape_cast %get3A_981 : vector<1x16xi32> to vector<16xi32>
      %swap3A_983 = arith.constant 1 : i32
      %swap3A_984 = arith.index_cast %swap3A_983 : i32 to index
      %swap3A_985 = arith.constant 0 : index
      %swap3A_986 = tpu.vector_load %arg12[%swap3A_984, %swap3A_985] {strides = array<i32>} : memref<2x32xi32, #tpu.memory_space<vmem>>, vector<1x16xi32>,
      %swap3A_987 = vector.shape_cast %swap3A_986 : vector<1x16xi32> to vector<16xi32>
      %swap3A_988 = vector.shape_cast %get3A_982 : vector<16xi32> to vector<1x16xi32>
      tpu.vector_store %arg12[%swap3A_984, %swap3A_985], %swap3A_988 {strides = array<i32>} : memref<2x32xi32, #tpu.memory_space<vmem>>, vector<1x16xi32>,
      %get3A_989 = arith.constant 1 : i32
      %get3A_990 = arith.index_cast %get3A_989 : i32 to index
      %get3A_991 = arith.constant 16 : index
      %get3A_992 = tpu.vector_load %arg10[%get3A_990, %get3A_991] {strides = array<i32>} : memref<2x32xi32, #tpu.memory_space<vmem>>, vector<1x16xi32>,
      %get3A_993 = vector.shape_cast %get3A_992 : vector<1x16xi32> to vector<16xi32>
      %swap3A_994 = arith.constant 1 : i32
      %swap3A_995 = arith.index_cast %swap3A_994 : i32 to index
      %swap3A_996 = arith.constant 16 : index
      %swap3A_997 = tpu.vector_load %arg12[%swap3A_995, %swap3A_996] {strides = array<i32>} : memref<2x32xi32, #tpu.memory_space<vmem>>, vector<1x16xi32>,
      %swap3A_998 = vector.shape_cast %swap3A_997 : vector<1x16xi32> to vector<16xi32>
      %swap3A_999 = vector.shape_cast %get3A_993 : vector<16xi32> to vector<1x16xi32>
      tpu.vector_store %arg12[%swap3A_995, %swap3A_996], %swap3A_999 {strides = array<i32>} : memref<2x32xi32, #tpu.memory_space<vmem>>, vector<1x16xi32>,
      %add3A_1000 = arith.constant 1 : i32
      %add3A_1001 = arith.addi %add3A_838, %add3A_1000 : i32
      %lt3A_1002 = arith.constant 625 : i32
      %lt3A_1003 = arith.cmpi slt, %add3A_1001, %lt3A_1002 : i32
      %convert_element_type3A_1004 = arith.extui %lt3A_1003 : i1 to i32
      %cond3A_1005 = arith.constant 0 : i32
      %cond3A_1006 = arith.cmpi ne, %convert_element_type3A_1004, %cond3A_1005 : i32
      scf.if %cond3A_1006 {
        %add3A_1150 = arith.constant 1 : i32
        %add3A_1151 = arith.addi %add3A_838, %add3A_1150 : i32
        %mul3A_1152 = arith.constant 16 : i32
        %mul3A_1153 = arith.muli %add3A_1151, %mul3A_1152 : i32
        %add3A_1154 = arith.addi %mul3A_1153, %arg1 : i32
        %mul3A_1155 = arith.constant 32 : i32
        %mul3A_1156 = arith.muli %add3A_1154, %mul3A_1155 : i32
        %multiple_of3A_1157 = tpu.assume_multiple %mul3A_1156, 8 : i32
        %dma_start3A_1158 = arith.constant 1 : i32
        %dma_start3A_1159 = arith.constant 0 : i32
        %dma_start3A_1160 = tpu.memref_slice %arg9[%dma_start3A_1158, %dma_start3A_1159] : memref<2x32xi32, #tpu.memory_space<vmem>> -> memref<1x32xi32, #tpu.memory_space<vmem>>
        %dma_start3A_1161 = tpu.memref_squeeze %dma_start3A_1160 : memref<1x32xi32, #tpu.memory_space<vmem>> -> memref<32xi32, #tpu.memory_space<vmem>>
        %dma_start3A_1162 = tpu.memref_slice %arg2[%multiple_of3A_1157] : memref<320000xi32, #tpu.memory_space<hbm>> -> memref<32xi32, #tpu.memory_space<hbm>>
        %dma_start3A_1163 = arith.constant 0 : i32
        %dma_start3A_1164 = tpu.memref_slice %arg9[%dma_start3A_1158, %dma_start3A_1163] : memref<2x32xi32, #tpu.memory_space<vmem>> -> memref<1x32xi32, #tpu.memory_space<vmem>>
        %dma_start3A_1165 = tpu.memref_squeeze %dma_start3A_1164 : memref<1x32xi32, #tpu.memory_space<vmem>> -> memref<32xi32, #tpu.memory_space<vmem>>
        %dma_start3A_1166 = tpu.memref_slice %arg2[%multiple_of3A_1157] : memref<320000xi32, #tpu.memory_space<hbm>> -> memref<32xi32, #tpu.memory_space<hbm>>
        tpu.enqueue_dma source(%dma_start3A_1166 : memref<32xi32, #tpu.memory_space<hbm>>) target(%dma_start3A_1165 : memref<32xi32, #tpu.memory_space<vmem>>) target_semaphore(%arg19 : memref<!tpu.dma_semaphore, #tpu.memory_space<semaphore_mem>>)
        %dma_start3A_1167 = arith.constant 1 : i32
        %dma_start3A_1168 = arith.constant 0 : i32
        %dma_start3A_1169 = tpu.memref_slice %arg10[%dma_start3A_1167, %dma_start3A_1168] : memref<2x32xi32, #tpu.memory_space<vmem>> -> memref<1x32xi32, #tpu.memory_space<vmem>>
        %dma_start3A_1170 = tpu.memref_squeeze %dma_start3A_1169 : memref<1x32xi32, #tpu.memory_space<vmem>> -> memref<32xi32, #tpu.memory_space<vmem>>
        %dma_start3A_1171 = tpu.memref_slice %arg3[%multiple_of3A_1157] : memref<320000xi32, #tpu.memory_space<hbm>> -> memref<32xi32, #tpu.memory_space<hbm>>
        %dma_start3A_1172 = arith.constant 0 : i32
        %dma_start3A_1173 = tpu.memref_slice %arg10[%dma_start3A_1167, %dma_start3A_1172] : memref<2x32xi32, #tpu.memory_space<vmem>> -> memref<1x32xi32, #tpu.memory_space<vmem>>
        %dma_start3A_1174 = tpu.memref_squeeze %dma_start3A_1173 : memref<1x32xi32, #tpu.memory_space<vmem>> -> memref<32xi32, #tpu.memory_space<vmem>>
        %dma_start3A_1175 = tpu.memref_slice %arg3[%multiple_of3A_1157] : memref<320000xi32, #tpu.memory_space<hbm>> -> memref<32xi32, #tpu.memory_space<hbm>>
        tpu.enqueue_dma source(%dma_start3A_1175 : memref<32xi32, #tpu.memory_space<hbm>>) target(%dma_start3A_1174 : memref<32xi32, #tpu.memory_space<vmem>>) target_semaphore(%arg21 : memref<!tpu.dma_semaphore, #tpu.memory_space<semaphore_mem>>)
      } else {
      }
      %sub3A_1007 = arith.constant 1 : i32
      %sub3A_1008 = arith.subi %add3A_838, %sub3A_1007 : i32
      %broadcast_in_dim3A_1009 = arith.constant 0.000000e+00 : f32
      %broadcast_in_dim3A_1010 = vector.broadcast %broadcast_in_dim3A_1009 : f32 to vector<16xf32>
      %broadcast_in_dim3A_1011 = arith.constant 0.000000e+00 : f32
      %broadcast_in_dim3A_1012 = vector.broadcast %broadcast_in_dim3A_1011 : f32 to vector<16xf32>
      %broadcast_in_dim3A_1013 = arith.constant 0.000000e+00 : f32
      %broadcast_in_dim3A_1014 = vector.broadcast %broadcast_in_dim3A_1013 : f32 to vector<16xf32>
      %broadcast_in_dim3A_1015 = arith.constant 0.000000e+00 : f32
      %broadcast_in_dim3A_1016 = vector.broadcast %broadcast_in_dim3A_1015 : f32 to vector<16xf32>
      %broadcast_in_dim3A_1017 = arith.constant 0.000000e+00 : f32
      %broadcast_in_dim3A_1018 = vector.broadcast %broadcast_in_dim3A_1017 : f32 to vector<16xf32>
      %broadcast_in_dim3A_1019 = arith.constant 0.000000e+00 : f32
      %broadcast_in_dim3A_1020 = vector.broadcast %broadcast_in_dim3A_1019 : f32 to vector<16xf32>
      %broadcast_in_dim3A_1021 = arith.constant 0.000000e+00 : f32
      %broadcast_in_dim3A_1022 = vector.broadcast %broadcast_in_dim3A_1021 : f32 to vector<16xf32>
      %broadcast_in_dim3A_1023 = arith.constant 0.000000e+00 : f32
      %broadcast_in_dim3A_1024 = vector.broadcast %broadcast_in_dim3A_1023 : f32 to vector<16xf32>
      %parallel_loop3A_1025 = arith.constant 0 : i32
      %parallel_loop3A_1026 = arith.constant 16 : i32
      %parallel_loop3A_1027 = arith.constant 1 : i32
      %parallel_loop3A_1028:8 = scf.for %parallel_loop3A_1150 = %parallel_loop3A_1025 to %parallel_loop3A_1026 step %parallel_loop3A_1027 iter_args(%parallel_loop3A_1151 = %broadcast_in_dim3A_1010, %parallel_loop3A_1152 = %broadcast_in_dim3A_1012, %parallel_loop3A_1153 = %broadcast_in_dim3A_1014, %parallel_loop3A_1154 = %broadcast_in_dim3A_1016, %parallel_loop3A_1155 = %broadcast_in_dim3A_1018, %parallel_loop3A_1156 = %broadcast_in_dim3A_1020, %parallel_loop3A_1157 = %broadcast_in_dim3A_1022, %parallel_loop3A_1158 = %broadcast_in_dim3A_1024) -> (vector<16xf32>, vector<16xf32>, vector<16xf32>, vector<16xf32>, vector<16xf32>, vector<16xf32>, vector<16xf32>, vector<16xf32>)  : i32 {
        %parallel_loop3A_1159 = arith.constant 2 : i32
        %parallel_loop3A_1160 = arith.muli %parallel_loop3A_1150, %parallel_loop3A_1159 : i32
        %parallel_loop3A_1161 = arith.constant 0 : i32
        %parallel_loop3A_1162 = arith.addi %parallel_loop3A_1160, %parallel_loop3A_1161 : i32
        %parallel_loop3A_1163 = arith.constant 1 : i32
        %parallel_loop3A_1164 = arith.index_cast %parallel_loop3A_1163 : i32 to index
        %parallel_loop3A_1165 = arith.index_cast %parallel_loop3A_1162 : i32 to index
        %parallel_loop3A_1166 = arith.constant 0 : index
        %parallel_loop3A_1167 = tpu.vector_load %arg13[%parallel_loop3A_1164, %parallel_loop3A_1165, %parallel_loop3A_1166] {strides = array<i32>} : memref<2x96x128xf32, #tpu.memory_space<vmem>>, vector<1x1x16xf32>,
        %parallel_loop3A_1168 = vector.shape_cast %parallel_loop3A_1167 : vector<1x1x16xf32> to vector<16xf32>
        %parallel_loop3A_1169 = arith.constant 32 : i32
        %parallel_loop3A_1170 = arith.addi %parallel_loop3A_1169, %parallel_loop3A_1162 : i32
        %parallel_loop3A_1171 = arith.constant 1 : i32
        %parallel_loop3A_1172 = arith.index_cast %parallel_loop3A_1171 : i32 to index
        %parallel_loop3A_1173 = arith.index_cast %parallel_loop3A_1170 : i32 to index
        %parallel_loop3A_1174 = arith.constant 0 : index
        %parallel_loop3A_1175 = tpu.vector_load %arg13[%parallel_loop3A_1172, %parallel_loop3A_1173, %parallel_loop3A_1174] {strides = array<i32>} : memref<2x96x128xf32, #tpu.memory_space<vmem>>, vector<1x1x16xf32>,
        %parallel_loop3A_1176 = vector.shape_cast %parallel_loop3A_1175 : vector<1x1x16xf32> to vector<16xf32>
        %parallel_loop3A_1177 = arith.addf %parallel_loop3A_1168, %parallel_loop3A_1176 : vector<16xf32>
        %parallel_loop3A_1178 = arith.constant 64 : i32
        %parallel_loop3A_1179 = arith.addi %parallel_loop3A_1178, %parallel_loop3A_1162 : i32
        %parallel_loop3A_1180 = arith.constant 1 : i32
        %parallel_loop3A_1181 = arith.index_cast %parallel_loop3A_1180 : i32 to index
        %parallel_loop3A_1182 = arith.index_cast %parallel_loop3A_1179 : i32 to index
        %parallel_loop3A_1183 = arith.constant 0 : index
        %parallel_loop3A_1184 = tpu.vector_load %arg13[%parallel_loop3A_1181, %parallel_loop3A_1182, %parallel_loop3A_1183] {strides = array<i32>} : memref<2x96x128xf32, #tpu.memory_space<vmem>>, vector<1x1x16xf32>,
        %parallel_loop3A_1185 = vector.shape_cast %parallel_loop3A_1184 : vector<1x1x16xf32> to vector<16xf32>
        %parallel_loop3A_1186 = arith.addf %parallel_loop3A_1177, %parallel_loop3A_1185 : vector<16xf32>
        %parallel_loop3A_1187 = arith.constant 0.000000e+00 : f32
        %parallel_loop3A_1188 = vector.broadcast %parallel_loop3A_1187 : f32 to vector<16xf32>
        %parallel_loop3A_1189 = arith.subf %parallel_loop3A_1188, %parallel_loop3A_1186 : vector<16xf32>
        %parallel_loop3A_1190 = math.exp %parallel_loop3A_1189 : vector<16xf32>
        %parallel_loop3A_1191 = arith.constant 1.000000e+00 : f32
        %parallel_loop3A_1192 = vector.broadcast %parallel_loop3A_1191 : f32 to vector<16xf32>
        %parallel_loop3A_1193 = arith.addf %parallel_loop3A_1192, %parallel_loop3A_1190 : vector<16xf32>
        %parallel_loop3A_1194 = arith.constant 1.000000e+00 : f32
        %parallel_loop3A_1195 = vector.broadcast %parallel_loop3A_1194 : f32 to vector<16xf32>
        %parallel_loop3A_1196 = arith.divf %parallel_loop3A_1195, %parallel_loop3A_1193 : vector<16xf32>
        %parallel_loop3A_1197 = arith.constant 64 : i32
        %parallel_loop3A_1198 = arith.addi %parallel_loop3A_1197, %parallel_loop3A_1162 : i32
        %parallel_loop3A_1199 = arith.constant 1 : i32
        %parallel_loop3A_1200 = arith.index_cast %parallel_loop3A_1199 : i32 to index
        %parallel_loop3A_1201 = arith.index_cast %parallel_loop3A_1198 : i32 to index
        %parallel_loop3A_1202 = arith.constant 64 : index
        %parallel_loop3A_1203 = tpu.vector_load %arg13[%parallel_loop3A_1200, %parallel_loop3A_1201, %parallel_loop3A_1202] {strides = array<i32>} : memref<2x96x128xf32, #tpu.memory_space<vmem>>, vector<1x1x16xf32>,
        %parallel_loop3A_1204 = vector.shape_cast %parallel_loop3A_1203 : vector<1x1x16xf32> to vector<16xf32>
        %parallel_loop3A_1205 = arith.addf %parallel_loop3A_1186, %parallel_loop3A_1204 : vector<16xf32>
        %parallel_loop3A_1206 = arith.constant 1 : i32
        %parallel_loop3A_1207 = arith.index_cast %parallel_loop3A_1206 : i32 to index
        %parallel_loop3A_1208 = arith.index_cast %parallel_loop3A_1150 : i32 to index
        %parallel_loop3A_1209 = arith.constant 0 : index
        %parallel_loop3A_1210 = tpu.vector_load %arg15[%parallel_loop3A_1207, %parallel_loop3A_1208, %parallel_loop3A_1209] {strides = array<i32>} : memref<2x16x128xf32, #tpu.memory_space<vmem>>, vector<1x1x16xf32>,
        %parallel_loop3A_1211 = vector.shape_cast %parallel_loop3A_1210 : vector<1x1x16xf32> to vector<16xf32>
        %parallel_loop3A_1212 = vector.shape_cast %parallel_loop3A_1205 : vector<16xf32> to vector<1x1x16xf32>
        tpu.vector_store %arg15[%parallel_loop3A_1207, %parallel_loop3A_1208, %parallel_loop3A_1209], %parallel_loop3A_1212 {strides = array<i32>} : memref<2x16x128xf32, #tpu.memory_space<vmem>>, vector<1x1x16xf32>,
        %parallel_loop3A_1213 = arith.constant 1 : i32
        %parallel_loop3A_1214 = arith.index_cast %parallel_loop3A_1213 : i32 to index
        %parallel_loop3A_1215 = arith.index_cast %parallel_loop3A_1162 : i32 to index
        %parallel_loop3A_1216 = arith.constant 64 : index
        %parallel_loop3A_1217 = tpu.vector_load %arg13[%parallel_loop3A_1214, %parallel_loop3A_1215, %parallel_loop3A_1216] {strides = array<i32>} : memref<2x96x128xf32, #tpu.memory_space<vmem>>, vector<1x1x16xf32>,
        %parallel_loop3A_1218 = vector.shape_cast %parallel_loop3A_1217 : vector<1x1x16xf32> to vector<16xf32>
        %parallel_loop3A_1219 = arith.mulf %parallel_loop3A_1218, %parallel_loop3A_1196 : vector<16xf32>
        %parallel_loop3A_1220 = arith.constant 1 : i32
        %parallel_loop3A_1221 = arith.index_cast %parallel_loop3A_1220 : i32 to index
        %parallel_loop3A_1222 = arith.index_cast %parallel_loop3A_1162 : i32 to index
        %parallel_loop3A_1223 = arith.constant 0 : index
        %parallel_loop3A_1224 = tpu.vector_load %arg14[%parallel_loop3A_1221, %parallel_loop3A_1222, %parallel_loop3A_1223] {strides = array<i32>} : memref<2x32x128xf32, #tpu.memory_space<vmem>>, vector<1x1x16xf32>,
        %parallel_loop3A_1225 = vector.shape_cast %parallel_loop3A_1224 : vector<1x1x16xf32> to vector<16xf32>
        %parallel_loop3A_1226 = vector.shape_cast %parallel_loop3A_1219 : vector<16xf32> to vector<1x1x16xf32>
        tpu.vector_store %arg14[%parallel_loop3A_1221, %parallel_loop3A_1222, %parallel_loop3A_1223], %parallel_loop3A_1226 {strides = array<i32>} : memref<2x32x128xf32, #tpu.memory_space<vmem>>, vector<1x1x16xf32>,
        %parallel_loop3A_1227 = arith.constant 1 : i32
        %parallel_loop3A_1228 = arith.index_cast %parallel_loop3A_1227 : i32 to index
        %parallel_loop3A_1229 = arith.index_cast %parallel_loop3A_1162 : i32 to index
        %parallel_loop3A_1230 = arith.constant 64 : index
        %parallel_loop3A_1231 = tpu.vector_load %arg14[%parallel_loop3A_1228, %parallel_loop3A_1229, %parallel_loop3A_1230] {strides = array<i32>} : memref<2x32x128xf32, #tpu.memory_space<vmem>>, vector<1x1x16xf32>,
        %parallel_loop3A_1232 = vector.shape_cast %parallel_loop3A_1231 : vector<1x1x16xf32> to vector<16xf32>
        %parallel_loop3A_1233 = vector.shape_cast %parallel_loop3A_1196 : vector<16xf32> to vector<1x1x16xf32>
        tpu.vector_store %arg14[%parallel_loop3A_1228, %parallel_loop3A_1229, %parallel_loop3A_1230], %parallel_loop3A_1233 {strides = array<i32>} : memref<2x32x128xf32, #tpu.memory_space<vmem>>, vector<1x1x16xf32>,
        %parallel_loop3A_1234 = arith.addf %parallel_loop3A_1151, %parallel_loop3A_1205 : vector<16xf32>
        %parallel_loop3A_1235 = arith.mulf %parallel_loop3A_1205, %parallel_loop3A_1205 : vector<16xf32>
        %parallel_loop3A_1236 = arith.addf %parallel_loop3A_1155, %parallel_loop3A_1235 : vector<16xf32>
        %parallel_loop3A_1237 = arith.constant 1 : i32
        %parallel_loop3A_1238 = arith.index_cast %parallel_loop3A_1237 : i32 to index
        %parallel_loop3A_1239 = arith.index_cast %parallel_loop3A_1162 : i32 to index
        %parallel_loop3A_1240 = arith.constant 16 : index
        %parallel_loop3A_1241 = tpu.vector_load %arg13[%parallel_loop3A_1238, %parallel_loop3A_1239, %parallel_loop3A_1240] {strides = array<i32>} : memref<2x96x128xf32, #tpu.memory_space<vmem>>, vector<1x1x16xf32>,
        %parallel_loop3A_1242 = vector.shape_cast %parallel_loop3A_1241 : vector<1x1x16xf32> to vector<16xf32>
        %parallel_loop3A_1243 = arith.constant 32 : i32
        %parallel_loop3A_1244 = arith.addi %parallel_loop3A_1243, %parallel_loop3A_1162 : i32
        %parallel_loop3A_1245 = arith.constant 1 : i32
        %parallel_loop3A_1246 = arith.index_cast %parallel_loop3A_1245 : i32 to index
        %parallel_loop3A_1247 = arith.index_cast %parallel_loop3A_1244 : i32 to index
        %parallel_loop3A_1248 = arith.constant 16 : index
        %parallel_loop3A_1249 = tpu.vector_load %arg13[%parallel_loop3A_1246, %parallel_loop3A_1247, %parallel_loop3A_1248] {strides = array<i32>} : memref<2x96x128xf32, #tpu.memory_space<vmem>>, vector<1x1x16xf32>,
        %parallel_loop3A_1250 = vector.shape_cast %parallel_loop3A_1249 : vector<1x1x16xf32> to vector<16xf32>
        %parallel_loop3A_1251 = arith.addf %parallel_loop3A_1242, %parallel_loop3A_1250 : vector<16xf32>
        %parallel_loop3A_1252 = arith.constant 64 : i32
        %parallel_loop3A_1253 = arith.addi %parallel_loop3A_1252, %parallel_loop3A_1162 : i32
        %parallel_loop3A_1254 = arith.constant 1 : i32
        %parallel_loop3A_1255 = arith.index_cast %parallel_loop3A_1254 : i32 to index
        %parallel_loop3A_1256 = arith.index_cast %parallel_loop3A_1253 : i32 to index
        %parallel_loop3A_1257 = arith.constant 16 : index
        %parallel_loop3A_1258 = tpu.vector_load %arg13[%parallel_loop3A_1255, %parallel_loop3A_1256, %parallel_loop3A_1257] {strides = array<i32>} : memref<2x96x128xf32, #tpu.memory_space<vmem>>, vector<1x1x16xf32>,
        %parallel_loop3A_1259 = vector.shape_cast %parallel_loop3A_1258 : vector<1x1x16xf32> to vector<16xf32>
        %parallel_loop3A_1260 = arith.addf %parallel_loop3A_1251, %parallel_loop3A_1259 : vector<16xf32>
        %parallel_loop3A_1261 = arith.constant 0.000000e+00 : f32
        %parallel_loop3A_1262 = vector.broadcast %parallel_loop3A_1261 : f32 to vector<16xf32>
        %parallel_loop3A_1263 = arith.subf %parallel_loop3A_1262, %parallel_loop3A_1260 : vector<16xf32>
        %parallel_loop3A_1264 = math.exp %parallel_loop3A_1263 : vector<16xf32>
        %parallel_loop3A_1265 = arith.constant 1.000000e+00 : f32
        %parallel_loop3A_1266 = vector.broadcast %parallel_loop3A_1265 : f32 to vector<16xf32>
        %parallel_loop3A_1267 = arith.addf %parallel_loop3A_1266, %parallel_loop3A_1264 : vector<16xf32>
        %parallel_loop3A_1268 = arith.constant 1.000000e+00 : f32
        %parallel_loop3A_1269 = vector.broadcast %parallel_loop3A_1268 : f32 to vector<16xf32>
        %parallel_loop3A_1270 = arith.divf %parallel_loop3A_1269, %parallel_loop3A_1267 : vector<16xf32>
        %parallel_loop3A_1271 = arith.constant 64 : i32
        %parallel_loop3A_1272 = arith.addi %parallel_loop3A_1271, %parallel_loop3A_1162 : i32
        %parallel_loop3A_1273 = arith.constant 1 : i32
        %parallel_loop3A_1274 = arith.index_cast %parallel_loop3A_1273 : i32 to index
        %parallel_loop3A_1275 = arith.index_cast %parallel_loop3A_1272 : i32 to index
        %parallel_loop3A_1276 = arith.constant 80 : index
        %parallel_loop3A_1277 = tpu.vector_load %arg13[%parallel_loop3A_1274, %parallel_loop3A_1275, %parallel_loop3A_1276] {strides = array<i32>} : memref<2x96x128xf32, #tpu.memory_space<vmem>>, vector<1x1x16xf32>,
        %parallel_loop3A_1278 = vector.shape_cast %parallel_loop3A_1277 : vector<1x1x16xf32> to vector<16xf32>
        %parallel_loop3A_1279 = arith.addf %parallel_loop3A_1260, %parallel_loop3A_1278 : vector<16xf32>
        %parallel_loop3A_1280 = arith.constant 1 : i32
        %parallel_loop3A_1281 = arith.index_cast %parallel_loop3A_1280 : i32 to index
        %parallel_loop3A_1282 = arith.index_cast %parallel_loop3A_1150 : i32 to index
        %parallel_loop3A_1283 = arith.constant 16 : index
        %parallel_loop3A_1284 = tpu.vector_load %arg15[%parallel_loop3A_1281, %parallel_loop3A_1282, %parallel_loop3A_1283] {strides = array<i32>} : memref<2x16x128xf32, #tpu.memory_space<vmem>>, vector<1x1x16xf32>,
        %parallel_loop3A_1285 = vector.shape_cast %parallel_loop3A_1284 : vector<1x1x16xf32> to vector<16xf32>
        %parallel_loop3A_1286 = vector.shape_cast %parallel_loop3A_1279 : vector<16xf32> to vector<1x1x16xf32>
        tpu.vector_store %arg15[%parallel_loop3A_1281, %parallel_loop3A_1282, %parallel_loop3A_1283], %parallel_loop3A_1286 {strides = array<i32>} : memref<2x16x128xf32, #tpu.memory_space<vmem>>, vector<1x1x16xf32>,
        %parallel_loop3A_1287 = arith.constant 1 : i32
        %parallel_loop3A_1288 = arith.index_cast %parallel_loop3A_1287 : i32 to index
        %parallel_loop3A_1289 = arith.index_cast %parallel_loop3A_1162 : i32 to index
        %parallel_loop3A_1290 = arith.constant 80 : index
        %parallel_loop3A_1291 = tpu.vector_load %arg13[%parallel_loop3A_1288, %parallel_loop3A_1289, %parallel_loop3A_1290] {strides = array<i32>} : memref<2x96x128xf32, #tpu.memory_space<vmem>>, vector<1x1x16xf32>,
        %parallel_loop3A_1292 = vector.shape_cast %parallel_loop3A_1291 : vector<1x1x16xf32> to vector<16xf32>
        %parallel_loop3A_1293 = arith.mulf %parallel_loop3A_1292, %parallel_loop3A_1270 : vector<16xf32>
        %parallel_loop3A_1294 = arith.constant 1 : i32
        %parallel_loop3A_1295 = arith.index_cast %parallel_loop3A_1294 : i32 to index
        %parallel_loop3A_1296 = arith.index_cast %parallel_loop3A_1162 : i32 to index
        %parallel_loop3A_1297 = arith.constant 16 : index
        %parallel_loop3A_1298 = tpu.vector_load %arg14[%parallel_loop3A_1295, %parallel_loop3A_1296, %parallel_loop3A_1297] {strides = array<i32>} : memref<2x32x128xf32, #tpu.memory_space<vmem>>, vector<1x1x16xf32>,
        %parallel_loop3A_1299 = vector.shape_cast %parallel_loop3A_1298 : vector<1x1x16xf32> to vector<16xf32>
        %parallel_loop3A_1300 = vector.shape_cast %parallel_loop3A_1293 : vector<16xf32> to vector<1x1x16xf32>
        tpu.vector_store %arg14[%parallel_loop3A_1295, %parallel_loop3A_1296, %parallel_loop3A_1297], %parallel_loop3A_1300 {strides = array<i32>} : memref<2x32x128xf32, #tpu.memory_space<vmem>>, vector<1x1x16xf32>,
        %parallel_loop3A_1301 = arith.constant 1 : i32
        %parallel_loop3A_1302 = arith.index_cast %parallel_loop3A_1301 : i32 to index
        %parallel_loop3A_1303 = arith.index_cast %parallel_loop3A_1162 : i32 to index
        %parallel_loop3A_1304 = arith.constant 80 : index
        %parallel_loop3A_1305 = tpu.vector_load %arg14[%parallel_loop3A_1302, %parallel_loop3A_1303, %parallel_loop3A_1304] {strides = array<i32>} : memref<2x32x128xf32, #tpu.memory_space<vmem>>, vector<1x1x16xf32>,
        %parallel_loop3A_1306 = vector.shape_cast %parallel_loop3A_1305 : vector<1x1x16xf32> to vector<16xf32>
        %parallel_loop3A_1307 = vector.shape_cast %parallel_loop3A_1270 : vector<16xf32> to vector<1x1x16xf32>
        tpu.vector_store %arg14[%parallel_loop3A_1302, %parallel_loop3A_1303, %parallel_loop3A_1304], %parallel_loop3A_1307 {strides = array<i32>} : memref<2x32x128xf32, #tpu.memory_space<vmem>>, vector<1x1x16xf32>,
        %parallel_loop3A_1308 = arith.addf %parallel_loop3A_1152, %parallel_loop3A_1279 : vector<16xf32>
        %parallel_loop3A_1309 = arith.mulf %parallel_loop3A_1279, %parallel_loop3A_1279 : vector<16xf32>
        %parallel_loop3A_1310 = arith.addf %parallel_loop3A_1156, %parallel_loop3A_1309 : vector<16xf32>
        %parallel_loop3A_1311 = arith.constant 1 : i32
        %parallel_loop3A_1312 = arith.index_cast %parallel_loop3A_1311 : i32 to index
        %parallel_loop3A_1313 = arith.index_cast %parallel_loop3A_1162 : i32 to index
        %parallel_loop3A_1314 = arith.constant 32 : index
        %parallel_loop3A_1315 = tpu.vector_load %arg13[%parallel_loop3A_1312, %parallel_loop3A_1313, %parallel_loop3A_1314] {strides = array<i32>} : memref<2x96x128xf32, #tpu.memory_space<vmem>>, vector<1x1x16xf32>,
        %parallel_loop3A_1316 = vector.shape_cast %parallel_loop3A_1315 : vector<1x1x16xf32> to vector<16xf32>
        %parallel_loop3A_1317 = arith.constant 32 : i32
        %parallel_loop3A_1318 = arith.addi %parallel_loop3A_1317, %parallel_loop3A_1162 : i32
        %parallel_loop3A_1319 = arith.constant 1 : i32
        %parallel_loop3A_1320 = arith.index_cast %parallel_loop3A_1319 : i32 to index
        %parallel_loop3A_1321 = arith.index_cast %parallel_loop3A_1318 : i32 to index
        %parallel_loop3A_1322 = arith.constant 32 : index
        %parallel_loop3A_1323 = tpu.vector_load %arg13[%parallel_loop3A_1320, %parallel_loop3A_1321, %parallel_loop3A_1322] {strides = array<i32>} : memref<2x96x128xf32, #tpu.memory_space<vmem>>, vector<1x1x16xf32>,
        %parallel_loop3A_1324 = vector.shape_cast %parallel_loop3A_1323 : vector<1x1x16xf32> to vector<16xf32>
        %parallel_loop3A_1325 = arith.addf %parallel_loop3A_1316, %parallel_loop3A_1324 : vector<16xf32>
        %parallel_loop3A_1326 = arith.constant 64 : i32
        %parallel_loop3A_1327 = arith.addi %parallel_loop3A_1326, %parallel_loop3A_1162 : i32
        %parallel_loop3A_1328 = arith.constant 1 : i32
        %parallel_loop3A_1329 = arith.index_cast %parallel_loop3A_1328 : i32 to index
        %parallel_loop3A_1330 = arith.index_cast %parallel_loop3A_1327 : i32 to index
        %parallel_loop3A_1331 = arith.constant 32 : index
        %parallel_loop3A_1332 = tpu.vector_load %arg13[%parallel_loop3A_1329, %parallel_loop3A_1330, %parallel_loop3A_1331] {strides = array<i32>} : memref<2x96x128xf32, #tpu.memory_space<vmem>>, vector<1x1x16xf32>,
        %parallel_loop3A_1333 = vector.shape_cast %parallel_loop3A_1332 : vector<1x1x16xf32> to vector<16xf32>
        %parallel_loop3A_1334 = arith.addf %parallel_loop3A_1325, %parallel_loop3A_1333 : vector<16xf32>
        %parallel_loop3A_1335 = arith.constant 0.000000e+00 : f32
        %parallel_loop3A_1336 = vector.broadcast %parallel_loop3A_1335 : f32 to vector<16xf32>
        %parallel_loop3A_1337 = arith.subf %parallel_loop3A_1336, %parallel_loop3A_1334 : vector<16xf32>
        %parallel_loop3A_1338 = math.exp %parallel_loop3A_1337 : vector<16xf32>
        %parallel_loop3A_1339 = arith.constant 1.000000e+00 : f32
        %parallel_loop3A_1340 = vector.broadcast %parallel_loop3A_1339 : f32 to vector<16xf32>
        %parallel_loop3A_1341 = arith.addf %parallel_loop3A_1340, %parallel_loop3A_1338 : vector<16xf32>
        %parallel_loop3A_1342 = arith.constant 1.000000e+00 : f32
        %parallel_loop3A_1343 = vector.broadcast %parallel_loop3A_1342 : f32 to vector<16xf32>
        %parallel_loop3A_1344 = arith.divf %parallel_loop3A_1343, %parallel_loop3A_1341 : vector<16xf32>
        %parallel_loop3A_1345 = arith.constant 64 : i32
        %parallel_loop3A_1346 = arith.addi %parallel_loop3A_1345, %parallel_loop3A_1162 : i32
        %parallel_loop3A_1347 = arith.constant 1 : i32
        %parallel_loop3A_1348 = arith.index_cast %parallel_loop3A_1347 : i32 to index
        %parallel_loop3A_1349 = arith.index_cast %parallel_loop3A_1346 : i32 to index
        %parallel_loop3A_1350 = arith.constant 96 : index
        %parallel_loop3A_1351 = tpu.vector_load %arg13[%parallel_loop3A_1348, %parallel_loop3A_1349, %parallel_loop3A_1350] {strides = array<i32>} : memref<2x96x128xf32, #tpu.memory_space<vmem>>, vector<1x1x16xf32>,
        %parallel_loop3A_1352 = vector.shape_cast %parallel_loop3A_1351 : vector<1x1x16xf32> to vector<16xf32>
        %parallel_loop3A_1353 = arith.addf %parallel_loop3A_1334, %parallel_loop3A_1352 : vector<16xf32>
        %parallel_loop3A_1354 = arith.constant 1 : i32
        %parallel_loop3A_1355 = arith.index_cast %parallel_loop3A_1354 : i32 to index
        %parallel_loop3A_1356 = arith.index_cast %parallel_loop3A_1150 : i32 to index
        %parallel_loop3A_1357 = arith.constant 32 : index
        %parallel_loop3A_1358 = tpu.vector_load %arg15[%parallel_loop3A_1355, %parallel_loop3A_1356, %parallel_loop3A_1357] {strides = array<i32>} : memref<2x16x128xf32, #tpu.memory_space<vmem>>, vector<1x1x16xf32>,
        %parallel_loop3A_1359 = vector.shape_cast %parallel_loop3A_1358 : vector<1x1x16xf32> to vector<16xf32>
        %parallel_loop3A_1360 = vector.shape_cast %parallel_loop3A_1353 : vector<16xf32> to vector<1x1x16xf32>
        tpu.vector_store %arg15[%parallel_loop3A_1355, %parallel_loop3A_1356, %parallel_loop3A_1357], %parallel_loop3A_1360 {strides = array<i32>} : memref<2x16x128xf32, #tpu.memory_space<vmem>>, vector<1x1x16xf32>,
        %parallel_loop3A_1361 = arith.constant 1 : i32
        %parallel_loop3A_1362 = arith.index_cast %parallel_loop3A_1361 : i32 to index
        %parallel_loop3A_1363 = arith.index_cast %parallel_loop3A_1162 : i32 to index
        %parallel_loop3A_1364 = arith.constant 96 : index
        %parallel_loop3A_1365 = tpu.vector_load %arg13[%parallel_loop3A_1362, %parallel_loop3A_1363, %parallel_loop3A_1364] {strides = array<i32>} : memref<2x96x128xf32, #tpu.memory_space<vmem>>, vector<1x1x16xf32>,
        %parallel_loop3A_1366 = vector.shape_cast %parallel_loop3A_1365 : vector<1x1x16xf32> to vector<16xf32>
        %parallel_loop3A_1367 = arith.mulf %parallel_loop3A_1366, %parallel_loop3A_1344 : vector<16xf32>
        %parallel_loop3A_1368 = arith.constant 1 : i32
        %parallel_loop3A_1369 = arith.index_cast %parallel_loop3A_1368 : i32 to index
        %parallel_loop3A_1370 = arith.index_cast %parallel_loop3A_1162 : i32 to index
        %parallel_loop3A_1371 = arith.constant 32 : index
        %parallel_loop3A_1372 = tpu.vector_load %arg14[%parallel_loop3A_1369, %parallel_loop3A_1370, %parallel_loop3A_1371] {strides = array<i32>} : memref<2x32x128xf32, #tpu.memory_space<vmem>>, vector<1x1x16xf32>,
        %parallel_loop3A_1373 = vector.shape_cast %parallel_loop3A_1372 : vector<1x1x16xf32> to vector<16xf32>
        %parallel_loop3A_1374 = vector.shape_cast %parallel_loop3A_1367 : vector<16xf32> to vector<1x1x16xf32>
        tpu.vector_store %arg14[%parallel_loop3A_1369, %parallel_loop3A_1370, %parallel_loop3A_1371], %parallel_loop3A_1374 {strides = array<i32>} : memref<2x32x128xf32, #tpu.memory_space<vmem>>, vector<1x1x16xf32>,
        %parallel_loop3A_1375 = arith.constant 1 : i32
        %parallel_loop3A_1376 = arith.index_cast %parallel_loop3A_1375 : i32 to index
        %parallel_loop3A_1377 = arith.index_cast %parallel_loop3A_1162 : i32 to index
        %parallel_loop3A_1378 = arith.constant 96 : index
        %parallel_loop3A_1379 = tpu.vector_load %arg14[%parallel_loop3A_1376, %parallel_loop3A_1377, %parallel_loop3A_1378] {strides = array<i32>} : memref<2x32x128xf32, #tpu.memory_space<vmem>>, vector<1x1x16xf32>,
        %parallel_loop3A_1380 = vector.shape_cast %parallel_loop3A_1379 : vector<1x1x16xf32> to vector<16xf32>
        %parallel_loop3A_1381 = vector.shape_cast %parallel_loop3A_1344 : vector<16xf32> to vector<1x1x16xf32>
        tpu.vector_store %arg14[%parallel_loop3A_1376, %parallel_loop3A_1377, %parallel_loop3A_1378], %parallel_loop3A_1381 {strides = array<i32>} : memref<2x32x128xf32, #tpu.memory_space<vmem>>, vector<1x1x16xf32>,
        %parallel_loop3A_1382 = arith.addf %parallel_loop3A_1153, %parallel_loop3A_1353 : vector<16xf32>
        %parallel_loop3A_1383 = arith.mulf %parallel_loop3A_1353, %parallel_loop3A_1353 : vector<16xf32>
        %parallel_loop3A_1384 = arith.addf %parallel_loop3A_1157, %parallel_loop3A_1383 : vector<16xf32>
        %parallel_loop3A_1385 = arith.constant 1 : i32
        %parallel_loop3A_1386 = arith.index_cast %parallel_loop3A_1385 : i32 to index
        %parallel_loop3A_1387 = arith.index_cast %parallel_loop3A_1162 : i32 to index
        %parallel_loop3A_1388 = arith.constant 48 : index
        %parallel_loop3A_1389 = tpu.vector_load %arg13[%parallel_loop3A_1386, %parallel_loop3A_1387, %parallel_loop3A_1388] {strides = array<i32>} : memref<2x96x128xf32, #tpu.memory_space<vmem>>, vector<1x1x16xf32>,
        %parallel_loop3A_1390 = vector.shape_cast %parallel_loop3A_1389 : vector<1x1x16xf32> to vector<16xf32>
        %parallel_loop3A_1391 = arith.constant 32 : i32
        %parallel_loop3A_1392 = arith.addi %parallel_loop3A_1391, %parallel_loop3A_1162 : i32
        %parallel_loop3A_1393 = arith.constant 1 : i32
        %parallel_loop3A_1394 = arith.index_cast %parallel_loop3A_1393 : i32 to index
        %parallel_loop3A_1395 = arith.index_cast %parallel_loop3A_1392 : i32 to index
        %parallel_loop3A_1396 = arith.constant 48 : index
        %parallel_loop3A_1397 = tpu.vector_load %arg13[%parallel_loop3A_1394, %parallel_loop3A_1395, %parallel_loop3A_1396] {strides = array<i32>} : memref<2x96x128xf32, #tpu.memory_space<vmem>>, vector<1x1x16xf32>,
        %parallel_loop3A_1398 = vector.shape_cast %parallel_loop3A_1397 : vector<1x1x16xf32> to vector<16xf32>
        %parallel_loop3A_1399 = arith.addf %parallel_loop3A_1390, %parallel_loop3A_1398 : vector<16xf32>
        %parallel_loop3A_1400 = arith.constant 64 : i32
        %parallel_loop3A_1401 = arith.addi %parallel_loop3A_1400, %parallel_loop3A_1162 : i32
        %parallel_loop3A_1402 = arith.constant 1 : i32
        %parallel_loop3A_1403 = arith.index_cast %parallel_loop3A_1402 : i32 to index
        %parallel_loop3A_1404 = arith.index_cast %parallel_loop3A_1401 : i32 to index
        %parallel_loop3A_1405 = arith.constant 48 : index
        %parallel_loop3A_1406 = tpu.vector_load %arg13[%parallel_loop3A_1403, %parallel_loop3A_1404, %parallel_loop3A_1405] {strides = array<i32>} : memref<2x96x128xf32, #tpu.memory_space<vmem>>, vector<1x1x16xf32>,
        %parallel_loop3A_1407 = vector.shape_cast %parallel_loop3A_1406 : vector<1x1x16xf32> to vector<16xf32>
        %parallel_loop3A_1408 = arith.addf %parallel_loop3A_1399, %parallel_loop3A_1407 : vector<16xf32>
        %parallel_loop3A_1409 = arith.constant 0.000000e+00 : f32
        %parallel_loop3A_1410 = vector.broadcast %parallel_loop3A_1409 : f32 to vector<16xf32>
        %parallel_loop3A_1411 = arith.subf %parallel_loop3A_1410, %parallel_loop3A_1408 : vector<16xf32>
        %parallel_loop3A_1412 = math.exp %parallel_loop3A_1411 : vector<16xf32>
        %parallel_loop3A_1413 = arith.constant 1.000000e+00 : f32
        %parallel_loop3A_1414 = vector.broadcast %parallel_loop3A_1413 : f32 to vector<16xf32>
        %parallel_loop3A_1415 = arith.addf %parallel_loop3A_1414, %parallel_loop3A_1412 : vector<16xf32>
        %parallel_loop3A_1416 = arith.constant 1.000000e+00 : f32
        %parallel_loop3A_1417 = vector.broadcast %parallel_loop3A_1416 : f32 to vector<16xf32>
        %parallel_loop3A_1418 = arith.divf %parallel_loop3A_1417, %parallel_loop3A_1415 : vector<16xf32>
        %parallel_loop3A_1419 = arith.constant 64 : i32
        %parallel_loop3A_1420 = arith.addi %parallel_loop3A_1419, %parallel_loop3A_1162 : i32
        %parallel_loop3A_1421 = arith.constant 1 : i32
        %parallel_loop3A_1422 = arith.index_cast %parallel_loop3A_1421 : i32 to index
        %parallel_loop3A_1423 = arith.index_cast %parallel_loop3A_1420 : i32 to index
        %parallel_loop3A_1424 = arith.constant 112 : index
        %parallel_loop3A_1425 = tpu.vector_load %arg13[%parallel_loop3A_1422, %parallel_loop3A_1423, %parallel_loop3A_1424] {strides = array<i32>} : memref<2x96x128xf32, #tpu.memory_space<vmem>>, vector<1x1x16xf32>,
        %parallel_loop3A_1426 = vector.shape_cast %parallel_loop3A_1425 : vector<1x1x16xf32> to vector<16xf32>
        %parallel_loop3A_1427 = arith.addf %parallel_loop3A_1408, %parallel_loop3A_1426 : vector<16xf32>
        %parallel_loop3A_1428 = arith.constant 1 : i32
        %parallel_loop3A_1429 = arith.index_cast %parallel_loop3A_1428 : i32 to index
        %parallel_loop3A_1430 = arith.index_cast %parallel_loop3A_1150 : i32 to index
        %parallel_loop3A_1431 = arith.constant 48 : index
        %parallel_loop3A_1432 = tpu.vector_load %arg15[%parallel_loop3A_1429, %parallel_loop3A_1430, %parallel_loop3A_1431] {strides = array<i32>} : memref<2x16x128xf32, #tpu.memory_space<vmem>>, vector<1x1x16xf32>,
        %parallel_loop3A_1433 = vector.shape_cast %parallel_loop3A_1432 : vector<1x1x16xf32> to vector<16xf32>
        %parallel_loop3A_1434 = vector.shape_cast %parallel_loop3A_1427 : vector<16xf32> to vector<1x1x16xf32>
        tpu.vector_store %arg15[%parallel_loop3A_1429, %parallel_loop3A_1430, %parallel_loop3A_1431], %parallel_loop3A_1434 {strides = array<i32>} : memref<2x16x128xf32, #tpu.memory_space<vmem>>, vector<1x1x16xf32>,
        %parallel_loop3A_1435 = arith.constant 1 : i32
        %parallel_loop3A_1436 = arith.index_cast %parallel_loop3A_1435 : i32 to index
        %parallel_loop3A_1437 = arith.index_cast %parallel_loop3A_1162 : i32 to index
        %parallel_loop3A_1438 = arith.constant 112 : index
        %parallel_loop3A_1439 = tpu.vector_load %arg13[%parallel_loop3A_1436, %parallel_loop3A_1437, %parallel_loop3A_1438] {strides = array<i32>} : memref<2x96x128xf32, #tpu.memory_space<vmem>>, vector<1x1x16xf32>,
        %parallel_loop3A_1440 = vector.shape_cast %parallel_loop3A_1439 : vector<1x1x16xf32> to vector<16xf32>
        %parallel_loop3A_1441 = arith.mulf %parallel_loop3A_1440, %parallel_loop3A_1418 : vector<16xf32>
        %parallel_loop3A_1442 = arith.constant 1 : i32
        %parallel_loop3A_1443 = arith.index_cast %parallel_loop3A_1442 : i32 to index
        %parallel_loop3A_1444 = arith.index_cast %parallel_loop3A_1162 : i32 to index
        %parallel_loop3A_1445 = arith.constant 48 : index
        %parallel_loop3A_1446 = tpu.vector_load %arg14[%parallel_loop3A_1443, %parallel_loop3A_1444, %parallel_loop3A_1445] {strides = array<i32>} : memref<2x32x128xf32, #tpu.memory_space<vmem>>, vector<1x1x16xf32>,
        %parallel_loop3A_1447 = vector.shape_cast %parallel_loop3A_1446 : vector<1x1x16xf32> to vector<16xf32>
        %parallel_loop3A_1448 = vector.shape_cast %parallel_loop3A_1441 : vector<16xf32> to vector<1x1x16xf32>
        tpu.vector_store %arg14[%parallel_loop3A_1443, %parallel_loop3A_1444, %parallel_loop3A_1445], %parallel_loop3A_1448 {strides = array<i32>} : memref<2x32x128xf32, #tpu.memory_space<vmem>>, vector<1x1x16xf32>,
        %parallel_loop3A_1449 = arith.constant 1 : i32
        %parallel_loop3A_1450 = arith.index_cast %parallel_loop3A_1449 : i32 to index
        %parallel_loop3A_1451 = arith.index_cast %parallel_loop3A_1162 : i32 to index
        %parallel_loop3A_1452 = arith.constant 112 : index
        %parallel_loop3A_1453 = tpu.vector_load %arg14[%parallel_loop3A_1450, %parallel_loop3A_1451, %parallel_loop3A_1452] {strides = array<i32>} : memref<2x32x128xf32, #tpu.memory_space<vmem>>, vector<1x1x16xf32>,
        %parallel_loop3A_1454 = vector.shape_cast %parallel_loop3A_1453 : vector<1x1x16xf32> to vector<16xf32>
        %parallel_loop3A_1455 = vector.shape_cast %parallel_loop3A_1418 : vector<16xf32> to vector<1x1x16xf32>
        tpu.vector_store %arg14[%parallel_loop3A_1450, %parallel_loop3A_1451, %parallel_loop3A_1452], %parallel_loop3A_1455 {strides = array<i32>} : memref<2x32x128xf32, #tpu.memory_space<vmem>>, vector<1x1x16xf32>,
        %parallel_loop3A_1456 = arith.addf %parallel_loop3A_1154, %parallel_loop3A_1427 : vector<16xf32>
        %parallel_loop3A_1457 = arith.mulf %parallel_loop3A_1427, %parallel_loop3A_1427 : vector<16xf32>
        %parallel_loop3A_1458 = arith.addf %parallel_loop3A_1158, %parallel_loop3A_1457 : vector<16xf32>
        %parallel_loop3A_1459 = arith.constant 2 : i32
        %parallel_loop3A_1460 = arith.muli %parallel_loop3A_1150, %parallel_loop3A_1459 : i32
        %parallel_loop3A_1461 = arith.constant 1 : i32
        %parallel_loop3A_1462 = arith.addi %parallel_loop3A_1460, %parallel_loop3A_1461 : i32
        %parallel_loop3A_1463 = arith.constant 1 : i32
        %parallel_loop3A_1464 = arith.index_cast %parallel_loop3A_1463 : i32 to index
        %parallel_loop3A_1465 = arith.index_cast %parallel_loop3A_1462 : i32 to index
        %parallel_loop3A_1466 = arith.constant 0 : index
        %parallel_loop3A_1467 = tpu.vector_load %arg13[%parallel_loop3A_1464, %parallel_loop3A_1465, %parallel_loop3A_1466] {strides = array<i32>} : memref<2x96x128xf32, #tpu.memory_space<vmem>>, vector<1x1x16xf32>,
        %parallel_loop3A_1468 = vector.shape_cast %parallel_loop3A_1467 : vector<1x1x16xf32> to vector<16xf32>
        %parallel_loop3A_1469 = arith.constant 32 : i32
        %parallel_loop3A_1470 = arith.addi %parallel_loop3A_1469, %parallel_loop3A_1462 : i32
        %parallel_loop3A_1471 = arith.constant 1 : i32
        %parallel_loop3A_1472 = arith.index_cast %parallel_loop3A_1471 : i32 to index
        %parallel_loop3A_1473 = arith.index_cast %parallel_loop3A_1470 : i32 to index
        %parallel_loop3A_1474 = arith.constant 0 : index
        %parallel_loop3A_1475 = tpu.vector_load %arg13[%parallel_loop3A_1472, %parallel_loop3A_1473, %parallel_loop3A_1474] {strides = array<i32>} : memref<2x96x128xf32, #tpu.memory_space<vmem>>, vector<1x1x16xf32>,
        %parallel_loop3A_1476 = vector.shape_cast %parallel_loop3A_1475 : vector<1x1x16xf32> to vector<16xf32>
        %parallel_loop3A_1477 = arith.addf %parallel_loop3A_1468, %parallel_loop3A_1476 : vector<16xf32>
        %parallel_loop3A_1478 = arith.constant 64 : i32
        %parallel_loop3A_1479 = arith.addi %parallel_loop3A_1478, %parallel_loop3A_1462 : i32
        %parallel_loop3A_1480 = arith.constant 1 : i32
        %parallel_loop3A_1481 = arith.index_cast %parallel_loop3A_1480 : i32 to index
        %parallel_loop3A_1482 = arith.index_cast %parallel_loop3A_1479 : i32 to index
        %parallel_loop3A_1483 = arith.constant 0 : index
        %parallel_loop3A_1484 = tpu.vector_load %arg13[%parallel_loop3A_1481, %parallel_loop3A_1482, %parallel_loop3A_1483] {strides = array<i32>} : memref<2x96x128xf32, #tpu.memory_space<vmem>>, vector<1x1x16xf32>,
        %parallel_loop3A_1485 = vector.shape_cast %parallel_loop3A_1484 : vector<1x1x16xf32> to vector<16xf32>
        %parallel_loop3A_1486 = arith.addf %parallel_loop3A_1477, %parallel_loop3A_1485 : vector<16xf32>
        %parallel_loop3A_1487 = arith.constant 0.000000e+00 : f32
        %parallel_loop3A_1488 = vector.broadcast %parallel_loop3A_1487 : f32 to vector<16xf32>
        %parallel_loop3A_1489 = arith.subf %parallel_loop3A_1488, %parallel_loop3A_1486 : vector<16xf32>
        %parallel_loop3A_1490 = math.exp %parallel_loop3A_1489 : vector<16xf32>
        %parallel_loop3A_1491 = arith.constant 1.000000e+00 : f32
        %parallel_loop3A_1492 = vector.broadcast %parallel_loop3A_1491 : f32 to vector<16xf32>
        %parallel_loop3A_1493 = arith.addf %parallel_loop3A_1492, %parallel_loop3A_1490 : vector<16xf32>
        %parallel_loop3A_1494 = arith.constant 1.000000e+00 : f32
        %parallel_loop3A_1495 = vector.broadcast %parallel_loop3A_1494 : f32 to vector<16xf32>
        %parallel_loop3A_1496 = arith.divf %parallel_loop3A_1495, %parallel_loop3A_1493 : vector<16xf32>
        %parallel_loop3A_1497 = arith.constant 64 : i32
        %parallel_loop3A_1498 = arith.addi %parallel_loop3A_1497, %parallel_loop3A_1462 : i32
        %parallel_loop3A_1499 = arith.constant 1 : i32
        %parallel_loop3A_1500 = arith.index_cast %parallel_loop3A_1499 : i32 to index
        %parallel_loop3A_1501 = arith.index_cast %parallel_loop3A_1498 : i32 to index
        %parallel_loop3A_1502 = arith.constant 64 : index
        %parallel_loop3A_1503 = tpu.vector_load %arg13[%parallel_loop3A_1500, %parallel_loop3A_1501, %parallel_loop3A_1502] {strides = array<i32>} : memref<2x96x128xf32, #tpu.memory_space<vmem>>, vector<1x1x16xf32>,
        %parallel_loop3A_1504 = vector.shape_cast %parallel_loop3A_1503 : vector<1x1x16xf32> to vector<16xf32>
        %parallel_loop3A_1505 = arith.addf %parallel_loop3A_1486, %parallel_loop3A_1504 : vector<16xf32>
        %parallel_loop3A_1506 = arith.constant 1 : i32
        %parallel_loop3A_1507 = arith.index_cast %parallel_loop3A_1506 : i32 to index
        %parallel_loop3A_1508 = arith.index_cast %parallel_loop3A_1150 : i32 to index
        %parallel_loop3A_1509 = arith.constant 64 : index
        %parallel_loop3A_1510 = tpu.vector_load %arg15[%parallel_loop3A_1507, %parallel_loop3A_1508, %parallel_loop3A_1509] {strides = array<i32>} : memref<2x16x128xf32, #tpu.memory_space<vmem>>, vector<1x1x16xf32>,
        %parallel_loop3A_1511 = vector.shape_cast %parallel_loop3A_1510 : vector<1x1x16xf32> to vector<16xf32>
        %parallel_loop3A_1512 = vector.shape_cast %parallel_loop3A_1505 : vector<16xf32> to vector<1x1x16xf32>
        tpu.vector_store %arg15[%parallel_loop3A_1507, %parallel_loop3A_1508, %parallel_loop3A_1509], %parallel_loop3A_1512 {strides = array<i32>} : memref<2x16x128xf32, #tpu.memory_space<vmem>>, vector<1x1x16xf32>,
        %parallel_loop3A_1513 = arith.constant 1 : i32
        %parallel_loop3A_1514 = arith.index_cast %parallel_loop3A_1513 : i32 to index
        %parallel_loop3A_1515 = arith.index_cast %parallel_loop3A_1462 : i32 to index
        %parallel_loop3A_1516 = arith.constant 64 : index
        %parallel_loop3A_1517 = tpu.vector_load %arg13[%parallel_loop3A_1514, %parallel_loop3A_1515, %parallel_loop3A_1516] {strides = array<i32>} : memref<2x96x128xf32, #tpu.memory_space<vmem>>, vector<1x1x16xf32>,
        %parallel_loop3A_1518 = vector.shape_cast %parallel_loop3A_1517 : vector<1x1x16xf32> to vector<16xf32>
        %parallel_loop3A_1519 = arith.mulf %parallel_loop3A_1518, %parallel_loop3A_1496 : vector<16xf32>
        %parallel_loop3A_1520 = arith.constant 1 : i32
        %parallel_loop3A_1521 = arith.index_cast %parallel_loop3A_1520 : i32 to index
        %parallel_loop3A_1522 = arith.index_cast %parallel_loop3A_1462 : i32 to index
        %parallel_loop3A_1523 = arith.constant 0 : index
        %parallel_loop3A_1524 = tpu.vector_load %arg14[%parallel_loop3A_1521, %parallel_loop3A_1522, %parallel_loop3A_1523] {strides = array<i32>} : memref<2x32x128xf32, #tpu.memory_space<vmem>>, vector<1x1x16xf32>,
        %parallel_loop3A_1525 = vector.shape_cast %parallel_loop3A_1524 : vector<1x1x16xf32> to vector<16xf32>
        %parallel_loop3A_1526 = vector.shape_cast %parallel_loop3A_1519 : vector<16xf32> to vector<1x1x16xf32>
        tpu.vector_store %arg14[%parallel_loop3A_1521, %parallel_loop3A_1522, %parallel_loop3A_1523], %parallel_loop3A_1526 {strides = array<i32>} : memref<2x32x128xf32, #tpu.memory_space<vmem>>, vector<1x1x16xf32>,
        %parallel_loop3A_1527 = arith.constant 1 : i32
        %parallel_loop3A_1528 = arith.index_cast %parallel_loop3A_1527 : i32 to index
        %parallel_loop3A_1529 = arith.index_cast %parallel_loop3A_1462 : i32 to index
        %parallel_loop3A_1530 = arith.constant 64 : index
        %parallel_loop3A_1531 = tpu.vector_load %arg14[%parallel_loop3A_1528, %parallel_loop3A_1529, %parallel_loop3A_1530] {strides = array<i32>} : memref<2x32x128xf32, #tpu.memory_space<vmem>>, vector<1x1x16xf32>,
        %parallel_loop3A_1532 = vector.shape_cast %parallel_loop3A_1531 : vector<1x1x16xf32> to vector<16xf32>
        %parallel_loop3A_1533 = vector.shape_cast %parallel_loop3A_1496 : vector<16xf32> to vector<1x1x16xf32>
        tpu.vector_store %arg14[%parallel_loop3A_1528, %parallel_loop3A_1529, %parallel_loop3A_1530], %parallel_loop3A_1533 {strides = array<i32>} : memref<2x32x128xf32, #tpu.memory_space<vmem>>, vector<1x1x16xf32>,
        %parallel_loop3A_1534 = arith.addf %parallel_loop3A_1234, %parallel_loop3A_1505 : vector<16xf32>
        %parallel_loop3A_1535 = arith.mulf %parallel_loop3A_1505, %parallel_loop3A_1505 : vector<16xf32>
        %parallel_loop3A_1536 = arith.addf %parallel_loop3A_1236, %parallel_loop3A_1535 : vector<16xf32>
        %parallel_loop3A_1537 = arith.constant 1 : i32
        %parallel_loop3A_1538 = arith.index_cast %parallel_loop3A_1537 : i32 to index
        %parallel_loop3A_1539 = arith.index_cast %parallel_loop3A_1462 : i32 to index
        %parallel_loop3A_1540 = arith.constant 16 : index
        %parallel_loop3A_1541 = tpu.vector_load %arg13[%parallel_loop3A_1538, %parallel_loop3A_1539, %parallel_loop3A_1540] {strides = array<i32>} : memref<2x96x128xf32, #tpu.memory_space<vmem>>, vector<1x1x16xf32>,
        %parallel_loop3A_1542 = vector.shape_cast %parallel_loop3A_1541 : vector<1x1x16xf32> to vector<16xf32>
        %parallel_loop3A_1543 = arith.constant 32 : i32
        %parallel_loop3A_1544 = arith.addi %parallel_loop3A_1543, %parallel_loop3A_1462 : i32
        %parallel_loop3A_1545 = arith.constant 1 : i32
        %parallel_loop3A_1546 = arith.index_cast %parallel_loop3A_1545 : i32 to index
        %parallel_loop3A_1547 = arith.index_cast %parallel_loop3A_1544 : i32 to index
        %parallel_loop3A_1548 = arith.constant 16 : index
        %parallel_loop3A_1549 = tpu.vector_load %arg13[%parallel_loop3A_1546, %parallel_loop3A_1547, %parallel_loop3A_1548] {strides = array<i32>} : memref<2x96x128xf32, #tpu.memory_space<vmem>>, vector<1x1x16xf32>,
        %parallel_loop3A_1550 = vector.shape_cast %parallel_loop3A_1549 : vector<1x1x16xf32> to vector<16xf32>
        %parallel_loop3A_1551 = arith.addf %parallel_loop3A_1542, %parallel_loop3A_1550 : vector<16xf32>
        %parallel_loop3A_1552 = arith.constant 64 : i32
        %parallel_loop3A_1553 = arith.addi %parallel_loop3A_1552, %parallel_loop3A_1462 : i32
        %parallel_loop3A_1554 = arith.constant 1 : i32
        %parallel_loop3A_1555 = arith.index_cast %parallel_loop3A_1554 : i32 to index
        %parallel_loop3A_1556 = arith.index_cast %parallel_loop3A_1553 : i32 to index
        %parallel_loop3A_1557 = arith.constant 16 : index
        %parallel_loop3A_1558 = tpu.vector_load %arg13[%parallel_loop3A_1555, %parallel_loop3A_1556, %parallel_loop3A_1557] {strides = array<i32>} : memref<2x96x128xf32, #tpu.memory_space<vmem>>, vector<1x1x16xf32>,
        %parallel_loop3A_1559 = vector.shape_cast %parallel_loop3A_1558 : vector<1x1x16xf32> to vector<16xf32>
        %parallel_loop3A_1560 = arith.addf %parallel_loop3A_1551, %parallel_loop3A_1559 : vector<16xf32>
        %parallel_loop3A_1561 = arith.constant 0.000000e+00 : f32
        %parallel_loop3A_1562 = vector.broadcast %parallel_loop3A_1561 : f32 to vector<16xf32>
        %parallel_loop3A_1563 = arith.subf %parallel_loop3A_1562, %parallel_loop3A_1560 : vector<16xf32>
        %parallel_loop3A_1564 = math.exp %parallel_loop3A_1563 : vector<16xf32>
        %parallel_loop3A_1565 = arith.constant 1.000000e+00 : f32
        %parallel_loop3A_1566 = vector.broadcast %parallel_loop3A_1565 : f32 to vector<16xf32>
        %parallel_loop3A_1567 = arith.addf %parallel_loop3A_1566, %parallel_loop3A_1564 : vector<16xf32>
        %parallel_loop3A_1568 = arith.constant 1.000000e+00 : f32
        %parallel_loop3A_1569 = vector.broadcast %parallel_loop3A_1568 : f32 to vector<16xf32>
        %parallel_loop3A_1570 = arith.divf %parallel_loop3A_1569, %parallel_loop3A_1567 : vector<16xf32>
        %parallel_loop3A_1571 = arith.constant 64 : i32
        %parallel_loop3A_1572 = arith.addi %parallel_loop3A_1571, %parallel_loop3A_1462 : i32
        %parallel_loop3A_1573 = arith.constant 1 : i32
        %parallel_loop3A_1574 = arith.index_cast %parallel_loop3A_1573 : i32 to index
        %parallel_loop3A_1575 = arith.index_cast %parallel_loop3A_1572 : i32 to index
        %parallel_loop3A_1576 = arith.constant 80 : index
        %parallel_loop3A_1577 = tpu.vector_load %arg13[%parallel_loop3A_1574, %parallel_loop3A_1575, %parallel_loop3A_1576] {strides = array<i32>} : memref<2x96x128xf32, #tpu.memory_space<vmem>>, vector<1x1x16xf32>,
        %parallel_loop3A_1578 = vector.shape_cast %parallel_loop3A_1577 : vector<1x1x16xf32> to vector<16xf32>
        %parallel_loop3A_1579 = arith.addf %parallel_loop3A_1560, %parallel_loop3A_1578 : vector<16xf32>
        %parallel_loop3A_1580 = arith.constant 1 : i32
        %parallel_loop3A_1581 = arith.index_cast %parallel_loop3A_1580 : i32 to index
        %parallel_loop3A_1582 = arith.index_cast %parallel_loop3A_1150 : i32 to index
        %parallel_loop3A_1583 = arith.constant 80 : index
        %parallel_loop3A_1584 = tpu.vector_load %arg15[%parallel_loop3A_1581, %parallel_loop3A_1582, %parallel_loop3A_1583] {strides = array<i32>} : memref<2x16x128xf32, #tpu.memory_space<vmem>>, vector<1x1x16xf32>,
        %parallel_loop3A_1585 = vector.shape_cast %parallel_loop3A_1584 : vector<1x1x16xf32> to vector<16xf32>
        %parallel_loop3A_1586 = vector.shape_cast %parallel_loop3A_1579 : vector<16xf32> to vector<1x1x16xf32>
        tpu.vector_store %arg15[%parallel_loop3A_1581, %parallel_loop3A_1582, %parallel_loop3A_1583], %parallel_loop3A_1586 {strides = array<i32>} : memref<2x16x128xf32, #tpu.memory_space<vmem>>, vector<1x1x16xf32>,
        %parallel_loop3A_1587 = arith.constant 1 : i32
        %parallel_loop3A_1588 = arith.index_cast %parallel_loop3A_1587 : i32 to index
        %parallel_loop3A_1589 = arith.index_cast %parallel_loop3A_1462 : i32 to index
        %parallel_loop3A_1590 = arith.constant 80 : index
        %parallel_loop3A_1591 = tpu.vector_load %arg13[%parallel_loop3A_1588, %parallel_loop3A_1589, %parallel_loop3A_1590] {strides = array<i32>} : memref<2x96x128xf32, #tpu.memory_space<vmem>>, vector<1x1x16xf32>,
        %parallel_loop3A_1592 = vector.shape_cast %parallel_loop3A_1591 : vector<1x1x16xf32> to vector<16xf32>
        %parallel_loop3A_1593 = arith.mulf %parallel_loop3A_1592, %parallel_loop3A_1570 : vector<16xf32>
        %parallel_loop3A_1594 = arith.constant 1 : i32
        %parallel_loop3A_1595 = arith.index_cast %parallel_loop3A_1594 : i32 to index
        %parallel_loop3A_1596 = arith.index_cast %parallel_loop3A_1462 : i32 to index
        %parallel_loop3A_1597 = arith.constant 16 : index
        %parallel_loop3A_1598 = tpu.vector_load %arg14[%parallel_loop3A_1595, %parallel_loop3A_1596, %parallel_loop3A_1597] {strides = array<i32>} : memref<2x32x128xf32, #tpu.memory_space<vmem>>, vector<1x1x16xf32>,
        %parallel_loop3A_1599 = vector.shape_cast %parallel_loop3A_1598 : vector<1x1x16xf32> to vector<16xf32>
        %parallel_loop3A_1600 = vector.shape_cast %parallel_loop3A_1593 : vector<16xf32> to vector<1x1x16xf32>
        tpu.vector_store %arg14[%parallel_loop3A_1595, %parallel_loop3A_1596, %parallel_loop3A_1597], %parallel_loop3A_1600 {strides = array<i32>} : memref<2x32x128xf32, #tpu.memory_space<vmem>>, vector<1x1x16xf32>,
        %parallel_loop3A_1601 = arith.constant 1 : i32
        %parallel_loop3A_1602 = arith.index_cast %parallel_loop3A_1601 : i32 to index
        %parallel_loop3A_1603 = arith.index_cast %parallel_loop3A_1462 : i32 to index
        %parallel_loop3A_1604 = arith.constant 80 : index
        %parallel_loop3A_1605 = tpu.vector_load %arg14[%parallel_loop3A_1602, %parallel_loop3A_1603, %parallel_loop3A_1604] {strides = array<i32>} : memref<2x32x128xf32, #tpu.memory_space<vmem>>, vector<1x1x16xf32>,
        %parallel_loop3A_1606 = vector.shape_cast %parallel_loop3A_1605 : vector<1x1x16xf32> to vector<16xf32>
        %parallel_loop3A_1607 = vector.shape_cast %parallel_loop3A_1570 : vector<16xf32> to vector<1x1x16xf32>
        tpu.vector_store %arg14[%parallel_loop3A_1602, %parallel_loop3A_1603, %parallel_loop3A_1604], %parallel_loop3A_1607 {strides = array<i32>} : memref<2x32x128xf32, #tpu.memory_space<vmem>>, vector<1x1x16xf32>,
        %parallel_loop3A_1608 = arith.addf %parallel_loop3A_1308, %parallel_loop3A_1579 : vector<16xf32>
        %parallel_loop3A_1609 = arith.mulf %parallel_loop3A_1579, %parallel_loop3A_1579 : vector<16xf32>
        %parallel_loop3A_1610 = arith.addf %parallel_loop3A_1310, %parallel_loop3A_1609 : vector<16xf32>
        %parallel_loop3A_1611 = arith.constant 1 : i32
        %parallel_loop3A_1612 = arith.index_cast %parallel_loop3A_1611 : i32 to index
        %parallel_loop3A_1613 = arith.index_cast %parallel_loop3A_1462 : i32 to index
        %parallel_loop3A_1614 = arith.constant 32 : index
        %parallel_loop3A_1615 = tpu.vector_load %arg13[%parallel_loop3A_1612, %parallel_loop3A_1613, %parallel_loop3A_1614] {strides = array<i32>} : memref<2x96x128xf32, #tpu.memory_space<vmem>>, vector<1x1x16xf32>,
        %parallel_loop3A_1616 = vector.shape_cast %parallel_loop3A_1615 : vector<1x1x16xf32> to vector<16xf32>
        %parallel_loop3A_1617 = arith.constant 32 : i32
        %parallel_loop3A_1618 = arith.addi %parallel_loop3A_1617, %parallel_loop3A_1462 : i32
        %parallel_loop3A_1619 = arith.constant 1 : i32
        %parallel_loop3A_1620 = arith.index_cast %parallel_loop3A_1619 : i32 to index
        %parallel_loop3A_1621 = arith.index_cast %parallel_loop3A_1618 : i32 to index
        %parallel_loop3A_1622 = arith.constant 32 : index
        %parallel_loop3A_1623 = tpu.vector_load %arg13[%parallel_loop3A_1620, %parallel_loop3A_1621, %parallel_loop3A_1622] {strides = array<i32>} : memref<2x96x128xf32, #tpu.memory_space<vmem>>, vector<1x1x16xf32>,
        %parallel_loop3A_1624 = vector.shape_cast %parallel_loop3A_1623 : vector<1x1x16xf32> to vector<16xf32>
        %parallel_loop3A_1625 = arith.addf %parallel_loop3A_1616, %parallel_loop3A_1624 : vector<16xf32>
        %parallel_loop3A_1626 = arith.constant 64 : i32
        %parallel_loop3A_1627 = arith.addi %parallel_loop3A_1626, %parallel_loop3A_1462 : i32
        %parallel_loop3A_1628 = arith.constant 1 : i32
        %parallel_loop3A_1629 = arith.index_cast %parallel_loop3A_1628 : i32 to index
        %parallel_loop3A_1630 = arith.index_cast %parallel_loop3A_1627 : i32 to index
        %parallel_loop3A_1631 = arith.constant 32 : index
        %parallel_loop3A_1632 = tpu.vector_load %arg13[%parallel_loop3A_1629, %parallel_loop3A_1630, %parallel_loop3A_1631] {strides = array<i32>} : memref<2x96x128xf32, #tpu.memory_space<vmem>>, vector<1x1x16xf32>,
        %parallel_loop3A_1633 = vector.shape_cast %parallel_loop3A_1632 : vector<1x1x16xf32> to vector<16xf32>
        %parallel_loop3A_1634 = arith.addf %parallel_loop3A_1625, %parallel_loop3A_1633 : vector<16xf32>
        %parallel_loop3A_1635 = arith.constant 0.000000e+00 : f32
        %parallel_loop3A_1636 = vector.broadcast %parallel_loop3A_1635 : f32 to vector<16xf32>
        %parallel_loop3A_1637 = arith.subf %parallel_loop3A_1636, %parallel_loop3A_1634 : vector<16xf32>
        %parallel_loop3A_1638 = math.exp %parallel_loop3A_1637 : vector<16xf32>
        %parallel_loop3A_1639 = arith.constant 1.000000e+00 : f32
        %parallel_loop3A_1640 = vector.broadcast %parallel_loop3A_1639 : f32 to vector<16xf32>
        %parallel_loop3A_1641 = arith.addf %parallel_loop3A_1640, %parallel_loop3A_1638 : vector<16xf32>
        %parallel_loop3A_1642 = arith.constant 1.000000e+00 : f32
        %parallel_loop3A_1643 = vector.broadcast %parallel_loop3A_1642 : f32 to vector<16xf32>
        %parallel_loop3A_1644 = arith.divf %parallel_loop3A_1643, %parallel_loop3A_1641 : vector<16xf32>
        %parallel_loop3A_1645 = arith.constant 64 : i32
        %parallel_loop3A_1646 = arith.addi %parallel_loop3A_1645, %parallel_loop3A_1462 : i32
        %parallel_loop3A_1647 = arith.constant 1 : i32
        %parallel_loop3A_1648 = arith.index_cast %parallel_loop3A_1647 : i32 to index
        %parallel_loop3A_1649 = arith.index_cast %parallel_loop3A_1646 : i32 to index
        %parallel_loop3A_1650 = arith.constant 96 : index
        %parallel_loop3A_1651 = tpu.vector_load %arg13[%parallel_loop3A_1648, %parallel_loop3A_1649, %parallel_loop3A_1650] {strides = array<i32>} : memref<2x96x128xf32, #tpu.memory_space<vmem>>, vector<1x1x16xf32>,
        %parallel_loop3A_1652 = vector.shape_cast %parallel_loop3A_1651 : vector<1x1x16xf32> to vector<16xf32>
        %parallel_loop3A_1653 = arith.addf %parallel_loop3A_1634, %parallel_loop3A_1652 : vector<16xf32>
        %parallel_loop3A_1654 = arith.constant 1 : i32
        %parallel_loop3A_1655 = arith.index_cast %parallel_loop3A_1654 : i32 to index
        %parallel_loop3A_1656 = arith.index_cast %parallel_loop3A_1150 : i32 to index
        %parallel_loop3A_1657 = arith.constant 96 : index
        %parallel_loop3A_1658 = tpu.vector_load %arg15[%parallel_loop3A_1655, %parallel_loop3A_1656, %parallel_loop3A_1657] {strides = array<i32>} : memref<2x16x128xf32, #tpu.memory_space<vmem>>, vector<1x1x16xf32>,
        %parallel_loop3A_1659 = vector.shape_cast %parallel_loop3A_1658 : vector<1x1x16xf32> to vector<16xf32>
        %parallel_loop3A_1660 = vector.shape_cast %parallel_loop3A_1653 : vector<16xf32> to vector<1x1x16xf32>
        tpu.vector_store %arg15[%parallel_loop3A_1655, %parallel_loop3A_1656, %parallel_loop3A_1657], %parallel_loop3A_1660 {strides = array<i32>} : memref<2x16x128xf32, #tpu.memory_space<vmem>>, vector<1x1x16xf32>,
        %parallel_loop3A_1661 = arith.constant 1 : i32
        %parallel_loop3A_1662 = arith.index_cast %parallel_loop3A_1661 : i32 to index
        %parallel_loop3A_1663 = arith.index_cast %parallel_loop3A_1462 : i32 to index
        %parallel_loop3A_1664 = arith.constant 96 : index
        %parallel_loop3A_1665 = tpu.vector_load %arg13[%parallel_loop3A_1662, %parallel_loop3A_1663, %parallel_loop3A_1664] {strides = array<i32>} : memref<2x96x128xf32, #tpu.memory_space<vmem>>, vector<1x1x16xf32>,
        %parallel_loop3A_1666 = vector.shape_cast %parallel_loop3A_1665 : vector<1x1x16xf32> to vector<16xf32>
        %parallel_loop3A_1667 = arith.mulf %parallel_loop3A_1666, %parallel_loop3A_1644 : vector<16xf32>
        %parallel_loop3A_1668 = arith.constant 1 : i32
        %parallel_loop3A_1669 = arith.index_cast %parallel_loop3A_1668 : i32 to index
        %parallel_loop3A_1670 = arith.index_cast %parallel_loop3A_1462 : i32 to index
        %parallel_loop3A_1671 = arith.constant 32 : index
        %parallel_loop3A_1672 = tpu.vector_load %arg14[%parallel_loop3A_1669, %parallel_loop3A_1670, %parallel_loop3A_1671] {strides = array<i32>} : memref<2x32x128xf32, #tpu.memory_space<vmem>>, vector<1x1x16xf32>,
        %parallel_loop3A_1673 = vector.shape_cast %parallel_loop3A_1672 : vector<1x1x16xf32> to vector<16xf32>
        %parallel_loop3A_1674 = vector.shape_cast %parallel_loop3A_1667 : vector<16xf32> to vector<1x1x16xf32>
        tpu.vector_store %arg14[%parallel_loop3A_1669, %parallel_loop3A_1670, %parallel_loop3A_1671], %parallel_loop3A_1674 {strides = array<i32>} : memref<2x32x128xf32, #tpu.memory_space<vmem>>, vector<1x1x16xf32>,
        %parallel_loop3A_1675 = arith.constant 1 : i32
        %parallel_loop3A_1676 = arith.index_cast %parallel_loop3A_1675 : i32 to index
        %parallel_loop3A_1677 = arith.index_cast %parallel_loop3A_1462 : i32 to index
        %parallel_loop3A_1678 = arith.constant 96 : index
        %parallel_loop3A_1679 = tpu.vector_load %arg14[%parallel_loop3A_1676, %parallel_loop3A_1677, %parallel_loop3A_1678] {strides = array<i32>} : memref<2x32x128xf32, #tpu.memory_space<vmem>>, vector<1x1x16xf32>,
        %parallel_loop3A_1680 = vector.shape_cast %parallel_loop3A_1679 : vector<1x1x16xf32> to vector<16xf32>
        %parallel_loop3A_1681 = vector.shape_cast %parallel_loop3A_1644 : vector<16xf32> to vector<1x1x16xf32>
        tpu.vector_store %arg14[%parallel_loop3A_1676, %parallel_loop3A_1677, %parallel_loop3A_1678], %parallel_loop3A_1681 {strides = array<i32>} : memref<2x32x128xf32, #tpu.memory_space<vmem>>, vector<1x1x16xf32>,
        %parallel_loop3A_1682 = arith.addf %parallel_loop3A_1382, %parallel_loop3A_1653 : vector<16xf32>
        %parallel_loop3A_1683 = arith.mulf %parallel_loop3A_1653, %parallel_loop3A_1653 : vector<16xf32>
        %parallel_loop3A_1684 = arith.addf %parallel_loop3A_1384, %parallel_loop3A_1683 : vector<16xf32>
        %parallel_loop3A_1685 = arith.constant 1 : i32
        %parallel_loop3A_1686 = arith.index_cast %parallel_loop3A_1685 : i32 to index
        %parallel_loop3A_1687 = arith.index_cast %parallel_loop3A_1462 : i32 to index
        %parallel_loop3A_1688 = arith.constant 48 : index
        %parallel_loop3A_1689 = tpu.vector_load %arg13[%parallel_loop3A_1686, %parallel_loop3A_1687, %parallel_loop3A_1688] {strides = array<i32>} : memref<2x96x128xf32, #tpu.memory_space<vmem>>, vector<1x1x16xf32>,
        %parallel_loop3A_1690 = vector.shape_cast %parallel_loop3A_1689 : vector<1x1x16xf32> to vector<16xf32>
        %parallel_loop3A_1691 = arith.constant 32 : i32
        %parallel_loop3A_1692 = arith.addi %parallel_loop3A_1691, %parallel_loop3A_1462 : i32
        %parallel_loop3A_1693 = arith.constant 1 : i32
        %parallel_loop3A_1694 = arith.index_cast %parallel_loop3A_1693 : i32 to index
        %parallel_loop3A_1695 = arith.index_cast %parallel_loop3A_1692 : i32 to index
        %parallel_loop3A_1696 = arith.constant 48 : index
        %parallel_loop3A_1697 = tpu.vector_load %arg13[%parallel_loop3A_1694, %parallel_loop3A_1695, %parallel_loop3A_1696] {strides = array<i32>} : memref<2x96x128xf32, #tpu.memory_space<vmem>>, vector<1x1x16xf32>,
        %parallel_loop3A_1698 = vector.shape_cast %parallel_loop3A_1697 : vector<1x1x16xf32> to vector<16xf32>
        %parallel_loop3A_1699 = arith.addf %parallel_loop3A_1690, %parallel_loop3A_1698 : vector<16xf32>
        %parallel_loop3A_1700 = arith.constant 64 : i32
        %parallel_loop3A_1701 = arith.addi %parallel_loop3A_1700, %parallel_loop3A_1462 : i32
        %parallel_loop3A_1702 = arith.constant 1 : i32
        %parallel_loop3A_1703 = arith.index_cast %parallel_loop3A_1702 : i32 to index
        %parallel_loop3A_1704 = arith.index_cast %parallel_loop3A_1701 : i32 to index
        %parallel_loop3A_1705 = arith.constant 48 : index
        %parallel_loop3A_1706 = tpu.vector_load %arg13[%parallel_loop3A_1703, %parallel_loop3A_1704, %parallel_loop3A_1705] {strides = array<i32>} : memref<2x96x128xf32, #tpu.memory_space<vmem>>, vector<1x1x16xf32>,
        %parallel_loop3A_1707 = vector.shape_cast %parallel_loop3A_1706 : vector<1x1x16xf32> to vector<16xf32>
        %parallel_loop3A_1708 = arith.addf %parallel_loop3A_1699, %parallel_loop3A_1707 : vector<16xf32>
        %parallel_loop3A_1709 = arith.constant 0.000000e+00 : f32
        %parallel_loop3A_1710 = vector.broadcast %parallel_loop3A_1709 : f32 to vector<16xf32>
        %parallel_loop3A_1711 = arith.subf %parallel_loop3A_1710, %parallel_loop3A_1708 : vector<16xf32>
        %parallel_loop3A_1712 = math.exp %parallel_loop3A_1711 : vector<16xf32>
        %parallel_loop3A_1713 = arith.constant 1.000000e+00 : f32
        %parallel_loop3A_1714 = vector.broadcast %parallel_loop3A_1713 : f32 to vector<16xf32>
        %parallel_loop3A_1715 = arith.addf %parallel_loop3A_1714, %parallel_loop3A_1712 : vector<16xf32>
        %parallel_loop3A_1716 = arith.constant 1.000000e+00 : f32
        %parallel_loop3A_1717 = vector.broadcast %parallel_loop3A_1716 : f32 to vector<16xf32>
        %parallel_loop3A_1718 = arith.divf %parallel_loop3A_1717, %parallel_loop3A_1715 : vector<16xf32>
        %parallel_loop3A_1719 = arith.constant 64 : i32
        %parallel_loop3A_1720 = arith.addi %parallel_loop3A_1719, %parallel_loop3A_1462 : i32
        %parallel_loop3A_1721 = arith.constant 1 : i32
        %parallel_loop3A_1722 = arith.index_cast %parallel_loop3A_1721 : i32 to index
        %parallel_loop3A_1723 = arith.index_cast %parallel_loop3A_1720 : i32 to index
        %parallel_loop3A_1724 = arith.constant 112 : index
        %parallel_loop3A_1725 = tpu.vector_load %arg13[%parallel_loop3A_1722, %parallel_loop3A_1723, %parallel_loop3A_1724] {strides = array<i32>} : memref<2x96x128xf32, #tpu.memory_space<vmem>>, vector<1x1x16xf32>,
        %parallel_loop3A_1726 = vector.shape_cast %parallel_loop3A_1725 : vector<1x1x16xf32> to vector<16xf32>
        %parallel_loop3A_1727 = arith.addf %parallel_loop3A_1708, %parallel_loop3A_1726 : vector<16xf32>
        %parallel_loop3A_1728 = arith.constant 1 : i32
        %parallel_loop3A_1729 = arith.index_cast %parallel_loop3A_1728 : i32 to index
        %parallel_loop3A_1730 = arith.index_cast %parallel_loop3A_1150 : i32 to index
        %parallel_loop3A_1731 = arith.constant 112 : index
        %parallel_loop3A_1732 = tpu.vector_load %arg15[%parallel_loop3A_1729, %parallel_loop3A_1730, %parallel_loop3A_1731] {strides = array<i32>} : memref<2x16x128xf32, #tpu.memory_space<vmem>>, vector<1x1x16xf32>,
        %parallel_loop3A_1733 = vector.shape_cast %parallel_loop3A_1732 : vector<1x1x16xf32> to vector<16xf32>
        %parallel_loop3A_1734 = vector.shape_cast %parallel_loop3A_1727 : vector<16xf32> to vector<1x1x16xf32>
        tpu.vector_store %arg15[%parallel_loop3A_1729, %parallel_loop3A_1730, %parallel_loop3A_1731], %parallel_loop3A_1734 {strides = array<i32>} : memref<2x16x128xf32, #tpu.memory_space<vmem>>, vector<1x1x16xf32>,
        %parallel_loop3A_1735 = arith.constant 1 : i32
        %parallel_loop3A_1736 = arith.index_cast %parallel_loop3A_1735 : i32 to index
        %parallel_loop3A_1737 = arith.index_cast %parallel_loop3A_1462 : i32 to index
        %parallel_loop3A_1738 = arith.constant 112 : index
        %parallel_loop3A_1739 = tpu.vector_load %arg13[%parallel_loop3A_1736, %parallel_loop3A_1737, %parallel_loop3A_1738] {strides = array<i32>} : memref<2x96x128xf32, #tpu.memory_space<vmem>>, vector<1x1x16xf32>,
        %parallel_loop3A_1740 = vector.shape_cast %parallel_loop3A_1739 : vector<1x1x16xf32> to vector<16xf32>
        %parallel_loop3A_1741 = arith.mulf %parallel_loop3A_1740, %parallel_loop3A_1718 : vector<16xf32>
        %parallel_loop3A_1742 = arith.constant 1 : i32
        %parallel_loop3A_1743 = arith.index_cast %parallel_loop3A_1742 : i32 to index
        %parallel_loop3A_1744 = arith.index_cast %parallel_loop3A_1462 : i32 to index
        %parallel_loop3A_1745 = arith.constant 48 : index
        %parallel_loop3A_1746 = tpu.vector_load %arg14[%parallel_loop3A_1743, %parallel_loop3A_1744, %parallel_loop3A_1745] {strides = array<i32>} : memref<2x32x128xf32, #tpu.memory_space<vmem>>, vector<1x1x16xf32>,
        %parallel_loop3A_1747 = vector.shape_cast %parallel_loop3A_1746 : vector<1x1x16xf32> to vector<16xf32>
        %parallel_loop3A_1748 = vector.shape_cast %parallel_loop3A_1741 : vector<16xf32> to vector<1x1x16xf32>
        tpu.vector_store %arg14[%parallel_loop3A_1743, %parallel_loop3A_1744, %parallel_loop3A_1745], %parallel_loop3A_1748 {strides = array<i32>} : memref<2x32x128xf32, #tpu.memory_space<vmem>>, vector<1x1x16xf32>,
        %parallel_loop3A_1749 = arith.constant 1 : i32
        %parallel_loop3A_1750 = arith.index_cast %parallel_loop3A_1749 : i32 to index
        %parallel_loop3A_1751 = arith.index_cast %parallel_loop3A_1462 : i32 to index
        %parallel_loop3A_1752 = arith.constant 112 : index
        %parallel_loop3A_1753 = tpu.vector_load %arg14[%parallel_loop3A_1750, %parallel_loop3A_1751, %parallel_loop3A_1752] {strides = array<i32>} : memref<2x32x128xf32, #tpu.memory_space<vmem>>, vector<1x1x16xf32>,
        %parallel_loop3A_1754 = vector.shape_cast %parallel_loop3A_1753 : vector<1x1x16xf32> to vector<16xf32>
        %parallel_loop3A_1755 = vector.shape_cast %parallel_loop3A_1718 : vector<16xf32> to vector<1x1x16xf32>
        tpu.vector_store %arg14[%parallel_loop3A_1750, %parallel_loop3A_1751, %parallel_loop3A_1752], %parallel_loop3A_1755 {strides = array<i32>} : memref<2x32x128xf32, #tpu.memory_space<vmem>>, vector<1x1x16xf32>,
        %parallel_loop3A_1756 = arith.addf %parallel_loop3A_1456, %parallel_loop3A_1727 : vector<16xf32>
        %parallel_loop3A_1757 = arith.mulf %parallel_loop3A_1727, %parallel_loop3A_1727 : vector<16xf32>
        %parallel_loop3A_1758 = arith.addf %parallel_loop3A_1458, %parallel_loop3A_1757 : vector<16xf32>
        scf.yield %parallel_loop3A_1534, %parallel_loop3A_1608, %parallel_loop3A_1682, %parallel_loop3A_1756, %parallel_loop3A_1536, %parallel_loop3A_1610, %parallel_loop3A_1684, %parallel_loop3A_1758 : vector<16xf32>, vector<16xf32>, vector<16xf32>, vector<16xf32>, vector<16xf32>, vector<16xf32>, vector<16xf32>, vector<16xf32>
      } {sc.loop_unroll_factor = 4 : i64, sc.parallel_access}
      %add3A_1029 = arith.constant 0 : i32
      %add3A_1030 = arith.addi %multiple_of3A, %add3A_1029 : i32
      %swap3A_1031 = arith.constant 0 : i32
      %swap3A_1032 = arith.index_cast %swap3A_1031 : i32 to index
      %swap3A_1033 = arith.index_cast %add3A_1030 : i32 to index
      %swap3A_1034 = tpu.vector_load %arg16[%swap3A_1032, %swap3A_1033] {strides = array<i32>} : memref<8x128xf32, #tpu.memory_space<vmem>>, vector<1x16xf32>,
      %swap3A_1035 = vector.shape_cast %swap3A_1034 : vector<1x16xf32> to vector<16xf32>
      %swap3A_1036 = vector.shape_cast %parallel_loop3A_1028#0 : vector<16xf32> to vector<1x16xf32>
      tpu.vector_store %arg16[%swap3A_1032, %swap3A_1033], %swap3A_1036 {add = true, strides = array<i32>} : memref<8x128xf32, #tpu.memory_space<vmem>>, vector<1x16xf32>,
      %add3A_1037 = arith.constant 0 : i32
      %add3A_1038 = arith.addi %multiple_of3A, %add3A_1037 : i32
      %swap3A_1039 = arith.constant 1 : i32
      %swap3A_1040 = arith.index_cast %swap3A_1039 : i32 to index
      %swap3A_1041 = arith.index_cast %add3A_1038 : i32 to index
      %swap3A_1042 = tpu.vector_load %arg16[%swap3A_1040, %swap3A_1041] {strides = array<i32>} : memref<8x128xf32, #tpu.memory_space<vmem>>, vector<1x16xf32>,
      %swap3A_1043 = vector.shape_cast %swap3A_1042 : vector<1x16xf32> to vector<16xf32>
      %swap3A_1044 = vector.shape_cast %parallel_loop3A_1028#4 : vector<16xf32> to vector<1x16xf32>
      tpu.vector_store %arg16[%swap3A_1040, %swap3A_1041], %swap3A_1044 {add = true, strides = array<i32>} : memref<8x128xf32, #tpu.memory_space<vmem>>, vector<1x16xf32>,
      %add3A_1045 = arith.constant 16 : i32
      %add3A_1046 = arith.addi %multiple_of3A, %add3A_1045 : i32
      %swap3A_1047 = arith.constant 0 : i32
      %swap3A_1048 = arith.index_cast %swap3A_1047 : i32 to index
      %swap3A_1049 = arith.index_cast %add3A_1046 : i32 to index
      %swap3A_1050 = tpu.vector_load %arg16[%swap3A_1048, %swap3A_1049] {strides = array<i32>} : memref<8x128xf32, #tpu.memory_space<vmem>>, vector<1x16xf32>,
      %swap3A_1051 = vector.shape_cast %swap3A_1050 : vector<1x16xf32> to vector<16xf32>
      %swap3A_1052 = vector.shape_cast %parallel_loop3A_1028#1 : vector<16xf32> to vector<1x16xf32>
      tpu.vector_store %arg16[%swap3A_1048, %swap3A_1049], %swap3A_1052 {add = true, strides = array<i32>} : memref<8x128xf32, #tpu.memory_space<vmem>>, vector<1x16xf32>,
      %add3A_1053 = arith.constant 16 : i32
      %add3A_1054 = arith.addi %multiple_of3A, %add3A_1053 : i32
      %swap3A_1055 = arith.constant 1 : i32
      %swap3A_1056 = arith.index_cast %swap3A_1055 : i32 to index
      %swap3A_1057 = arith.index_cast %add3A_1054 : i32 to index
      %swap3A_1058 = tpu.vector_load %arg16[%swap3A_1056, %swap3A_1057] {strides = array<i32>} : memref<8x128xf32, #tpu.memory_space<vmem>>, vector<1x16xf32>,
      %swap3A_1059 = vector.shape_cast %swap3A_1058 : vector<1x16xf32> to vector<16xf32>
      %swap3A_1060 = vector.shape_cast %parallel_loop3A_1028#5 : vector<16xf32> to vector<1x16xf32>
      tpu.vector_store %arg16[%swap3A_1056, %swap3A_1057], %swap3A_1060 {add = true, strides = array<i32>} : memref<8x128xf32, #tpu.memory_space<vmem>>, vector<1x16xf32>,
      %add3A_1061 = arith.constant 32 : i32
      %add3A_1062 = arith.addi %multiple_of3A, %add3A_1061 : i32
      %swap3A_1063 = arith.constant 0 : i32
      %swap3A_1064 = arith.index_cast %swap3A_1063 : i32 to index
      %swap3A_1065 = arith.index_cast %add3A_1062 : i32 to index
      %swap3A_1066 = tpu.vector_load %arg16[%swap3A_1064, %swap3A_1065] {strides = array<i32>} : memref<8x128xf32, #tpu.memory_space<vmem>>, vector<1x16xf32>,
      %swap3A_1067 = vector.shape_cast %swap3A_1066 : vector<1x16xf32> to vector<16xf32>
      %swap3A_1068 = vector.shape_cast %parallel_loop3A_1028#2 : vector<16xf32> to vector<1x16xf32>
      tpu.vector_store %arg16[%swap3A_1064, %swap3A_1065], %swap3A_1068 {add = true, strides = array<i32>} : memref<8x128xf32, #tpu.memory_space<vmem>>, vector<1x16xf32>,
      %add3A_1069 = arith.constant 32 : i32
      %add3A_1070 = arith.addi %multiple_of3A, %add3A_1069 : i32
      %swap3A_1071 = arith.constant 1 : i32
      %swap3A_1072 = arith.index_cast %swap3A_1071 : i32 to index
      %swap3A_1073 = arith.index_cast %add3A_1070 : i32 to index
      %swap3A_1074 = tpu.vector_load %arg16[%swap3A_1072, %swap3A_1073] {strides = array<i32>} : memref<8x128xf32, #tpu.memory_space<vmem>>, vector<1x16xf32>,
      %swap3A_1075 = vector.shape_cast %swap3A_1074 : vector<1x16xf32> to vector<16xf32>
      %swap3A_1076 = vector.shape_cast %parallel_loop3A_1028#6 : vector<16xf32> to vector<1x16xf32>
      tpu.vector_store %arg16[%swap3A_1072, %swap3A_1073], %swap3A_1076 {add = true, strides = array<i32>} : memref<8x128xf32, #tpu.memory_space<vmem>>, vector<1x16xf32>,
      %add3A_1077 = arith.constant 48 : i32
      %add3A_1078 = arith.addi %multiple_of3A, %add3A_1077 : i32
      %swap3A_1079 = arith.constant 0 : i32
      %swap3A_1080 = arith.index_cast %swap3A_1079 : i32 to index
      %swap3A_1081 = arith.index_cast %add3A_1078 : i32 to index
      %swap3A_1082 = tpu.vector_load %arg16[%swap3A_1080, %swap3A_1081] {strides = array<i32>} : memref<8x128xf32, #tpu.memory_space<vmem>>, vector<1x16xf32>,
      %swap3A_1083 = vector.shape_cast %swap3A_1082 : vector<1x16xf32> to vector<16xf32>
      %swap3A_1084 = vector.shape_cast %parallel_loop3A_1028#3 : vector<16xf32> to vector<1x16xf32>
      tpu.vector_store %arg16[%swap3A_1080, %swap3A_1081], %swap3A_1084 {add = true, strides = array<i32>} : memref<8x128xf32, #tpu.memory_space<vmem>>, vector<1x16xf32>,
      %add3A_1085 = arith.constant 48 : i32
      %add3A_1086 = arith.addi %multiple_of3A, %add3A_1085 : i32
      %swap3A_1087 = arith.constant 1 : i32
      %swap3A_1088 = arith.index_cast %swap3A_1087 : i32 to index
      %swap3A_1089 = arith.index_cast %add3A_1086 : i32 to index
      %swap3A_1090 = tpu.vector_load %arg16[%swap3A_1088, %swap3A_1089] {strides = array<i32>} : memref<8x128xf32, #tpu.memory_space<vmem>>, vector<1x16xf32>,
      %swap3A_1091 = vector.shape_cast %swap3A_1090 : vector<1x16xf32> to vector<16xf32>
      %swap3A_1092 = vector.shape_cast %parallel_loop3A_1028#7 : vector<16xf32> to vector<1x16xf32>
      tpu.vector_store %arg16[%swap3A_1088, %swap3A_1089], %swap3A_1092 {add = true, strides = array<i32>} : memref<8x128xf32, #tpu.memory_space<vmem>>, vector<1x16xf32>,
      %mul3A_1093 = arith.constant 16 : i32
      %mul3A_1094 = arith.muli %sub3A_1008, %mul3A_1093 : i32
      %add3A_1095 = arith.addi %mul3A_1094, %arg1 : i32
      %mul3A_1096 = arith.constant 32 : i32
      %mul3A_1097 = arith.muli %add3A_1095, %mul3A_1096 : i32
      %multiple_of3A_1098 = tpu.assume_multiple %mul3A_1097, 8 : i32
      %jit3A_1099 = arith.constant 2 : i32
      %div3A_1100 = arith.divsi %multiple_of3A_1098, %jit3A_1099 : i32
      %sign3A_1101 = arith.constant 0 : i32
      %sign3A_1102 = arith.cmpi sgt, %multiple_of3A_1098, %sign3A_1101 : i32
      %sign3A_1103 = arith.extui %sign3A_1102 : i1 to i32
      %sign3A_1104 = arith.constant 0 : i32
      %sign3A_1105 = arith.cmpi slt, %multiple_of3A_1098, %sign3A_1104 : i32
      %sign3A_1106 = arith.extui %sign3A_1105 : i1 to i32
      %sign3A_1107 = arith.subi %sign3A_1103, %sign3A_1106 : i32
      %sign3A_1108 = arith.constant 0 : i32
      %sign3A_1109 = arith.cmpi sgt, %jit3A_1099, %sign3A_1108 : i32
      %sign3A_1110 = arith.extui %sign3A_1109 : i1 to i32
      %sign3A_1111 = arith.constant 0 : i32
      %sign3A_1112 = arith.cmpi slt, %jit3A_1099, %sign3A_1111 : i32
      %sign3A_1113 = arith.extui %sign3A_1112 : i1 to i32
      %sign3A_1114 = arith.subi %sign3A_1110, %sign3A_1113 : i32
      %ne3A_1115 = arith.cmpi ne, %sign3A_1107, %sign3A_1114 : i32
      %rem3A_1116 = arith.remsi %multiple_of3A_1098, %jit3A_1099 : i32
      %ne3A_1117 = arith.constant 0 : i32
      %ne3A_1118 = arith.cmpi ne, %rem3A_1116, %ne3A_1117 : i32
      %and3A_1119 = arith.andi %ne3A_1115, %ne3A_1118 : i1
      %sub3A_1120 = arith.constant 1 : i32
      %sub3A_1121 = arith.subi %div3A_1100, %sub3A_1120 : i32
      %select_n3A_1122 = arith.select %and3A_1119, %sub3A_1121, %div3A_1100 : i32
      %multiple_of3A_1123 = tpu.assume_multiple %select_n3A_1122, 8 : i32
      %mul3A_1124 = arith.constant 128 : i32
      %mul3A_1125 = arith.muli %arg0, %mul3A_1124 : i32
      %dma_start3A_1126 = arith.constant 1 : i32
      %dma_start3A_1127 = arith.constant 0 : i32
      %dma_start3A_1128 = arith.constant 0 : i32
      %dma_start3A_1129 = tpu.memref_slice %arg15[%dma_start3A_1126, %dma_start3A_1127, %dma_start3A_1128] : memref<2x16x128xf32, #tpu.memory_space<vmem>> -> memref<1x16x128xf32, #tpu.memory_space<vmem>>
      %dma_start3A_1130 = tpu.memref_squeeze %dma_start3A_1129 : memref<1x16x128xf32, #tpu.memory_space<vmem>> -> memref<16x128xf32, #tpu.memory_space<vmem>>
      %dma_start3A_1131 = tpu.memref_slice %arg6[%multiple_of3A_1123, %mul3A_1125] : memref<160000x256xf32, #tpu.memory_space<hbm>> -> memref<16x128xf32, #tpu.memory_space<hbm>>
      %dma_start3A_1132 = tpu.memref_slice %arg6[%multiple_of3A_1123, %mul3A_1125] : memref<160000x256xf32, #tpu.memory_space<hbm>> -> memref<16x128xf32, #tpu.memory_space<hbm>>
      %dma_start3A_1133 = arith.constant 0 : i32
      %dma_start3A_1134 = arith.constant 0 : i32
      %dma_start3A_1135 = tpu.memref_slice %arg15[%dma_start3A_1126, %dma_start3A_1133, %dma_start3A_1134] : memref<2x16x128xf32, #tpu.memory_space<vmem>> -> memref<1x16x128xf32, #tpu.memory_space<vmem>>
      %dma_start3A_1136 = tpu.memref_squeeze %dma_start3A_1135 : memref<1x16x128xf32, #tpu.memory_space<vmem>> -> memref<16x128xf32, #tpu.memory_space<vmem>>
      tpu.enqueue_dma source(%dma_start3A_1136 : memref<16x128xf32, #tpu.memory_space<vmem>>) target(%dma_start3A_1132 : memref<16x128xf32, #tpu.memory_space<hbm>>) target_semaphore(%arg27 : memref<!tpu.dma_semaphore, #tpu.memory_space<semaphore_mem>>)
      %dma_start3A_1137 = arith.constant 1 : i32
      %dma_start3A_1138 = arith.constant 1 : i32
      %dma_start3A_1139 = arith.constant 0 : i32
      %dma_start3A_1140 = arith.constant 0 : i32
      %dma_start3A_1141 = tpu.memref_slice %arg14[%dma_start3A_1137, %dma_start3A_1139, %dma_start3A_1140] : memref<2x32x128xf32, #tpu.memory_space<vmem>> -> memref<1x32x128xf32, #tpu.memory_space<vmem>>
      %dma_start3A_1142 = tpu.memref_squeeze %dma_start3A_1141 : memref<1x32x128xf32, #tpu.memory_space<vmem>> -> memref<32x128xf32, #tpu.memory_space<vmem>>
      %dma_start3A_1143 = arith.constant 0 : i32
      %dma_start3A_1144 = tpu.memref_slice %arg12[%dma_start3A_1138, %dma_start3A_1143] : memref<2x32xi32, #tpu.memory_space<vmem>> -> memref<1x32xi32, #tpu.memory_space<vmem>>
      %dma_start3A_1145 = tpu.memref_squeeze %dma_start3A_1144 : memref<1x32xi32, #tpu.memory_space<vmem>> -> memref<32xi32, #tpu.memory_space<vmem>>
      %dma_start3A_1146 = arith.constant 0 : i32
      %dma_start3A_1147 = arith.constant 0 : i32
      %dma_start3A_1148 = tpu.memref_slice %arg17[%dma_start3A_1146, %dma_start3A_1147] : memref<10240x128xf32, #tpu.memory_space<vmem_shared>> -> memref<10240x128xf32, #tpu.memory_space<vmem_shared>>
      tpu.enqueue_indirect_dma source(%dma_start3A_1142 : memref<32x128xf32, #tpu.memory_space<vmem>>) target(%dma_start3A_1148 : memref<10240x128xf32, #tpu.memory_space<vmem_shared>>) offsets(%dma_start3A_1145 : memref<32xi32, #tpu.memory_space<vmem>>) semaphore(%arg25 : memref<!tpu.dma_semaphore, #tpu.memory_space<semaphore_mem>>) {add = true}
      %scan3A_1149 = arith.constant 0 : i32
      scf.yield %scan3A_1149 : i32
    }
    %scan3A_181 = arith.constant 312 : i32
    %dma_wait3A_182 = arith.constant 0 : i32
    %dma_wait3A_183 = arith.constant 0 : i32
    %dma_wait3A_184 = arith.constant 0 : i32
    %dma_wait3A_185 = tpu.memref_slice %arg13[%dma_wait3A_182, %dma_wait3A_183, %dma_wait3A_184] : memref<2x96x128xf32, #tpu.memory_space<vmem>> -> memref<1x96x128xf32, #tpu.memory_space<vmem>>
    %dma_wait3A_186 = tpu.memref_squeeze %dma_wait3A_185 : memref<1x96x128xf32, #tpu.memory_space<vmem>> -> memref<96x128xf32, #tpu.memory_space<vmem>>
    %dma_wait3A_187 = arith.constant 0 : i32
    %dma_wait3A_188 = arith.constant 0 : i32
    %dma_wait3A_189 = tpu.memref_slice %arg5[%arg0, %dma_wait3A_187, %dma_wait3A_188] : memref<2x320000x128xf32, #tpu.memory_space<hbm>> -> memref<1x96x128xf32, #tpu.memory_space<hbm>>
    %dma_wait3A_190 = tpu.memref_squeeze %dma_wait3A_189 : memref<1x96x128xf32, #tpu.memory_space<hbm>> -> memref<96x128xf32, #tpu.memory_space<hbm>>
    %dma_wait3A_191 = arith.constant 0 : i32
    %dma_wait3A_192 = arith.constant 0 : i32
    %dma_wait3A_193 = tpu.memref_slice %arg13[%dma_wait3A_182, %dma_wait3A_191, %dma_wait3A_192] : memref<2x96x128xf32, #tpu.memory_space<vmem>> -> memref<1x96x128xf32, #tpu.memory_space<vmem>>
    %dma_wait3A_194 = tpu.memref_squeeze %dma_wait3A_193 : memref<1x96x128xf32, #tpu.memory_space<vmem>> -> memref<96x128xf32, #tpu.memory_space<vmem>>
    %dma_wait3A_195 = arith.constant 0 : i32
    %dma_wait3A_196 = arith.constant 0 : i32
    %dma_wait3A_197 = tpu.memref_slice %arg5[%arg0, %dma_wait3A_195, %dma_wait3A_196] : memref<2x320000x128xf32, #tpu.memory_space<hbm>> -> memref<1x96x128xf32, #tpu.memory_space<hbm>>
    %dma_wait3A_198 = tpu.memref_squeeze %dma_wait3A_197 : memref<1x96x128xf32, #tpu.memory_space<hbm>> -> memref<96x128xf32, #tpu.memory_space<hbm>>
    tpu.wait_dma2 semaphore(%arg22 : memref<!tpu.dma_semaphore, #tpu.memory_space<semaphore_mem>>) src(%dma_wait3A_198 : memref<96x128xf32, #tpu.memory_space<hbm>>) dst(%dma_wait3A_194 : memref<96x128xf32, #tpu.memory_space<vmem>>)
    %dma_wait3A_199 = arith.constant 0 : i32
    %dma_wait3A_200 = arith.constant 0 : i32
    %dma_wait3A_201 = arith.constant 0 : i32
    %dma_wait3A_202 = arith.constant 0 : i32
    %dma_wait3A_203 = tpu.memref_slice %arg14[%dma_wait3A_199, %dma_wait3A_201, %dma_wait3A_202] : memref<2x32x128xf32, #tpu.memory_space<vmem>> -> memref<1x32x128xf32, #tpu.memory_space<vmem>>
    %dma_wait3A_204 = tpu.memref_squeeze %dma_wait3A_203 : memref<1x32x128xf32, #tpu.memory_space<vmem>> -> memref<32x128xf32, #tpu.memory_space<vmem>>
    %dma_wait3A_205 = arith.constant 0 : i32
    %dma_wait3A_206 = tpu.memref_slice %arg12[%dma_wait3A_200, %dma_wait3A_205] : memref<2x32xi32, #tpu.memory_space<vmem>> -> memref<1x32xi32, #tpu.memory_space<vmem>>
    %dma_wait3A_207 = tpu.memref_squeeze %dma_wait3A_206 : memref<1x32xi32, #tpu.memory_space<vmem>> -> memref<32xi32, #tpu.memory_space<vmem>>
    %dma_wait3A_208 = arith.constant 0 : i32
    %dma_wait3A_209 = arith.constant 0 : i32
    %dma_wait3A_210 = tpu.memref_slice %arg17[%dma_wait3A_208, %dma_wait3A_209] : memref<10240x128xf32, #tpu.memory_space<vmem_shared>> -> memref<10240x128xf32, #tpu.memory_space<vmem_shared>>
    tpu.wait_indirect_dma semaphore(%arg24 : memref<!tpu.dma_semaphore, #tpu.memory_space<semaphore_mem>>) src(%dma_wait3A_204 : memref<32x128xf32, #tpu.memory_space<vmem>>) dst(%dma_wait3A_210 : memref<10240x128xf32, #tpu.memory_space<vmem_shared>>)
    %add3A_211 = arith.constant 9984 : i32
    %add3A_212 = arith.addi %add3A_211, %arg1 : i32
    %mul3A_213 = arith.constant 32 : i32
    %mul3A_214 = arith.muli %add3A_212, %mul3A_213 : i32
    %multiple_of3A_215 = tpu.assume_multiple %mul3A_214, 8 : i32
    %jit3A = arith.constant 2 : i32
    %div3A = arith.divsi %multiple_of3A_215, %jit3A : i32
    %sign3A = arith.constant 0 : i32
    %sign3A_216 = arith.cmpi sgt, %multiple_of3A_215, %sign3A : i32
    %sign3A_217 = arith.extui %sign3A_216 : i1 to i32
    %sign3A_218 = arith.constant 0 : i32
    %sign3A_219 = arith.cmpi slt, %multiple_of3A_215, %sign3A_218 : i32
    %sign3A_220 = arith.extui %sign3A_219 : i1 to i32
    %sign3A_221 = arith.subi %sign3A_217, %sign3A_220 : i32
    %sign3A_222 = arith.constant 0 : i32
    %sign3A_223 = arith.cmpi sgt, %jit3A, %sign3A_222 : i32
    %sign3A_224 = arith.extui %sign3A_223 : i1 to i32
    %sign3A_225 = arith.constant 0 : i32
    %sign3A_226 = arith.cmpi slt, %jit3A, %sign3A_225 : i32
    %sign3A_227 = arith.extui %sign3A_226 : i1 to i32
    %sign3A_228 = arith.subi %sign3A_224, %sign3A_227 : i32
    %ne3A = arith.cmpi ne, %sign3A_221, %sign3A_228 : i32
    %rem3A = arith.remsi %multiple_of3A_215, %jit3A : i32
    %ne3A_229 = arith.constant 0 : i32
    %ne3A_230 = arith.cmpi ne, %rem3A, %ne3A_229 : i32
    %and3A = arith.andi %ne3A, %ne3A_230 : i1
    %sub3A = arith.constant 1 : i32
    %sub3A_231 = arith.subi %div3A, %sub3A : i32
    %select_n3A = arith.select %and3A, %sub3A_231, %div3A : i32
    %multiple_of3A_232 = tpu.assume_multiple %select_n3A, 8 : i32
    %mul3A_233 = arith.constant 128 : i32
    %mul3A_234 = arith.muli %arg0, %mul3A_233 : i32
    %dma_wait3A_235 = arith.constant 0 : i32
    %dma_wait3A_236 = arith.constant 0 : i32
    %dma_wait3A_237 = arith.constant 0 : i32
    %dma_wait3A_238 = tpu.memref_slice %arg15[%dma_wait3A_235, %dma_wait3A_236, %dma_wait3A_237] : memref<2x16x128xf32, #tpu.memory_space<vmem>> -> memref<1x16x128xf32, #tpu.memory_space<vmem>>
    %dma_wait3A_239 = tpu.memref_squeeze %dma_wait3A_238 : memref<1x16x128xf32, #tpu.memory_space<vmem>> -> memref<16x128xf32, #tpu.memory_space<vmem>>
    %dma_wait3A_240 = tpu.memref_slice %arg6[%multiple_of3A_232, %mul3A_234] : memref<160000x256xf32, #tpu.memory_space<hbm>> -> memref<16x128xf32, #tpu.memory_space<hbm>>
    %dma_wait3A_241 = tpu.memref_slice %arg6[%multiple_of3A_232, %mul3A_234] : memref<160000x256xf32, #tpu.memory_space<hbm>> -> memref<16x128xf32, #tpu.memory_space<hbm>>
    %dma_wait3A_242 = arith.constant 0 : i32
    %dma_wait3A_243 = arith.constant 0 : i32
    %dma_wait3A_244 = tpu.memref_slice %arg15[%dma_wait3A_235, %dma_wait3A_242, %dma_wait3A_243] : memref<2x16x128xf32, #tpu.memory_space<vmem>> -> memref<1x16x128xf32, #tpu.memory_space<vmem>>
    %dma_wait3A_245 = tpu.memref_squeeze %dma_wait3A_244 : memref<1x16x128xf32, #tpu.memory_space<vmem>> -> memref<16x128xf32, #tpu.memory_space<vmem>>
    tpu.wait_dma2 semaphore(%arg26 : memref<!tpu.dma_semaphore, #tpu.memory_space<semaphore_mem>>) src(%dma_wait3A_245 : memref<16x128xf32, #tpu.memory_space<vmem>>) dst(%dma_wait3A_241 : memref<16x128xf32, #tpu.memory_space<hbm>>)
    %get3A_246 = arith.constant 0 : i32
    %get3A_247 = arith.index_cast %get3A_246 : i32 to index
    %get3A_248 = arith.constant 0 : index
    %get3A_249 = tpu.vector_load %arg10[%get3A_247, %get3A_248] {strides = array<i32>} : memref<2x32xi32, #tpu.memory_space<vmem>>, vector<1x16xi32>,
    %get3A_250 = vector.shape_cast %get3A_249 : vector<1x16xi32> to vector<16xi32>
    %swap3A_251 = arith.constant 0 : i32
    %swap3A_252 = arith.index_cast %swap3A_251 : i32 to index
    %swap3A_253 = arith.constant 0 : index
    %swap3A_254 = tpu.vector_load %arg12[%swap3A_252, %swap3A_253] {strides = array<i32>} : memref<2x32xi32, #tpu.memory_space<vmem>>, vector<1x16xi32>,
    %swap3A_255 = vector.shape_cast %swap3A_254 : vector<1x16xi32> to vector<16xi32>
    %swap3A_256 = vector.shape_cast %get3A_250 : vector<16xi32> to vector<1x16xi32>
    tpu.vector_store %arg12[%swap3A_252, %swap3A_253], %swap3A_256 {strides = array<i32>} : memref<2x32xi32, #tpu.memory_space<vmem>>, vector<1x16xi32>,
    %get3A_257 = arith.constant 0 : i32
    %get3A_258 = arith.index_cast %get3A_257 : i32 to index
    %get3A_259 = arith.constant 16 : index
    %get3A_260 = tpu.vector_load %arg10[%get3A_258, %get3A_259] {strides = array<i32>} : memref<2x32xi32, #tpu.memory_space<vmem>>, vector<1x16xi32>,
    %get3A_261 = vector.shape_cast %get3A_260 : vector<1x16xi32> to vector<16xi32>
    %swap3A_262 = arith.constant 0 : i32
    %swap3A_263 = arith.index_cast %swap3A_262 : i32 to index
    %swap3A_264 = arith.constant 16 : index
    %swap3A_265 = tpu.vector_load %arg12[%swap3A_263, %swap3A_264] {strides = array<i32>} : memref<2x32xi32, #tpu.memory_space<vmem>>, vector<1x16xi32>,
    %swap3A_266 = vector.shape_cast %swap3A_265 : vector<1x16xi32> to vector<16xi32>
    %swap3A_267 = vector.shape_cast %get3A_261 : vector<16xi32> to vector<1x16xi32>
    tpu.vector_store %arg12[%swap3A_263, %swap3A_264], %swap3A_267 {strides = array<i32>} : memref<2x32xi32, #tpu.memory_space<vmem>>, vector<1x16xi32>,
    %broadcast_in_dim3A = arith.constant 0.000000e+00 : f32
    %broadcast_in_dim3A_268 = vector.broadcast %broadcast_in_dim3A : f32 to vector<16xf32>
    %broadcast_in_dim3A_269 = arith.constant 0.000000e+00 : f32
    %broadcast_in_dim3A_270 = vector.broadcast %broadcast_in_dim3A_269 : f32 to vector<16xf32>
    %broadcast_in_dim3A_271 = arith.constant 0.000000e+00 : f32
    %broadcast_in_dim3A_272 = vector.broadcast %broadcast_in_dim3A_271 : f32 to vector<16xf32>
    %broadcast_in_dim3A_273 = arith.constant 0.000000e+00 : f32
    %broadcast_in_dim3A_274 = vector.broadcast %broadcast_in_dim3A_273 : f32 to vector<16xf32>
    %broadcast_in_dim3A_275 = arith.constant 0.000000e+00 : f32
    %broadcast_in_dim3A_276 = vector.broadcast %broadcast_in_dim3A_275 : f32 to vector<16xf32>
    %broadcast_in_dim3A_277 = arith.constant 0.000000e+00 : f32
    %broadcast_in_dim3A_278 = vector.broadcast %broadcast_in_dim3A_277 : f32 to vector<16xf32>
    %broadcast_in_dim3A_279 = arith.constant 0.000000e+00 : f32
    %broadcast_in_dim3A_280 = vector.broadcast %broadcast_in_dim3A_279 : f32 to vector<16xf32>
    %broadcast_in_dim3A_281 = arith.constant 0.000000e+00 : f32
    %broadcast_in_dim3A_282 = vector.broadcast %broadcast_in_dim3A_281 : f32 to vector<16xf32>
    %parallel_loop3A = arith.constant 0 : i32
    %parallel_loop3A_283 = arith.constant 16 : i32
    %parallel_loop3A_284 = arith.constant 1 : i32
    %parallel_loop3A_285:8 = scf.for %parallel_loop3A_523 = %parallel_loop3A to %parallel_loop3A_283 step %parallel_loop3A_284 iter_args(%parallel_loop3A_524 = %broadcast_in_dim3A_268, %parallel_loop3A_525 = %broadcast_in_dim3A_270, %parallel_loop3A_526 = %broadcast_in_dim3A_272, %parallel_loop3A_527 = %broadcast_in_dim3A_274, %parallel_loop3A_528 = %broadcast_in_dim3A_276, %parallel_loop3A_529 = %broadcast_in_dim3A_278, %parallel_loop3A_530 = %broadcast_in_dim3A_280, %parallel_loop3A_531 = %broadcast_in_dim3A_282) -> (vector<16xf32>, vector<16xf32>, vector<16xf32>, vector<16xf32>, vector<16xf32>, vector<16xf32>, vector<16xf32>, vector<16xf32>)  : i32 {
      %parallel_loop3A_532 = arith.constant 2 : i32
      %parallel_loop3A_533 = arith.muli %parallel_loop3A_523, %parallel_loop3A_532 : i32
      %parallel_loop3A_534 = arith.constant 0 : i32
      %parallel_loop3A_535 = arith.addi %parallel_loop3A_533, %parallel_loop3A_534 : i32
      %parallel_loop3A_536 = arith.constant 0 : i32
      %parallel_loop3A_537 = arith.index_cast %parallel_loop3A_536 : i32 to index
      %parallel_loop3A_538 = arith.index_cast %parallel_loop3A_535 : i32 to index
      %parallel_loop3A_539 = arith.constant 0 : index
      %parallel_loop3A_540 = tpu.vector_load %arg13[%parallel_loop3A_537, %parallel_loop3A_538, %parallel_loop3A_539] {strides = array<i32>} : memref<2x96x128xf32, #tpu.memory_space<vmem>>, vector<1x1x16xf32>,
      %parallel_loop3A_541 = vector.shape_cast %parallel_loop3A_540 : vector<1x1x16xf32> to vector<16xf32>
      %parallel_loop3A_542 = arith.constant 32 : i32
      %parallel_loop3A_543 = arith.addi %parallel_loop3A_542, %parallel_loop3A_535 : i32
      %parallel_loop3A_544 = arith.constant 0 : i32
      %parallel_loop3A_545 = arith.index_cast %parallel_loop3A_544 : i32 to index
      %parallel_loop3A_546 = arith.index_cast %parallel_loop3A_543 : i32 to index
      %parallel_loop3A_547 = arith.constant 0 : index
      %parallel_loop3A_548 = tpu.vector_load %arg13[%parallel_loop3A_545, %parallel_loop3A_546, %parallel_loop3A_547] {strides = array<i32>} : memref<2x96x128xf32, #tpu.memory_space<vmem>>, vector<1x1x16xf32>,
      %parallel_loop3A_549 = vector.shape_cast %parallel_loop3A_548 : vector<1x1x16xf32> to vector<16xf32>
      %parallel_loop3A_550 = arith.addf %parallel_loop3A_541, %parallel_loop3A_549 : vector<16xf32>
      %parallel_loop3A_551 = arith.constant 64 : i32
      %parallel_loop3A_552 = arith.addi %parallel_loop3A_551, %parallel_loop3A_535 : i32
      %parallel_loop3A_553 = arith.constant 0 : i32
      %parallel_loop3A_554 = arith.index_cast %parallel_loop3A_553 : i32 to index
      %parallel_loop3A_555 = arith.index_cast %parallel_loop3A_552 : i32 to index
      %parallel_loop3A_556 = arith.constant 0 : index
      %parallel_loop3A_557 = tpu.vector_load %arg13[%parallel_loop3A_554, %parallel_loop3A_555, %parallel_loop3A_556] {strides = array<i32>} : memref<2x96x128xf32, #tpu.memory_space<vmem>>, vector<1x1x16xf32>,
      %parallel_loop3A_558 = vector.shape_cast %parallel_loop3A_557 : vector<1x1x16xf32> to vector<16xf32>
      %parallel_loop3A_559 = arith.addf %parallel_loop3A_550, %parallel_loop3A_558 : vector<16xf32>
      %parallel_loop3A_560 = arith.constant 0.000000e+00 : f32
      %parallel_loop3A_561 = vector.broadcast %parallel_loop3A_560 : f32 to vector<16xf32>
      %parallel_loop3A_562 = arith.subf %parallel_loop3A_561, %parallel_loop3A_559 : vector<16xf32>
      %parallel_loop3A_563 = math.exp %parallel_loop3A_562 : vector<16xf32>
      %parallel_loop3A_564 = arith.constant 1.000000e+00 : f32
      %parallel_loop3A_565 = vector.broadcast %parallel_loop3A_564 : f32 to vector<16xf32>
      %parallel_loop3A_566 = arith.addf %parallel_loop3A_565, %parallel_loop3A_563 : vector<16xf32>
      %parallel_loop3A_567 = arith.constant 1.000000e+00 : f32
      %parallel_loop3A_568 = vector.broadcast %parallel_loop3A_567 : f32 to vector<16xf32>
      %parallel_loop3A_569 = arith.divf %parallel_loop3A_568, %parallel_loop3A_566 : vector<16xf32>
      %parallel_loop3A_570 = arith.constant 64 : i32
      %parallel_loop3A_571 = arith.addi %parallel_loop3A_570, %parallel_loop3A_535 : i32
      %parallel_loop3A_572 = arith.constant 0 : i32
      %parallel_loop3A_573 = arith.index_cast %parallel_loop3A_572 : i32 to index
      %parallel_loop3A_574 = arith.index_cast %parallel_loop3A_571 : i32 to index
      %parallel_loop3A_575 = arith.constant 64 : index
      %parallel_loop3A_576 = tpu.vector_load %arg13[%parallel_loop3A_573, %parallel_loop3A_574, %parallel_loop3A_575] {strides = array<i32>} : memref<2x96x128xf32, #tpu.memory_space<vmem>>, vector<1x1x16xf32>,
      %parallel_loop3A_577 = vector.shape_cast %parallel_loop3A_576 : vector<1x1x16xf32> to vector<16xf32>
      %parallel_loop3A_578 = arith.addf %parallel_loop3A_559, %parallel_loop3A_577 : vector<16xf32>
      %parallel_loop3A_579 = arith.constant 0 : i32
      %parallel_loop3A_580 = arith.index_cast %parallel_loop3A_579 : i32 to index
      %parallel_loop3A_581 = arith.index_cast %parallel_loop3A_523 : i32 to index
      %parallel_loop3A_582 = arith.constant 0 : index
      %parallel_loop3A_583 = tpu.vector_load %arg15[%parallel_loop3A_580, %parallel_loop3A_581, %parallel_loop3A_582] {strides = array<i32>} : memref<2x16x128xf32, #tpu.memory_space<vmem>>, vector<1x1x16xf32>,
      %parallel_loop3A_584 = vector.shape_cast %parallel_loop3A_583 : vector<1x1x16xf32> to vector<16xf32>
      %parallel_loop3A_585 = vector.shape_cast %parallel_loop3A_578 : vector<16xf32> to vector<1x1x16xf32>
      tpu.vector_store %arg15[%parallel_loop3A_580, %parallel_loop3A_581, %parallel_loop3A_582], %parallel_loop3A_585 {strides = array<i32>} : memref<2x16x128xf32, #tpu.memory_space<vmem>>, vector<1x1x16xf32>,
      %parallel_loop3A_586 = arith.constant 0 : i32
      %parallel_loop3A_587 = arith.index_cast %parallel_loop3A_586 : i32 to index
      %parallel_loop3A_588 = arith.index_cast %parallel_loop3A_535 : i32 to index
      %parallel_loop3A_589 = arith.constant 64 : index
      %parallel_loop3A_590 = tpu.vector_load %arg13[%parallel_loop3A_587, %parallel_loop3A_588, %parallel_loop3A_589] {strides = array<i32>} : memref<2x96x128xf32, #tpu.memory_space<vmem>>, vector<1x1x16xf32>,
      %parallel_loop3A_591 = vector.shape_cast %parallel_loop3A_590 : vector<1x1x16xf32> to vector<16xf32>
      %parallel_loop3A_592 = arith.mulf %parallel_loop3A_591, %parallel_loop3A_569 : vector<16xf32>
      %parallel_loop3A_593 = arith.constant 0 : i32
      %parallel_loop3A_594 = arith.index_cast %parallel_loop3A_593 : i32 to index
      %parallel_loop3A_595 = arith.index_cast %parallel_loop3A_535 : i32 to index
      %parallel_loop3A_596 = arith.constant 0 : index
      %parallel_loop3A_597 = tpu.vector_load %arg14[%parallel_loop3A_594, %parallel_loop3A_595, %parallel_loop3A_596] {strides = array<i32>} : memref<2x32x128xf32, #tpu.memory_space<vmem>>, vector<1x1x16xf32>,
      %parallel_loop3A_598 = vector.shape_cast %parallel_loop3A_597 : vector<1x1x16xf32> to vector<16xf32>
      %parallel_loop3A_599 = vector.shape_cast %parallel_loop3A_592 : vector<16xf32> to vector<1x1x16xf32>
      tpu.vector_store %arg14[%parallel_loop3A_594, %parallel_loop3A_595, %parallel_loop3A_596], %parallel_loop3A_599 {strides = array<i32>} : memref<2x32x128xf32, #tpu.memory_space<vmem>>, vector<1x1x16xf32>,
      %parallel_loop3A_600 = arith.constant 0 : i32
      %parallel_loop3A_601 = arith.index_cast %parallel_loop3A_600 : i32 to index
      %parallel_loop3A_602 = arith.index_cast %parallel_loop3A_535 : i32 to index
      %parallel_loop3A_603 = arith.constant 64 : index
      %parallel_loop3A_604 = tpu.vector_load %arg14[%parallel_loop3A_601, %parallel_loop3A_602, %parallel_loop3A_603] {strides = array<i32>} : memref<2x32x128xf32, #tpu.memory_space<vmem>>, vector<1x1x16xf32>,
      %parallel_loop3A_605 = vector.shape_cast %parallel_loop3A_604 : vector<1x1x16xf32> to vector<16xf32>
      %parallel_loop3A_606 = vector.shape_cast %parallel_loop3A_569 : vector<16xf32> to vector<1x1x16xf32>
      tpu.vector_store %arg14[%parallel_loop3A_601, %parallel_loop3A_602, %parallel_loop3A_603], %parallel_loop3A_606 {strides = array<i32>} : memref<2x32x128xf32, #tpu.memory_space<vmem>>, vector<1x1x16xf32>,
      %parallel_loop3A_607 = arith.addf %parallel_loop3A_524, %parallel_loop3A_578 : vector<16xf32>
      %parallel_loop3A_608 = arith.mulf %parallel_loop3A_578, %parallel_loop3A_578 : vector<16xf32>
      %parallel_loop3A_609 = arith.addf %parallel_loop3A_528, %parallel_loop3A_608 : vector<16xf32>
      %parallel_loop3A_610 = arith.constant 0 : i32
      %parallel_loop3A_611 = arith.index_cast %parallel_loop3A_610 : i32 to index
      %parallel_loop3A_612 = arith.index_cast %parallel_loop3A_535 : i32 to index
      %parallel_loop3A_613 = arith.constant 16 : index
      %parallel_loop3A_614 = tpu.vector_load %arg13[%parallel_loop3A_611, %parallel_loop3A_612, %parallel_loop3A_613] {strides = array<i32>} : memref<2x96x128xf32, #tpu.memory_space<vmem>>, vector<1x1x16xf32>,
      %parallel_loop3A_615 = vector.shape_cast %parallel_loop3A_614 : vector<1x1x16xf32> to vector<16xf32>
      %parallel_loop3A_616 = arith.constant 32 : i32
      %parallel_loop3A_617 = arith.addi %parallel_loop3A_616, %parallel_loop3A_535 : i32
      %parallel_loop3A_618 = arith.constant 0 : i32
      %parallel_loop3A_619 = arith.index_cast %parallel_loop3A_618 : i32 to index
      %parallel_loop3A_620 = arith.index_cast %parallel_loop3A_617 : i32 to index
      %parallel_loop3A_621 = arith.constant 16 : index
      %parallel_loop3A_622 = tpu.vector_load %arg13[%parallel_loop3A_619, %parallel_loop3A_620, %parallel_loop3A_621] {strides = array<i32>} : memref<2x96x128xf32, #tpu.memory_space<vmem>>, vector<1x1x16xf32>,
      %parallel_loop3A_623 = vector.shape_cast %parallel_loop3A_622 : vector<1x1x16xf32> to vector<16xf32>
      %parallel_loop3A_624 = arith.addf %parallel_loop3A_615, %parallel_loop3A_623 : vector<16xf32>
      %parallel_loop3A_625 = arith.constant 64 : i32
      %parallel_loop3A_626 = arith.addi %parallel_loop3A_625, %parallel_loop3A_535 : i32
      %parallel_loop3A_627 = arith.constant 0 : i32
      %parallel_loop3A_628 = arith.index_cast %parallel_loop3A_627 : i32 to index
      %parallel_loop3A_629 = arith.index_cast %parallel_loop3A_626 : i32 to index
      %parallel_loop3A_630 = arith.constant 16 : index
      %parallel_loop3A_631 = tpu.vector_load %arg13[%parallel_loop3A_628, %parallel_loop3A_629, %parallel_loop3A_630] {strides = array<i32>} : memref<2x96x128xf32, #tpu.memory_space<vmem>>, vector<1x1x16xf32>,
      %parallel_loop3A_632 = vector.shape_cast %parallel_loop3A_631 : vector<1x1x16xf32> to vector<16xf32>
      %parallel_loop3A_633 = arith.addf %parallel_loop3A_624, %parallel_loop3A_632 : vector<16xf32>
      %parallel_loop3A_634 = arith.constant 0.000000e+00 : f32
      %parallel_loop3A_635 = vector.broadcast %parallel_loop3A_634 : f32 to vector<16xf32>
      %parallel_loop3A_636 = arith.subf %parallel_loop3A_635, %parallel_loop3A_633 : vector<16xf32>
      %parallel_loop3A_637 = math.exp %parallel_loop3A_636 : vector<16xf32>
      %parallel_loop3A_638 = arith.constant 1.000000e+00 : f32
      %parallel_loop3A_639 = vector.broadcast %parallel_loop3A_638 : f32 to vector<16xf32>
      %parallel_loop3A_640 = arith.addf %parallel_loop3A_639, %parallel_loop3A_637 : vector<16xf32>
      %parallel_loop3A_641 = arith.constant 1.000000e+00 : f32
      %parallel_loop3A_642 = vector.broadcast %parallel_loop3A_641 : f32 to vector<16xf32>
      %parallel_loop3A_643 = arith.divf %parallel_loop3A_642, %parallel_loop3A_640 : vector<16xf32>
      %parallel_loop3A_644 = arith.constant 64 : i32
      %parallel_loop3A_645 = arith.addi %parallel_loop3A_644, %parallel_loop3A_535 : i32
      %parallel_loop3A_646 = arith.constant 0 : i32
      %parallel_loop3A_647 = arith.index_cast %parallel_loop3A_646 : i32 to index
      %parallel_loop3A_648 = arith.index_cast %parallel_loop3A_645 : i32 to index
      %parallel_loop3A_649 = arith.constant 80 : index
      %parallel_loop3A_650 = tpu.vector_load %arg13[%parallel_loop3A_647, %parallel_loop3A_648, %parallel_loop3A_649] {strides = array<i32>} : memref<2x96x128xf32, #tpu.memory_space<vmem>>, vector<1x1x16xf32>,
      %parallel_loop3A_651 = vector.shape_cast %parallel_loop3A_650 : vector<1x1x16xf32> to vector<16xf32>
      %parallel_loop3A_652 = arith.addf %parallel_loop3A_633, %parallel_loop3A_651 : vector<16xf32>
      %parallel_loop3A_653 = arith.constant 0 : i32
      %parallel_loop3A_654 = arith.index_cast %parallel_loop3A_653 : i32 to index
      %parallel_loop3A_655 = arith.index_cast %parallel_loop3A_523 : i32 to index
      %parallel_loop3A_656 = arith.constant 16 : index
      %parallel_loop3A_657 = tpu.vector_load %arg15[%parallel_loop3A_654, %parallel_loop3A_655, %parallel_loop3A_656] {strides = array<i32>} : memref<2x16x128xf32, #tpu.memory_space<vmem>>, vector<1x1x16xf32>,
      %parallel_loop3A_658 = vector.shape_cast %parallel_loop3A_657 : vector<1x1x16xf32> to vector<16xf32>
      %parallel_loop3A_659 = vector.shape_cast %parallel_loop3A_652 : vector<16xf32> to vector<1x1x16xf32>
      tpu.vector_store %arg15[%parallel_loop3A_654, %parallel_loop3A_655, %parallel_loop3A_656], %parallel_loop3A_659 {strides = array<i32>} : memref<2x16x128xf32, #tpu.memory_space<vmem>>, vector<1x1x16xf32>,
      %parallel_loop3A_660 = arith.constant 0 : i32
      %parallel_loop3A_661 = arith.index_cast %parallel_loop3A_660 : i32 to index
      %parallel_loop3A_662 = arith.index_cast %parallel_loop3A_535 : i32 to index
      %parallel_loop3A_663 = arith.constant 80 : index
      %parallel_loop3A_664 = tpu.vector_load %arg13[%parallel_loop3A_661, %parallel_loop3A_662, %parallel_loop3A_663] {strides = array<i32>} : memref<2x96x128xf32, #tpu.memory_space<vmem>>, vector<1x1x16xf32>,
      %parallel_loop3A_665 = vector.shape_cast %parallel_loop3A_664 : vector<1x1x16xf32> to vector<16xf32>
      %parallel_loop3A_666 = arith.mulf %parallel_loop3A_665, %parallel_loop3A_643 : vector<16xf32>
      %parallel_loop3A_667 = arith.constant 0 : i32
      %parallel_loop3A_668 = arith.index_cast %parallel_loop3A_667 : i32 to index
      %parallel_loop3A_669 = arith.index_cast %parallel_loop3A_535 : i32 to index
      %parallel_loop3A_670 = arith.constant 16 : index
      %parallel_loop3A_671 = tpu.vector_load %arg14[%parallel_loop3A_668, %parallel_loop3A_669, %parallel_loop3A_670] {strides = array<i32>} : memref<2x32x128xf32, #tpu.memory_space<vmem>>, vector<1x1x16xf32>,
      %parallel_loop3A_672 = vector.shape_cast %parallel_loop3A_671 : vector<1x1x16xf32> to vector<16xf32>
      %parallel_loop3A_673 = vector.shape_cast %parallel_loop3A_666 : vector<16xf32> to vector<1x1x16xf32>
      tpu.vector_store %arg14[%parallel_loop3A_668, %parallel_loop3A_669, %parallel_loop3A_670], %parallel_loop3A_673 {strides = array<i32>} : memref<2x32x128xf32, #tpu.memory_space<vmem>>, vector<1x1x16xf32>,
      %parallel_loop3A_674 = arith.constant 0 : i32
      %parallel_loop3A_675 = arith.index_cast %parallel_loop3A_674 : i32 to index
      %parallel_loop3A_676 = arith.index_cast %parallel_loop3A_535 : i32 to index
      %parallel_loop3A_677 = arith.constant 80 : index
      %parallel_loop3A_678 = tpu.vector_load %arg14[%parallel_loop3A_675, %parallel_loop3A_676, %parallel_loop3A_677] {strides = array<i32>} : memref<2x32x128xf32, #tpu.memory_space<vmem>>, vector<1x1x16xf32>,
      %parallel_loop3A_679 = vector.shape_cast %parallel_loop3A_678 : vector<1x1x16xf32> to vector<16xf32>
      %parallel_loop3A_680 = vector.shape_cast %parallel_loop3A_643 : vector<16xf32> to vector<1x1x16xf32>
      tpu.vector_store %arg14[%parallel_loop3A_675, %parallel_loop3A_676, %parallel_loop3A_677], %parallel_loop3A_680 {strides = array<i32>} : memref<2x32x128xf32, #tpu.memory_space<vmem>>, vector<1x1x16xf32>,
      %parallel_loop3A_681 = arith.addf %parallel_loop3A_525, %parallel_loop3A_652 : vector<16xf32>
      %parallel_loop3A_682 = arith.mulf %parallel_loop3A_652, %parallel_loop3A_652 : vector<16xf32>
      %parallel_loop3A_683 = arith.addf %parallel_loop3A_529, %parallel_loop3A_682 : vector<16xf32>
      %parallel_loop3A_684 = arith.constant 0 : i32
      %parallel_loop3A_685 = arith.index_cast %parallel_loop3A_684 : i32 to index
      %parallel_loop3A_686 = arith.index_cast %parallel_loop3A_535 : i32 to index
      %parallel_loop3A_687 = arith.constant 32 : index
      %parallel_loop3A_688 = tpu.vector_load %arg13[%parallel_loop3A_685, %parallel_loop3A_686, %parallel_loop3A_687] {strides = array<i32>} : memref<2x96x128xf32, #tpu.memory_space<vmem>>, vector<1x1x16xf32>,
      %parallel_loop3A_689 = vector.shape_cast %parallel_loop3A_688 : vector<1x1x16xf32> to vector<16xf32>
      %parallel_loop3A_690 = arith.constant 32 : i32
      %parallel_loop3A_691 = arith.addi %parallel_loop3A_690, %parallel_loop3A_535 : i32
      %parallel_loop3A_692 = arith.constant 0 : i32
      %parallel_loop3A_693 = arith.index_cast %parallel_loop3A_692 : i32 to index
      %parallel_loop3A_694 = arith.index_cast %parallel_loop3A_691 : i32 to index
      %parallel_loop3A_695 = arith.constant 32 : index
      %parallel_loop3A_696 = tpu.vector_load %arg13[%parallel_loop3A_693, %parallel_loop3A_694, %parallel_loop3A_695] {strides = array<i32>} : memref<2x96x128xf32, #tpu.memory_space<vmem>>, vector<1x1x16xf32>,
      %parallel_loop3A_697 = vector.shape_cast %parallel_loop3A_696 : vector<1x1x16xf32> to vector<16xf32>
      %parallel_loop3A_698 = arith.addf %parallel_loop3A_689, %parallel_loop3A_697 : vector<16xf32>
      %parallel_loop3A_699 = arith.constant 64 : i32
      %parallel_loop3A_700 = arith.addi %parallel_loop3A_699, %parallel_loop3A_535 : i32
      %parallel_loop3A_701 = arith.constant 0 : i32
      %parallel_loop3A_702 = arith.index_cast %parallel_loop3A_701 : i32 to index
      %parallel_loop3A_703 = arith.index_cast %parallel_loop3A_700 : i32 to index
      %parallel_loop3A_704 = arith.constant 32 : index
      %parallel_loop3A_705 = tpu.vector_load %arg13[%parallel_loop3A_702, %parallel_loop3A_703, %parallel_loop3A_704] {strides = array<i32>} : memref<2x96x128xf32, #tpu.memory_space<vmem>>, vector<1x1x16xf32>,
      %parallel_loop3A_706 = vector.shape_cast %parallel_loop3A_705 : vector<1x1x16xf32> to vector<16xf32>
      %parallel_loop3A_707 = arith.addf %parallel_loop3A_698, %parallel_loop3A_706 : vector<16xf32>
      %parallel_loop3A_708 = arith.constant 0.000000e+00 : f32
      %parallel_loop3A_709 = vector.broadcast %parallel_loop3A_708 : f32 to vector<16xf32>
      %parallel_loop3A_710 = arith.subf %parallel_loop3A_709, %parallel_loop3A_707 : vector<16xf32>
      %parallel_loop3A_711 = math.exp %parallel_loop3A_710 : vector<16xf32>
      %parallel_loop3A_712 = arith.constant 1.000000e+00 : f32
      %parallel_loop3A_713 = vector.broadcast %parallel_loop3A_712 : f32 to vector<16xf32>
      %parallel_loop3A_714 = arith.addf %parallel_loop3A_713, %parallel_loop3A_711 : vector<16xf32>
      %parallel_loop3A_715 = arith.constant 1.000000e+00 : f32
      %parallel_loop3A_716 = vector.broadcast %parallel_loop3A_715 : f32 to vector<16xf32>
      %parallel_loop3A_717 = arith.divf %parallel_loop3A_716, %parallel_loop3A_714 : vector<16xf32>
      %parallel_loop3A_718 = arith.constant 64 : i32
      %parallel_loop3A_719 = arith.addi %parallel_loop3A_718, %parallel_loop3A_535 : i32
      %parallel_loop3A_720 = arith.constant 0 : i32
      %parallel_loop3A_721 = arith.index_cast %parallel_loop3A_720 : i32 to index
      %parallel_loop3A_722 = arith.index_cast %parallel_loop3A_719 : i32 to index
      %parallel_loop3A_723 = arith.constant 96 : index
      %parallel_loop3A_724 = tpu.vector_load %arg13[%parallel_loop3A_721, %parallel_loop3A_722, %parallel_loop3A_723] {strides = array<i32>} : memref<2x96x128xf32, #tpu.memory_space<vmem>>, vector<1x1x16xf32>,
      %parallel_loop3A_725 = vector.shape_cast %parallel_loop3A_724 : vector<1x1x16xf32> to vector<16xf32>
      %parallel_loop3A_726 = arith.addf %parallel_loop3A_707, %parallel_loop3A_725 : vector<16xf32>
      %parallel_loop3A_727 = arith.constant 0 : i32
      %parallel_loop3A_728 = arith.index_cast %parallel_loop3A_727 : i32 to index
      %parallel_loop3A_729 = arith.index_cast %parallel_loop3A_523 : i32 to index
      %parallel_loop3A_730 = arith.constant 32 : index
      %parallel_loop3A_731 = tpu.vector_load %arg15[%parallel_loop3A_728, %parallel_loop3A_729, %parallel_loop3A_730] {strides = array<i32>} : memref<2x16x128xf32, #tpu.memory_space<vmem>>, vector<1x1x16xf32>,
      %parallel_loop3A_732 = vector.shape_cast %parallel_loop3A_731 : vector<1x1x16xf32> to vector<16xf32>
      %parallel_loop3A_733 = vector.shape_cast %parallel_loop3A_726 : vector<16xf32> to vector<1x1x16xf32>
      tpu.vector_store %arg15[%parallel_loop3A_728, %parallel_loop3A_729, %parallel_loop3A_730], %parallel_loop3A_733 {strides = array<i32>} : memref<2x16x128xf32, #tpu.memory_space<vmem>>, vector<1x1x16xf32>,
      %parallel_loop3A_734 = arith.constant 0 : i32
      %parallel_loop3A_735 = arith.index_cast %parallel_loop3A_734 : i32 to index
      %parallel_loop3A_736 = arith.index_cast %parallel_loop3A_535 : i32 to index
      %parallel_loop3A_737 = arith.constant 96 : index
      %parallel_loop3A_738 = tpu.vector_load %arg13[%parallel_loop3A_735, %parallel_loop3A_736, %parallel_loop3A_737] {strides = array<i32>} : memref<2x96x128xf32, #tpu.memory_space<vmem>>, vector<1x1x16xf32>,
      %parallel_loop3A_739 = vector.shape_cast %parallel_loop3A_738 : vector<1x1x16xf32> to vector<16xf32>
      %parallel_loop3A_740 = arith.mulf %parallel_loop3A_739, %parallel_loop3A_717 : vector<16xf32>
      %parallel_loop3A_741 = arith.constant 0 : i32
      %parallel_loop3A_742 = arith.index_cast %parallel_loop3A_741 : i32 to index
      %parallel_loop3A_743 = arith.index_cast %parallel_loop3A_535 : i32 to index
      %parallel_loop3A_744 = arith.constant 32 : index
      %parallel_loop3A_745 = tpu.vector_load %arg14[%parallel_loop3A_742, %parallel_loop3A_743, %parallel_loop3A_744] {strides = array<i32>} : memref<2x32x128xf32, #tpu.memory_space<vmem>>, vector<1x1x16xf32>,
      %parallel_loop3A_746 = vector.shape_cast %parallel_loop3A_745 : vector<1x1x16xf32> to vector<16xf32>
      %parallel_loop3A_747 = vector.shape_cast %parallel_loop3A_740 : vector<16xf32> to vector<1x1x16xf32>
      tpu.vector_store %arg14[%parallel_loop3A_742, %parallel_loop3A_743, %parallel_loop3A_744], %parallel_loop3A_747 {strides = array<i32>} : memref<2x32x128xf32, #tpu.memory_space<vmem>>, vector<1x1x16xf32>,
      %parallel_loop3A_748 = arith.constant 0 : i32
      %parallel_loop3A_749 = arith.index_cast %parallel_loop3A_748 : i32 to index
      %parallel_loop3A_750 = arith.index_cast %parallel_loop3A_535 : i32 to index
      %parallel_loop3A_751 = arith.constant 96 : index
      %parallel_loop3A_752 = tpu.vector_load %arg14[%parallel_loop3A_749, %parallel_loop3A_750, %parallel_loop3A_751] {strides = array<i32>} : memref<2x32x128xf32, #tpu.memory_space<vmem>>, vector<1x1x16xf32>,
      %parallel_loop3A_753 = vector.shape_cast %parallel_loop3A_752 : vector<1x1x16xf32> to vector<16xf32>
      %parallel_loop3A_754 = vector.shape_cast %parallel_loop3A_717 : vector<16xf32> to vector<1x1x16xf32>
      tpu.vector_store %arg14[%parallel_loop3A_749, %parallel_loop3A_750, %parallel_loop3A_751], %parallel_loop3A_754 {strides = array<i32>} : memref<2x32x128xf32, #tpu.memory_space<vmem>>, vector<1x1x16xf32>,
      %parallel_loop3A_755 = arith.addf %parallel_loop3A_526, %parallel_loop3A_726 : vector<16xf32>
      %parallel_loop3A_756 = arith.mulf %parallel_loop3A_726, %parallel_loop3A_726 : vector<16xf32>
      %parallel_loop3A_757 = arith.addf %parallel_loop3A_530, %parallel_loop3A_756 : vector<16xf32>
      %parallel_loop3A_758 = arith.constant 0 : i32
      %parallel_loop3A_759 = arith.index_cast %parallel_loop3A_758 : i32 to index
      %parallel_loop3A_760 = arith.index_cast %parallel_loop3A_535 : i32 to index
      %parallel_loop3A_761 = arith.constant 48 : index
      %parallel_loop3A_762 = tpu.vector_load %arg13[%parallel_loop3A_759, %parallel_loop3A_760, %parallel_loop3A_761] {strides = array<i32>} : memref<2x96x128xf32, #tpu.memory_space<vmem>>, vector<1x1x16xf32>,
      %parallel_loop3A_763 = vector.shape_cast %parallel_loop3A_762 : vector<1x1x16xf32> to vector<16xf32>
      %parallel_loop3A_764 = arith.constant 32 : i32
      %parallel_loop3A_765 = arith.addi %parallel_loop3A_764, %parallel_loop3A_535 : i32
      %parallel_loop3A_766 = arith.constant 0 : i32
      %parallel_loop3A_767 = arith.index_cast %parallel_loop3A_766 : i32 to index
      %parallel_loop3A_768 = arith.index_cast %parallel_loop3A_765 : i32 to index
      %parallel_loop3A_769 = arith.constant 48 : index
      %parallel_loop3A_770 = tpu.vector_load %arg13[%parallel_loop3A_767, %parallel_loop3A_768, %parallel_loop3A_769] {strides = array<i32>} : memref<2x96x128xf32, #tpu.memory_space<vmem>>, vector<1x1x16xf32>,
      %parallel_loop3A_771 = vector.shape_cast %parallel_loop3A_770 : vector<1x1x16xf32> to vector<16xf32>
      %parallel_loop3A_772 = arith.addf %parallel_loop3A_763, %parallel_loop3A_771 : vector<16xf32>
      %parallel_loop3A_773 = arith.constant 64 : i32
      %parallel_loop3A_774 = arith.addi %parallel_loop3A_773, %parallel_loop3A_535 : i32
      %parallel_loop3A_775 = arith.constant 0 : i32
      %parallel_loop3A_776 = arith.index_cast %parallel_loop3A_775 : i32 to index
      %parallel_loop3A_777 = arith.index_cast %parallel_loop3A_774 : i32 to index
      %parallel_loop3A_778 = arith.constant 48 : index
      %parallel_loop3A_779 = tpu.vector_load %arg13[%parallel_loop3A_776, %parallel_loop3A_777, %parallel_loop3A_778] {strides = array<i32>} : memref<2x96x128xf32, #tpu.memory_space<vmem>>, vector<1x1x16xf32>,
      %parallel_loop3A_780 = vector.shape_cast %parallel_loop3A_779 : vector<1x1x16xf32> to vector<16xf32>
      %parallel_loop3A_781 = arith.addf %parallel_loop3A_772, %parallel_loop3A_780 : vector<16xf32>
      %parallel_loop3A_782 = arith.constant 0.000000e+00 : f32
      %parallel_loop3A_783 = vector.broadcast %parallel_loop3A_782 : f32 to vector<16xf32>
      %parallel_loop3A_784 = arith.subf %parallel_loop3A_783, %parallel_loop3A_781 : vector<16xf32>
      %parallel_loop3A_785 = math.exp %parallel_loop3A_784 : vector<16xf32>
      %parallel_loop3A_786 = arith.constant 1.000000e+00 : f32
      %parallel_loop3A_787 = vector.broadcast %parallel_loop3A_786 : f32 to vector<16xf32>
      %parallel_loop3A_788 = arith.addf %parallel_loop3A_787, %parallel_loop3A_785 : vector<16xf32>
      %parallel_loop3A_789 = arith.constant 1.000000e+00 : f32
      %parallel_loop3A_790 = vector.broadcast %parallel_loop3A_789 : f32 to vector<16xf32>
      %parallel_loop3A_791 = arith.divf %parallel_loop3A_790, %parallel_loop3A_788 : vector<16xf32>
      %parallel_loop3A_792 = arith.constant 64 : i32
      %parallel_loop3A_793 = arith.addi %parallel_loop3A_792, %parallel_loop3A_535 : i32
      %parallel_loop3A_794 = arith.constant 0 : i32
      %parallel_loop3A_795 = arith.index_cast %parallel_loop3A_794 : i32 to index
      %parallel_loop3A_796 = arith.index_cast %parallel_loop3A_793 : i32 to index
      %parallel_loop3A_797 = arith.constant 112 : index
      %parallel_loop3A_798 = tpu.vector_load %arg13[%parallel_loop3A_795, %parallel_loop3A_796, %parallel_loop3A_797] {strides = array<i32>} : memref<2x96x128xf32, #tpu.memory_space<vmem>>, vector<1x1x16xf32>,
      %parallel_loop3A_799 = vector.shape_cast %parallel_loop3A_798 : vector<1x1x16xf32> to vector<16xf32>
      %parallel_loop3A_800 = arith.addf %parallel_loop3A_781, %parallel_loop3A_799 : vector<16xf32>
      %parallel_loop3A_801 = arith.constant 0 : i32
      %parallel_loop3A_802 = arith.index_cast %parallel_loop3A_801 : i32 to index
      %parallel_loop3A_803 = arith.index_cast %parallel_loop3A_523 : i32 to index
      %parallel_loop3A_804 = arith.constant 48 : index
      %parallel_loop3A_805 = tpu.vector_load %arg15[%parallel_loop3A_802, %parallel_loop3A_803, %parallel_loop3A_804] {strides = array<i32>} : memref<2x16x128xf32, #tpu.memory_space<vmem>>, vector<1x1x16xf32>,
      %parallel_loop3A_806 = vector.shape_cast %parallel_loop3A_805 : vector<1x1x16xf32> to vector<16xf32>
      %parallel_loop3A_807 = vector.shape_cast %parallel_loop3A_800 : vector<16xf32> to vector<1x1x16xf32>
      tpu.vector_store %arg15[%parallel_loop3A_802, %parallel_loop3A_803, %parallel_loop3A_804], %parallel_loop3A_807 {strides = array<i32>} : memref<2x16x128xf32, #tpu.memory_space<vmem>>, vector<1x1x16xf32>,
      %parallel_loop3A_808 = arith.constant 0 : i32
      %parallel_loop3A_809 = arith.index_cast %parallel_loop3A_808 : i32 to index
      %parallel_loop3A_810 = arith.index_cast %parallel_loop3A_535 : i32 to index
      %parallel_loop3A_811 = arith.constant 112 : index
      %parallel_loop3A_812 = tpu.vector_load %arg13[%parallel_loop3A_809, %parallel_loop3A_810, %parallel_loop3A_811] {strides = array<i32>} : memref<2x96x128xf32, #tpu.memory_space<vmem>>, vector<1x1x16xf32>,
      %parallel_loop3A_813 = vector.shape_cast %parallel_loop3A_812 : vector<1x1x16xf32> to vector<16xf32>
      %parallel_loop3A_814 = arith.mulf %parallel_loop3A_813, %parallel_loop3A_791 : vector<16xf32>
      %parallel_loop3A_815 = arith.constant 0 : i32
      %parallel_loop3A_816 = arith.index_cast %parallel_loop3A_815 : i32 to index
      %parallel_loop3A_817 = arith.index_cast %parallel_loop3A_535 : i32 to index
      %parallel_loop3A_818 = arith.constant 48 : index
      %parallel_loop3A_819 = tpu.vector_load %arg14[%parallel_loop3A_816, %parallel_loop3A_817, %parallel_loop3A_818] {strides = array<i32>} : memref<2x32x128xf32, #tpu.memory_space<vmem>>, vector<1x1x16xf32>,
      %parallel_loop3A_820 = vector.shape_cast %parallel_loop3A_819 : vector<1x1x16xf32> to vector<16xf32>
      %parallel_loop3A_821 = vector.shape_cast %parallel_loop3A_814 : vector<16xf32> to vector<1x1x16xf32>
      tpu.vector_store %arg14[%parallel_loop3A_816, %parallel_loop3A_817, %parallel_loop3A_818], %parallel_loop3A_821 {strides = array<i32>} : memref<2x32x128xf32, #tpu.memory_space<vmem>>, vector<1x1x16xf32>,
      %parallel_loop3A_822 = arith.constant 0 : i32
      %parallel_loop3A_823 = arith.index_cast %parallel_loop3A_822 : i32 to index
      %parallel_loop3A_824 = arith.index_cast %parallel_loop3A_535 : i32 to index
      %parallel_loop3A_825 = arith.constant 112 : index
      %parallel_loop3A_826 = tpu.vector_load %arg14[%parallel_loop3A_823, %parallel_loop3A_824, %parallel_loop3A_825] {strides = array<i32>} : memref<2x32x128xf32, #tpu.memory_space<vmem>>, vector<1x1x16xf32>,
      %parallel_loop3A_827 = vector.shape_cast %parallel_loop3A_826 : vector<1x1x16xf32> to vector<16xf32>
      %parallel_loop3A_828 = vector.shape_cast %parallel_loop3A_791 : vector<16xf32> to vector<1x1x16xf32>
      tpu.vector_store %arg14[%parallel_loop3A_823, %parallel_loop3A_824, %parallel_loop3A_825], %parallel_loop3A_828 {strides = array<i32>} : memref<2x32x128xf32, #tpu.memory_space<vmem>>, vector<1x1x16xf32>,
      %parallel_loop3A_829 = arith.addf %parallel_loop3A_527, %parallel_loop3A_800 : vector<16xf32>
      %parallel_loop3A_830 = arith.mulf %parallel_loop3A_800, %parallel_loop3A_800 : vector<16xf32>
      %parallel_loop3A_831 = arith.addf %parallel_loop3A_531, %parallel_loop3A_830 : vector<16xf32>
      %parallel_loop3A_832 = arith.constant 2 : i32
      %parallel_loop3A_833 = arith.muli %parallel_loop3A_523, %parallel_loop3A_832 : i32
      %parallel_loop3A_834 = arith.constant 1 : i32
      %parallel_loop3A_835 = arith.addi %parallel_loop3A_833, %parallel_loop3A_834 : i32
      %parallel_loop3A_836 = arith.constant 0 : i32
      %parallel_loop3A_837 = arith.index_cast %parallel_loop3A_836 : i32 to index
      %parallel_loop3A_838 = arith.index_cast %parallel_loop3A_835 : i32 to index
      %parallel_loop3A_839 = arith.constant 0 : index
      %parallel_loop3A_840 = tpu.vector_load %arg13[%parallel_loop3A_837, %parallel_loop3A_838, %parallel_loop3A_839] {strides = array<i32>} : memref<2x96x128xf32, #tpu.memory_space<vmem>>, vector<1x1x16xf32>,
      %parallel_loop3A_841 = vector.shape_cast %parallel_loop3A_840 : vector<1x1x16xf32> to vector<16xf32>
      %parallel_loop3A_842 = arith.constant 32 : i32
      %parallel_loop3A_843 = arith.addi %parallel_loop3A_842, %parallel_loop3A_835 : i32
      %parallel_loop3A_844 = arith.constant 0 : i32
      %parallel_loop3A_845 = arith.index_cast %parallel_loop3A_844 : i32 to index
      %parallel_loop3A_846 = arith.index_cast %parallel_loop3A_843 : i32 to index
      %parallel_loop3A_847 = arith.constant 0 : index
      %parallel_loop3A_848 = tpu.vector_load %arg13[%parallel_loop3A_845, %parallel_loop3A_846, %parallel_loop3A_847] {strides = array<i32>} : memref<2x96x128xf32, #tpu.memory_space<vmem>>, vector<1x1x16xf32>,
      %parallel_loop3A_849 = vector.shape_cast %parallel_loop3A_848 : vector<1x1x16xf32> to vector<16xf32>
      %parallel_loop3A_850 = arith.addf %parallel_loop3A_841, %parallel_loop3A_849 : vector<16xf32>
      %parallel_loop3A_851 = arith.constant 64 : i32
      %parallel_loop3A_852 = arith.addi %parallel_loop3A_851, %parallel_loop3A_835 : i32
      %parallel_loop3A_853 = arith.constant 0 : i32
      %parallel_loop3A_854 = arith.index_cast %parallel_loop3A_853 : i32 to index
      %parallel_loop3A_855 = arith.index_cast %parallel_loop3A_852 : i32 to index
      %parallel_loop3A_856 = arith.constant 0 : index
      %parallel_loop3A_857 = tpu.vector_load %arg13[%parallel_loop3A_854, %parallel_loop3A_855, %parallel_loop3A_856] {strides = array<i32>} : memref<2x96x128xf32, #tpu.memory_space<vmem>>, vector<1x1x16xf32>,
      %parallel_loop3A_858 = vector.shape_cast %parallel_loop3A_857 : vector<1x1x16xf32> to vector<16xf32>
      %parallel_loop3A_859 = arith.addf %parallel_loop3A_850, %parallel_loop3A_858 : vector<16xf32>
      %parallel_loop3A_860 = arith.constant 0.000000e+00 : f32
      %parallel_loop3A_861 = vector.broadcast %parallel_loop3A_860 : f32 to vector<16xf32>
      %parallel_loop3A_862 = arith.subf %parallel_loop3A_861, %parallel_loop3A_859 : vector<16xf32>
      %parallel_loop3A_863 = math.exp %parallel_loop3A_862 : vector<16xf32>
      %parallel_loop3A_864 = arith.constant 1.000000e+00 : f32
      %parallel_loop3A_865 = vector.broadcast %parallel_loop3A_864 : f32 to vector<16xf32>
      %parallel_loop3A_866 = arith.addf %parallel_loop3A_865, %parallel_loop3A_863 : vector<16xf32>
      %parallel_loop3A_867 = arith.constant 1.000000e+00 : f32
      %parallel_loop3A_868 = vector.broadcast %parallel_loop3A_867 : f32 to vector<16xf32>
      %parallel_loop3A_869 = arith.divf %parallel_loop3A_868, %parallel_loop3A_866 : vector<16xf32>
      %parallel_loop3A_870 = arith.constant 64 : i32
      %parallel_loop3A_871 = arith.addi %parallel_loop3A_870, %parallel_loop3A_835 : i32
      %parallel_loop3A_872 = arith.constant 0 : i32
      %parallel_loop3A_873 = arith.index_cast %parallel_loop3A_872 : i32 to index
      %parallel_loop3A_874 = arith.index_cast %parallel_loop3A_871 : i32 to index
      %parallel_loop3A_875 = arith.constant 64 : index
      %parallel_loop3A_876 = tpu.vector_load %arg13[%parallel_loop3A_873, %parallel_loop3A_874, %parallel_loop3A_875] {strides = array<i32>} : memref<2x96x128xf32, #tpu.memory_space<vmem>>, vector<1x1x16xf32>,
      %parallel_loop3A_877 = vector.shape_cast %parallel_loop3A_876 : vector<1x1x16xf32> to vector<16xf32>
      %parallel_loop3A_878 = arith.addf %parallel_loop3A_859, %parallel_loop3A_877 : vector<16xf32>
      %parallel_loop3A_879 = arith.constant 0 : i32
      %parallel_loop3A_880 = arith.index_cast %parallel_loop3A_879 : i32 to index
      %parallel_loop3A_881 = arith.index_cast %parallel_loop3A_523 : i32 to index
      %parallel_loop3A_882 = arith.constant 64 : index
      %parallel_loop3A_883 = tpu.vector_load %arg15[%parallel_loop3A_880, %parallel_loop3A_881, %parallel_loop3A_882] {strides = array<i32>} : memref<2x16x128xf32, #tpu.memory_space<vmem>>, vector<1x1x16xf32>,
      %parallel_loop3A_884 = vector.shape_cast %parallel_loop3A_883 : vector<1x1x16xf32> to vector<16xf32>
      %parallel_loop3A_885 = vector.shape_cast %parallel_loop3A_878 : vector<16xf32> to vector<1x1x16xf32>
      tpu.vector_store %arg15[%parallel_loop3A_880, %parallel_loop3A_881, %parallel_loop3A_882], %parallel_loop3A_885 {strides = array<i32>} : memref<2x16x128xf32, #tpu.memory_space<vmem>>, vector<1x1x16xf32>,
      %parallel_loop3A_886 = arith.constant 0 : i32
      %parallel_loop3A_887 = arith.index_cast %parallel_loop3A_886 : i32 to index
      %parallel_loop3A_888 = arith.index_cast %parallel_loop3A_835 : i32 to index
      %parallel_loop3A_889 = arith.constant 64 : index
      %parallel_loop3A_890 = tpu.vector_load %arg13[%parallel_loop3A_887, %parallel_loop3A_888, %parallel_loop3A_889] {strides = array<i32>} : memref<2x96x128xf32, #tpu.memory_space<vmem>>, vector<1x1x16xf32>,
      %parallel_loop3A_891 = vector.shape_cast %parallel_loop3A_890 : vector<1x1x16xf32> to vector<16xf32>
      %parallel_loop3A_892 = arith.mulf %parallel_loop3A_891, %parallel_loop3A_869 : vector<16xf32>
      %parallel_loop3A_893 = arith.constant 0 : i32
      %parallel_loop3A_894 = arith.index_cast %parallel_loop3A_893 : i32 to index
      %parallel_loop3A_895 = arith.index_cast %parallel_loop3A_835 : i32 to index
      %parallel_loop3A_896 = arith.constant 0 : index
      %parallel_loop3A_897 = tpu.vector_load %arg14[%parallel_loop3A_894, %parallel_loop3A_895, %parallel_loop3A_896] {strides = array<i32>} : memref<2x32x128xf32, #tpu.memory_space<vmem>>, vector<1x1x16xf32>,
      %parallel_loop3A_898 = vector.shape_cast %parallel_loop3A_897 : vector<1x1x16xf32> to vector<16xf32>
      %parallel_loop3A_899 = vector.shape_cast %parallel_loop3A_892 : vector<16xf32> to vector<1x1x16xf32>
      tpu.vector_store %arg14[%parallel_loop3A_894, %parallel_loop3A_895, %parallel_loop3A_896], %parallel_loop3A_899 {strides = array<i32>} : memref<2x32x128xf32, #tpu.memory_space<vmem>>, vector<1x1x16xf32>,
      %parallel_loop3A_900 = arith.constant 0 : i32
      %parallel_loop3A_901 = arith.index_cast %parallel_loop3A_900 : i32 to index
      %parallel_loop3A_902 = arith.index_cast %parallel_loop3A_835 : i32 to index
      %parallel_loop3A_903 = arith.constant 64 : index
      %parallel_loop3A_904 = tpu.vector_load %arg14[%parallel_loop3A_901, %parallel_loop3A_902, %parallel_loop3A_903] {strides = array<i32>} : memref<2x32x128xf32, #tpu.memory_space<vmem>>, vector<1x1x16xf32>,
      %parallel_loop3A_905 = vector.shape_cast %parallel_loop3A_904 : vector<1x1x16xf32> to vector<16xf32>
      %parallel_loop3A_906 = vector.shape_cast %parallel_loop3A_869 : vector<16xf32> to vector<1x1x16xf32>
      tpu.vector_store %arg14[%parallel_loop3A_901, %parallel_loop3A_902, %parallel_loop3A_903], %parallel_loop3A_906 {strides = array<i32>} : memref<2x32x128xf32, #tpu.memory_space<vmem>>, vector<1x1x16xf32>,
      %parallel_loop3A_907 = arith.addf %parallel_loop3A_607, %parallel_loop3A_878 : vector<16xf32>
      %parallel_loop3A_908 = arith.mulf %parallel_loop3A_878, %parallel_loop3A_878 : vector<16xf32>
      %parallel_loop3A_909 = arith.addf %parallel_loop3A_609, %parallel_loop3A_908 : vector<16xf32>
      %parallel_loop3A_910 = arith.constant 0 : i32
      %parallel_loop3A_911 = arith.index_cast %parallel_loop3A_910 : i32 to index
      %parallel_loop3A_912 = arith.index_cast %parallel_loop3A_835 : i32 to index
      %parallel_loop3A_913 = arith.constant 16 : index
      %parallel_loop3A_914 = tpu.vector_load %arg13[%parallel_loop3A_911, %parallel_loop3A_912, %parallel_loop3A_913] {strides = array<i32>} : memref<2x96x128xf32, #tpu.memory_space<vmem>>, vector<1x1x16xf32>,
      %parallel_loop3A_915 = vector.shape_cast %parallel_loop3A_914 : vector<1x1x16xf32> to vector<16xf32>
      %parallel_loop3A_916 = arith.constant 32 : i32
      %parallel_loop3A_917 = arith.addi %parallel_loop3A_916, %parallel_loop3A_835 : i32
      %parallel_loop3A_918 = arith.constant 0 : i32
      %parallel_loop3A_919 = arith.index_cast %parallel_loop3A_918 : i32 to index
      %parallel_loop3A_920 = arith.index_cast %parallel_loop3A_917 : i32 to index
      %parallel_loop3A_921 = arith.constant 16 : index
      %parallel_loop3A_922 = tpu.vector_load %arg13[%parallel_loop3A_919, %parallel_loop3A_920, %parallel_loop3A_921] {strides = array<i32>} : memref<2x96x128xf32, #tpu.memory_space<vmem>>, vector<1x1x16xf32>,
      %parallel_loop3A_923 = vector.shape_cast %parallel_loop3A_922 : vector<1x1x16xf32> to vector<16xf32>
      %parallel_loop3A_924 = arith.addf %parallel_loop3A_915, %parallel_loop3A_923 : vector<16xf32>
      %parallel_loop3A_925 = arith.constant 64 : i32
      %parallel_loop3A_926 = arith.addi %parallel_loop3A_925, %parallel_loop3A_835 : i32
      %parallel_loop3A_927 = arith.constant 0 : i32
      %parallel_loop3A_928 = arith.index_cast %parallel_loop3A_927 : i32 to index
      %parallel_loop3A_929 = arith.index_cast %parallel_loop3A_926 : i32 to index
      %parallel_loop3A_930 = arith.constant 16 : index
      %parallel_loop3A_931 = tpu.vector_load %arg13[%parallel_loop3A_928, %parallel_loop3A_929, %parallel_loop3A_930] {strides = array<i32>} : memref<2x96x128xf32, #tpu.memory_space<vmem>>, vector<1x1x16xf32>,
      %parallel_loop3A_932 = vector.shape_cast %parallel_loop3A_931 : vector<1x1x16xf32> to vector<16xf32>
      %parallel_loop3A_933 = arith.addf %parallel_loop3A_924, %parallel_loop3A_932 : vector<16xf32>
      %parallel_loop3A_934 = arith.constant 0.000000e+00 : f32
      %parallel_loop3A_935 = vector.broadcast %parallel_loop3A_934 : f32 to vector<16xf32>
      %parallel_loop3A_936 = arith.subf %parallel_loop3A_935, %parallel_loop3A_933 : vector<16xf32>
      %parallel_loop3A_937 = math.exp %parallel_loop3A_936 : vector<16xf32>
      %parallel_loop3A_938 = arith.constant 1.000000e+00 : f32
      %parallel_loop3A_939 = vector.broadcast %parallel_loop3A_938 : f32 to vector<16xf32>
      %parallel_loop3A_940 = arith.addf %parallel_loop3A_939, %parallel_loop3A_937 : vector<16xf32>
      %parallel_loop3A_941 = arith.constant 1.000000e+00 : f32
      %parallel_loop3A_942 = vector.broadcast %parallel_loop3A_941 : f32 to vector<16xf32>
      %parallel_loop3A_943 = arith.divf %parallel_loop3A_942, %parallel_loop3A_940 : vector<16xf32>
      %parallel_loop3A_944 = arith.constant 64 : i32
      %parallel_loop3A_945 = arith.addi %parallel_loop3A_944, %parallel_loop3A_835 : i32
      %parallel_loop3A_946 = arith.constant 0 : i32
      %parallel_loop3A_947 = arith.index_cast %parallel_loop3A_946 : i32 to index
      %parallel_loop3A_948 = arith.index_cast %parallel_loop3A_945 : i32 to index
      %parallel_loop3A_949 = arith.constant 80 : index
      %parallel_loop3A_950 = tpu.vector_load %arg13[%parallel_loop3A_947, %parallel_loop3A_948, %parallel_loop3A_949] {strides = array<i32>} : memref<2x96x128xf32, #tpu.memory_space<vmem>>, vector<1x1x16xf32>,
      %parallel_loop3A_951 = vector.shape_cast %parallel_loop3A_950 : vector<1x1x16xf32> to vector<16xf32>
      %parallel_loop3A_952 = arith.addf %parallel_loop3A_933, %parallel_loop3A_951 : vector<16xf32>
      %parallel_loop3A_953 = arith.constant 0 : i32
      %parallel_loop3A_954 = arith.index_cast %parallel_loop3A_953 : i32 to index
      %parallel_loop3A_955 = arith.index_cast %parallel_loop3A_523 : i32 to index
      %parallel_loop3A_956 = arith.constant 80 : index
      %parallel_loop3A_957 = tpu.vector_load %arg15[%parallel_loop3A_954, %parallel_loop3A_955, %parallel_loop3A_956] {strides = array<i32>} : memref<2x16x128xf32, #tpu.memory_space<vmem>>, vector<1x1x16xf32>,
      %parallel_loop3A_958 = vector.shape_cast %parallel_loop3A_957 : vector<1x1x16xf32> to vector<16xf32>
      %parallel_loop3A_959 = vector.shape_cast %parallel_loop3A_952 : vector<16xf32> to vector<1x1x16xf32>
      tpu.vector_store %arg15[%parallel_loop3A_954, %parallel_loop3A_955, %parallel_loop3A_956], %parallel_loop3A_959 {strides = array<i32>} : memref<2x16x128xf32, #tpu.memory_space<vmem>>, vector<1x1x16xf32>,
      %parallel_loop3A_960 = arith.constant 0 : i32
      %parallel_loop3A_961 = arith.index_cast %parallel_loop3A_960 : i32 to index
      %parallel_loop3A_962 = arith.index_cast %parallel_loop3A_835 : i32 to index
      %parallel_loop3A_963 = arith.constant 80 : index
      %parallel_loop3A_964 = tpu.vector_load %arg13[%parallel_loop3A_961, %parallel_loop3A_962, %parallel_loop3A_963] {strides = array<i32>} : memref<2x96x128xf32, #tpu.memory_space<vmem>>, vector<1x1x16xf32>,
      %parallel_loop3A_965 = vector.shape_cast %parallel_loop3A_964 : vector<1x1x16xf32> to vector<16xf32>
      %parallel_loop3A_966 = arith.mulf %parallel_loop3A_965, %parallel_loop3A_943 : vector<16xf32>
      %parallel_loop3A_967 = arith.constant 0 : i32
      %parallel_loop3A_968 = arith.index_cast %parallel_loop3A_967 : i32 to index
      %parallel_loop3A_969 = arith.index_cast %parallel_loop3A_835 : i32 to index
      %parallel_loop3A_970 = arith.constant 16 : index
      %parallel_loop3A_971 = tpu.vector_load %arg14[%parallel_loop3A_968, %parallel_loop3A_969, %parallel_loop3A_970] {strides = array<i32>} : memref<2x32x128xf32, #tpu.memory_space<vmem>>, vector<1x1x16xf32>,
      %parallel_loop3A_972 = vector.shape_cast %parallel_loop3A_971 : vector<1x1x16xf32> to vector<16xf32>
      %parallel_loop3A_973 = vector.shape_cast %parallel_loop3A_966 : vector<16xf32> to vector<1x1x16xf32>
      tpu.vector_store %arg14[%parallel_loop3A_968, %parallel_loop3A_969, %parallel_loop3A_970], %parallel_loop3A_973 {strides = array<i32>} : memref<2x32x128xf32, #tpu.memory_space<vmem>>, vector<1x1x16xf32>,
      %parallel_loop3A_974 = arith.constant 0 : i32
      %parallel_loop3A_975 = arith.index_cast %parallel_loop3A_974 : i32 to index
      %parallel_loop3A_976 = arith.index_cast %parallel_loop3A_835 : i32 to index
      %parallel_loop3A_977 = arith.constant 80 : index
      %parallel_loop3A_978 = tpu.vector_load %arg14[%parallel_loop3A_975, %parallel_loop3A_976, %parallel_loop3A_977] {strides = array<i32>} : memref<2x32x128xf32, #tpu.memory_space<vmem>>, vector<1x1x16xf32>,
      %parallel_loop3A_979 = vector.shape_cast %parallel_loop3A_978 : vector<1x1x16xf32> to vector<16xf32>
      %parallel_loop3A_980 = vector.shape_cast %parallel_loop3A_943 : vector<16xf32> to vector<1x1x16xf32>
      tpu.vector_store %arg14[%parallel_loop3A_975, %parallel_loop3A_976, %parallel_loop3A_977], %parallel_loop3A_980 {strides = array<i32>} : memref<2x32x128xf32, #tpu.memory_space<vmem>>, vector<1x1x16xf32>,
      %parallel_loop3A_981 = arith.addf %parallel_loop3A_681, %parallel_loop3A_952 : vector<16xf32>
      %parallel_loop3A_982 = arith.mulf %parallel_loop3A_952, %parallel_loop3A_952 : vector<16xf32>
      %parallel_loop3A_983 = arith.addf %parallel_loop3A_683, %parallel_loop3A_982 : vector<16xf32>
      %parallel_loop3A_984 = arith.constant 0 : i32
      %parallel_loop3A_985 = arith.index_cast %parallel_loop3A_984 : i32 to index
      %parallel_loop3A_986 = arith.index_cast %parallel_loop3A_835 : i32 to index
      %parallel_loop3A_987 = arith.constant 32 : index
      %parallel_loop3A_988 = tpu.vector_load %arg13[%parallel_loop3A_985, %parallel_loop3A_986, %parallel_loop3A_987] {strides = array<i32>} : memref<2x96x128xf32, #tpu.memory_space<vmem>>, vector<1x1x16xf32>,
      %parallel_loop3A_989 = vector.shape_cast %parallel_loop3A_988 : vector<1x1x16xf32> to vector<16xf32>
      %parallel_loop3A_990 = arith.constant 32 : i32
      %parallel_loop3A_991 = arith.addi %parallel_loop3A_990, %parallel_loop3A_835 : i32
      %parallel_loop3A_992 = arith.constant 0 : i32
      %parallel_loop3A_993 = arith.index_cast %parallel_loop3A_992 : i32 to index
      %parallel_loop3A_994 = arith.index_cast %parallel_loop3A_991 : i32 to index
      %parallel_loop3A_995 = arith.constant 32 : index
      %parallel_loop3A_996 = tpu.vector_load %arg13[%parallel_loop3A_993, %parallel_loop3A_994, %parallel_loop3A_995] {strides = array<i32>} : memref<2x96x128xf32, #tpu.memory_space<vmem>>, vector<1x1x16xf32>,
      %parallel_loop3A_997 = vector.shape_cast %parallel_loop3A_996 : vector<1x1x16xf32> to vector<16xf32>
      %parallel_loop3A_998 = arith.addf %parallel_loop3A_989, %parallel_loop3A_997 : vector<16xf32>
      %parallel_loop3A_999 = arith.constant 64 : i32
      %parallel_loop3A_1000 = arith.addi %parallel_loop3A_999, %parallel_loop3A_835 : i32
      %parallel_loop3A_1001 = arith.constant 0 : i32
      %parallel_loop3A_1002 = arith.index_cast %parallel_loop3A_1001 : i32 to index
      %parallel_loop3A_1003 = arith.index_cast %parallel_loop3A_1000 : i32 to index
      %parallel_loop3A_1004 = arith.constant 32 : index
      %parallel_loop3A_1005 = tpu.vector_load %arg13[%parallel_loop3A_1002, %parallel_loop3A_1003, %parallel_loop3A_1004] {strides = array<i32>} : memref<2x96x128xf32, #tpu.memory_space<vmem>>, vector<1x1x16xf32>,
      %parallel_loop3A_1006 = vector.shape_cast %parallel_loop3A_1005 : vector<1x1x16xf32> to vector<16xf32>
      %parallel_loop3A_1007 = arith.addf %parallel_loop3A_998, %parallel_loop3A_1006 : vector<16xf32>
      %parallel_loop3A_1008 = arith.constant 0.000000e+00 : f32
      %parallel_loop3A_1009 = vector.broadcast %parallel_loop3A_1008 : f32 to vector<16xf32>
      %parallel_loop3A_1010 = arith.subf %parallel_loop3A_1009, %parallel_loop3A_1007 : vector<16xf32>
      %parallel_loop3A_1011 = math.exp %parallel_loop3A_1010 : vector<16xf32>
      %parallel_loop3A_1012 = arith.constant 1.000000e+00 : f32
      %parallel_loop3A_1013 = vector.broadcast %parallel_loop3A_1012 : f32 to vector<16xf32>
      %parallel_loop3A_1014 = arith.addf %parallel_loop3A_1013, %parallel_loop3A_1011 : vector<16xf32>
      %parallel_loop3A_1015 = arith.constant 1.000000e+00 : f32
      %parallel_loop3A_1016 = vector.broadcast %parallel_loop3A_1015 : f32 to vector<16xf32>
      %parallel_loop3A_1017 = arith.divf %parallel_loop3A_1016, %parallel_loop3A_1014 : vector<16xf32>
      %parallel_loop3A_1018 = arith.constant 64 : i32
      %parallel_loop3A_1019 = arith.addi %parallel_loop3A_1018, %parallel_loop3A_835 : i32
      %parallel_loop3A_1020 = arith.constant 0 : i32
      %parallel_loop3A_1021 = arith.index_cast %parallel_loop3A_1020 : i32 to index
      %parallel_loop3A_1022 = arith.index_cast %parallel_loop3A_1019 : i32 to index
      %parallel_loop3A_1023 = arith.constant 96 : index
      %parallel_loop3A_1024 = tpu.vector_load %arg13[%parallel_loop3A_1021, %parallel_loop3A_1022, %parallel_loop3A_1023] {strides = array<i32>} : memref<2x96x128xf32, #tpu.memory_space<vmem>>, vector<1x1x16xf32>,
      %parallel_loop3A_1025 = vector.shape_cast %parallel_loop3A_1024 : vector<1x1x16xf32> to vector<16xf32>
      %parallel_loop3A_1026 = arith.addf %parallel_loop3A_1007, %parallel_loop3A_1025 : vector<16xf32>
      %parallel_loop3A_1027 = arith.constant 0 : i32
      %parallel_loop3A_1028 = arith.index_cast %parallel_loop3A_1027 : i32 to index
      %parallel_loop3A_1029 = arith.index_cast %parallel_loop3A_523 : i32 to index
      %parallel_loop3A_1030 = arith.constant 96 : index
      %parallel_loop3A_1031 = tpu.vector_load %arg15[%parallel_loop3A_1028, %parallel_loop3A_1029, %parallel_loop3A_1030] {strides = array<i32>} : memref<2x16x128xf32, #tpu.memory_space<vmem>>, vector<1x1x16xf32>,
      %parallel_loop3A_1032 = vector.shape_cast %parallel_loop3A_1031 : vector<1x1x16xf32> to vector<16xf32>
      %parallel_loop3A_1033 = vector.shape_cast %parallel_loop3A_1026 : vector<16xf32> to vector<1x1x16xf32>
      tpu.vector_store %arg15[%parallel_loop3A_1028, %parallel_loop3A_1029, %parallel_loop3A_1030], %parallel_loop3A_1033 {strides = array<i32>} : memref<2x16x128xf32, #tpu.memory_space<vmem>>, vector<1x1x16xf32>,
      %parallel_loop3A_1034 = arith.constant 0 : i32
      %parallel_loop3A_1035 = arith.index_cast %parallel_loop3A_1034 : i32 to index
      %parallel_loop3A_1036 = arith.index_cast %parallel_loop3A_835 : i32 to index
      %parallel_loop3A_1037 = arith.constant 96 : index
      %parallel_loop3A_1038 = tpu.vector_load %arg13[%parallel_loop3A_1035, %parallel_loop3A_1036, %parallel_loop3A_1037] {strides = array<i32>} : memref<2x96x128xf32, #tpu.memory_space<vmem>>, vector<1x1x16xf32>,
      %parallel_loop3A_1039 = vector.shape_cast %parallel_loop3A_1038 : vector<1x1x16xf32> to vector<16xf32>
      %parallel_loop3A_1040 = arith.mulf %parallel_loop3A_1039, %parallel_loop3A_1017 : vector<16xf32>
      %parallel_loop3A_1041 = arith.constant 0 : i32
      %parallel_loop3A_1042 = arith.index_cast %parallel_loop3A_1041 : i32 to index
      %parallel_loop3A_1043 = arith.index_cast %parallel_loop3A_835 : i32 to index
      %parallel_loop3A_1044 = arith.constant 32 : index
      %parallel_loop3A_1045 = tpu.vector_load %arg14[%parallel_loop3A_1042, %parallel_loop3A_1043, %parallel_loop3A_1044] {strides = array<i32>} : memref<2x32x128xf32, #tpu.memory_space<vmem>>, vector<1x1x16xf32>,
      %parallel_loop3A_1046 = vector.shape_cast %parallel_loop3A_1045 : vector<1x1x16xf32> to vector<16xf32>
      %parallel_loop3A_1047 = vector.shape_cast %parallel_loop3A_1040 : vector<16xf32> to vector<1x1x16xf32>
      tpu.vector_store %arg14[%parallel_loop3A_1042, %parallel_loop3A_1043, %parallel_loop3A_1044], %parallel_loop3A_1047 {strides = array<i32>} : memref<2x32x128xf32, #tpu.memory_space<vmem>>, vector<1x1x16xf32>,
      %parallel_loop3A_1048 = arith.constant 0 : i32
      %parallel_loop3A_1049 = arith.index_cast %parallel_loop3A_1048 : i32 to index
      %parallel_loop3A_1050 = arith.index_cast %parallel_loop3A_835 : i32 to index
      %parallel_loop3A_1051 = arith.constant 96 : index
      %parallel_loop3A_1052 = tpu.vector_load %arg14[%parallel_loop3A_1049, %parallel_loop3A_1050, %parallel_loop3A_1051] {strides = array<i32>} : memref<2x32x128xf32, #tpu.memory_space<vmem>>, vector<1x1x16xf32>,
      %parallel_loop3A_1053 = vector.shape_cast %parallel_loop3A_1052 : vector<1x1x16xf32> to vector<16xf32>
      %parallel_loop3A_1054 = vector.shape_cast %parallel_loop3A_1017 : vector<16xf32> to vector<1x1x16xf32>
      tpu.vector_store %arg14[%parallel_loop3A_1049, %parallel_loop3A_1050, %parallel_loop3A_1051], %parallel_loop3A_1054 {strides = array<i32>} : memref<2x32x128xf32, #tpu.memory_space<vmem>>, vector<1x1x16xf32>,
      %parallel_loop3A_1055 = arith.addf %parallel_loop3A_755, %parallel_loop3A_1026 : vector<16xf32>
      %parallel_loop3A_1056 = arith.mulf %parallel_loop3A_1026, %parallel_loop3A_1026 : vector<16xf32>
      %parallel_loop3A_1057 = arith.addf %parallel_loop3A_757, %parallel_loop3A_1056 : vector<16xf32>
      %parallel_loop3A_1058 = arith.constant 0 : i32
      %parallel_loop3A_1059 = arith.index_cast %parallel_loop3A_1058 : i32 to index
      %parallel_loop3A_1060 = arith.index_cast %parallel_loop3A_835 : i32 to index
      %parallel_loop3A_1061 = arith.constant 48 : index
      %parallel_loop3A_1062 = tpu.vector_load %arg13[%parallel_loop3A_1059, %parallel_loop3A_1060, %parallel_loop3A_1061] {strides = array<i32>} : memref<2x96x128xf32, #tpu.memory_space<vmem>>, vector<1x1x16xf32>,
      %parallel_loop3A_1063 = vector.shape_cast %parallel_loop3A_1062 : vector<1x1x16xf32> to vector<16xf32>
      %parallel_loop3A_1064 = arith.constant 32 : i32
      %parallel_loop3A_1065 = arith.addi %parallel_loop3A_1064, %parallel_loop3A_835 : i32
      %parallel_loop3A_1066 = arith.constant 0 : i32
      %parallel_loop3A_1067 = arith.index_cast %parallel_loop3A_1066 : i32 to index
      %parallel_loop3A_1068 = arith.index_cast %parallel_loop3A_1065 : i32 to index
      %parallel_loop3A_1069 = arith.constant 48 : index
      %parallel_loop3A_1070 = tpu.vector_load %arg13[%parallel_loop3A_1067, %parallel_loop3A_1068, %parallel_loop3A_1069] {strides = array<i32>} : memref<2x96x128xf32, #tpu.memory_space<vmem>>, vector<1x1x16xf32>,
      %parallel_loop3A_1071 = vector.shape_cast %parallel_loop3A_1070 : vector<1x1x16xf32> to vector<16xf32>
      %parallel_loop3A_1072 = arith.addf %parallel_loop3A_1063, %parallel_loop3A_1071 : vector<16xf32>
      %parallel_loop3A_1073 = arith.constant 64 : i32
      %parallel_loop3A_1074 = arith.addi %parallel_loop3A_1073, %parallel_loop3A_835 : i32
      %parallel_loop3A_1075 = arith.constant 0 : i32
      %parallel_loop3A_1076 = arith.index_cast %parallel_loop3A_1075 : i32 to index
      %parallel_loop3A_1077 = arith.index_cast %parallel_loop3A_1074 : i32 to index
      %parallel_loop3A_1078 = arith.constant 48 : index
      %parallel_loop3A_1079 = tpu.vector_load %arg13[%parallel_loop3A_1076, %parallel_loop3A_1077, %parallel_loop3A_1078] {strides = array<i32>} : memref<2x96x128xf32, #tpu.memory_space<vmem>>, vector<1x1x16xf32>,
      %parallel_loop3A_1080 = vector.shape_cast %parallel_loop3A_1079 : vector<1x1x16xf32> to vector<16xf32>
      %parallel_loop3A_1081 = arith.addf %parallel_loop3A_1072, %parallel_loop3A_1080 : vector<16xf32>
      %parallel_loop3A_1082 = arith.constant 0.000000e+00 : f32
      %parallel_loop3A_1083 = vector.broadcast %parallel_loop3A_1082 : f32 to vector<16xf32>
      %parallel_loop3A_1084 = arith.subf %parallel_loop3A_1083, %parallel_loop3A_1081 : vector<16xf32>
      %parallel_loop3A_1085 = math.exp %parallel_loop3A_1084 : vector<16xf32>
      %parallel_loop3A_1086 = arith.constant 1.000000e+00 : f32
      %parallel_loop3A_1087 = vector.broadcast %parallel_loop3A_1086 : f32 to vector<16xf32>
      %parallel_loop3A_1088 = arith.addf %parallel_loop3A_1087, %parallel_loop3A_1085 : vector<16xf32>
      %parallel_loop3A_1089 = arith.constant 1.000000e+00 : f32
      %parallel_loop3A_1090 = vector.broadcast %parallel_loop3A_1089 : f32 to vector<16xf32>
      %parallel_loop3A_1091 = arith.divf %parallel_loop3A_1090, %parallel_loop3A_1088 : vector<16xf32>
      %parallel_loop3A_1092 = arith.constant 64 : i32
      %parallel_loop3A_1093 = arith.addi %parallel_loop3A_1092, %parallel_loop3A_835 : i32
      %parallel_loop3A_1094 = arith.constant 0 : i32
      %parallel_loop3A_1095 = arith.index_cast %parallel_loop3A_1094 : i32 to index
      %parallel_loop3A_1096 = arith.index_cast %parallel_loop3A_1093 : i32 to index
      %parallel_loop3A_1097 = arith.constant 112 : index
      %parallel_loop3A_1098 = tpu.vector_load %arg13[%parallel_loop3A_1095, %parallel_loop3A_1096, %parallel_loop3A_1097] {strides = array<i32>} : memref<2x96x128xf32, #tpu.memory_space<vmem>>, vector<1x1x16xf32>,
      %parallel_loop3A_1099 = vector.shape_cast %parallel_loop3A_1098 : vector<1x1x16xf32> to vector<16xf32>
      %parallel_loop3A_1100 = arith.addf %parallel_loop3A_1081, %parallel_loop3A_1099 : vector<16xf32>
      %parallel_loop3A_1101 = arith.constant 0 : i32
      %parallel_loop3A_1102 = arith.index_cast %parallel_loop3A_1101 : i32 to index
      %parallel_loop3A_1103 = arith.index_cast %parallel_loop3A_523 : i32 to index
      %parallel_loop3A_1104 = arith.constant 112 : index
      %parallel_loop3A_1105 = tpu.vector_load %arg15[%parallel_loop3A_1102, %parallel_loop3A_1103, %parallel_loop3A_1104] {strides = array<i32>} : memref<2x16x128xf32, #tpu.memory_space<vmem>>, vector<1x1x16xf32>,
      %parallel_loop3A_1106 = vector.shape_cast %parallel_loop3A_1105 : vector<1x1x16xf32> to vector<16xf32>
      %parallel_loop3A_1107 = vector.shape_cast %parallel_loop3A_1100 : vector<16xf32> to vector<1x1x16xf32>
      tpu.vector_store %arg15[%parallel_loop3A_1102, %parallel_loop3A_1103, %parallel_loop3A_1104], %parallel_loop3A_1107 {strides = array<i32>} : memref<2x16x128xf32, #tpu.memory_space<vmem>>, vector<1x1x16xf32>,
      %parallel_loop3A_1108 = arith.constant 0 : i32
      %parallel_loop3A_1109 = arith.index_cast %parallel_loop3A_1108 : i32 to index
      %parallel_loop3A_1110 = arith.index_cast %parallel_loop3A_835 : i32 to index
      %parallel_loop3A_1111 = arith.constant 112 : index
      %parallel_loop3A_1112 = tpu.vector_load %arg13[%parallel_loop3A_1109, %parallel_loop3A_1110, %parallel_loop3A_1111] {strides = array<i32>} : memref<2x96x128xf32, #tpu.memory_space<vmem>>, vector<1x1x16xf32>,
      %parallel_loop3A_1113 = vector.shape_cast %parallel_loop3A_1112 : vector<1x1x16xf32> to vector<16xf32>
      %parallel_loop3A_1114 = arith.mulf %parallel_loop3A_1113, %parallel_loop3A_1091 : vector<16xf32>
      %parallel_loop3A_1115 = arith.constant 0 : i32
      %parallel_loop3A_1116 = arith.index_cast %parallel_loop3A_1115 : i32 to index
      %parallel_loop3A_1117 = arith.index_cast %parallel_loop3A_835 : i32 to index
      %parallel_loop3A_1118 = arith.constant 48 : index
      %parallel_loop3A_1119 = tpu.vector_load %arg14[%parallel_loop3A_1116, %parallel_loop3A_1117, %parallel_loop3A_1118] {strides = array<i32>} : memref<2x32x128xf32, #tpu.memory_space<vmem>>, vector<1x1x16xf32>,
      %parallel_loop3A_1120 = vector.shape_cast %parallel_loop3A_1119 : vector<1x1x16xf32> to vector<16xf32>
      %parallel_loop3A_1121 = vector.shape_cast %parallel_loop3A_1114 : vector<16xf32> to vector<1x1x16xf32>
      tpu.vector_store %arg14[%parallel_loop3A_1116, %parallel_loop3A_1117, %parallel_loop3A_1118], %parallel_loop3A_1121 {strides = array<i32>} : memref<2x32x128xf32, #tpu.memory_space<vmem>>, vector<1x1x16xf32>,
      %parallel_loop3A_1122 = arith.constant 0 : i32
      %parallel_loop3A_1123 = arith.index_cast %parallel_loop3A_1122 : i32 to index
      %parallel_loop3A_1124 = arith.index_cast %parallel_loop3A_835 : i32 to index
      %parallel_loop3A_1125 = arith.constant 112 : index
      %parallel_loop3A_1126 = tpu.vector_load %arg14[%parallel_loop3A_1123, %parallel_loop3A_1124, %parallel_loop3A_1125] {strides = array<i32>} : memref<2x32x128xf32, #tpu.memory_space<vmem>>, vector<1x1x16xf32>,
      %parallel_loop3A_1127 = vector.shape_cast %parallel_loop3A_1126 : vector<1x1x16xf32> to vector<16xf32>
      %parallel_loop3A_1128 = vector.shape_cast %parallel_loop3A_1091 : vector<16xf32> to vector<1x1x16xf32>
      tpu.vector_store %arg14[%parallel_loop3A_1123, %parallel_loop3A_1124, %parallel_loop3A_1125], %parallel_loop3A_1128 {strides = array<i32>} : memref<2x32x128xf32, #tpu.memory_space<vmem>>, vector<1x1x16xf32>,
      %parallel_loop3A_1129 = arith.addf %parallel_loop3A_829, %parallel_loop3A_1100 : vector<16xf32>
      %parallel_loop3A_1130 = arith.mulf %parallel_loop3A_1100, %parallel_loop3A_1100 : vector<16xf32>
      %parallel_loop3A_1131 = arith.addf %parallel_loop3A_831, %parallel_loop3A_1130 : vector<16xf32>
      scf.yield %parallel_loop3A_907, %parallel_loop3A_981, %parallel_loop3A_1055, %parallel_loop3A_1129, %parallel_loop3A_909, %parallel_loop3A_983, %parallel_loop3A_1057, %parallel_loop3A_1131 : vector<16xf32>, vector<16xf32>, vector<16xf32>, vector<16xf32>, vector<16xf32>, vector<16xf32>, vector<16xf32>, vector<16xf32>
    } {sc.loop_unroll_factor = 4 : i64, sc.parallel_access}
    %add3A_286 = arith.constant 0 : i32
    %add3A_287 = arith.addi %multiple_of3A, %add3A_286 : i32
    %swap3A_288 = arith.constant 0 : i32
    %swap3A_289 = arith.index_cast %swap3A_288 : i32 to index
    %swap3A_290 = arith.index_cast %add3A_287 : i32 to index
    %swap3A_291 = tpu.vector_load %arg16[%swap3A_289, %swap3A_290] {strides = array<i32>} : memref<8x128xf32, #tpu.memory_space<vmem>>, vector<1x16xf32>,
    %swap3A_292 = vector.shape_cast %swap3A_291 : vector<1x16xf32> to vector<16xf32>
    %swap3A_293 = vector.shape_cast %parallel_loop3A_285#0 : vector<16xf32> to vector<1x16xf32>
    tpu.vector_store %arg16[%swap3A_289, %swap3A_290], %swap3A_293 {add = true, strides = array<i32>} : memref<8x128xf32, #tpu.memory_space<vmem>>, vector<1x16xf32>,
    %add3A_294 = arith.constant 0 : i32
    %add3A_295 = arith.addi %multiple_of3A, %add3A_294 : i32
    %swap3A_296 = arith.constant 1 : i32
    %swap3A_297 = arith.index_cast %swap3A_296 : i32 to index
    %swap3A_298 = arith.index_cast %add3A_295 : i32 to index
    %swap3A_299 = tpu.vector_load %arg16[%swap3A_297, %swap3A_298] {strides = array<i32>} : memref<8x128xf32, #tpu.memory_space<vmem>>, vector<1x16xf32>,
    %swap3A_300 = vector.shape_cast %swap3A_299 : vector<1x16xf32> to vector<16xf32>
    %swap3A_301 = vector.shape_cast %parallel_loop3A_285#4 : vector<16xf32> to vector<1x16xf32>
    tpu.vector_store %arg16[%swap3A_297, %swap3A_298], %swap3A_301 {add = true, strides = array<i32>} : memref<8x128xf32, #tpu.memory_space<vmem>>, vector<1x16xf32>,
    %add3A_302 = arith.constant 16 : i32
    %add3A_303 = arith.addi %multiple_of3A, %add3A_302 : i32
    %swap3A_304 = arith.constant 0 : i32
    %swap3A_305 = arith.index_cast %swap3A_304 : i32 to index
    %swap3A_306 = arith.index_cast %add3A_303 : i32 to index
    %swap3A_307 = tpu.vector_load %arg16[%swap3A_305, %swap3A_306] {strides = array<i32>} : memref<8x128xf32, #tpu.memory_space<vmem>>, vector<1x16xf32>,
    %swap3A_308 = vector.shape_cast %swap3A_307 : vector<1x16xf32> to vector<16xf32>
    %swap3A_309 = vector.shape_cast %parallel_loop3A_285#1 : vector<16xf32> to vector<1x16xf32>
    tpu.vector_store %arg16[%swap3A_305, %swap3A_306], %swap3A_309 {add = true, strides = array<i32>} : memref<8x128xf32, #tpu.memory_space<vmem>>, vector<1x16xf32>,
    %add3A_310 = arith.constant 16 : i32
    %add3A_311 = arith.addi %multiple_of3A, %add3A_310 : i32
    %swap3A_312 = arith.constant 1 : i32
    %swap3A_313 = arith.index_cast %swap3A_312 : i32 to index
    %swap3A_314 = arith.index_cast %add3A_311 : i32 to index
    %swap3A_315 = tpu.vector_load %arg16[%swap3A_313, %swap3A_314] {strides = array<i32>} : memref<8x128xf32, #tpu.memory_space<vmem>>, vector<1x16xf32>,
    %swap3A_316 = vector.shape_cast %swap3A_315 : vector<1x16xf32> to vector<16xf32>
    %swap3A_317 = vector.shape_cast %parallel_loop3A_285#5 : vector<16xf32> to vector<1x16xf32>
    tpu.vector_store %arg16[%swap3A_313, %swap3A_314], %swap3A_317 {add = true, strides = array<i32>} : memref<8x128xf32, #tpu.memory_space<vmem>>, vector<1x16xf32>,
    %add3A_318 = arith.constant 32 : i32
    %add3A_319 = arith.addi %multiple_of3A, %add3A_318 : i32
    %swap3A_320 = arith.constant 0 : i32
    %swap3A_321 = arith.index_cast %swap3A_320 : i32 to index
    %swap3A_322 = arith.index_cast %add3A_319 : i32 to index
    %swap3A_323 = tpu.vector_load %arg16[%swap3A_321, %swap3A_322] {strides = array<i32>} : memref<8x128xf32, #tpu.memory_space<vmem>>, vector<1x16xf32>,
    %swap3A_324 = vector.shape_cast %swap3A_323 : vector<1x16xf32> to vector<16xf32>
    %swap3A_325 = vector.shape_cast %parallel_loop3A_285#2 : vector<16xf32> to vector<1x16xf32>
    tpu.vector_store %arg16[%swap3A_321, %swap3A_322], %swap3A_325 {add = true, strides = array<i32>} : memref<8x128xf32, #tpu.memory_space<vmem>>, vector<1x16xf32>,
    %add3A_326 = arith.constant 32 : i32
    %add3A_327 = arith.addi %multiple_of3A, %add3A_326 : i32
    %swap3A_328 = arith.constant 1 : i32
    %swap3A_329 = arith.index_cast %swap3A_328 : i32 to index
    %swap3A_330 = arith.index_cast %add3A_327 : i32 to index
    %swap3A_331 = tpu.vector_load %arg16[%swap3A_329, %swap3A_330] {strides = array<i32>} : memref<8x128xf32, #tpu.memory_space<vmem>>, vector<1x16xf32>,
    %swap3A_332 = vector.shape_cast %swap3A_331 : vector<1x16xf32> to vector<16xf32>
    %swap3A_333 = vector.shape_cast %parallel_loop3A_285#6 : vector<16xf32> to vector<1x16xf32>
    tpu.vector_store %arg16[%swap3A_329, %swap3A_330], %swap3A_333 {add = true, strides = array<i32>} : memref<8x128xf32, #tpu.memory_space<vmem>>, vector<1x16xf32>,
    %add3A_334 = arith.constant 48 : i32
    %add3A_335 = arith.addi %multiple_of3A, %add3A_334 : i32
    %swap3A_336 = arith.constant 0 : i32
    %swap3A_337 = arith.index_cast %swap3A_336 : i32 to index
    %swap3A_338 = arith.index_cast %add3A_335 : i32 to index
    %swap3A_339 = tpu.vector_load %arg16[%swap3A_337, %swap3A_338] {strides = array<i32>} : memref<8x128xf32, #tpu.memory_space<vmem>>, vector<1x16xf32>,
    %swap3A_340 = vector.shape_cast %swap3A_339 : vector<1x16xf32> to vector<16xf32>
    %swap3A_341 = vector.shape_cast %parallel_loop3A_285#3 : vector<16xf32> to vector<1x16xf32>
    tpu.vector_store %arg16[%swap3A_337, %swap3A_338], %swap3A_341 {add = true, strides = array<i32>} : memref<8x128xf32, #tpu.memory_space<vmem>>, vector<1x16xf32>,
    %add3A_342 = arith.constant 48 : i32
    %add3A_343 = arith.addi %multiple_of3A, %add3A_342 : i32
    %swap3A_344 = arith.constant 1 : i32
    %swap3A_345 = arith.index_cast %swap3A_344 : i32 to index
    %swap3A_346 = arith.index_cast %add3A_343 : i32 to index
    %swap3A_347 = tpu.vector_load %arg16[%swap3A_345, %swap3A_346] {strides = array<i32>} : memref<8x128xf32, #tpu.memory_space<vmem>>, vector<1x16xf32>,
    %swap3A_348 = vector.shape_cast %swap3A_347 : vector<1x16xf32> to vector<16xf32>
    %swap3A_349 = vector.shape_cast %parallel_loop3A_285#7 : vector<16xf32> to vector<1x16xf32>
    tpu.vector_store %arg16[%swap3A_345, %swap3A_346], %swap3A_349 {add = true, strides = array<i32>} : memref<8x128xf32, #tpu.memory_space<vmem>>, vector<1x16xf32>,
    %add3A_350 = arith.constant 9984 : i32
    %add3A_351 = arith.addi %add3A_350, %arg1 : i32
    %mul3A_352 = arith.constant 32 : i32
    %mul3A_353 = arith.muli %add3A_351, %mul3A_352 : i32
    %multiple_of3A_354 = tpu.assume_multiple %mul3A_353, 8 : i32
    %jit3A_355 = arith.constant 2 : i32
    %div3A_356 = arith.divsi %multiple_of3A_354, %jit3A_355 : i32
    %sign3A_357 = arith.constant 0 : i32
    %sign3A_358 = arith.cmpi sgt, %multiple_of3A_354, %sign3A_357 : i32
    %sign3A_359 = arith.extui %sign3A_358 : i1 to i32
    %sign3A_360 = arith.constant 0 : i32
    %sign3A_361 = arith.cmpi slt, %multiple_of3A_354, %sign3A_360 : i32
    %sign3A_362 = arith.extui %sign3A_361 : i1 to i32
    %sign3A_363 = arith.subi %sign3A_359, %sign3A_362 : i32
    %sign3A_364 = arith.constant 0 : i32
    %sign3A_365 = arith.cmpi sgt, %jit3A_355, %sign3A_364 : i32
    %sign3A_366 = arith.extui %sign3A_365 : i1 to i32
    %sign3A_367 = arith.constant 0 : i32
    %sign3A_368 = arith.cmpi slt, %jit3A_355, %sign3A_367 : i32
    %sign3A_369 = arith.extui %sign3A_368 : i1 to i32
    %sign3A_370 = arith.subi %sign3A_366, %sign3A_369 : i32
    %ne3A_371 = arith.cmpi ne, %sign3A_363, %sign3A_370 : i32
    %rem3A_372 = arith.remsi %multiple_of3A_354, %jit3A_355 : i32
    %ne3A_373 = arith.constant 0 : i32
    %ne3A_374 = arith.cmpi ne, %rem3A_372, %ne3A_373 : i32
    %and3A_375 = arith.andi %ne3A_371, %ne3A_374 : i1
    %sub3A_376 = arith.constant 1 : i32
    %sub3A_377 = arith.subi %div3A_356, %sub3A_376 : i32
    %select_n3A_378 = arith.select %and3A_375, %sub3A_377, %div3A_356 : i32
    %multiple_of3A_379 = tpu.assume_multiple %select_n3A_378, 8 : i32
    %mul3A_380 = arith.constant 128 : i32
    %mul3A_381 = arith.muli %arg0, %mul3A_380 : i32
    %dma_start3A_382 = arith.constant 0 : i32
    %dma_start3A_383 = arith.constant 0 : i32
    %dma_start3A_384 = arith.constant 0 : i32
    %dma_start3A_385 = tpu.memref_slice %arg15[%dma_start3A_382, %dma_start3A_383, %dma_start3A_384] : memref<2x16x128xf32, #tpu.memory_space<vmem>> -> memref<1x16x128xf32, #tpu.memory_space<vmem>>
    %dma_start3A_386 = tpu.memref_squeeze %dma_start3A_385 : memref<1x16x128xf32, #tpu.memory_space<vmem>> -> memref<16x128xf32, #tpu.memory_space<vmem>>
    %dma_start3A_387 = tpu.memref_slice %arg6[%multiple_of3A_379, %mul3A_381] : memref<160000x256xf32, #tpu.memory_space<hbm>> -> memref<16x128xf32, #tpu.memory_space<hbm>>
    %dma_start3A_388 = tpu.memref_slice %arg6[%multiple_of3A_379, %mul3A_381] : memref<160000x256xf32, #tpu.memory_space<hbm>> -> memref<16x128xf32, #tpu.memory_space<hbm>>
    %dma_start3A_389 = arith.constant 0 : i32
    %dma_start3A_390 = arith.constant 0 : i32
    %dma_start3A_391 = tpu.memref_slice %arg15[%dma_start3A_382, %dma_start3A_389, %dma_start3A_390] : memref<2x16x128xf32, #tpu.memory_space<vmem>> -> memref<1x16x128xf32, #tpu.memory_space<vmem>>
    %dma_start3A_392 = tpu.memref_squeeze %dma_start3A_391 : memref<1x16x128xf32, #tpu.memory_space<vmem>> -> memref<16x128xf32, #tpu.memory_space<vmem>>
    tpu.enqueue_dma source(%dma_start3A_392 : memref<16x128xf32, #tpu.memory_space<vmem>>) target(%dma_start3A_388 : memref<16x128xf32, #tpu.memory_space<hbm>>) target_semaphore(%arg26 : memref<!tpu.dma_semaphore, #tpu.memory_space<semaphore_mem>>)
    %dma_start3A_393 = arith.constant 0 : i32
    %dma_start3A_394 = arith.constant 0 : i32
    %dma_start3A_395 = arith.constant 0 : i32
    %dma_start3A_396 = arith.constant 0 : i32
    %dma_start3A_397 = tpu.memref_slice %arg14[%dma_start3A_393, %dma_start3A_395, %dma_start3A_396] : memref<2x32x128xf32, #tpu.memory_space<vmem>> -> memref<1x32x128xf32, #tpu.memory_space<vmem>>
    %dma_start3A_398 = tpu.memref_squeeze %dma_start3A_397 : memref<1x32x128xf32, #tpu.memory_space<vmem>> -> memref<32x128xf32, #tpu.memory_space<vmem>>
    %dma_start3A_399 = arith.constant 0 : i32
    %dma_start3A_400 = tpu.memref_slice %arg12[%dma_start3A_394, %dma_start3A_399] : memref<2x32xi32, #tpu.memory_space<vmem>> -> memref<1x32xi32, #tpu.memory_space<vmem>>
    %dma_start3A_401 = tpu.memref_squeeze %dma_start3A_400 : memref<1x32xi32, #tpu.memory_space<vmem>> -> memref<32xi32, #tpu.memory_space<vmem>>
    %dma_start3A_402 = arith.constant 0 : i32
    %dma_start3A_403 = arith.constant 0 : i32
    %dma_start3A_404 = tpu.memref_slice %arg17[%dma_start3A_402, %dma_start3A_403] : memref<10240x128xf32, #tpu.memory_space<vmem_shared>> -> memref<10240x128xf32, #tpu.memory_space<vmem_shared>>
    tpu.enqueue_indirect_dma source(%dma_start3A_398 : memref<32x128xf32, #tpu.memory_space<vmem>>) target(%dma_start3A_404 : memref<10240x128xf32, #tpu.memory_space<vmem_shared>>) offsets(%dma_start3A_401 : memref<32xi32, #tpu.memory_space<vmem>>) semaphore(%arg24 : memref<!tpu.dma_semaphore, #tpu.memory_space<semaphore_mem>>) {add = true}
    %dma_wait3A_405 = arith.constant 0 : i32
    %dma_wait3A_406 = arith.constant 0 : i32
    %dma_wait3A_407 = arith.constant 0 : i32
    %dma_wait3A_408 = arith.constant 0 : i32
    %dma_wait3A_409 = tpu.memref_slice %arg14[%dma_wait3A_405, %dma_wait3A_407, %dma_wait3A_408] : memref<2x32x128xf32, #tpu.memory_space<vmem>> -> memref<1x32x128xf32, #tpu.memory_space<vmem>>
    %dma_wait3A_410 = tpu.memref_squeeze %dma_wait3A_409 : memref<1x32x128xf32, #tpu.memory_space<vmem>> -> memref<32x128xf32, #tpu.memory_space<vmem>>
    %dma_wait3A_411 = arith.constant 0 : i32
    %dma_wait3A_412 = tpu.memref_slice %arg12[%dma_wait3A_406, %dma_wait3A_411] : memref<2x32xi32, #tpu.memory_space<vmem>> -> memref<1x32xi32, #tpu.memory_space<vmem>>
    %dma_wait3A_413 = tpu.memref_squeeze %dma_wait3A_412 : memref<1x32xi32, #tpu.memory_space<vmem>> -> memref<32xi32, #tpu.memory_space<vmem>>
    %dma_wait3A_414 = arith.constant 0 : i32
    %dma_wait3A_415 = arith.constant 0 : i32
    %dma_wait3A_416 = tpu.memref_slice %arg17[%dma_wait3A_414, %dma_wait3A_415] : memref<10240x128xf32, #tpu.memory_space<vmem_shared>> -> memref<10240x128xf32, #tpu.memory_space<vmem_shared>>
    tpu.wait_indirect_dma semaphore(%arg24 : memref<!tpu.dma_semaphore, #tpu.memory_space<semaphore_mem>>) src(%dma_wait3A_410 : memref<32x128xf32, #tpu.memory_space<vmem>>) dst(%dma_wait3A_416 : memref<10240x128xf32, #tpu.memory_space<vmem_shared>>)
    %add3A_417 = arith.constant 9984 : i32
    %add3A_418 = arith.addi %add3A_417, %arg1 : i32
    %mul3A_419 = arith.constant 32 : i32
    %mul3A_420 = arith.muli %add3A_418, %mul3A_419 : i32
    %multiple_of3A_421 = tpu.assume_multiple %mul3A_420, 8 : i32
    %jit3A_422 = arith.constant 2 : i32
    %div3A_423 = arith.divsi %multiple_of3A_421, %jit3A_422 : i32
    %sign3A_424 = arith.constant 0 : i32
    %sign3A_425 = arith.cmpi sgt, %multiple_of3A_421, %sign3A_424 : i32
    %sign3A_426 = arith.extui %sign3A_425 : i1 to i32
    %sign3A_427 = arith.constant 0 : i32
    %sign3A_428 = arith.cmpi slt, %multiple_of3A_421, %sign3A_427 : i32
    %sign3A_429 = arith.extui %sign3A_428 : i1 to i32
    %sign3A_430 = arith.subi %sign3A_426, %sign3A_429 : i32
    %sign3A_431 = arith.constant 0 : i32
    %sign3A_432 = arith.cmpi sgt, %jit3A_422, %sign3A_431 : i32
    %sign3A_433 = arith.extui %sign3A_432 : i1 to i32
    %sign3A_434 = arith.constant 0 : i32
    %sign3A_435 = arith.cmpi slt, %jit3A_422, %sign3A_434 : i32
    %sign3A_436 = arith.extui %sign3A_435 : i1 to i32
    %sign3A_437 = arith.subi %sign3A_433, %sign3A_436 : i32
    %ne3A_438 = arith.cmpi ne, %sign3A_430, %sign3A_437 : i32
    %rem3A_439 = arith.remsi %multiple_of3A_421, %jit3A_422 : i32
    %ne3A_440 = arith.constant 0 : i32
    %ne3A_441 = arith.cmpi ne, %rem3A_439, %ne3A_440 : i32
    %and3A_442 = arith.andi %ne3A_438, %ne3A_441 : i1
    %sub3A_443 = arith.constant 1 : i32
    %sub3A_444 = arith.subi %div3A_423, %sub3A_443 : i32
    %select_n3A_445 = arith.select %and3A_442, %sub3A_444, %div3A_423 : i32
    %multiple_of3A_446 = tpu.assume_multiple %select_n3A_445, 8 : i32
    %mul3A_447 = arith.constant 128 : i32
    %mul3A_448 = arith.muli %arg0, %mul3A_447 : i32
    %dma_wait3A_449 = arith.constant 0 : i32
    %dma_wait3A_450 = arith.constant 0 : i32
    %dma_wait3A_451 = arith.constant 0 : i32
    %dma_wait3A_452 = tpu.memref_slice %arg15[%dma_wait3A_449, %dma_wait3A_450, %dma_wait3A_451] : memref<2x16x128xf32, #tpu.memory_space<vmem>> -> memref<1x16x128xf32, #tpu.memory_space<vmem>>
    %dma_wait3A_453 = tpu.memref_squeeze %dma_wait3A_452 : memref<1x16x128xf32, #tpu.memory_space<vmem>> -> memref<16x128xf32, #tpu.memory_space<vmem>>
    %dma_wait3A_454 = tpu.memref_slice %arg6[%multiple_of3A_446, %mul3A_448] : memref<160000x256xf32, #tpu.memory_space<hbm>> -> memref<16x128xf32, #tpu.memory_space<hbm>>
    %dma_wait3A_455 = tpu.memref_slice %arg6[%multiple_of3A_446, %mul3A_448] : memref<160000x256xf32, #tpu.memory_space<hbm>> -> memref<16x128xf32, #tpu.memory_space<hbm>>
    %dma_wait3A_456 = arith.constant 0 : i32
    %dma_wait3A_457 = arith.constant 0 : i32
    %dma_wait3A_458 = tpu.memref_slice %arg15[%dma_wait3A_449, %dma_wait3A_456, %dma_wait3A_457] : memref<2x16x128xf32, #tpu.memory_space<vmem>> -> memref<1x16x128xf32, #tpu.memory_space<vmem>>
    %dma_wait3A_459 = tpu.memref_squeeze %dma_wait3A_458 : memref<1x16x128xf32, #tpu.memory_space<vmem>> -> memref<16x128xf32, #tpu.memory_space<vmem>>
    tpu.wait_dma2 semaphore(%arg26 : memref<!tpu.dma_semaphore, #tpu.memory_space<semaphore_mem>>) src(%dma_wait3A_459 : memref<16x128xf32, #tpu.memory_space<vmem>>) dst(%dma_wait3A_455 : memref<16x128xf32, #tpu.memory_space<hbm>>)
    %dma_wait3A_460 = arith.constant 1 : i32
    %dma_wait3A_461 = arith.constant 1 : i32
    %dma_wait3A_462 = arith.constant 0 : i32
    %dma_wait3A_463 = arith.constant 0 : i32
    %dma_wait3A_464 = tpu.memref_slice %arg14[%dma_wait3A_460, %dma_wait3A_462, %dma_wait3A_463] : memref<2x32x128xf32, #tpu.memory_space<vmem>> -> memref<1x32x128xf32, #tpu.memory_space<vmem>>
    %dma_wait3A_465 = tpu.memref_squeeze %dma_wait3A_464 : memref<1x32x128xf32, #tpu.memory_space<vmem>> -> memref<32x128xf32, #tpu.memory_space<vmem>>
    %dma_wait3A_466 = arith.constant 0 : i32
    %dma_wait3A_467 = tpu.memref_slice %arg12[%dma_wait3A_461, %dma_wait3A_466] : memref<2x32xi32, #tpu.memory_space<vmem>> -> memref<1x32xi32, #tpu.memory_space<vmem>>
    %dma_wait3A_468 = tpu.memref_squeeze %dma_wait3A_467 : memref<1x32xi32, #tpu.memory_space<vmem>> -> memref<32xi32, #tpu.memory_space<vmem>>
    %dma_wait3A_469 = arith.constant 0 : i32
    %dma_wait3A_470 = arith.constant 0 : i32
    %dma_wait3A_471 = tpu.memref_slice %arg17[%dma_wait3A_469, %dma_wait3A_470] : memref<10240x128xf32, #tpu.memory_space<vmem_shared>> -> memref<10240x128xf32, #tpu.memory_space<vmem_shared>>
    tpu.wait_indirect_dma semaphore(%arg25 : memref<!tpu.dma_semaphore, #tpu.memory_space<semaphore_mem>>) src(%dma_wait3A_465 : memref<32x128xf32, #tpu.memory_space<vmem>>) dst(%dma_wait3A_471 : memref<10240x128xf32, #tpu.memory_space<vmem_shared>>)
    %add3A_472 = arith.constant 9984 : i32
    %add3A_473 = arith.addi %add3A_472, %arg1 : i32
    %mul3A_474 = arith.constant 32 : i32
    %mul3A_475 = arith.muli %add3A_473, %mul3A_474 : i32
    %multiple_of3A_476 = tpu.assume_multiple %mul3A_475, 8 : i32
    %jit3A_477 = arith.constant 2 : i32
    %div3A_478 = arith.divsi %multiple_of3A_476, %jit3A_477 : i32
    %sign3A_479 = arith.constant 0 : i32
    %sign3A_480 = arith.cmpi sgt, %multiple_of3A_476, %sign3A_479 : i32
    %sign3A_481 = arith.extui %sign3A_480 : i1 to i32
    %sign3A_482 = arith.constant 0 : i32
    %sign3A_483 = arith.cmpi slt, %multiple_of3A_476, %sign3A_482 : i32
    %sign3A_484 = arith.extui %sign3A_483 : i1 to i32
    %sign3A_485 = arith.subi %sign3A_481, %sign3A_484 : i32
    %sign3A_486 = arith.constant 0 : i32
    %sign3A_487 = arith.cmpi sgt, %jit3A_477, %sign3A_486 : i32
    %sign3A_488 = arith.extui %sign3A_487 : i1 to i32
    %sign3A_489 = arith.constant 0 : i32
    %sign3A_490 = arith.cmpi slt, %jit3A_477, %sign3A_489 : i32
    %sign3A_491 = arith.extui %sign3A_490 : i1 to i32
    %sign3A_492 = arith.subi %sign3A_488, %sign3A_491 : i32
    %ne3A_493 = arith.cmpi ne, %sign3A_485, %sign3A_492 : i32
    %rem3A_494 = arith.remsi %multiple_of3A_476, %jit3A_477 : i32
    %ne3A_495 = arith.constant 0 : i32
    %ne3A_496 = arith.cmpi ne, %rem3A_494, %ne3A_495 : i32
    %and3A_497 = arith.andi %ne3A_493, %ne3A_496 : i1
    %sub3A_498 = arith.constant 1 : i32
    %sub3A_499 = arith.subi %div3A_478, %sub3A_498 : i32
    %select_n3A_500 = arith.select %and3A_497, %sub3A_499, %div3A_478 : i32
    %multiple_of3A_501 = tpu.assume_multiple %select_n3A_500, 8 : i32
    %mul3A_502 = arith.constant 128 : i32
    %mul3A_503 = arith.muli %arg0, %mul3A_502 : i32
    %dma_wait3A_504 = arith.constant 1 : i32
    %dma_wait3A_505 = arith.constant 0 : i32
    %dma_wait3A_506 = arith.constant 0 : i32
    %dma_wait3A_507 = tpu.memref_slice %arg15[%dma_wait3A_504, %dma_wait3A_505, %dma_wait3A_506] : memref<2x16x128xf32, #tpu.memory_space<vmem>> -> memref<1x16x128xf32, #tpu.memory_space<vmem>>
    %dma_wait3A_508 = tpu.memref_squeeze %dma_wait3A_507 : memref<1x16x128xf32, #tpu.memory_space<vmem>> -> memref<16x128xf32, #tpu.memory_space<vmem>>
    %dma_wait3A_509 = tpu.memref_slice %arg6[%multiple_of3A_501, %mul3A_503] : memref<160000x256xf32, #tpu.memory_space<hbm>> -> memref<16x128xf32, #tpu.memory_space<hbm>>
    %dma_wait3A_510 = tpu.memref_slice %arg6[%multiple_of3A_501, %mul3A_503] : memref<160000x256xf32, #tpu.memory_space<hbm>> -> memref<16x128xf32, #tpu.memory_space<hbm>>
    %dma_wait3A_511 = arith.constant 0 : i32
    %dma_wait3A_512 = arith.constant 0 : i32
    %dma_wait3A_513 = tpu.memref_slice %arg15[%dma_wait3A_504, %dma_wait3A_511, %dma_wait3A_512] : memref<2x16x128xf32, #tpu.memory_space<vmem>> -> memref<1x16x128xf32, #tpu.memory_space<vmem>>
    %dma_wait3A_514 = tpu.memref_squeeze %dma_wait3A_513 : memref<1x16x128xf32, #tpu.memory_space<vmem>> -> memref<16x128xf32, #tpu.memory_space<vmem>>
    tpu.wait_dma2 semaphore(%arg27 : memref<!tpu.dma_semaphore, #tpu.memory_space<semaphore_mem>>) src(%dma_wait3A_514 : memref<16x128xf32, #tpu.memory_space<vmem>>) dst(%dma_wait3A_510 : memref<16x128xf32, #tpu.memory_space<hbm>>)
    %mul3A_515 = arith.constant 16 : i32
    %mul3A_516 = arith.muli %arg0, %mul3A_515 : i32
    %add3A_517 = arith.addi %mul3A_516, %arg1 : i32
    "tpu.region"() ({
      %run_scoped3A = tpu.sem_alloc : memref<!tpu.dma_semaphore, #tpu.memory_space<semaphore_mem>>
      %dma_start3A_523 = arith.constant 0 : i32
      %dma_start3A_524 = arith.constant 0 : i32
      %dma_start3A_525 = tpu.memref_slice %arg8[%add3A_517, %dma_start3A_523, %dma_start3A_524] : memref<32x8x128xf32, #tpu.memory_space<hbm>> -> memref<1x8x128xf32, #tpu.memory_space<hbm>>
      %dma_start3A_526 = tpu.memref_squeeze %dma_start3A_525 : memref<1x8x128xf32, #tpu.memory_space<hbm>> -> memref<8x128xf32, #tpu.memory_space<hbm>>
      %dma_start3A_527 = arith.constant 0 : i32
      %dma_start3A_528 = arith.constant 0 : i32
      %dma_start3A_529 = tpu.memref_slice %arg8[%add3A_517, %dma_start3A_527, %dma_start3A_528] : memref<32x8x128xf32, #tpu.memory_space<hbm>> -> memref<1x8x128xf32, #tpu.memory_space<hbm>>
      %dma_start3A_530 = tpu.memref_squeeze %dma_start3A_529 : memref<1x8x128xf32, #tpu.memory_space<hbm>> -> memref<8x128xf32, #tpu.memory_space<hbm>>
      tpu.enqueue_dma source(%arg16 : memref<8x128xf32, #tpu.memory_space<vmem>>) target(%dma_start3A_530 : memref<8x128xf32, #tpu.memory_space<hbm>>) target_semaphore(%run_scoped3A : memref<!tpu.dma_semaphore, #tpu.memory_space<semaphore_mem>>)
      %dma_wait3A_531 = arith.constant 0 : i32
      %dma_wait3A_532 = arith.constant 0 : i32
      %dma_wait3A_533 = tpu.memref_slice %arg8[%add3A_517, %dma_wait3A_531, %dma_wait3A_532] : memref<32x8x128xf32, #tpu.memory_space<hbm>> -> memref<1x8x128xf32, #tpu.memory_space<hbm>>
      %dma_wait3A_534 = tpu.memref_squeeze %dma_wait3A_533 : memref<1x8x128xf32, #tpu.memory_space<hbm>> -> memref<8x128xf32, #tpu.memory_space<hbm>>
      %dma_wait3A_535 = arith.constant 0 : i32
      %dma_wait3A_536 = arith.constant 0 : i32
      %dma_wait3A_537 = tpu.memref_slice %arg8[%add3A_517, %dma_wait3A_535, %dma_wait3A_536] : memref<32x8x128xf32, #tpu.memory_space<hbm>> -> memref<1x8x128xf32, #tpu.memory_space<hbm>>
      %dma_wait3A_538 = tpu.memref_squeeze %dma_wait3A_537 : memref<1x8x128xf32, #tpu.memory_space<hbm>> -> memref<8x128xf32, #tpu.memory_space<hbm>>
      tpu.wait_dma2 semaphore(%run_scoped3A : memref<!tpu.dma_semaphore, #tpu.memory_space<semaphore_mem>>) src(%arg16 : memref<8x128xf32, #tpu.memory_space<vmem>>) dst(%dma_wait3A_538 : memref<8x128xf32, #tpu.memory_space<hbm>>)
      tpu.yield
    }) : () -> ()
    %barrier3A_518 = arith.constant 0 : index
    tpu.barrier barrier_id(%barrier3A_518)
    %mul3A_519 = arith.constant 640 : i32
    %mul3A_520 = arith.muli %arg1, %mul3A_519 : i32
    %mul3A_521 = arith.constant 640 : i32
    %mul3A_522 = arith.muli %arg1, %mul3A_521 : i32
    "tpu.region"() ({
      %run_scoped3A = tpu.sem_alloc : memref<!tpu.dma_semaphore, #tpu.memory_space<semaphore_mem>>
      %dma_start3A_523 = arith.constant 0 : i32
      %dma_start3A_524 = tpu.memref_slice %arg7[%arg0, %mul3A_522, %dma_start3A_523] : memref<2x10240x128xf32, #tpu.memory_space<hbm>> -> memref<1x640x128xf32, #tpu.memory_space<hbm>>
      %dma_start3A_525 = tpu.memref_squeeze %dma_start3A_524 : memref<1x640x128xf32, #tpu.memory_space<hbm>> -> memref<640x128xf32, #tpu.memory_space<hbm>>
      %dma_start3A_526 = arith.constant 0 : i32
      %dma_start3A_527 = tpu.memref_slice %arg17[%mul3A_520, %dma_start3A_526] : memref<10240x128xf32, #tpu.memory_space<vmem_shared>> -> memref<640x128xf32, #tpu.memory_space<vmem_shared>>
      tpu.enqueue_dma source(%dma_start3A_527 : memref<640x128xf32, #tpu.memory_space<vmem_shared>>) target(%dma_start3A_525 : memref<640x128xf32, #tpu.memory_space<hbm>>) target_semaphore(%run_scoped3A : memref<!tpu.dma_semaphore, #tpu.memory_space<semaphore_mem>>)
      %dma_wait3A_528 = arith.constant 0 : i32
      %dma_wait3A_529 = tpu.memref_slice %arg7[%arg0, %mul3A_522, %dma_wait3A_528] : memref<2x10240x128xf32, #tpu.memory_space<hbm>> -> memref<1x640x128xf32, #tpu.memory_space<hbm>>
      %dma_wait3A_530 = tpu.memref_squeeze %dma_wait3A_529 : memref<1x640x128xf32, #tpu.memory_space<hbm>> -> memref<640x128xf32, #tpu.memory_space<hbm>>
      %dma_wait3A_531 = arith.constant 0 : i32
      %dma_wait3A_532 = tpu.memref_slice %arg17[%mul3A_520, %dma_wait3A_531] : memref<10240x128xf32, #tpu.memory_space<vmem_shared>> -> memref<640x128xf32, #tpu.memory_space<vmem_shared>>
      tpu.wait_dma2 semaphore(%run_scoped3A : memref<!tpu.dma_semaphore, #tpu.memory_space<semaphore_mem>>) src(%dma_wait3A_532 : memref<640x128xf32, #tpu.memory_space<vmem_shared>>) dst(%dma_wait3A_530 : memref<640x128xf32, #tpu.memory_space<hbm>>)
      tpu.yield
    }) : () -> ()
    return
  }
}

module attributes {stable_mosaic.version = 14 : i64} {
  func.func @_colstats_body(%arg0: i32, %arg1: memref<2000x128xf32, #tpu.memory_space<vmem>>, %arg2: memref<8x128xf32, #tpu.memory_space<vmem>>) attributes {dimension_semantics = [#tpu.dimension_semantics<arbitrary>], iteration_bounds = array<i64: 160>, scalar_prefetch = 0 : i64, scratch_operands = 0 : i64, tpu.core_type = #tpu.core_type<tc>, window_params = [{transform_indices = @transform_0, window_bounds = array<i64: 2000, 128>}, {pipeline_mode = #tpu.pipeline_mode<synchronous>, transform_indices = @transform_1, window_bounds = array<i64: 8, 128>}]} {
    %get3A = arith.constant 0 : index
    %get3A_0 = arith.constant 0 : index
    %get3A_1 = vector.load %arg1[%get3A, %get3A_0] : memref<2000x128xf32, #tpu.memory_space<vmem>>, vector<2000x128xf32>
    %reduce_sum3A = arith.constant dense<0.000000e+00> : vector<128xf32>
    %reduce_sum3A_2 = vector.multi_reduction <add>, %get3A_1, %reduce_sum3A [0] : vector<2000x128xf32> to vector<128xf32>
    %broadcast_in_dim3A = vector.shape_cast %reduce_sum3A_2 : vector<128xf32> to vector<1x128xf32>
    %mul3A = arith.mulf %get3A_1, %get3A_1 : vector<2000x128xf32>
    %reduce_sum3A_3 = arith.constant dense<0.000000e+00> : vector<128xf32>
    %reduce_sum3A_4 = vector.multi_reduction <add>, %mul3A, %reduce_sum3A_3 [0] : vector<2000x128xf32> to vector<128xf32>
    %broadcast_in_dim3A_5 = vector.shape_cast %reduce_sum3A_4 : vector<128xf32> to vector<1x128xf32>
    %broadcast_in_dim3A_6 = arith.constant 0.000000e+00 : f32
    %broadcast_in_dim3A_7 = vector.broadcast %broadcast_in_dim3A_6 : f32 to vector<6x128xf32>
    %concatenate3A = tpu.concatenate %broadcast_in_dim3A, %broadcast_in_dim3A_5, %broadcast_in_dim3A_7 in 0 : vector<1x128xf32>, vector<1x128xf32>, vector<6x128xf32> -> vector<8x128xf32>
    %eq3A = arith.constant 0 : i32
    %eq3A_8 = arith.cmpi eq, %arg0, %eq3A : i32
    %convert_element_type3A = arith.extui %eq3A_8 : i1 to i32
    %cond3A = arith.constant 0 : i32
    %cond3A_9 = arith.cmpi ne, %convert_element_type3A, %cond3A : i32
    scf.if %cond3A_9 {
      %swap3A = arith.constant 0 : index
      %swap3A_14 = arith.constant 0 : index
      %swap3A_15 = vector.load %arg2[%swap3A, %swap3A_14] : memref<8x128xf32, #tpu.memory_space<vmem>>, vector<8x128xf32>
      tpu.vector_store %arg2[%swap3A, %swap3A_14], %concatenate3A {strides = array<i32>} : memref<8x128xf32, #tpu.memory_space<vmem>>, vector<8x128xf32>,
    } else {
    }
    %ne3A = arith.constant 0 : i32
    %ne3A_10 = arith.cmpi ne, %arg0, %ne3A : i32
    %convert_element_type3A_11 = arith.extui %ne3A_10 : i1 to i32
    %cond3A_12 = arith.constant 0 : i32
    %cond3A_13 = arith.cmpi ne, %convert_element_type3A_11, %cond3A_12 : i32
    scf.if %cond3A_13 {
      %get3A_14 = arith.constant 0 : index
      %get3A_15 = arith.constant 0 : index
      %get3A_16 = vector.load %arg2[%get3A_14, %get3A_15] : memref<8x128xf32, #tpu.memory_space<vmem>>, vector<8x128xf32>
      %add3A = arith.addf %get3A_16, %concatenate3A : vector<8x128xf32>
      %swap3A = arith.constant 0 : index
      %swap3A_17 = arith.constant 0 : index
      %swap3A_18 = vector.load %arg2[%swap3A, %swap3A_17] : memref<8x128xf32, #tpu.memory_space<vmem>>, vector<8x128xf32>
      tpu.vector_store %arg2[%swap3A, %swap3A_17], %add3A {strides = array<i32>} : memref<8x128xf32, #tpu.memory_space<vmem>>, vector<8x128xf32>,
    } else {
    }
    return
  }
  func.func @transform_0(%arg0: i32) -> (i32, i32) {
    %c0_i32 = arith.constant 0 : i32
    %c0_i32_0 = arith.constant 0 : i32
    return %arg0, %c0_i32 : i32, i32
  }
  func.func @transform_1(%arg0: i32) -> (i32, i32) {
    %c0_i32 = arith.constant 0 : i32
    %c0_i32_0 = arith.constant 0 : i32
    %c0_i32_1 = arith.constant 0 : i32
    return %c0_i32, %c0_i32_0 : i32, i32
  }
}

module attributes {stable_mosaic.version = 14 : i64} {
  func.func @_h_pre_body(%arg0: memref<10000x128xf32, #tpu.memory_space<vmem>>, %arg1: memref<1x128xf32, #tpu.memory_space<vmem>>, %arg2: memref<1x128xf32, #tpu.memory_space<vmem>>, %arg3: memref<128x128xf32, #tpu.memory_space<vmem>>, %arg4: memref<1x128xf32, #tpu.memory_space<vmem>>, %arg5: memref<128x128xf32, #tpu.memory_space<vmem>>, %arg6: memref<1x128xf32, #tpu.memory_space<vmem>>, %arg7: memref<128x128xf32, #tpu.memory_space<vmem>>, %arg8: memref<1x128xf32, #tpu.memory_space<vmem>>, %arg9: memref<128x128xf32, #tpu.memory_space<vmem>>, %arg10: memref<1x128xf32, #tpu.memory_space<vmem>>, %arg11: memref<10000x128xf32, #tpu.memory_space<vmem>>, %arg12: memref<10000x128xf32, #tpu.memory_space<vmem>>, %arg13: memref<10000x128xf32, #tpu.memory_space<vmem>>, %arg14: memref<10000x128xf32, #tpu.memory_space<vmem>>) attributes {dimension_semantics = [], scalar_prefetch = 0 : i64, scratch_operands = 0 : i64, tpu.core_type = #tpu.core_type<tc>} {
    %get3A = arith.constant 0 : index
    %get3A_0 = arith.constant 0 : index
    %get3A_1 = vector.load %arg0[%get3A, %get3A_0] : memref<10000x128xf32, #tpu.memory_space<vmem>>, vector<10000x128xf32>
    %reduce_sum3A = arith.constant dense<0.000000e+00> : vector<128xf32>
    %reduce_sum3A_2 = vector.multi_reduction <add>, %get3A_1, %reduce_sum3A [0] : vector<10000x128xf32> to vector<128xf32>
    %broadcast_in_dim3A = vector.shape_cast %reduce_sum3A_2 : vector<128xf32> to vector<1x128xf32>
    %div3A = arith.constant 1.000000e+04 : f32
    %div3A_3 = vector.broadcast %div3A : f32 to vector<1x128xf32>
    %div3A_4 = arith.divf %broadcast_in_dim3A, %div3A_3 : vector<1x128xf32>
    %sub3A = vector.broadcast %div3A_4 : vector<1x128xf32> to vector<10000x128xf32>
    %sub3A_5 = arith.subf %get3A_1, %sub3A : vector<10000x128xf32>
    %mul3A = arith.mulf %sub3A_5, %sub3A_5 : vector<10000x128xf32>
    %reduce_sum3A_6 = arith.constant dense<0.000000e+00> : vector<128xf32>
    %reduce_sum3A_7 = vector.multi_reduction <add>, %mul3A, %reduce_sum3A_6 [0] : vector<10000x128xf32> to vector<128xf32>
    %broadcast_in_dim3A_8 = vector.shape_cast %reduce_sum3A_7 : vector<128xf32> to vector<1x128xf32>
    %div3A_9 = arith.constant 1.000000e+04 : f32
    %div3A_10 = vector.broadcast %div3A_9 : f32 to vector<1x128xf32>
    %div3A_11 = arith.divf %broadcast_in_dim3A_8, %div3A_10 : vector<1x128xf32>
    %get3A_12 = arith.constant 0 : index
    %get3A_13 = arith.constant 0 : index
    %get3A_14 = vector.load %arg1[%get3A_12, %get3A_13] : memref<1x128xf32, #tpu.memory_space<vmem>>, vector<1x128xf32>
    %mul3A_15 = vector.broadcast %get3A_14 : vector<1x128xf32> to vector<10000x128xf32>
    %mul3A_16 = arith.mulf %mul3A_15, %sub3A_5 : vector<10000x128xf32>
    %add3A = arith.constant 9.99999974E-6 : f32
    %add3A_17 = vector.broadcast %add3A : f32 to vector<1x128xf32>
    %add3A_18 = arith.addf %div3A_11, %add3A_17 : vector<1x128xf32>
    %rsqrt3A = math.rsqrt %add3A_18 : vector<1x128xf32>
    %mul3A_19 = vector.broadcast %rsqrt3A : vector<1x128xf32> to vector<10000x128xf32>
    %mul3A_20 = arith.mulf %mul3A_16, %mul3A_19 : vector<10000x128xf32>
    %get3A_21 = arith.constant 0 : index
    %get3A_22 = arith.constant 0 : index
    %get3A_23 = vector.load %arg2[%get3A_21, %get3A_22] : memref<1x128xf32, #tpu.memory_space<vmem>>, vector<1x128xf32>
    %add3A_24 = vector.broadcast %get3A_23 : vector<1x128xf32> to vector<10000x128xf32>
    %add3A_25 = arith.addf %mul3A_20, %add3A_24 : vector<10000x128xf32>
    %get3A_26 = arith.constant 0 : index
    %get3A_27 = arith.constant 0 : index
    %get3A_28 = vector.load %arg3[%get3A_26, %get3A_27] : memref<128x128xf32, #tpu.memory_space<vmem>>, vector<128x128xf32>
    %dot_general3A = arith.constant dense<0.000000e+00> : vector<10000x128xf32>
    %dot_general3A_29 = tpu.matmul %add3A_25, %get3A_28, %dot_general3A {dimension_numbers = #tpu.dot_dimension_numbers<[1], [0], [0], [1], [0, 0, 1, 1], [], []>, transpose_lhs_hint = false} : vector<10000x128xf32>, vector<128x128xf32>, vector<10000x128xf32> -> vector<10000x128xf32>
    %get3A_30 = arith.constant 0 : index
    %get3A_31 = arith.constant 0 : index
    %get3A_32 = vector.load %arg4[%get3A_30, %get3A_31] : memref<1x128xf32, #tpu.memory_space<vmem>>, vector<1x128xf32>
    %add3A_33 = vector.broadcast %get3A_32 : vector<1x128xf32> to vector<10000x128xf32>
    %add3A_34 = arith.addf %dot_general3A_29, %add3A_33 : vector<10000x128xf32>
    %swap3A = arith.constant 0 : index
    %swap3A_35 = arith.constant 0 : index
    %swap3A_36 = vector.load %arg11[%swap3A, %swap3A_35] : memref<10000x128xf32, #tpu.memory_space<vmem>>, vector<10000x128xf32>
    tpu.vector_store %arg11[%swap3A, %swap3A_35], %add3A_34 {strides = array<i32>} : memref<10000x128xf32, #tpu.memory_space<vmem>>, vector<10000x128xf32>,
    %get3A_37 = arith.constant 0 : index
    %get3A_38 = arith.constant 0 : index
    %get3A_39 = vector.load %arg5[%get3A_37, %get3A_38] : memref<128x128xf32, #tpu.memory_space<vmem>>, vector<128x128xf32>
    %dot_general3A_40 = arith.constant dense<0.000000e+00> : vector<10000x128xf32>
    %dot_general3A_41 = tpu.matmul %add3A_25, %get3A_39, %dot_general3A_40 {dimension_numbers = #tpu.dot_dimension_numbers<[1], [0], [0], [1], [0, 0, 1, 1], [], []>, transpose_lhs_hint = false} : vector<10000x128xf32>, vector<128x128xf32>, vector<10000x128xf32> -> vector<10000x128xf32>
    %get3A_42 = arith.constant 0 : index
    %get3A_43 = arith.constant 0 : index
    %get3A_44 = vector.load %arg6[%get3A_42, %get3A_43] : memref<1x128xf32, #tpu.memory_space<vmem>>, vector<1x128xf32>
    %add3A_45 = vector.broadcast %get3A_44 : vector<1x128xf32> to vector<10000x128xf32>
    %add3A_46 = arith.addf %dot_general3A_41, %add3A_45 : vector<10000x128xf32>
    %swap3A_47 = arith.constant 0 : index
    %swap3A_48 = arith.constant 0 : index
    %swap3A_49 = vector.load %arg12[%swap3A_47, %swap3A_48] : memref<10000x128xf32, #tpu.memory_space<vmem>>, vector<10000x128xf32>
    tpu.vector_store %arg12[%swap3A_47, %swap3A_48], %add3A_46 {strides = array<i32>} : memref<10000x128xf32, #tpu.memory_space<vmem>>, vector<10000x128xf32>,
    %get3A_50 = arith.constant 0 : index
    %get3A_51 = arith.constant 0 : index
    %get3A_52 = vector.load %arg7[%get3A_50, %get3A_51] : memref<128x128xf32, #tpu.memory_space<vmem>>, vector<128x128xf32>
    %dot_general3A_53 = arith.constant dense<0.000000e+00> : vector<10000x128xf32>
    %dot_general3A_54 = tpu.matmul %add3A_25, %get3A_52, %dot_general3A_53 {dimension_numbers = #tpu.dot_dimension_numbers<[1], [0], [0], [1], [0, 0, 1, 1], [], []>, transpose_lhs_hint = false} : vector<10000x128xf32>, vector<128x128xf32>, vector<10000x128xf32> -> vector<10000x128xf32>
    %get3A_55 = arith.constant 0 : index
    %get3A_56 = arith.constant 0 : index
    %get3A_57 = vector.load %arg8[%get3A_55, %get3A_56] : memref<1x128xf32, #tpu.memory_space<vmem>>, vector<1x128xf32>
    %add3A_58 = vector.broadcast %get3A_57 : vector<1x128xf32> to vector<10000x128xf32>
    %add3A_59 = arith.addf %dot_general3A_54, %add3A_58 : vector<10000x128xf32>
    %swap3A_60 = arith.constant 0 : index
    %swap3A_61 = arith.constant 0 : index
    %swap3A_62 = vector.load %arg13[%swap3A_60, %swap3A_61] : memref<10000x128xf32, #tpu.memory_space<vmem>>, vector<10000x128xf32>
    tpu.vector_store %arg13[%swap3A_60, %swap3A_61], %add3A_59 {strides = array<i32>} : memref<10000x128xf32, #tpu.memory_space<vmem>>, vector<10000x128xf32>,
    %get3A_63 = arith.constant 0 : index
    %get3A_64 = arith.constant 0 : index
    %get3A_65 = vector.load %arg9[%get3A_63, %get3A_64] : memref<128x128xf32, #tpu.memory_space<vmem>>, vector<128x128xf32>
    %dot_general3A_66 = arith.constant dense<0.000000e+00> : vector<10000x128xf32>
    %dot_general3A_67 = tpu.matmul %add3A_25, %get3A_65, %dot_general3A_66 {dimension_numbers = #tpu.dot_dimension_numbers<[1], [0], [0], [1], [0, 0, 1, 1], [], []>, transpose_lhs_hint = false} : vector<10000x128xf32>, vector<128x128xf32>, vector<10000x128xf32> -> vector<10000x128xf32>
    %get3A_68 = arith.constant 0 : index
    %get3A_69 = arith.constant 0 : index
    %get3A_70 = vector.load %arg10[%get3A_68, %get3A_69] : memref<1x128xf32, #tpu.memory_space<vmem>>, vector<1x128xf32>
    %add3A_71 = vector.broadcast %get3A_70 : vector<1x128xf32> to vector<10000x128xf32>
    %add3A_72 = arith.addf %dot_general3A_67, %add3A_71 : vector<10000x128xf32>
    %swap3A_73 = arith.constant 0 : index
    %swap3A_74 = arith.constant 0 : index
    %swap3A_75 = vector.load %arg14[%swap3A_73, %swap3A_74] : memref<10000x128xf32, #tpu.memory_space<vmem>>, vector<10000x128xf32>
    tpu.vector_store %arg14[%swap3A_73, %swap3A_74], %add3A_72 {strides = array<i32>} : memref<10000x128xf32, #tpu.memory_space<vmem>>, vector<10000x128xf32>,
    return
  }
}

module attributes {stable_mosaic.version = 14 : i64} {
  func.func @_e_pre_body(%arg0: i32, %arg1: memref<2000x128xf32, #tpu.memory_space<vmem>>, %arg2: memref<8x128xf32, #tpu.memory_space<vmem>>, %arg3: memref<1x128xf32, #tpu.memory_space<vmem>>, %arg4: memref<1x128xf32, #tpu.memory_space<vmem>>, %arg5: memref<128x128xf32, #tpu.memory_space<vmem>>, %arg6: memref<1x128xf32, #tpu.memory_space<vmem>>, %arg7: memref<2x2000x128xf32, #tpu.memory_space<vmem>>) attributes {dimension_semantics = [#tpu.dimension_semantics<arbitrary>], iteration_bounds = array<i64: 160>, scalar_prefetch = 0 : i64, scratch_operands = 0 : i64, tpu.core_type = #tpu.core_type<tc>, window_params = [{transform_indices = @transform_0, window_bounds = array<i64: 2000, 128>}, {pipeline_mode = #tpu.pipeline_mode<synchronous>, transform_indices = @transform_1, window_bounds = array<i64: 8, 128>}, {pipeline_mode = #tpu.pipeline_mode<synchronous>, transform_indices = @transform_2, window_bounds = array<i64: 1, 128>}, {pipeline_mode = #tpu.pipeline_mode<synchronous>, transform_indices = @transform_3, window_bounds = array<i64: 1, 128>}, {pipeline_mode = #tpu.pipeline_mode<synchronous>, transform_indices = @transform_4, window_bounds = array<i64: 128, 128>}, {pipeline_mode = #tpu.pipeline_mode<synchronous>, transform_indices = @transform_5, window_bounds = array<i64: 1, 128>}, {transform_indices = @transform_6, window_bounds = array<i64: 2, 2000, 128>}]} {
    %get3A = arith.constant 0 : index
    %get3A_0 = arith.constant 0 : index
    %get3A_1 = vector.load %arg1[%get3A, %get3A_0] : memref<2000x128xf32, #tpu.memory_space<vmem>>, vector<2000x128xf32>
    %get3A_2 = arith.constant 0 : index
    %get3A_3 = arith.constant 0 : index
    %get3A_4 = vector.load %arg2[%get3A_2, %get3A_3] : memref<8x128xf32, #tpu.memory_space<vmem>>, vector<1x128xf32>
    %div3A = arith.constant 3.200000e+05 : f32
    %div3A_5 = vector.broadcast %div3A : f32 to vector<1x128xf32>
    %div3A_6 = arith.divf %get3A_4, %div3A_5 : vector<1x128xf32>
    %get3A_7 = arith.constant 1 : index
    %get3A_8 = arith.constant 0 : index
    %get3A_9 = vector.load %arg2[%get3A_7, %get3A_8] : memref<8x128xf32, #tpu.memory_space<vmem>>, vector<1x128xf32>
    %div3A_10 = arith.constant 3.200000e+05 : f32
    %div3A_11 = vector.broadcast %div3A_10 : f32 to vector<1x128xf32>
    %div3A_12 = arith.divf %get3A_9, %div3A_11 : vector<1x128xf32>
    %mul3A = arith.mulf %div3A_6, %div3A_6 : vector<1x128xf32>
    %sub3A = arith.subf %div3A_12, %mul3A : vector<1x128xf32>
    %get3A_13 = arith.constant 0 : index
    %get3A_14 = arith.constant 0 : index
    %get3A_15 = vector.load %arg3[%get3A_13, %get3A_14] : memref<1x128xf32, #tpu.memory_space<vmem>>, vector<1x128xf32>
    %sub3A_16 = vector.broadcast %div3A_6 : vector<1x128xf32> to vector<2000x128xf32>
    %sub3A_17 = arith.subf %get3A_1, %sub3A_16 : vector<2000x128xf32>
    %mul3A_18 = vector.broadcast %get3A_15 : vector<1x128xf32> to vector<2000x128xf32>
    %mul3A_19 = arith.mulf %mul3A_18, %sub3A_17 : vector<2000x128xf32>
    %add3A = arith.constant 9.99999974E-6 : f32
    %add3A_20 = vector.broadcast %add3A : f32 to vector<1x128xf32>
    %add3A_21 = arith.addf %sub3A, %add3A_20 : vector<1x128xf32>
    %rsqrt3A = math.rsqrt %add3A_21 : vector<1x128xf32>
    %mul3A_22 = vector.broadcast %rsqrt3A : vector<1x128xf32> to vector<2000x128xf32>
    %mul3A_23 = arith.mulf %mul3A_19, %mul3A_22 : vector<2000x128xf32>
    %get3A_24 = arith.constant 0 : index
    %get3A_25 = arith.constant 0 : index
    %get3A_26 = vector.load %arg4[%get3A_24, %get3A_25] : memref<1x128xf32, #tpu.memory_space<vmem>>, vector<1x128xf32>
    %add3A_27 = vector.broadcast %get3A_26 : vector<1x128xf32> to vector<2000x128xf32>
    %add3A_28 = arith.addf %mul3A_23, %add3A_27 : vector<2000x128xf32>
    %get3A_29 = arith.constant 0 : index
    %get3A_30 = arith.constant 0 : index
    %get3A_31 = vector.load %arg5[%get3A_29, %get3A_30] : memref<128x128xf32, #tpu.memory_space<vmem>>, vector<128x128xf32>
    %dot_general3A = arith.constant dense<0.000000e+00> : vector<2000x128xf32>
    %dot_general3A_32 = tpu.matmul %add3A_28, %get3A_31, %dot_general3A {dimension_numbers = #tpu.dot_dimension_numbers<[1], [0], [0], [1], [0, 0, 1, 1], [], []>, transpose_lhs_hint = false} : vector<2000x128xf32>, vector<128x128xf32>, vector<2000x128xf32> -> vector<2000x128xf32>
    %get3A_33 = arith.constant 0 : index
    %get3A_34 = arith.constant 0 : index
    %get3A_35 = vector.load %arg6[%get3A_33, %get3A_34] : memref<1x128xf32, #tpu.memory_space<vmem>>, vector<1x128xf32>
    %add3A_36 = vector.broadcast %get3A_35 : vector<1x128xf32> to vector<2000x128xf32>
    %add3A_37 = arith.addf %dot_general3A_32, %add3A_36 : vector<2000x128xf32>
    %slice3A = vector.extract_strided_slice %add3A_37 {offsets = [0, 0], sizes = [2000, 64], strides = [1, 1]} : vector<2000x128xf32> to vector<2000x64xf32>
    %slice3A_38 = vector.extract_strided_slice %get3A_1 {offsets = [0, 0], sizes = [2000, 64], strides = [1, 1]} : vector<2000x128xf32> to vector<2000x64xf32>
    %concatenate3A = tpu.concatenate %slice3A, %slice3A_38 in 1 : vector<2000x64xf32>, vector<2000x64xf32> -> vector<2000x128xf32>
    %swap3A = arith.constant 0 : index
    %swap3A_39 = arith.constant 0 : index
    %swap3A_40 = arith.constant 0 : index
    %swap3A_41 = vector.load %arg7[%swap3A, %swap3A_39, %swap3A_40] : memref<2x2000x128xf32, #tpu.memory_space<vmem>>, vector<1x2000x128xf32>
    %swap3A_42 = vector.shape_cast %swap3A_41 : vector<1x2000x128xf32> to vector<2000x128xf32>
    %swap3A_43 = vector.shape_cast %concatenate3A : vector<2000x128xf32> to vector<1x2000x128xf32>
    tpu.vector_store %arg7[%swap3A, %swap3A_39, %swap3A_40], %swap3A_43 {strides = array<i32>} : memref<2x2000x128xf32, #tpu.memory_space<vmem>>, vector<1x2000x128xf32>,
    %slice3A_44 = vector.extract_strided_slice %add3A_37 {offsets = [0, 64], sizes = [2000, 64], strides = [1, 1]} : vector<2000x128xf32> to vector<2000x64xf32>
    %slice3A_45 = vector.extract_strided_slice %get3A_1 {offsets = [0, 64], sizes = [2000, 64], strides = [1, 1]} : vector<2000x128xf32> to vector<2000x64xf32>
    %concatenate3A_46 = tpu.concatenate %slice3A_44, %slice3A_45 in 1 : vector<2000x64xf32>, vector<2000x64xf32> -> vector<2000x128xf32>
    %swap3A_47 = arith.constant 1 : index
    %swap3A_48 = arith.constant 0 : index
    %swap3A_49 = arith.constant 0 : index
    %swap3A_50 = vector.load %arg7[%swap3A_47, %swap3A_48, %swap3A_49] : memref<2x2000x128xf32, #tpu.memory_space<vmem>>, vector<1x2000x128xf32>
    %swap3A_51 = vector.shape_cast %swap3A_50 : vector<1x2000x128xf32> to vector<2000x128xf32>
    %swap3A_52 = vector.shape_cast %concatenate3A_46 : vector<2000x128xf32> to vector<1x2000x128xf32>
    tpu.vector_store %arg7[%swap3A_47, %swap3A_48, %swap3A_49], %swap3A_52 {strides = array<i32>} : memref<2x2000x128xf32, #tpu.memory_space<vmem>>, vector<1x2000x128xf32>,
    return
  }
  func.func @transform_0(%arg0: i32) -> (i32, i32) {
    %c0_i32 = arith.constant 0 : i32
    %c0_i32_0 = arith.constant 0 : i32
    return %arg0, %c0_i32 : i32, i32
  }
  func.func @transform_1(%arg0: i32) -> (i32, i32) {
    %c0_i32 = arith.constant 0 : i32
    %c0_i32_0 = arith.constant 0 : i32
    %c0_i32_1 = arith.constant 0 : i32
    return %c0_i32, %c0_i32_0 : i32, i32
  }
  func.func @transform_2(%arg0: i32) -> (i32, i32) {
    %c0_i32 = arith.constant 0 : i32
    %c0_i32_0 = arith.constant 0 : i32
    %c0_i32_1 = arith.constant 0 : i32
    return %c0_i32, %c0_i32_0 : i32, i32
  }
  func.func @transform_3(%arg0: i32) -> (i32, i32) {
    %c0_i32 = arith.constant 0 : i32
    %c0_i32_0 = arith.constant 0 : i32
    %c0_i32_1 = arith.constant 0 : i32
    return %c0_i32, %c0_i32_0 : i32, i32
  }
  func.func @transform_4(%arg0: i32) -> (i32, i32) {
    %c0_i32 = arith.constant 0 : i32
    %c0_i32_0 = arith.constant 0 : i32
    %c0_i32_1 = arith.constant 0 : i32
    return %c0_i32, %c0_i32_0 : i32, i32
  }
  func.func @transform_5(%arg0: i32) -> (i32, i32) {
    %c0_i32 = arith.constant 0 : i32
    %c0_i32_0 = arith.constant 0 : i32
    %c0_i32_1 = arith.constant 0 : i32
    return %c0_i32, %c0_i32_0 : i32, i32
  }
  func.func @transform_6(%arg0: i32) -> (i32, i32, i32) {
    %c0_i32 = arith.constant 0 : i32
    %c0_i32_0 = arith.constant 0 : i32
    %c0_i32_1 = arith.constant 0 : i32
    return %c0_i32, %arg0, %c0_i32_0 : i32, i32, i32
  }
}

module attributes {stable_mosaic.version = 14 : i64} {
  func.func @_e_post_body(%arg0: i32, %arg1: memref<1000x256xf32, #tpu.memory_space<vmem>>, %arg2: memref<32x128xf32, #tpu.memory_space<vmem>>, %arg3: memref<32x128xf32, #tpu.memory_space<vmem>>, %arg4: memref<1x128xf32, #tpu.memory_space<vmem>>, %arg5: memref<1x128xf32, #tpu.memory_space<vmem>>, %arg6: memref<128x128xf32, #tpu.memory_space<vmem>>, %arg7: memref<1x128xf32, #tpu.memory_space<vmem>>, %arg8: memref<128x128xf32, #tpu.memory_space<vmem>>, %arg9: memref<1x128xf32, #tpu.memory_space<vmem>>, %arg10: memref<2000x128xf32, #tpu.memory_space<vmem>>) attributes {dimension_semantics = [#tpu.dimension_semantics<arbitrary>], iteration_bounds = array<i64: 160>, scalar_prefetch = 0 : i64, scratch_operands = 0 : i64, tpu.core_type = #tpu.core_type<tc>, window_params = [{transform_indices = @transform_0, window_bounds = array<i64: 1000, 256>}, {pipeline_mode = #tpu.pipeline_mode<synchronous>, transform_indices = @transform_1, window_bounds = array<i64: 32, 128>}, {pipeline_mode = #tpu.pipeline_mode<synchronous>, transform_indices = @transform_2, window_bounds = array<i64: 32, 128>}, {pipeline_mode = #tpu.pipeline_mode<synchronous>, transform_indices = @transform_3, window_bounds = array<i64: 1, 128>}, {pipeline_mode = #tpu.pipeline_mode<synchronous>, transform_indices = @transform_4, window_bounds = array<i64: 1, 128>}, {pipeline_mode = #tpu.pipeline_mode<synchronous>, transform_indices = @transform_5, window_bounds = array<i64: 128, 128>}, {pipeline_mode = #tpu.pipeline_mode<synchronous>, transform_indices = @transform_6, window_bounds = array<i64: 1, 128>}, {pipeline_mode = #tpu.pipeline_mode<synchronous>, transform_indices = @transform_7, window_bounds = array<i64: 128, 128>}, {pipeline_mode = #tpu.pipeline_mode<synchronous>, transform_indices = @transform_8, window_bounds = array<i64: 1, 128>}, {transform_indices = @transform_9, window_bounds = array<i64: 2000, 128>}]} {
    %get3A = arith.constant 0 : index
    %get3A_0 = arith.constant 0 : index
    %get3A_1 = vector.load %arg1[%get3A, %get3A_0] : memref<1000x256xf32, #tpu.memory_space<vmem>>, vector<1000x256xf32>
    %slice3A = vector.extract_strided_slice %get3A_1 {offsets = [0, 0], sizes = [1000, 64], strides = [1, 1]} : vector<1000x256xf32> to vector<1000x64xf32>
    %slice3A_2 = vector.extract_strided_slice %get3A_1 {offsets = [0, 128], sizes = [1000, 64], strides = [1, 1]} : vector<1000x256xf32> to vector<1000x64xf32>
    %concatenate3A = tpu.concatenate %slice3A, %slice3A_2 in 1 : vector<1000x64xf32>, vector<1000x64xf32> -> vector<1000x128xf32>
    %slice3A_3 = vector.extract_strided_slice %get3A_1 {offsets = [0, 64], sizes = [1000, 64], strides = [1, 1]} : vector<1000x256xf32> to vector<1000x64xf32>
    %slice3A_4 = vector.extract_strided_slice %get3A_1 {offsets = [0, 192], sizes = [1000, 64], strides = [1, 1]} : vector<1000x256xf32> to vector<1000x64xf32>
    %concatenate3A_5 = tpu.concatenate %slice3A_3, %slice3A_4 in 1 : vector<1000x64xf32>, vector<1000x64xf32> -> vector<1000x128xf32>
    %stack3A = vector.shape_cast %concatenate3A : vector<1000x128xf32> to vector<1000x1x128xf32>
    %stack3A_6 = vector.shape_cast %concatenate3A_5 : vector<1000x128xf32> to vector<1000x1x128xf32>
    %stack3A_7 = tpu.concatenate %stack3A, %stack3A_6 in 1 : vector<1000x1x128xf32>, vector<1000x1x128xf32> -> vector<1000x2x128xf32>
    %reshape3A = vector.shape_cast %stack3A_7 : vector<1000x2x128xf32> to vector<2000x128xf32>
    %get3A_8 = arith.constant 0 : index
    %get3A_9 = arith.constant 0 : index
    %get3A_10 = vector.load %arg2[%get3A_8, %get3A_9] : memref<32x128xf32, #tpu.memory_space<vmem>>, vector<32x128xf32>
    %reduce_sum3A = arith.constant dense<0.000000e+00> : vector<128xf32>
    %reduce_sum3A_11 = vector.multi_reduction <add>, %get3A_10, %reduce_sum3A [0] : vector<32x128xf32> to vector<128xf32>
    %broadcast_in_dim3A = vector.shape_cast %reduce_sum3A_11 : vector<128xf32> to vector<1x128xf32>
    %div3A = arith.constant 3.200000e+05 : f32
    %div3A_12 = vector.broadcast %div3A : f32 to vector<1x128xf32>
    %div3A_13 = arith.divf %broadcast_in_dim3A, %div3A_12 : vector<1x128xf32>
    %get3A_14 = arith.constant 0 : index
    %get3A_15 = arith.constant 0 : index
    %get3A_16 = vector.load %arg3[%get3A_14, %get3A_15] : memref<32x128xf32, #tpu.memory_space<vmem>>, vector<32x128xf32>
    %reduce_sum3A_17 = arith.constant dense<0.000000e+00> : vector<128xf32>
    %reduce_sum3A_18 = vector.multi_reduction <add>, %get3A_16, %reduce_sum3A_17 [0] : vector<32x128xf32> to vector<128xf32>
    %broadcast_in_dim3A_19 = vector.shape_cast %reduce_sum3A_18 : vector<128xf32> to vector<1x128xf32>
    %div3A_20 = arith.constant 3.200000e+05 : f32
    %div3A_21 = vector.broadcast %div3A_20 : f32 to vector<1x128xf32>
    %div3A_22 = arith.divf %broadcast_in_dim3A_19, %div3A_21 : vector<1x128xf32>
    %mul3A = arith.mulf %div3A_13, %div3A_13 : vector<1x128xf32>
    %sub3A = arith.subf %div3A_22, %mul3A : vector<1x128xf32>
    %get3A_23 = arith.constant 0 : index
    %get3A_24 = arith.constant 0 : index
    %get3A_25 = vector.load %arg4[%get3A_23, %get3A_24] : memref<1x128xf32, #tpu.memory_space<vmem>>, vector<1x128xf32>
    %sub3A_26 = vector.broadcast %div3A_13 : vector<1x128xf32> to vector<2000x128xf32>
    %sub3A_27 = arith.subf %reshape3A, %sub3A_26 : vector<2000x128xf32>
    %mul3A_28 = vector.broadcast %get3A_25 : vector<1x128xf32> to vector<2000x128xf32>
    %mul3A_29 = arith.mulf %mul3A_28, %sub3A_27 : vector<2000x128xf32>
    %add3A = arith.constant 9.99999974E-6 : f32
    %add3A_30 = vector.broadcast %add3A : f32 to vector<1x128xf32>
    %add3A_31 = arith.addf %sub3A, %add3A_30 : vector<1x128xf32>
    %rsqrt3A = math.rsqrt %add3A_31 : vector<1x128xf32>
    %mul3A_32 = vector.broadcast %rsqrt3A : vector<1x128xf32> to vector<2000x128xf32>
    %mul3A_33 = arith.mulf %mul3A_29, %mul3A_32 : vector<2000x128xf32>
    %get3A_34 = arith.constant 0 : index
    %get3A_35 = arith.constant 0 : index
    %get3A_36 = vector.load %arg5[%get3A_34, %get3A_35] : memref<1x128xf32, #tpu.memory_space<vmem>>, vector<1x128xf32>
    %add3A_37 = vector.broadcast %get3A_36 : vector<1x128xf32> to vector<2000x128xf32>
    %add3A_38 = arith.addf %mul3A_33, %add3A_37 : vector<2000x128xf32>
    %get3A_39 = arith.constant 0 : index
    %get3A_40 = arith.constant 0 : index
    %get3A_41 = vector.load %arg6[%get3A_39, %get3A_40] : memref<128x128xf32, #tpu.memory_space<vmem>>, vector<128x128xf32>
    %dot_general3A = arith.constant dense<0.000000e+00> : vector<2000x128xf32>
    %dot_general3A_42 = tpu.matmul %add3A_38, %get3A_41, %dot_general3A {dimension_numbers = #tpu.dot_dimension_numbers<[1], [0], [0], [1], [0, 0, 1, 1], [], []>, transpose_lhs_hint = false} : vector<2000x128xf32>, vector<128x128xf32>, vector<2000x128xf32> -> vector<2000x128xf32>
    %get3A_43 = arith.constant 0 : index
    %get3A_44 = arith.constant 0 : index
    %get3A_45 = vector.load %arg7[%get3A_43, %get3A_44] : memref<1x128xf32, #tpu.memory_space<vmem>>, vector<1x128xf32>
    %add3A_46 = vector.broadcast %get3A_45 : vector<1x128xf32> to vector<2000x128xf32>
    %add3A_47 = arith.addf %dot_general3A_42, %add3A_46 : vector<2000x128xf32>
    %max3A = arith.constant 0.000000e+00 : f32
    %max3A_48 = vector.broadcast %max3A : f32 to vector<2000x128xf32>
    %max3A_49 = arith.maximumf %add3A_47, %max3A_48 : vector<2000x128xf32>
    %get3A_50 = arith.constant 0 : index
    %get3A_51 = arith.constant 0 : index
    %get3A_52 = vector.load %arg8[%get3A_50, %get3A_51] : memref<128x128xf32, #tpu.memory_space<vmem>>, vector<128x128xf32>
    %dot_general3A_53 = arith.constant dense<0.000000e+00> : vector<2000x128xf32>
    %dot_general3A_54 = tpu.matmul %max3A_49, %get3A_52, %dot_general3A_53 {dimension_numbers = #tpu.dot_dimension_numbers<[1], [0], [0], [1], [0, 0, 1, 1], [], []>, transpose_lhs_hint = false} : vector<2000x128xf32>, vector<128x128xf32>, vector<2000x128xf32> -> vector<2000x128xf32>
    %add3A_55 = arith.addf %reshape3A, %dot_general3A_54 : vector<2000x128xf32>
    %get3A_56 = arith.constant 0 : index
    %get3A_57 = arith.constant 0 : index
    %get3A_58 = vector.load %arg9[%get3A_56, %get3A_57] : memref<1x128xf32, #tpu.memory_space<vmem>>, vector<1x128xf32>
    %add3A_59 = vector.broadcast %get3A_58 : vector<1x128xf32> to vector<2000x128xf32>
    %add3A_60 = arith.addf %add3A_55, %add3A_59 : vector<2000x128xf32>
    %swap3A = arith.constant 0 : index
    %swap3A_61 = arith.constant 0 : index
    %swap3A_62 = vector.load %arg10[%swap3A, %swap3A_61] : memref<2000x128xf32, #tpu.memory_space<vmem>>, vector<2000x128xf32>
    tpu.vector_store %arg10[%swap3A, %swap3A_61], %add3A_60 {strides = array<i32>} : memref<2000x128xf32, #tpu.memory_space<vmem>>, vector<2000x128xf32>,
    return
  }
  func.func @transform_0(%arg0: i32) -> (i32, i32) {
    %c0_i32 = arith.constant 0 : i32
    %c0_i32_0 = arith.constant 0 : i32
    return %arg0, %c0_i32 : i32, i32
  }
  func.func @transform_1(%arg0: i32) -> (i32, i32) {
    %c0_i32 = arith.constant 0 : i32
    %c0_i32_0 = arith.constant 0 : i32
    %c0_i32_1 = arith.constant 0 : i32
    return %c0_i32, %c0_i32_0 : i32, i32
  }
  func.func @transform_2(%arg0: i32) -> (i32, i32) {
    %c0_i32 = arith.constant 0 : i32
    %c0_i32_0 = arith.constant 0 : i32
    %c0_i32_1 = arith.constant 0 : i32
    return %c0_i32, %c0_i32_0 : i32, i32
  }
  func.func @transform_3(%arg0: i32) -> (i32, i32) {
    %c0_i32 = arith.constant 0 : i32
    %c0_i32_0 = arith.constant 0 : i32
    %c0_i32_1 = arith.constant 0 : i32
    return %c0_i32, %c0_i32_0 : i32, i32
  }
  func.func @transform_4(%arg0: i32) -> (i32, i32) {
    %c0_i32 = arith.constant 0 : i32
    %c0_i32_0 = arith.constant 0 : i32
    %c0_i32_1 = arith.constant 0 : i32
    return %c0_i32, %c0_i32_0 : i32, i32
  }
  func.func @transform_5(%arg0: i32) -> (i32, i32) {
    %c0_i32 = arith.constant 0 : i32
    %c0_i32_0 = arith.constant 0 : i32
    %c0_i32_1 = arith.constant 0 : i32
    return %c0_i32, %c0_i32_0 : i32, i32
  }
  func.func @transform_6(%arg0: i32) -> (i32, i32) {
    %c0_i32 = arith.constant 0 : i32
    %c0_i32_0 = arith.constant 0 : i32
    %c0_i32_1 = arith.constant 0 : i32
    return %c0_i32, %c0_i32_0 : i32, i32
  }
  func.func @transform_7(%arg0: i32) -> (i32, i32) {
    %c0_i32 = arith.constant 0 : i32
    %c0_i32_0 = arith.constant 0 : i32
    %c0_i32_1 = arith.constant 0 : i32
    return %c0_i32, %c0_i32_0 : i32, i32
  }
  func.func @transform_8(%arg0: i32) -> (i32, i32) {
    %c0_i32 = arith.constant 0 : i32
    %c0_i32_0 = arith.constant 0 : i32
    %c0_i32_1 = arith.constant 0 : i32
    return %c0_i32, %c0_i32_0 : i32, i32
  }
  func.func @transform_9(%arg0: i32) -> (i32, i32) {
    %c0_i32 = arith.constant 0 : i32
    %c0_i32_0 = arith.constant 0 : i32
    return %arg0, %c0_i32 : i32, i32
  }
}

module attributes {stable_mosaic.version = 14 : i64} {
  func.func @_h_post_body(%arg0: memref<10000x128xf32, #tpu.memory_space<vmem>>, %arg1: memref<10000x128xf32, #tpu.memory_space<vmem>>, %arg2: memref<10000x128xf32, #tpu.memory_space<vmem>>, %arg3: memref<10000x128xf32, #tpu.memory_space<vmem>>, %arg4: memref<1x128xf32, #tpu.memory_space<vmem>>, %arg5: memref<1x128xf32, #tpu.memory_space<vmem>>, %arg6: memref<128x128xf32, #tpu.memory_space<vmem>>, %arg7: memref<1x128xf32, #tpu.memory_space<vmem>>, %arg8: memref<128x128xf32, #tpu.memory_space<vmem>>, %arg9: memref<1x128xf32, #tpu.memory_space<vmem>>, %arg10: memref<10000x128xf32, #tpu.memory_space<vmem>>) attributes {dimension_semantics = [], scalar_prefetch = 0 : i64, scratch_operands = 0 : i64, tpu.core_type = #tpu.core_type<tc>} {
    %get3A = arith.constant 0 : index
    %get3A_0 = arith.constant 0 : index
    %get3A_1 = vector.load %arg0[%get3A, %get3A_0] : memref<10000x128xf32, #tpu.memory_space<vmem>>, vector<10000x128xf32>
    %get3A_2 = arith.constant 0 : index
    %get3A_3 = arith.constant 0 : index
    %get3A_4 = vector.load %arg1[%get3A_2, %get3A_3] : memref<10000x128xf32, #tpu.memory_space<vmem>>, vector<10000x128xf32>
    %get3A_5 = arith.constant 0 : index
    %get3A_6 = arith.constant 0 : index
    %get3A_7 = vector.load %arg2[%get3A_5, %get3A_6] : memref<10000x128xf32, #tpu.memory_space<vmem>>, vector<10000x128xf32>
    %add3A = arith.constant 1.000000e-10 : f32
    %add3A_8 = vector.broadcast %add3A : f32 to vector<10000x128xf32>
    %add3A_9 = arith.addf %get3A_7, %add3A_8 : vector<10000x128xf32>
    %div3A = arith.divf %get3A_4, %add3A_9 : vector<10000x128xf32>
    %add3A_10 = arith.addf %get3A_1, %div3A : vector<10000x128xf32>
    %get3A_11 = arith.constant 0 : index
    %get3A_12 = arith.constant 0 : index
    %get3A_13 = vector.load %arg3[%get3A_11, %get3A_12] : memref<10000x128xf32, #tpu.memory_space<vmem>>, vector<10000x128xf32>
    %add3A_14 = arith.addf %get3A_13, %add3A_10 : vector<10000x128xf32>
    %reduce_sum3A = arith.constant dense<0.000000e+00> : vector<128xf32>
    %reduce_sum3A_15 = vector.multi_reduction <add>, %add3A_14, %reduce_sum3A [0] : vector<10000x128xf32> to vector<128xf32>
    %broadcast_in_dim3A = vector.shape_cast %reduce_sum3A_15 : vector<128xf32> to vector<1x128xf32>
    %div3A_16 = arith.constant 1.000000e+04 : f32
    %div3A_17 = vector.broadcast %div3A_16 : f32 to vector<1x128xf32>
    %div3A_18 = arith.divf %broadcast_in_dim3A, %div3A_17 : vector<1x128xf32>
    %sub3A = vector.broadcast %div3A_18 : vector<1x128xf32> to vector<10000x128xf32>
    %sub3A_19 = arith.subf %add3A_14, %sub3A : vector<10000x128xf32>
    %mul3A = arith.mulf %sub3A_19, %sub3A_19 : vector<10000x128xf32>
    %reduce_sum3A_20 = arith.constant dense<0.000000e+00> : vector<128xf32>
    %reduce_sum3A_21 = vector.multi_reduction <add>, %mul3A, %reduce_sum3A_20 [0] : vector<10000x128xf32> to vector<128xf32>
    %broadcast_in_dim3A_22 = vector.shape_cast %reduce_sum3A_21 : vector<128xf32> to vector<1x128xf32>
    %div3A_23 = arith.constant 1.000000e+04 : f32
    %div3A_24 = vector.broadcast %div3A_23 : f32 to vector<1x128xf32>
    %div3A_25 = arith.divf %broadcast_in_dim3A_22, %div3A_24 : vector<1x128xf32>
    %get3A_26 = arith.constant 0 : index
    %get3A_27 = arith.constant 0 : index
    %get3A_28 = vector.load %arg4[%get3A_26, %get3A_27] : memref<1x128xf32, #tpu.memory_space<vmem>>, vector<1x128xf32>
    %mul3A_29 = vector.broadcast %get3A_28 : vector<1x128xf32> to vector<10000x128xf32>
    %mul3A_30 = arith.mulf %mul3A_29, %sub3A_19 : vector<10000x128xf32>
    %add3A_31 = arith.constant 9.99999974E-6 : f32
    %add3A_32 = vector.broadcast %add3A_31 : f32 to vector<1x128xf32>
    %add3A_33 = arith.addf %div3A_25, %add3A_32 : vector<1x128xf32>
    %rsqrt3A = math.rsqrt %add3A_33 : vector<1x128xf32>
    %mul3A_34 = vector.broadcast %rsqrt3A : vector<1x128xf32> to vector<10000x128xf32>
    %mul3A_35 = arith.mulf %mul3A_30, %mul3A_34 : vector<10000x128xf32>
    %get3A_36 = arith.constant 0 : index
    %get3A_37 = arith.constant 0 : index
    %get3A_38 = vector.load %arg5[%get3A_36, %get3A_37] : memref<1x128xf32, #tpu.memory_space<vmem>>, vector<1x128xf32>
    %add3A_39 = vector.broadcast %get3A_38 : vector<1x128xf32> to vector<10000x128xf32>
    %add3A_40 = arith.addf %mul3A_35, %add3A_39 : vector<10000x128xf32>
    %get3A_41 = arith.constant 0 : index
    %get3A_42 = arith.constant 0 : index
    %get3A_43 = vector.load %arg6[%get3A_41, %get3A_42] : memref<128x128xf32, #tpu.memory_space<vmem>>, vector<128x128xf32>
    %dot_general3A = arith.constant dense<0.000000e+00> : vector<10000x128xf32>
    %dot_general3A_44 = tpu.matmul %add3A_40, %get3A_43, %dot_general3A {dimension_numbers = #tpu.dot_dimension_numbers<[1], [0], [0], [1], [0, 0, 1, 1], [], []>, transpose_lhs_hint = false} : vector<10000x128xf32>, vector<128x128xf32>, vector<10000x128xf32> -> vector<10000x128xf32>
    %get3A_45 = arith.constant 0 : index
    %get3A_46 = arith.constant 0 : index
    %get3A_47 = vector.load %arg7[%get3A_45, %get3A_46] : memref<1x128xf32, #tpu.memory_space<vmem>>, vector<1x128xf32>
    %add3A_48 = vector.broadcast %get3A_47 : vector<1x128xf32> to vector<10000x128xf32>
    %add3A_49 = arith.addf %dot_general3A_44, %add3A_48 : vector<10000x128xf32>
    %max3A = arith.constant 0.000000e+00 : f32
    %max3A_50 = vector.broadcast %max3A : f32 to vector<10000x128xf32>
    %max3A_51 = arith.maximumf %add3A_49, %max3A_50 : vector<10000x128xf32>
    %get3A_52 = arith.constant 0 : index
    %get3A_53 = arith.constant 0 : index
    %get3A_54 = vector.load %arg8[%get3A_52, %get3A_53] : memref<128x128xf32, #tpu.memory_space<vmem>>, vector<128x128xf32>
    %dot_general3A_55 = arith.constant dense<0.000000e+00> : vector<10000x128xf32>
    %dot_general3A_56 = tpu.matmul %max3A_51, %get3A_54, %dot_general3A_55 {dimension_numbers = #tpu.dot_dimension_numbers<[1], [0], [0], [1], [0, 0, 1, 1], [], []>, transpose_lhs_hint = false} : vector<10000x128xf32>, vector<128x128xf32>, vector<10000x128xf32> -> vector<10000x128xf32>
    %add3A_57 = arith.addf %add3A_14, %dot_general3A_56 : vector<10000x128xf32>
    %get3A_58 = arith.constant 0 : index
    %get3A_59 = arith.constant 0 : index
    %get3A_60 = vector.load %arg9[%get3A_58, %get3A_59] : memref<1x128xf32, #tpu.memory_space<vmem>>, vector<1x128xf32>
    %add3A_61 = vector.broadcast %get3A_60 : vector<1x128xf32> to vector<10000x128xf32>
    %add3A_62 = arith.addf %add3A_57, %add3A_61 : vector<10000x128xf32>
    %swap3A = arith.constant 0 : index
    %swap3A_63 = arith.constant 0 : index
    %swap3A_64 = vector.load %arg10[%swap3A, %swap3A_63] : memref<10000x128xf32, #tpu.memory_space<vmem>>, vector<10000x128xf32>
    tpu.vector_store %arg10[%swap3A, %swap3A_63], %add3A_62 {strides = array<i32>} : memref<10000x128xf32, #tpu.memory_space<vmem>>, vector<10000x128xf32>,
    return
  }
}

</mosaic_0001>

<sc_bundles>
// kernel: kernel.8.cloned.1.call-start
scs
__scs_entry_jumppad:
0x0: {  	(pc) =	sbr.rel $0x88, $3  }
0x1: {  	(tag) =	ssettag $0x0;
	lr =	simm.s32 $0x1  }
0x2: {  	[smem:$0x3F84] =	sst lr;
	_ =	strace $0xD0000000  }
0x3: {  	_ = 	snop  }
0x4: {  	_ = 	snop  }
0x5: {  	_ = 	snop  }
0x6: {  	_ = 	snop  }
0x7: {  	_ = 	snop  }
__scs_overlays_trampoline_lowered:
0x8: {  	[smem:$0x3F93] =	sst s0  }
0x9: {  	[smem:$0x3F94] =	sst s1  }
0xa: {  	[smem:$0x3F95] =	sst s2  }
0xb: {  	[smem:$0x3F96] =	sst s3  }
0xc: {  	[smem:$0x3F97] =	sst s4  }
0xd: {  	[smem:$0x3F98] =	sst s5  }
0xe: {  	[smem:$0x3F99] =	sst s6  }
0xf: {  	[smem:$0x3F9A] =	sst s7  }
0x10: {  	[smem:$0x3F9B] =	sst s8  }
0x11: {  	[smem:$0x3F9C] =	sst s9;
	s0 =	simm.s32 @!p0 $0x0  }
0x12: {  	s1 =	sld [smem:$0x3F82];
	s0 =	simm.s32 @p0 $0x1  }
0x13: {  	[smem:$0x3F9D] =	sst s0;
	s0 =	simm.s32 @!p1 $0x0  }
0x14: {  	s2 =	sld [smem:$0x3F81];
	s0 =	simm.s32 @p1 $0x1  }
0x15: {  	[smem:$0x3F9E] =	sst s0;
	s0 =	simm.s32 @!p2 $0x0  }
0x16: {  	s3 =	sld [smem:$0x3FDB];
	s0 =	simm.s32 @p2 $0x1  }
0x17: {  	s4 =	simm.s32 $0x1BF5;
	[smem:$0x3FA0] =	sst s0  }
0x18: {  	s0 =	sld [smem:$0x3F83];
	_ =	swait.ge [sflag:s4], $0x0  }
0x19: {  	s7 =	sld [smem:$0x3F84]  }
0x1a: {  	s8 =	sadd.s32 $0xFFFFE003, lr  }
0x1b: {  	s9 =	sadd.s32 $0xFFFFFEF7, lr;
	s5 =	simm.s32 $0xFFFFFFFF;
	p2 =	slt.u32 s8, $0xFFFFF086  }
0x1c: {  	p1 =	slt.u32 s9, $0xF7A;
	s5 =	simm.s32 @!p2 $0x0  }
0x1d: {  	s5 =	simm.s32 @p1 $0x1;
	p0 =	seq.s32 s7, s2  }
0x1e: {  	s7 =	smul.u32 @!p0 $0xF7A, s2;
	p2 =	seq.s32 @!p0 s5, $0x0  }
0x1f: {  	s9 =	smul.u32 $0xF7A, s1;
	s8 =	simm.s32 @!p0 $0x1BF5;
	p2 =	por !p2, p0  }
0x20: {  	[sflag:s8] =	ssyncset.s32 @!p0 $0xFFFFF086;
	s6 =	sadd.s32 @!p0 s3, s7;
	s7 =	simm.s32 @!p0 $0x108  }
0x21: {  	s3 =	sadd.s32 s3, s9;
	s6 =	sadd.s32 @!p0 $0x88, s6;
	s7 =	simm.s32 @p2 $0x1082  }
0x22: {  	[simem:s7], [sflag:s8] =	dma.local @!p0 [hbm:s6], $0xF7A  }
0x23: {  	s9 =	sor.u32 $0xD0000000, s2;
	s6 =	simm.s32 $0x108;
	_ =	swait.ge @!p0 [sflag:s8], $0x0  }
0x24: {  	s3 =	sadd.s32 $0x88, s3;
	s6 =	simm.s32 @!p1 $0x1082;
	[sflag:s4] =	ssyncset.s32 $0xFFFFF086  }
0x25: {  	[simem:s6], [sflag:s4] =	dma.local [hbm:s3], $0xF7A  }
0x26: {  	[smem:$0x3F84] =	sst s1;
	(tag) =	ssettag s2;
	_ =	strace s9  }
0x27: {  	s1 =	sld [smem:$0x3F94]  }
0x28: {  	s2 =	sld [smem:$0x3F95]  }
0x29: {  	s4 =	sld [smem:$0x3F97]  }
0x2a: {  	p0 =	seq.s32 s5, $0x0;
	s5 =	sld [smem:$0x3F98]  }
0x2b: {  	s6 =	sld [smem:$0x3F99]  }
0x2c: {  	s7 =	sld [smem:$0x3F9A]  }
0x2d: {  	s3 =	simm.s32 $0x108;
	s8 =	sld [smem:$0x3F9B]  }
0x2e: {  	s3 =	simm.s32 @!p0 $0x1082;
	s9 =	sld [smem:$0x3F9C]  }
0x2f: {  	lr =	sadd.s32 s0, s3;
	s0 =	sld [smem:$0x3F93]  }
0x30: {  	s3 =	sld [smem:$0x3F96]  }
0x31: {  	[smem:$0x3F9F] =	sst s10  }
0x32: {  	s10 =	sld [smem:$0x3F9D];
	_ =	sdelay $0x3  }
0x33: {  	p0 =	seq.s32 s10, $0x1;
	s10 =	sld [smem:$0x3F9F];
	_ =	sdelay $0x3  }
0x34: {  	[smem:$0x3F9F] =	sst s10  }
0x35: {  	s10 =	sld [smem:$0x3F9E];
	_ =	sdelay $0x3  }
0x36: {  	p1 =	seq.s32 s10, $0x1;
	s10 =	sld [smem:$0x3F9F];
	_ =	sdelay $0x3  }
0x37: {  	[smem:$0x3F9F] =	sst s10  }
0x38: {  	s10 =	sld [smem:$0x3FA0]  }
0x39: {  	_ = 	snop;
	(pc) =	sbr.ind lr, $3  }
0x3a: {  	_ = 	snop  }
0x3b: {  	_ = 	snop  }
0x3c: {  	p2 =	seq.s32 s10, $0x1;
	s10 =	sld [smem:$0x3F9F]  }
0x3d: {  	_ =	shalt  }
0x3e: {  	_ =	shalt  }
0x3f: {  	_ =	shalt  }
0x40: {  	_ =	shalt  }
0x41: {  	_ =	shalt  }
0x42: {  	_ =	shalt  }
0x43: {  	_ =	shalt  }
0x44: {  	_ =	shalt  }
0x45: {  	_ =	shalt  }
0x46: {  	_ =	shalt  }
0x47: {  	_ =	shalt  }
0x48: {  	_ =	shalt  }
0x49: {  	_ =	shalt  }
0x4a: {  	_ =	shalt  }
0x4b: {  	_ =	shalt  }
0x4c: {  	_ =	shalt  }
0x4d: {  	_ =	shalt  }
0x4e: {  	_ =	shalt  }
0x4f: {  	_ =	shalt  }
0x50: {  	_ =	shalt  }
0x51: {  	_ =	shalt  }
0x52: {  	_ =	shalt  }
0x53: {  	_ =	shalt  }
0x54: {  	_ =	shalt  }
0x55: {  	_ =	shalt  }
0x56: {  	_ =	shalt  }
0x57: {  	_ =	shalt  }
0x58: {  	_ =	shalt  }
0x59: {  	_ =	shalt  }
0x5a: {  	_ =	shalt  }
0x5b: {  	_ =	shalt  }
0x5c: {  	_ =	shalt  }
0x5d: {  	_ =	shalt  }
0x5e: {  	_ =	shalt  }
0x5f: {  	_ =	shalt  }
0x60: {  	_ =	shalt  }
0x61: {  	_ =	shalt  }
0x62: {  	_ =	shalt  }
0x63: {  	_ =	shalt  }
0x64: {  	_ =	shalt  }
0x65: {  	_ =	shalt  }
0x66: {  	_ =	shalt  }
0x67: {  	_ =	shalt  }
0x68: {  	_ =	shalt  }
0x69: {  	_ =	shalt  }
0x6a: {  	_ =	shalt  }
0x6b: {  	_ =	shalt  }
0x6c: {  	_ =	shalt  }
0x6d: {  	_ =	shalt  }
0x6e: {  	_ =	shalt  }
0x6f: {  	_ =	shalt  }
0x70: {  	_ =	shalt  }
0x71: {  	_ =	shalt  }
0x72: {  	_ =	shalt  }
0x73: {  	_ =	shalt  }
0x74: {  	_ =	shalt  }
0x75: {  	_ =	shalt  }
0x76: {  	_ =	shalt  }
0x77: {  	_ =	shalt  }
0x78: {  	_ =	shalt  }
0x79: {  	_ =	shalt  }
0x7a: {  	_ =	shalt  }
0x7b: {  	_ =	shalt  }
0x7c: {  	_ =	shalt  }
0x7d: {  	_ =	shalt  }
0x7e: {  	_ =	shalt  }
0x7f: {  	_ =	shalt  }
0x80: {  	_ =	shalt  }
0x81: {  	_ =	shalt  }
0x82: {  	_ =	shalt  }
0x83: {  	_ =	shalt  }
0x84: {  	_ =	shalt  }
0x85: {  	_ =	shalt  }
0x86: {  	_ =	shalt  }
0x87: {  	_ =	shalt  }
.Lfunc_end0:
.L_simem_size_0:
called_computation_lowered:
.L_overlay_start_0:
0x88: {  	s2 =	sld [smem:$0x3FD9]  }
0x89: {  	s3 =	sld [smem:$0x3FFE];
	_ =	sdelay $0x1  }
0x8a: {  	s1 =	srdreg.scid  }
0x8b: {  	s0 =	sand.u32 $0x1, s1  }
0x8c: {  	s14 =	sshll.u32 s0, $0xA;
	s2 =	sadd.s32 s3, s2  }
0x8d: {  	s2 =	sadd.s32 s2, s14  }
0x8e: {  	[smem:$0x3FAB] =	sst s2  }
0x8f: {  	_ = 	snop  }
0x90: {  	s2 =	sld [smem:$0x3FD0];
	_ =	sdelay $0x2  }
0x91: {  	s15 =	simm.s32 $0xA;
	s4 =	simm.s32 $0x10  }
0x92: {  	[smem:s4], [sflag:s15] =	dma.local [hbm:s2], $0x1  }
0x93: {  	_ =	swait.eq [sflag:s15], $0x1  }
0x94: {  	[sflag:s15] =	ssyncset.done $0x0  }
0x95: {  	[sflag:s15] =	ssyncadd.s32 $0xFFFFFFFF  }
0x96: {  	s16 =	sld [smem:$0x11];
	(tm) =	ssettm $0x1  }
0x97: {  	s17 =	sld [smem:$0x3FFB];
	_ =	sdelay $0x3  }
0x98: {  	_ =	strace s17  }
0x99: {  	s3 =	sld [smem:$0x3FFC];
	_ =	sdelay $0x3  }
0x9a: {  	_ =	strace s3  }
0x9b: {  	s3 =	sld [smem:$0x3FFD];
	_ =	sdelay $0x3  }
0x9c: {  	_ =	strace s3  }
0x9d: {  	_ =	strace $0x8FFFFFFF  }
0x9e: {  	s18 =	sld [smem:$0x3FDB];
	_ =	sdelay $0x1  }
0x9f: {  	s19 =	simm.s32 $_scs_section_size  }
0xa0: {  	s5 =	simm.s32 $_size__tile_overlayer_lowered;
	s6 =	simm.s32 $_tile_overlayer_lowered  }
0xa1: {  	s22 =	simm.s32 $0x1BFF;
	s21 =	sshll.u32 s6, $0x1;
	s3 =	sadd.s32 s19, s18  }
0xa2: {  	s7 =	simm.s32 $0x0;
	s20 =	sshll.u32 s5, $0x1;
	s5 =	sadd.s32 s21, s3  }
0xa3: {  	[timem:s7], [sflag:s22] =	dma.local [hbm:s5], s20  }
0xa4: {  	_ =	swait.ge [sflag:s22], s20  }
0xa5: {  	s4 =	ssub.s32 $0x0, s20;
	[sflag:s22] =	ssyncset.done $0x0  }
0xa6: {  	[sflag:s22] =	ssyncadd.s32 s4;
	_ =	sdelay $0x1  }
0xa7: {  	s23 =	simm.s32 $0x1B8B  }
0xa8: {  	_ =	swait.ge [sflag:s23], $0x1  }
0xa9: {  	[sflag:s23] =	ssyncset.done $0x0  }
0xaa: {  	s25 =	simm.s32 $0x1B8E;
	s24 =	sld [smem:$0x3FFE];
	[sflag:s23] =	ssyncadd.s32 $0xFFFFFFFF  }
0xab: {  	s26 =	simm.s32 $execute0_lowered;
	[smem:$0x3FD2] =	sst s25  }
0xac: {  	s5 =	sshll.u32 s26, $0x1;
	_ =	strace $0x80000046;
	[dreg:$0x1] =	wrdreg $0xFFFFFFFF  }
0xad: {  	s28 =	simm.s32 $_size_execute0_lowered;
	s3 =	sadd.s32 s3, s5;
	[dreg:$0x0] =	wrdreg $0x0  }
0xae: {  	s5 =	sshll.u32 s28, $0x1;
	[dreg:$0x2] =	wrdreg s3  }
0xaf: {  	[dreg:$0x3] =	wrdreg s5  }
0xb0: {  	[dreg:$0x4] =	wrdreg $0xC0  }
0xb1: {  	_ =	task [dreg:s7], $0x5FFFF  }
0xb2: {  	[dreg:$0x1] =	wrdreg $0xFFFFFFFF  }
0xb3: {  	[dreg:$0x0] =	wrdreg $0x60  }
0xb4: {  	[dreg:$0x2] =	wrdreg s24  }
0xb5: {  	[dreg:$0x3] =	wrdreg s16  }
0xb6: {  	[dreg:$0x4] =	wrdreg $0x98000  }
0xb7: {  	[dreg:$0x5] =	wrdreg $0x9  }
0xb8: {  	_ =	task.clear_ibuf [dreg:s7], $0x6FFFF;
	_ =	strace $0x90000046  }
0xb9: {  	s29 =	simm.s32 $0x9;
	_ =	strace $0x80000048  }
0xba: {  	_ =	swait.ge [sflag:s29], $0x1  }
0xbb: {  	[sflag:s29] =	ssyncadd.s32 $0xFFFFFFFF  }
0xbc: {  	_ =	strace $0x90000048  }
0xbd: {  	_ =	sfence  }
0xbe: {  	s30 =	sld [smem:$0x0];
	_ =	sdelay $0x2  }
0xbf: {  	s31 =	sshll.u32 s1, $0xD;
	s1 =	sshrl.u32 s1, $0x2  }
0xc0: {  	s3 =	sand.u32 $0x4000, s31;
	s1 =	sadd.s32 s1, s30  }
0xc1: {  	s0 =	sor.u32 s3, s0;
	s1 =	sshll.u32 s1, $0x11  }
0xc2: {  	s0 =	sor.u32 s1, s0  }
0xc3: {  	s0 =	sadd.s32 $0x8F2B, s0  }
0xc4: {  	[sflag:s0] =	ssyncadd.remote.s32 $0x1  }
0xc5: {  	_ =	sfence.sel $0xFFFF  }
0xc6: {  	[dreg:$0x0] =	wrdreg $0xFFFFFFFF;
	(pc) =	sbr.abs _section_cstart, $3  }
0xc7: {  	[dreg:$0x1] =	wrdreg $0xFFFFFFFF  }
0xc8: {  	_ =	task.clear_ibuf [dreg:s7], $0x2FFFF;
	_ =	strace $0x9FFFFFFF  }
0xc9: {  	(tm) =	ssettm $0x7FFFFFFF  }
tec
execute0_lowered:
.L_overlay_start_1:
0x0: {  	(tag) =	ssettag $0x1  }
0x1: {  	s0 =	rddreg [dreg:$0x0]  }
0x2: {  	s29 =	rddreg [dreg:$0x1]  }
0x3: {  	s13 =	rddreg [dreg:$0x2];
	s1 =	srdreg.scid  }
0x4: {  	s4 =	simm.s32 $0x0;
	s14 =	stileid.u32;
	s2 =	sand.u32 $0x1, s1  }
0x5: {  	[smem:$0x7FF] =	sst s4;
	s3 =	smul.u32 $0x14000, s14;
	s5 =	sadd.s32 $0xF400, s0  }
0x6: {  	s6 =	sadd.s32 $0x5600, s0;
	s7 =	sadd.s32 $0x40400, s0;
	s9 =	smul.u32 $0x50000, s14  }
0x7: {  	s10 =	sshll.u32 s14, $0x7;
	s19 =	sshll.u32 s14, $0xC;
	s14 =	sshll.u32 s14, $0x2  }
0x8: {  	_ =	strace $0x80000047;
	s25 =	sor.u32 $0x10000, s19;
	[dreg:$0x7] =	wrdreg s14  }
0x9: {  	s15 =	smul.u32 $0x2710000, s2;
	s24 =	sshll.u32 s2, $0xA;
	[dreg:$0xc] =	wrdreg s25  }
0xa: {  	s1 =	smul.u32 $0x140000, s2;
	s22 =	sor.u32 $0x40, s14;
	[dreg:$0xb] =	wrdreg s24  }
0xb: {  	s17 =	ssub.s32 $0x2, s2;
	s23 =	sadd.s32 s5, s22;
	[dreg:$0x4] =	wrdreg s15  }
0xc: {  	s20 =	sshrl.u32 s9, $0x2;
	s21 =	sor.u32 s19, s15;
	[dreg:$0x9] =	wrdreg s23  }
0xd: {  	s1 =	sadd.s32 s3, s1;
	s3 =	sadd.s32 s5, s14;
	[dreg:$0x5] =	wrdreg s21  }
0xe: {  	s11 =	sshrl.u32 s17, $0x1;
	s13 =	sadd.s32 s20, s13;
	[dreg:$0x12] =	wrdreg s3  }
0xf: {  	s18 =	ssub.s32 s17, s11;
	s11 =	sadd.s32 $0x1000, s13;
	[dreg:$0x6] =	wrdreg s13  }
0x10: {  	s8 =	sadd.s32 $0xA54400, s0;
	s15 =	sadd.s32 $0x4000, s13;
	[dreg:$0x15] =	wrdreg s11  }
0x11: {  	s1 =	sshrl.u32 s1, $0x3;
	s17 =	sadd.s32 $0x6000, s13;
	[dreg:$0x18] =	wrdreg s15  }
0x12: {  	s9 =	sshrl.u32 s21, $0x3;
	s3 =	sadd.s32 $0x9000, s13;
	[dreg:$0x1a] =	wrdreg s17  }
0x13: {  	s16 =	sadd.s32 s1, s0;
	s9 =	sadd.s32 s7, s9;
	[dreg:$0x1d] =	wrdreg s3  }
0x14: {  	s0 =	sadd.s32 s10, s0;
	s10 =	sor.u32 $0xC0, s14;
	[dreg:$0x8] =	wrdreg s9  }
0x15: {  	s28 =	simm.s32 $0x400;
	s11 =	sadd.s32 $0xC000, s13;
	[dreg:$0x14] =	wrdreg s10  }
0x16: {  	s12 =	sshll.u32 s2, $0x6;
	s15 =	sadd.s32 $0xF000, s13;
	[smem:$0x7F6] =	sst s11  }
0x17: {  	s25 =	sor.u32 $0x9430, s12;
	s17 =	sadd.s32 $0x11000, s13;
	[smem:$0x7F9] =	sst s15  }
0x18: {  	s20 =	sor.u32 $0x9480, s12;
	s9 =	sadd.s32 s6, s22;
	[smem:$0x7FB] =	sst s17  }
0x19: {  	s23 =	sor.u32 $0x9420, s12;
	s30 =	sadd.s32 $0xA04400, s16;
	[dreg:$0xa] =	wrdreg s9  }
0x1a: {  	s1 =	smul.u32 $0x2710, s2;
	s16 =	sadd.s32 $0x5000, s13;
	[dreg:$0x10] =	wrdreg s30  }
0x1b: {  	s2 =	sshll.u32 s2, $0xB;
	s10 =	sadd.s32 $0xB000, s13;
	[dreg:$0x19] =	wrdreg s16  }
0x1c: {  	s0 =	sadd.s32 s2, s0;
	s9 =	sor.u32 s24, s19;
	[dreg:$0x1f] =	wrdreg s10  }
0x1d: {  	s21 =	sor.u32 $0x9410, s12;
	s0 =	sadd.s32 $0x19200, s0;
	[dreg:$0xd] =	wrdreg s9  }
0x1e: {  	s22 =	sor.u32 $0x9490, s12;
	s30 =	sadd.s32 $0x8000, s13;
	[dreg:$0xf] =	wrdreg s0  }
0x1f: {  	s19 =	sor.u32 $0x9400, s12;
	s16 =	sadd.s32 $0x10000, s13;
	[dreg:$0x1c] =	wrdreg s30  }
0x20: {  	s26 =	sshrl.u32 s9, $0x3;
	s9 =	sadd.s32 s6, s14;
	[smem:$0x7FA] =	sst s16  }
0x21: {  	s24 =	sor.u32 $0x94A0, s12;
	s14 =	sadd.s32 $0x3000, s13;
	[dreg:$0x13] =	wrdreg s9  }
0x22: {  	s30 =	sadd.s32 $0x13000, s13;
	s2 =	sadd.s32 s26, s8;
	[dreg:$0x17] =	wrdreg s14  }
0x23: {  	s26 =	sor.u32 $0x94B0, s12;
	s12 =	sadd.s32 $0x2000, s13;
	[smem:$0x7FD] =	sst s30  }
0x24: {  	s31 =	simm.s32 $0x2;
	s9 =	sadd.s32 $0xA000, s13;
	[dreg:$0x16] =	wrdreg s12  }
0x25: {  	s3 =	simm.s32 $0x3;
	s14 =	sadd.s32 $0xE000, s13;
	[dreg:$0x1e] =	wrdreg s9  }
0x26: {  	s15 =	simm.s32 $0x4;
	s2 =	sadd.s32 $0x4E0000, s2;
	[smem:$0x7F8] =	sst s14  }
0x27: {  	s11 =	simm.s32 $0x5;
	s12 =	sadd.s32 $0xD000, s13;
	[dreg:$0xe] =	wrdreg s2  }
0x28: {  	s0 =	simm.s32 $0x1;
	s2 =	smax.u32 s18, $0x1;
	[smem:$0x7F7] =	sst s12  }
0x29: {  	s9 =	simm.s32 $0x6;
	s18 =	sadd.s32 $0x7000, s13;
	[dreg:$0x11] =	wrdreg s2  }
0x2a: {  	s2 =	sadd.s32 $0x4E20, s1;
	[dreg:$0x1b] =	wrdreg s18;
	s18 =	sadd.s32 $0x12000, s13  }
0x2b: {  	v2 =	vimm.f32 $0.0e+00;
	v0 =	vmov s1;
	s12 =	simm.s32 $0xB;
	[smem:$0x7FC] =	sst s18;
	v1 =	vmov s2;
	s2 =	simm.s32 $0x0  }
.LBB2_1:
0x2c: {  	[tilespmem:$0x9400] =	vst v2  }
0x2d: {  	[tilespmem:$0x9410] =	vst v2  }
0x2e: {  	[tilespmem:$0x9420] =	vst v2  }
0x2f: {  	[tilespmem:$0x9430] =	vst v2  }
0x30: {  	[tilespmem:$0x9440] =	vst v2  }
0x31: {  	[tilespmem:$0x9450] =	vst v2  }
0x32: {  	[tilespmem:$0x9460] =	vst v2  }
0x33: {  	[tilespmem:$0x9470] =	vst v2  }
0x34: {  	[tilespmem:$0x9480] =	vst v2  }
0x35: {  	[tilespmem:$0x9490] =	vst v2  }
0x36: {  	[tilespmem:$0x94A0] =	vst v2  }
0x37: {  	[tilespmem:$0x94B0] =	vst v2  }
0x38: {  	[tilespmem:$0x94C0] =	vst v2  }
0x39: {  	[tilespmem:$0x94D0] =	vst v2  }
0x3a: {  	[tilespmem:$0x94E0] =	vst v2  }
0x3b: {  	[tilespmem:$0x94F0] =	vst v2  }
0x3c: {  	[tilespmem:$0x9500] =	vst v2  }
0x3d: {  	[tilespmem:$0x9510] =	vst v2  }
0x3e: {  	[tilespmem:$0x9520] =	vst v2  }
0x3f: {  	[tilespmem:$0x9530] =	vst v2  }
0x40: {  	[tilespmem:$0x9540] =	vst v2  }
0x41: {  	[tilespmem:$0x9550] =	vst v2  }
0x42: {  	[tilespmem:$0x9560] =	vst v2  }
0x43: {  	[tilespmem:$0x9570] =	vst v2  }
0x44: {  	[tilespmem:$0x9580] =	vst v2  }
0x45: {  	[tilespmem:$0x9590] =	vst v2  }
0x46: {  	[tilespmem:$0x95A0] =	vst v2  }
0x47: {  	[tilespmem:$0x95B0] =	vst v2  }
0x48: {  	[tilespmem:$0x95C0] =	vst v2  }
0x49: {  	[tilespmem:$0x95D0] =	vst v2  }
0x4a: {  	[tilespmem:$0x95E0] =	vst v2  }
0x4b: {  	[tilespmem:$0x95F0] =	vst v2  }
0x4c: {  	[tilespmem:$0x9600] =	vst v2  }
0x4d: {  	[tilespmem:$0x9610] =	vst v2  }
0x4e: {  	[tilespmem:$0x9620] =	vst v2  }
0x4f: {  	[tilespmem:$0x9630] =	vst v2  }
0x50: {  	[tilespmem:$0x9640] =	vst v2  }
0x51: {  	[tilespmem:$0x9650] =	vst v2  }
0x52: {  	[tilespmem:$0x9660] =	vst v2  }
0x53: {  	[tilespmem:$0x9670] =	vst v2  }
0x54: {  	[tilespmem:$0x9680] =	vst v2  }
0x55: {  	[tilespmem:$0x9690] =	vst v2  }
0x56: {  	[tilespmem:$0x96A0] =	vst v2  }
0x57: {  	[tilespmem:$0x96B0] =	vst v2  }
0x58: {  	[tilespmem:$0x96C0] =	vst v2  }
0x59: {  	[tilespmem:$0x96D0] =	vst v2  }
0x5a: {  	[tilespmem:$0x96E0] =	vst v2  }
0x5b: {  	[tilespmem:$0x96F0] =	vst v2  }
0x5c: {  	[tilespmem:$0x9700] =	vst v2  }
0x5d: {  	[tilespmem:$0x9710] =	vst v2  }
0x5e: {  	[tilespmem:$0x9720] =	vst v2  }
0x5f: {  	[tilespmem:$0x9730] =	vst v2  }
0x60: {  	[tilespmem:$0x9740] =	vst v2  }
0x61: {  	[tilespmem:$0x9750] =	vst v2  }
0x62: {  	[tilespmem:$0x9760] =	vst v2  }
0x63: {  	[tilespmem:$0x9770] =	vst v2  }
0x64: {  	[tilespmem:$0x9780] =	vst v2  }
0x65: {  	[tilespmem:$0x9790] =	vst v2  }
0x66: {  	[tilespmem:$0x97A0] =	vst v2  }
0x67: {  	[tilespmem:$0x97B0] =	vst v2  }
0x68: {  	[tilespmem:$0x97C0] =	vst v2  }
0x69: {  	[tilespmem:$0x97D0] =	vst v2  }
0x6a: {  	[tilespmem:$0x97E0] =	vst v2  }
0x6b: {  	[smem:$0x7F5] =	sst s2;
	[tilespmem:$0x97F0] =	vst v2;
	s1 =	simm.s32 $0x0;
	s2 =	simm.s32 $0x200  }
.LBB2_2:
0x6c: {  	p0 =	sne.s32 s2, $0x3E00;
	[tilespmem:s1+$0x6470] =	vst v2  }
0x6d: {  	[tilespmem:s1+$0x6400] =	vst v2  }
0x6e: {  	[tilespmem:s1+$0x6410] =	vst v2  }
.Ltmp0:
0x6f: {  	[tilespmem:s1+$0x6420] =	vst v2;
	(pc) =	sbr.rel @p0 .LBB2_2-.Ltmp0, $4  }
0x70: {  	[tilespmem:s1+$0x6430] =	vst v2  }
0x71: {  	[tilespmem:s1+$0x6440] =	vst v2  }
0x72: {  	[tilespmem:s1+$0x6450] =	vst v2  }
0x73: {  	[tilespmem:s1+$0x6460] =	vst v2;
	s1 =	sshra.s32 s2, $0x2;
	s2 =	sadd.s32 $0x200, s2  }
0x74: {  	[tilespmem:s1+$0x6470] =	vst v2  }
0x75: {  	[tilespmem:s1+$0x6400] =	vst v2  }
0x76: {  	[tilespmem:s1+$0x6410] =	vst v2  }
0x77: {  	[tilespmem:s1+$0x6420] =	vst v2  }
0x78: {  	[tilespmem:s1+$0x6430] =	vst v2  }
0x79: {  	[tilespmem:s1+$0x6440] =	vst v2  }
0x7a: {  	[tilespmem:s1+$0x6450] =	vst v2  }
0x7b: {  	[tilespmem:s1+$0x6460] =	vst v2;
	s2 =	simm.s32 $0x6400  }
0x7c: {  	[spmem:s13] =	stream.linear.scatter [tilespmem:s2], [sflag:$0xB], $0x1000, $0x38;
	[tilespmem:$0x1D800] =	vst v63  }
0x7d: {  	_ =	swait.ge [sflag:s12], $0x1000  }
0x7e: {  	[sflag:s12] =	ssyncset.done $0x0  }
0x7f: {  	s10 =	rddreg [dreg:$0x15];
	[sflag:s12] =	ssyncadd.s32 $0xFFFFF000  }
0x80: {  	[spmem:s10] =	stream.linear.scatter [tilespmem:s2], [sflag:$0xB], $0x1000, $0x38;
	[tilespmem:$0x1D800] =	vst v63  }
0x81: {  	_ =	swait.ge [sflag:s12], $0x1000  }
0x82: {  	[sflag:s12] =	ssyncset.done $0x0  }
0x83: {  	s13 =	rddreg [dreg:$0x16];
	[sflag:s12] =	ssyncadd.s32 $0xFFFFF000  }
0x84: {  	[spmem:s13] =	stream.linear.scatter [tilespmem:s2], [sflag:$0xB], $0x1000, $0x38;
	[tilespmem:$0x1D800] =	vst v63  }
0x85: {  	_ =	swait.ge [sflag:s12], $0x1000  }
0x86: {  	[sflag:s12] =	ssyncset.done $0x0  }
0x87: {  	s14 =	rddreg [dreg:$0x17];
	[sflag:s12] =	ssyncadd.s32 $0xFFFFF000  }
0x88: {  	[spmem:s14] =	stream.linear.scatter [tilespmem:s2], [sflag:$0xB], $0x1000, $0x38;
	[tilespmem:$0x1D800] =	vst v63  }
0x89: {  	_ =	swait.ge [sflag:s12], $0x1000  }
0x8a: {  	[sflag:s12] =	ssyncset.done $0x0  }
0x8b: {  	s16 =	rddreg [dreg:$0x18];
	[sflag:s12] =	ssyncadd.s32 $0xFFFFF000  }
0x8c: {  	[spmem:s16] =	stream.linear.scatter [tilespmem:s2], [sflag:$0xB], $0x1000, $0x38;
	[tilespmem:$0x1D800] =	vst v63  }
0x8d: {  	_ =	swait.ge [sflag:s12], $0x1000  }
0x8e: {  	[sflag:s12] =	ssyncset.done $0x0  }
0x8f: {  	s17 =	rddreg [dreg:$0x19];
	[sflag:s12] =	ssyncadd.s32 $0xFFFFF000  }
0x90: {  	[spmem:s17] =	stream.linear.scatter [tilespmem:s2], [sflag:$0xB], $0x1000, $0x38;
	[tilespmem:$0x1D800] =	vst v63  }
0x91: {  	_ =	swait.ge [sflag:s12], $0x1000  }
0x92: {  	[sflag:s12] =	ssyncset.done $0x0  }
0x93: {  	s18 =	rddreg [dreg:$0x1a];
	[sflag:s12] =	ssyncadd.s32 $0xFFFFF000  }
0x94: {  	[spmem:s18] =	stream.linear.scatter [tilespmem:s2], [sflag:$0xB], $0x1000, $0x38;
	[tilespmem:$0x1D800] =	vst v63  }
0x95: {  	_ =	swait.ge [sflag:s12], $0x1000  }
0x96: {  	[sflag:s12] =	ssyncset.done $0x0  }
0x97: {  	s30 =	rddreg [dreg:$0x1b];
	[sflag:s12] =	ssyncadd.s32 $0xFFFFF000  }
0x98: {  	[spmem:s30] =	stream.linear.scatter [tilespmem:s2], [sflag:$0xB], $0x1000, $0x38;
	[tilespmem:$0x1D800] =	vst v63  }
0x99: {  	_ =	swait.ge [sflag:s12], $0x1000  }
0x9a: {  	[sflag:s12] =	ssyncset.done $0x0  }
0x9b: {  	s10 =	rddreg [dreg:$0x1c];
	[sflag:s12] =	ssyncadd.s32 $0xFFFFF000  }
0x9c: {  	[spmem:s10] =	stream.linear.scatter [tilespmem:s2], [sflag:$0xB], $0x1000, $0x38;
	[tilespmem:$0x1D800] =	vst v63  }
0x9d: {  	_ =	swait.ge [sflag:s12], $0x1000  }
0x9e: {  	[sflag:s12] =	ssyncset.done $0x0  }
0x9f: {  	s13 =	rddreg [dreg:$0x1d];
	[sflag:s12] =	ssyncadd.s32 $0xFFFFF000  }
0xa0: {  	[spmem:s13] =	stream.linear.scatter [tilespmem:s2], [sflag:$0xB], $0x1000, $0x38;
	[tilespmem:$0x1D800] =	vst v63  }
0xa1: {  	_ =	swait.ge [sflag:s12], $0x1000  }
0xa2: {  	[sflag:s12] =	ssyncset.done $0x0  }
0xa3: {  	s14 =	rddreg [dreg:$0x1e];
	[sflag:s12] =	ssyncadd.s32 $0xFFFFF000  }
0xa4: {  	[spmem:s14] =	stream.linear.scatter [tilespmem:s2], [sflag:$0xB], $0x1000, $0x38;
	[tilespmem:$0x1D800] =	vst v63  }
0xa5: {  	_ =	swait.ge [sflag:s12], $0x1000  }
0xa6: {  	[sflag:s12] =	ssyncset.done $0x0  }
0xa7: {  	s16 =	rddreg [dreg:$0x1f];
	[sflag:s12] =	ssyncadd.s32 $0xFFFFF000  }
0xa8: {  	[spmem:s16] =	stream.linear.scatter [tilespmem:s2], [sflag:$0xB], $0x1000, $0x38;
	[tilespmem:$0x1D800] =	vst v63  }
0xa9: {  	_ =	swait.ge [sflag:s12], $0x1000  }
0xaa: {  	s17 =	sld [smem:$0x7F6]  }
0xab: {  	[sflag:s12] =	ssyncset.done $0x0  }
0xac: {  	[sflag:s12] =	ssyncadd.s32 $0xFFFFF000  }
0xad: {  	[spmem:s17] =	stream.linear.scatter [tilespmem:s2], [sflag:$0xB], $0x1000, $0x38;
	[tilespmem:$0x1D800] =	vst v63  }
0xae: {  	_ =	swait.ge [sflag:s12], $0x1000  }
0xaf: {  	s18 =	sld [smem:$0x7F7]  }
0xb0: {  	[sflag:s12] =	ssyncset.done $0x0  }
0xb1: {  	[sflag:s12] =	ssyncadd.s32 $0xFFFFF000  }
0xb2: {  	[spmem:s18] =	stream.linear.scatter [tilespmem:s2], [sflag:$0xB], $0x1000, $0x38;
	[tilespmem:$0x1D800] =	vst v63  }
0xb3: {  	_ =	swait.ge [sflag:s12], $0x1000  }
0xb4: {  	s30 =	sld [smem:$0x7F8]  }
0xb5: {  	[sflag:s12] =	ssyncset.done $0x0  }
0xb6: {  	[sflag:s12] =	ssyncadd.s32 $0xFFFFF000  }
0xb7: {  	[spmem:s30] =	stream.linear.scatter [tilespmem:s2], [sflag:$0xB], $0x1000, $0x38;
	[tilespmem:$0x1D800] =	vst v63  }
0xb8: {  	_ =	swait.ge [sflag:s12], $0x1000  }
0xb9: {  	s10 =	sld [smem:$0x7F9]  }
0xba: {  	[sflag:s12] =	ssyncset.done $0x0  }
0xbb: {  	[sflag:s12] =	ssyncadd.s32 $0xFFFFF000  }
0xbc: {  	[spmem:s10] =	stream.linear.scatter [tilespmem:s2], [sflag:$0xB], $0x1000, $0x38;
	[tilespmem:$0x1D800] =	vst v63  }
0xbd: {  	_ =	swait.ge [sflag:s12], $0x1000  }
0xbe: {  	s13 =	sld [smem:$0x7FA]  }
0xbf: {  	[sflag:s12] =	ssyncset.done $0x0  }
0xc0: {  	[sflag:s12] =	ssyncadd.s32 $0xFFFFF000  }
0xc1: {  	[spmem:s13] =	stream.linear.scatter [tilespmem:s2], [sflag:$0xB], $0x1000, $0x38;
	[tilespmem:$0x1D800] =	vst v63  }
0xc2: {  	_ =	swait.ge [sflag:s12], $0x1000  }
0xc3: {  	s14 =	sld [smem:$0x7FB]  }
0xc4: {  	[sflag:s12] =	ssyncset.done $0x0  }
0xc5: {  	[sflag:s12] =	ssyncadd.s32 $0xFFFFF000  }
0xc6: {  	[spmem:s14] =	stream.linear.scatter [tilespmem:s2], [sflag:$0xB], $0x1000, $0x38;
	[tilespmem:$0x1D800] =	vst v63  }
0xc7: {  	_ =	swait.ge [sflag:s12], $0x1000  }
0xc8: {  	s16 =	sld [smem:$0x7FC]  }
0xc9: {  	[sflag:s12] =	ssyncset.done $0x0  }
0xca: {  	[sflag:s12] =	ssyncadd.s32 $0xFFFFF000  }
0xcb: {  	[spmem:s16] =	stream.linear.scatter [tilespmem:s2], [sflag:$0xB], $0x1000, $0x38;
	[tilespmem:$0x1D800] =	vst v63  }
0xcc: {  	_ =	swait.ge [sflag:s12], $0x1000  }
0xcd: {  	s17 =	sld [smem:$0x7FD]  }
0xce: {  	[sflag:s12] =	ssyncset.done $0x0  }
0xcf: {  	[sflag:s12] =	ssyncadd.s32 $0xFFFFF000  }
0xd0: {  	[spmem:s17] =	stream.linear.scatter [tilespmem:s2], [sflag:$0xB], $0x1000, $0x38;
	[tilespmem:$0x1D800] =	vst v63  }
0xd1: {  	_ =	swait.ge [sflag:s12], $0x1000  }
0xd2: {  	[sflag:s12] =	ssyncset.done $0x0  }
0xd3: {  	[sflag:s12] =	ssyncadd.s32 $0xFFFFF000  }
0xd4: {  	[bflag:$0x0] =	sbarrier.arrive $0xFFFF  }
0xd5: {  	s1 =	simm.s32 $0x0;
	s18 =	rddreg [dreg:$0x12]  }
0xd6: {  	[tilespmem:s1], [sflag:$0x1] =	stream.linear.gather [hbm4b:s18+s1], $0x20, $0x38;
	[tilespmem:$0x1D800] =	vst v63  }
0xd7: {  	s10 =	simm.s32 $0x100;
	s30 =	rddreg [dreg:$0x13]  }
0xd8: {  	[tilespmem:s10], [sflag:$0x3] =	stream.linear.gather [hbm4b:s30+s1], $0x20, $0x38;
	[tilespmem:$0x1D800] =	vst v63  }
0xd9: {  	_ =	swait.ge [sflag:s0], $0x20  }
0xda: {  	[sflag:s0] =	ssyncset.done $0x0  }
0xdb: {  	[sflag:s0] =	ssyncadd.s32 $0xFFFFFFE0  }
0xdc: {  	_ =	swait.ge [sflag:s3], $0x20  }
0xdd: {  	[sflag:s3] =	ssyncset.done $0x0  }
0xde: {  	[sflag:s3] =	ssyncadd.s32 $0xFFFFFFE0  }
0xdf: {  	v3 =	vld [tilespmem:$0x0]  }
0xe0: {  	v4 =	vld [tilespmem:$0x100]  }
0xe1: {  	v5 =	vld [tilespmem:$0x10]  }
0xe2: {  	v6 =	vld [tilespmem:$0x110];
	_ =	sdelay $0x1  }
0xe3: {  	v3 =	vadd.s32 v0, v3  }
0xe4: {  	[tilespmem:$0x200] =	vst v3;
	v3 =	vadd.s32 v1, v4  }
0xe5: {  	[tilespmem:$0x220] =	vst v3;
	v3 =	vadd.s32 v0, v5  }
0xe6: {  	[tilespmem:$0x210] =	vst v3;
	v3 =	vadd.s32 v1, v6  }
0xe7: {  	s12 =	simm.s32 $0x200;
	s10 =	simm.s32 $0x40;
	[tilespmem:$0x230] =	vst v3  }
0xe8: {  	[tilespmem:s28], [sflag:$0x5] =	stream.indirect.gather [hbm4b:s29+s10], $0x80, s12, s10, $0xb8;
	[tilespmem:$0x1D800] =	vst v63  }
0xe9: {  	s14 =	simm.s32 $0x2400;
	s13 =	rddreg [dreg:$0x8]  }
0xea: {  	[tilespmem:s14], [sflag:$0x5] =	stream.linear.gather [hbm4b:s13+s1], $0x1000, $0x38;
	[tilespmem:$0x1D800] =	vst v63  }
0xeb: {  	s17 =	simm.s32 $0x80;
	s16 =	rddreg [dreg:$0x9]  }
0xec: {  	[tilespmem:s17], [sflag:$0x2] =	stream.linear.gather [hbm4b:s16+s1], $0x20, $0x38;
	[tilespmem:$0x1D800] =	vst v63  }
0xed: {  	s30 =	simm.s32 $0x180;
	s18 =	rddreg [dreg:$0xa];
	s16 =	simm.s32 $0x0  }
0xee: {  	[tilespmem:s30], [sflag:$0x4] =	stream.linear.gather [hbm4b:s18+s1], $0x20, $0x38;
	[tilespmem:$0x1D800] =	vst v63  }
.LBB2_4:
0xef: {  	_ =	swait.ge [sflag:s31], $0x20  }
0xf0: {  	[sflag:s31] =	ssyncset.done $0x0  }
0xf1: {  	[sflag:s31] =	ssyncadd.s32 $0xFFFFFFE0  }
0xf2: {  	_ =	swait.ge [sflag:s15], $0x20  }
0xf3: {  	[sflag:s15] =	ssyncset.done $0x0  }
0xf4: {  	[sflag:s15] =	ssyncadd.s32 $0xFFFFFFE0  }
0xf5: {  	v3 =	vld [tilespmem:$0x80]  }
0xf6: {  	v4 =	vld [tilespmem:$0x180]  }
0xf7: {  	v5 =	vld [tilespmem:$0x90]  }
0xf8: {  	v6 =	vld [tilespmem:$0x190];
	_ =	sdelay $0x1  }
0xf9: {  	v3 =	vadd.s32 v0, v3  }
0xfa: {  	s2 =	sshll.u32 s16, $0x11;
	s10 =	rddreg [dreg:$0xc];
	[tilespmem:$0x280] =	vst v3;
	v3 =	vadd.s32 v1, v4  }
0xfb: {  	s17 =	rddreg [dreg:$0x4];
	s12 =	sor.u32 s10, s2;
	[tilespmem:$0x2A0] =	vst v3;
	v3 =	vadd.s32 v0, v5  }
0xfc: {  	s18 =	simm.s32 $0x40;
	s10 =	sadd.s32 s17, s12;
	[tilespmem:$0x290] =	vst v3;
	v3 =	vadd.s32 v1, v6  }
0xfd: {  	s13 =	simm.s32 $0x280;
	s14 =	simm.s32 $0x3400;
	s10 =	sshrl.u32 s10, $0x3;
	[tilespmem:$0x2B0] =	vst v3  }
0xfe: {  	[tilespmem:s14], [sflag:$0x6] =	stream.indirect.gather [hbm4b:s29+s18], $0x80, s13, s18, $0xb8;
	[tilespmem:$0x1D800] =	vst v63  }
0xff: {  	s10 =	sadd.s32 s7, s10;
	s18 =	simm.s32 $0x5400  }
0x100: {  	[tilespmem:s18], [sflag:$0x6] =	stream.linear.gather [hbm4b:s10+s4], $0x1000, $0x38;
	[tilespmem:$0x1D800] =	vst v63  }
0x101: {  	_ =	swait.ge [sflag:s11], $0x3000  }
0x102: {  	p0 =	seq.s32 s16, $0x0;
	[sflag:s11] =	ssyncset.done $0x0  }
0x103: {  	s10 =	simm.s32 @!p0 $0x7;
	[sflag:s11] =	ssyncadd.s32 $0xFFFFD000  }
0x104: {  	_ =	swait.ge @!p0 [sflag:s10], $0x1000  }
0x105: {  	[sflag:s10] =	ssyncset.done @!p0 $0x0  }
0x106: {  	[sflag:s10] =	ssyncadd.s32 @!p0 $0xFFFFF000;
	s10 =	simm.s32 @!p0 $0x9  }
0x107: {  	_ =	swait.ge @!p0 [sflag:s10], $0x800  }
0x108: {  	[sflag:s10] =	ssyncset.done @!p0 $0x0  }
0x109: {  	[sflag:s10] =	ssyncadd.s32 @!p0 $0xFFFFF800  }
0x10a: {  	v3 =	vld [tilespmem:$0x100]  }
0x10b: {  	v4 =	vld [tilespmem:$0x110]  }
0x10c: {  	s13 =	sshll.u32 s16, $0x1  }
0x10d: {  	s18 =	sadd.s32 $0x2, s13  }
0x10e: {  	s14 =	rddreg [dreg:$0x7];
	s10 =	sshll.u32 s18, $0x6  }
0x10f: {  	s10 =	sor.u32 s14, s10;
	[tilespmem:$0x300] =	vst v3  }
0x110: {  	s13 =	sadd.s32 s5, s10;
	[tilespmem:$0x310] =	vst v4  }
0x111: {  	[tilespmem:s1], [sflag:$0x1] =	stream.linear.gather [hbm4b:s13+s1], $0x20, $0x38;
	[tilespmem:$0x1D800] =	vst v63  }
0x112: {  	s17 =	simm.s32 $0x100;
	s10 =	sadd.s32 s6, s10  }
0x113: {  	[tilespmem:s17], [sflag:$0x3] =	stream.linear.gather [hbm4b:s10+s1], $0x20, $0x38;
	[tilespmem:$0x1D800] =	vst v63  }
0x114: {  	s10 =	simm.s32 $0x0  }
0x115: {  	v3 =	vld [tilespmem:s10+$0x400]  }
0x116: {  	v4 =	vld [tilespmem:s10+$0x1400];
	_ =	sdelay $0x1  }
0x117: {  	v5 =	vld [tilespmem:s10+$0x2400];
	_ =	sdelay $0x2  }
0x118: {  	v3 =	vadd.f32 v4, v3;
	_ =	sdelay $0x1  }
0x119: {  	v3 =	vadd.f32 v5, v3  }
0x11a: {  	v4 =	vld [tilespmem:s10+$0x2440]  }
0x11b: {  	v5 =	vsub.f32 $0.0e+00, v3;
	_ =	sdelay $0x1  }
0x11c: {  	v5 =	vmul.f32 $1.442695020e+00, v5;
	_ =	sdelay $0x1  }
0x11d: {  	v3 =	vadd.f32 v4, v3;
	(erf) = vpow2.f32 v5  }
0x11e: {  	s17 =	simm.s32 $0x8440  }
0x11f: {  	[tilespmem:s17+$0xFFFFFFC0] =	vst v3  }
0x120: {  	v4 =	vld [tilespmem:s10+$0x410]  }
0x121: {  	v5 =	vld [tilespmem:s10+$0x1410];
	_ =	sdelay $0x1  }
0x122: {  	v6 =	vld [tilespmem:s10+$0x2410];
	_ =	sdelay $0x2  }
0x123: {  	v4 =	vadd.f32 v5, v4;
	v7 =	vpop (erf)  }
0x124: {  	v5 =	vadd.f32 $1.000000000e+00, v7  }
0x125: {  	v4 =	vadd.f32 v6, v4  }
0x126: {  	(erf) = vrcp.f32 v5  }
0x127: {  	v5 =	vsub.f32 $0.0e+00, v4;
	_ =	sdelay $0x1  }
0x128: {  	v5 =	vmul.f32 $1.442695020e+00, v5;
	_ =	sdelay $0x1  }
0x129: {  	v6 =	vld [tilespmem:s10+$0x440];
	(erf) = vpow2.f32 v5  }
0x12a: {  	v5 =	vld [tilespmem:s10+$0x2450];
	_ =	sdelay $0x2  }
0x12b: {  	v7 =	vpop (erf)  }
0x12c: {  	v6 =	vmul.f32 v7, v6  }
0x12d: {  	v4 =	vadd.f32 v5, v4;
	[tilespmem:s10+$0x6440] =	vst v7  }
0x12e: {  	[tilespmem:s10+$0x6400] =	vst v6  }
0x12f: {  	[tilespmem:s17+$0xFFFFFFD0] =	vst v4  }
0x130: {  	v5 =	vld [tilespmem:s10+$0x420];
	v6 =	vpop (erf)  }
0x131: {  	v7 =	vld [tilespmem:s10+$0x1420];
	v6 =	vadd.f32 $1.000000000e+00, v6;
	_ =	sdelay $0x1  }
0x132: {  	v8 =	vld [tilespmem:s10+$0x2420];
	(erf) = vrcp.f32 v6;
	_ =	sdelay $0x2  }
0x133: {  	v5 =	vadd.f32 v7, v5;
	_ =	sdelay $0x1  }
0x134: {  	v6 =	vld [tilespmem:s10+$0x450];
	v5 =	vadd.f32 v8, v5  }
0x135: {  	v7 =	vld [tilespmem:s10+$0x2460]  }
0x136: {  	v8 =	vsub.f32 $0.0e+00, v5;
	_ =	sdelay $0x1  }
0x137: {  	v8 =	vmul.f32 $1.442695020e+00, v8;
	v9 =	vpop (erf)  }
0x138: {  	v6 =	vmul.f32 v9, v6  }
0x139: {  	v7 =	vadd.f32 v7, v5;
	(erf) = vpow2.f32 v8;
	[tilespmem:s10+$0x6450] =	vst v9  }
0x13a: {  	[tilespmem:s10+$0x6410] =	vst v6  }
0x13b: {  	[tilespmem:s17+$0xFFFFFFE0] =	vst v7  }
0x13c: {  	v5 =	vld [tilespmem:s10+$0x430]  }
0x13d: {  	v6 =	vld [tilespmem:s10+$0x1430];
	_ =	sdelay $0x1  }
0x13e: {  	v8 =	vld [tilespmem:s10+$0x2430];
	_ =	sdelay $0x2  }
0x13f: {  	v9 =	vpop (erf);
	v5 =	vadd.f32 v6, v5  }
0x140: {  	v6 =	vadd.f32 $1.000000000e+00, v9  }
0x141: {  	v5 =	vadd.f32 v8, v5  }
0x142: {  	(erf) = vrcp.f32 v6  }
0x143: {  	v6 =	vsub.f32 $0.0e+00, v5;
	_ =	sdelay $0x1  }
0x144: {  	v6 =	vmul.f32 $1.442695020e+00, v6;
	_ =	sdelay $0x1  }
0x145: {  	v8 =	vld [tilespmem:s10+$0x460];
	(erf) = vpow2.f32 v6  }
0x146: {  	v6 =	vld [tilespmem:s10+$0x2470];
	_ =	sdelay $0x2  }
0x147: {  	v9 =	vpop (erf)  }
0x148: {  	v8 =	vmul.f32 v9, v8  }
0x149: {  	[tilespmem:s10+$0x6460] =	vst v9;
	v9 =	vadd.f32 v6, v5  }
0x14a: {  	[tilespmem:s10+$0x6420] =	vst v8  }
0x14b: {  	[tilespmem:s17+$0xFFFFFFF0] =	vst v9  }
0x14c: {  	v5 =	vld [tilespmem:s10+$0x480];
	v6 =	vpop (erf)  }
0x14d: {  	v8 =	vld [tilespmem:s10+$0x1480];
	v6 =	vadd.f32 $1.000000000e+00, v6;
	_ =	sdelay $0x1  }
0x14e: {  	v10 =	vld [tilespmem:s10+$0x2480];
	(erf) = vrcp.f32 v6;
	_ =	sdelay $0x2  }
0x14f: {  	v5 =	vadd.f32 v8, v5;
	_ =	sdelay $0x1  }
0x150: {  	v6 =	vld [tilespmem:s10+$0x470];
	v5 =	vadd.f32 v10, v5  }
0x151: {  	v8 =	vld [tilespmem:s10+$0x24C0]  }
0x152: {  	v10 =	vsub.f32 $0.0e+00, v5;
	_ =	sdelay $0x1  }
0x153: {  	v10 =	vmul.f32 $1.442695020e+00, v10;
	v11 =	vpop (erf)  }
0x154: {  	v6 =	vmul.f32 v11, v6  }
0x155: {  	v5 =	vadd.f32 v8, v5;
	(erf) = vpow2.f32 v10;
	[tilespmem:s10+$0x6470] =	vst v11  }
0x156: {  	[tilespmem:s10+$0x6430] =	vst v6  }
0x157: {  	[tilespmem:s17+$0x0] =	vst v5  }
0x158: {  	v6 =	vld [tilespmem:s10+$0x490]  }
0x159: {  	v8 =	vld [tilespmem:s10+$0x1490];
	_ =	sdelay $0x1  }
0x15a: {  	v10 =	vld [tilespmem:s10+$0x2490];
	_ =	sdelay $0x2  }
0x15b: {  	v11 =	vpop (erf);
	v6 =	vadd.f32 v8, v6  }
0x15c: {  	v8 =	vadd.f32 $1.000000000e+00, v11  }
0x15d: {  	v6 =	vadd.f32 v10, v6  }
0x15e: {  	(erf) = vrcp.f32 v8  }
0x15f: {  	v8 =	vsub.f32 $0.0e+00, v6;
	_ =	sdelay $0x1  }
0x160: {  	v8 =	vmul.f32 $1.442695020e+00, v8;
	_ =	sdelay $0x1  }
0x161: {  	v10 =	vld [tilespmem:s10+$0x4C0];
	(erf) = vpow2.f32 v8;
	_ =	sdelay $0x1  }
0x162: {  	v11 =	vld [tilespmem:s10+$0x24D0];
	_ =	sdelay $0x1  }
0x163: {  	v8 =	vpop (erf)  }
0x164: {  	v10 =	vmul.f32 v8, v10;
	_ =	sdelay $0x1  }
0x165: {  	[tilespmem:s10+$0x64C0] =	vst v8;
	v8 =	vadd.f32 v11, v6  }
0x166: {  	[tilespmem:s10+$0x6480] =	vst v10  }
0x167: {  	[tilespmem:s17+$0x10] =	vst v8;
	v10 =	vpop (erf)  }
0x168: {  	v6 =	vld [tilespmem:s10+$0x14A0];
	v10 =	vadd.f32 $1.000000000e+00, v10  }
0x169: {  	v11 =	vld [tilespmem:s10+$0x4A0]  }
0x16a: {  	(erf) = vrcp.f32 v10  }
0x16b: {  	v12 =	vld [tilespmem:s10+$0x24A0];
	_ =	sdelay $0x2  }
0x16c: {  	v6 =	vadd.f32 v6, v11  }
0x16d: {  	v10 =	vld [tilespmem:s10+$0x4D0]  }
0x16e: {  	v11 =	vld [tilespmem:s10+$0x24E0];
	v6 =	vadd.f32 v12, v6;
	_ =	sdelay $0x1  }
0x16f: {  	v12 =	vsub.f32 $0.0e+00, v6  }
0x170: {  	v13 =	vpop (erf)  }
0x171: {  	v12 =	vmul.f32 $1.442695020e+00, v12;
	v10 =	vmul.f32 v13, v10  }
0x172: {  	v14 =	vadd.f32 v11, v6;
	[tilespmem:s10+$0x64D0] =	vst v13  }
0x173: {  	(erf) = vpow2.f32 v12;
	[tilespmem:s10+$0x6490] =	vst v10  }
0x174: {  	[tilespmem:s17+$0x20] =	vst v14  }
0x175: {  	v6 =	vld [tilespmem:s10+$0x4B0]  }
0x176: {  	v10 =	vld [tilespmem:s10+$0x14B0];
	_ =	sdelay $0x1  }
0x177: {  	v11 =	vld [tilespmem:s10+$0x24B0];
	_ =	sdelay $0x2  }
0x178: {  	v6 =	vadd.f32 v10, v6  }
0x179: {  	v12 =	vpop (erf)  }
0x17a: {  	v10 =	vadd.f32 $1.000000000e+00, v12;
	v6 =	vadd.f32 v11, v6;
	_ =	sdelay $0x1  }
0x17b: {  	(erf) = vrcp.f32 v10;
	v10 =	vsub.f32 $0.0e+00, v6;
	_ =	sdelay $0x1  }
0x17c: {  	v10 =	vmul.f32 $1.442695020e+00, v10;
	_ =	sdelay $0x1  }
0x17d: {  	(erf) = vpow2.f32 v10;
	_ =	sdelay $0x2  }
0x17e: {  	v11 =	vld [tilespmem:s10+$0x4E0];
	v10 =	vmul.f32 v3, v3  }
0x17f: {  	v15 =	vimm.f32 $0.0e+00;
	v12 =	vld [tilespmem:s10+$0x24F0]  }
0x180: {  	v10 =	vadd.f32 v10, v15  }
0x181: {  	v13 =	vmul.f32 v4, v4;
	v4 =	vadd.f32 v4, v15  }
0x182: {  	v17 =	vmul.f32 v5, v5;
	v16 =	vpop (erf)  }
0x183: {  	v4 =	vadd.f32 v8, v4;
	v3 =	vadd.f32 v3, v15;
	v11 =	vmul.f32 v16, v11  }
0x184: {  	[tilespmem:s10+$0x64E0] =	vst v16;
	v16 =	vadd.f32 v12, v6;
	v6 =	vadd.f32 v17, v10;
	v10 =	vpop (erf)  }
0x185: {  	v5 =	vadd.f32 v5, v3;
	[tilespmem:s10+$0x64A0] =	vst v11;
	v19 =	vadd.f32 $1.000000000e+00, v10  }
0x186: {  	s30 =	smov.u32 s29;
	s29 =	simm.s32 $0x100;
	v3 =	vadd.f32 v13, v15;
	v13 =	vmul.f32 v7, v7;
	v12 =	vmul.f32 v8, v8;
	[tilespmem:s17+$0x30] =	vst v16  }
0x187: {  	v7 =	vadd.f32 v7, v15;
	v8 =	vmul.f32 v9, v9;
	v11 =	vld [tilespmem:s29+$0x400];
	(erf) = vrcp.f32 v19  }
0x188: {  	v18 =	vmul.f32 v14, v14;
	v17 =	vadd.f32 v13, v15;
	v9 =	vadd.f32 v9, v15;
	v13 =	vld [tilespmem:s29+$0x1400]  }
0x189: {  	v3 =	vadd.f32 v12, v3;
	v20 =	vadd.f32 v8, v15;
	v21 =	vmul.f32 v16, v16;
	v12 =	vld [tilespmem:s10+$0x4F0]  }
0x18a: {  	v8 =	vadd.f32 v18, v17;
	v9 =	vadd.f32 v16, v9;
	v15 =	vld [tilespmem:s29+$0x2400]  }
0x18b: {  	s14 =	simm.s32 $0x800;
	v10 =	vadd.f32 v14, v7;
	v7 =	vadd.f32 v21, v20;
	v14 =	vld [tilespmem:s29+$0x2440]  }
.LBB2_5:
0x18c: {  	p0 =	sne.s32 s14, $0x3C00  }
0x18d: {  	s17 =	sadd.s32 $0x80, s17;
	s13 =	smov.u32 s14;
	s14 =	sadd.s32 $0x400, s14  }
0x18e: {  	v11 =	vadd.f32 v13, v11;
	_ =	sdelay $0x1  }
0x18f: {  	v11 =	vadd.f32 v15, v11;
	v13 =	vpop (erf)  }
0x190: {  	v12 =	vmul.f32 v13, v12;
	[tilespmem:s10+$0x64F0] =	vst v13  }
0x191: {  	v13 =	vsub.f32 $0.0e+00, v11;
	v17 =	vadd.f32 v14, v11  }
0x192: {  	[tilespmem:s10+$0x64B0] =	vst v12;
	s10 =	smov.u32 s29  }
0x193: {  	v11 =	vmul.f32 $1.442695020e+00, v13;
	[tilespmem:s17+$0xFFFFFFC0] =	vst v17  }
0x194: {  	v12 =	vld [tilespmem:s10+$0x410]  }
0x195: {  	v13 =	vld [tilespmem:s10+$0x1410];
	(erf) = vpow2.f32 v11;
	_ =	sdelay $0x1  }
0x196: {  	v11 =	vld [tilespmem:s10+$0x2410];
	_ =	sdelay $0x2  }
0x197: {  	v12 =	vadd.f32 v13, v12;
	_ =	sdelay $0x1  }
0x198: {  	v11 =	vadd.f32 v11, v12;
	_ =	sdelay $0x1  }
0x199: {  	v12 =	vsub.f32 $0.0e+00, v11;
	v13 =	vpop (erf)  }
0x19a: {  	v13 =	vadd.f32 $1.000000000e+00, v13  }
0x19b: {  	v12 =	vmul.f32 $1.442695020e+00, v12  }
0x19c: {  	(erf) = vrcp.f32 v13  }
0x19d: {  	(erf) = vpow2.f32 v12;
	_ =	sdelay $0x3  }
0x19e: {  	v12 =	vld [tilespmem:s10+$0x440]  }
0x19f: {  	v13 =	vld [tilespmem:s10+$0x2450];
	_ =	sdelay $0x2  }
0x1a0: {  	v14 =	vpop (erf)  }
0x1a1: {  	v12 =	vmul.f32 v14, v12;
	v15 =	vpop (erf)  }
0x1a2: {  	[tilespmem:s10+$0x6440] =	vst v14;
	v14 =	vadd.f32 $1.000000000e+00, v15;
	v16 =	vadd.f32 v13, v11  }
0x1a3: {  	[tilespmem:s10+$0x6400] =	vst v12  }
0x1a4: {  	[tilespmem:s17+$0xFFFFFFD0] =	vst v16;
	v15 =	vmul.f32 v16, v16;
	(erf) = vrcp.f32 v14  }
0x1a5: {  	v11 =	vld [tilespmem:s10+$0x420]  }
0x1a6: {  	v12 =	vld [tilespmem:s10+$0x1420];
	_ =	sdelay $0x1  }
0x1a7: {  	v13 =	vld [tilespmem:s10+$0x2420]  }
0x1a8: {  	v14 =	vld [tilespmem:s10+$0x450]  }
0x1a9: {  	v18 =	vld [tilespmem:s10+$0x2460]  }
0x1aa: {  	v11 =	vadd.f32 v12, v11;
	_ =	sdelay $0x1  }
0x1ab: {  	v11 =	vadd.f32 v13, v11;
	v12 =	vpop (erf)  }
0x1ac: {  	v13 =	vmul.f32 v12, v14  }
0x1ad: {  	[tilespmem:s10+$0x6450] =	vst v12;
	v12 =	vsub.f32 $0.0e+00, v11;
	v14 =	vadd.f32 v18, v11  }
0x1ae: {  	[tilespmem:s10+$0x6410] =	vst v13  }
0x1af: {  	v11 =	vmul.f32 $1.442695020e+00, v12;
	[tilespmem:s17+$0xFFFFFFE0] =	vst v14;
	v13 =	vmul.f32 v14, v14  }
0x1b0: {  	v12 =	vld [tilespmem:s10+$0x430]  }
0x1b1: {  	v18 =	vld [tilespmem:s10+$0x1430];
	(erf) = vpow2.f32 v11;
	_ =	sdelay $0x1  }
0x1b2: {  	v11 =	vld [tilespmem:s10+$0x2430];
	_ =	sdelay $0x2  }
0x1b3: {  	v12 =	vadd.f32 v18, v12;
	_ =	sdelay $0x1  }
0x1b4: {  	v11 =	vadd.f32 v11, v12;
	_ =	sdelay $0x1  }
0x1b5: {  	v12 =	vsub.f32 $0.0e+00, v11;
	v18 =	vpop (erf)  }
0x1b6: {  	v18 =	vadd.f32 $1.000000000e+00, v18  }
0x1b7: {  	v12 =	vmul.f32 $1.442695020e+00, v12  }
0x1b8: {  	(erf) = vrcp.f32 v18  }
0x1b9: {  	(erf) = vpow2.f32 v12;
	_ =	sdelay $0x3  }
0x1ba: {  	v12 =	vld [tilespmem:s10+$0x460]  }
0x1bb: {  	v18 =	vld [tilespmem:s10+$0x2470];
	_ =	sdelay $0x2  }
0x1bc: {  	v19 =	vpop (erf)  }
0x1bd: {  	v20 =	vmul.f32 v19, v12;
	v12 =	vpop (erf)  }
0x1be: {  	[tilespmem:s10+$0x6460] =	vst v19;
	v19 =	vadd.f32 $1.000000000e+00, v12;
	v12 =	vadd.f32 v18, v11  }
0x1bf: {  	[tilespmem:s10+$0x6420] =	vst v20  }
0x1c0: {  	[tilespmem:s17+$0xFFFFFFF0] =	vst v12;
	v11 =	vmul.f32 v12, v12;
	(erf) = vrcp.f32 v19  }
0x1c1: {  	v18 =	vld [tilespmem:s10+$0x480]  }
0x1c2: {  	v19 =	vld [tilespmem:s10+$0x1480];
	_ =	sdelay $0x1  }
0x1c3: {  	v20 =	vld [tilespmem:s10+$0x2480]  }
0x1c4: {  	v21 =	vld [tilespmem:s10+$0x470]  }
0x1c5: {  	v22 =	vld [tilespmem:s10+$0x24C0]  }
0x1c6: {  	v18 =	vadd.f32 v19, v18;
	_ =	sdelay $0x1  }
0x1c7: {  	v18 =	vadd.f32 v20, v18;
	v19 =	vpop (erf)  }
0x1c8: {  	v5 =	vadd.f32 v17, v5;
	v17 =	vmul.f32 v17, v17;
	v20 =	vmul.f32 v19, v21;
	[tilespmem:s10+$0x6470] =	vst v19  }
0x1c9: {  	v19 =	vsub.f32 $0.0e+00, v18;
	v18 =	vadd.f32 v22, v18  }
0x1ca: {  	v6 =	vadd.f32 v17, v6;
	[tilespmem:s10+$0x6430] =	vst v20  }
0x1cb: {  	v17 =	vmul.f32 $1.442695020e+00, v19;
	[tilespmem:s17+$0x0] =	vst v18;
	v5 =	vadd.f32 v18, v5;
	v18 =	vmul.f32 v18, v18  }
0x1cc: {  	v19 =	vld [tilespmem:s10+$0x490]  }
0x1cd: {  	v6 =	vadd.f32 v18, v6;
	v18 =	vld [tilespmem:s10+$0x1490];
	(erf) = vpow2.f32 v17  }
0x1ce: {  	v17 =	vld [tilespmem:s10+$0x2490]  }
0x1cf: {  	v20 =	vld [tilespmem:s10+$0x4C0]  }
0x1d0: {  	v21 =	vld [tilespmem:s10+$0x24D0];
	_ =	sdelay $0x1  }
0x1d1: {  	v18 =	vadd.f32 v18, v19;
	_ =	sdelay $0x1  }
0x1d2: {  	v17 =	vadd.f32 v17, v18;
	_ =	sdelay $0x1  }
0x1d3: {  	v18 =	vsub.f32 $0.0e+00, v17;
	v19 =	vpop (erf)  }
0x1d4: {  	v19 =	vadd.f32 $1.000000000e+00, v19  }
0x1d5: {  	v18 =	vmul.f32 $1.442695020e+00, v18  }
0x1d6: {  	(erf) = vrcp.f32 v19  }
0x1d7: {  	(erf) = vpow2.f32 v18;
	_ =	sdelay $0x7  }
0x1d8: {  	v18 =	vpop (erf)  }
0x1d9: {  	v4 =	vadd.f32 v16, v4;
	v16 =	vmul.f32 v18, v20;
	[tilespmem:s10+$0x64C0] =	vst v18;
	v18 =	vpop (erf)  }
0x1da: {  	v17 =	vadd.f32 v21, v17;
	v18 =	vadd.f32 $1.000000000e+00, v18  }
0x1db: {  	v3 =	vadd.f32 v15, v3;
	[tilespmem:s10+$0x6480] =	vst v16  }
0x1dc: {  	v4 =	vadd.f32 v17, v4;
	v15 =	vmul.f32 v17, v17;
	[tilespmem:s17+$0x10] =	vst v17;
	(erf) = vrcp.f32 v18  }
0x1dd: {  	v16 =	vld [tilespmem:s10+$0x14A0]  }
0x1de: {  	v3 =	vadd.f32 v15, v3;
	v15 =	vld [tilespmem:s10+$0x4A0]  }
0x1df: {  	v17 =	vld [tilespmem:s10+$0x24A0]  }
0x1e0: {  	v18 =	vld [tilespmem:s10+$0x4D0]  }
0x1e1: {  	v19 =	vld [tilespmem:s10+$0x24E0];
	_ =	sdelay $0x1  }
0x1e2: {  	v15 =	vadd.f32 v16, v15;
	_ =	sdelay $0x1  }
0x1e3: {  	v15 =	vadd.f32 v17, v15;
	v16 =	vpop (erf)  }
0x1e4: {  	v10 =	vadd.f32 v14, v10;
	v14 =	vmul.f32 v16, v18;
	[tilespmem:s10+$0x64D0] =	vst v16  }
0x1e5: {  	v16 =	vsub.f32 $0.0e+00, v15;
	v15 =	vadd.f32 v19, v15  }
0x1e6: {  	v8 =	vadd.f32 v13, v8;
	[tilespmem:s10+$0x6490] =	vst v14  }
0x1e7: {  	v13 =	vmul.f32 $1.442695020e+00, v16;
	[tilespmem:s17+$0x20] =	vst v15;
	v10 =	vadd.f32 v15, v10;
	v14 =	vmul.f32 v15, v15  }
0x1e8: {  	v15 =	vld [tilespmem:s10+$0x4B0]  }
0x1e9: {  	v8 =	vadd.f32 v14, v8;
	v14 =	vld [tilespmem:s10+$0x14B0];
	(erf) = vpow2.f32 v13  }
0x1ea: {  	v13 =	vld [tilespmem:s10+$0x24B0]  }
0x1eb: {  	v16 =	vld [tilespmem:s10+$0x4E0]  }
0x1ec: {  	v17 =	vld [tilespmem:s10+$0x24F0];
	_ =	sdelay $0x1  }
0x1ed: {  	v14 =	vadd.f32 v14, v15;
	_ =	sdelay $0x1  }
0x1ee: {  	v13 =	vadd.f32 v13, v14;
	_ =	sdelay $0x1  }
0x1ef: {  	v14 =	vsub.f32 $0.0e+00, v13;
	v15 =	vpop (erf)  }
0x1f0: {  	v15 =	vadd.f32 $1.000000000e+00, v15  }
0x1f1: {  	v14 =	vmul.f32 $1.442695020e+00, v14  }
0x1f2: {  	(erf) = vrcp.f32 v15  }
0x1f3: {  	(erf) = vpow2.f32 v14;
	_ =	sdelay $0x7  }
0x1f4: {  	v14 =	vpop (erf)  }
0x1f5: {  	v9 =	vadd.f32 v12, v9;
	v12 =	vmul.f32 v14, v16;
	[tilespmem:s10+$0x64E0] =	vst v14;
	v14 =	vpop (erf)  }
0x1f6: {  	v13 =	vadd.f32 v17, v13;
	v14 =	vadd.f32 $1.000000000e+00, v14  }
0x1f7: {  	s29 =	sshra.s32 s13, $0x2;
	v7 =	vadd.f32 v11, v7;
	[tilespmem:s10+$0x64A0] =	vst v12  }
0x1f8: {  	v9 =	vadd.f32 v13, v9;
	v12 =	vmul.f32 v13, v13;
	[tilespmem:s17+$0x30] =	vst v13;
	(erf) = vrcp.f32 v14  }
.Ltmp1:
0x1f9: {  	v11 =	vld [tilespmem:s29+$0x400];
	(pc) =	sbr.rel @p0 .LBB2_5-.Ltmp1, $4  }
0x1fa: {  	v7 =	vadd.f32 v12, v7;
	v13 =	vld [tilespmem:s29+$0x1400]  }
0x1fb: {  	v12 =	vld [tilespmem:s10+$0x4F0]  }
0x1fc: {  	v15 =	vld [tilespmem:s29+$0x2400]  }
0x1fd: {  	v14 =	vld [tilespmem:s29+$0x2440]  }
0x1fe: {  	_ = 	snop  }
0x1ff: {  	v11 =	vadd.f32 v13, v11;
	_ =	sdelay $0x1  }
0x200: {  	v11 =	vadd.f32 v15, v11;
	v36 =	vpop (erf)  }
0x201: {  	v12 =	vmul.f32 v36, v12  }
0x202: {  	[tilespmem:s10+$0x64F0] =	vst v36;
	v37 =	vsub.f32 $0.0e+00, v11;
	v11 =	vadd.f32 v14, v11  }
0x203: {  	s13 =	sadd.s32 $0x80, s17;
	[tilespmem:s10+$0x64B0] =	vst v12  }
0x204: {  	v38 =	vmul.f32 $1.442695020e+00, v37;
	[tilespmem:s13+$0xFFFFFFC0] =	vst v11  }
0x205: {  	v39 =	vld [tilespmem:s29+$0x410]  }
0x206: {  	v40 =	vld [tilespmem:s29+$0x1410];
	(erf) = vpow2.f32 v38;
	_ =	sdelay $0x1  }
0x207: {  	v41 =	vld [tilespmem:s29+$0x2410];
	_ =	sdelay $0x2  }
0x208: {  	v13 =	vadd.f32 v40, v39;
	_ =	sdelay $0x1  }
0x209: {  	v12 =	vadd.f32 v41, v13;
	_ =	sdelay $0x1  }
0x20a: {  	v13 =	vsub.f32 $0.0e+00, v12;
	v42 =	vpop (erf)  }
0x20b: {  	v14 =	vadd.f32 $1.000000000e+00, v42  }
0x20c: {  	v13 =	vmul.f32 $1.442695020e+00, v13  }
0x20d: {  	(erf) = vrcp.f32 v14  }
0x20e: {  	(erf) = vpow2.f32 v13;
	_ =	sdelay $0x3  }
0x20f: {  	v43 =	vld [tilespmem:s29+$0x440]  }
0x210: {  	v44 =	vld [tilespmem:s29+$0x2450];
	_ =	sdelay $0x2  }
0x211: {  	v45 =	vpop (erf)  }
0x212: {  	v13 =	vmul.f32 v45, v43;
	v16 =	vpop (erf)  }
0x213: {  	v12 =	vadd.f32 v44, v12;
	[tilespmem:s29+$0x6440] =	vst v45;
	v46 =	vadd.f32 $1.000000000e+00, v16  }
0x214: {  	[tilespmem:s29+$0x6400] =	vst v13  }
0x215: {  	[tilespmem:s13+$0xFFFFFFD0] =	vst v12;
	(erf) = vrcp.f32 v46  }
0x216: {  	v47 =	vld [tilespmem:s29+$0x420]  }
0x217: {  	v48 =	vld [tilespmem:s29+$0x1420];
	_ =	sdelay $0x1  }
0x218: {  	v49 =	vld [tilespmem:s29+$0x2420]  }
0x219: {  	v50 =	vld [tilespmem:s29+$0x450]  }
0x21a: {  	v17 =	vld [tilespmem:s29+$0x2460]  }
0x21b: {  	v13 =	vadd.f32 v48, v47;
	_ =	sdelay $0x1  }
0x21c: {  	v13 =	vadd.f32 v49, v13;
	v51 =	vpop (erf)  }
0x21d: {  	v52 =	vmul.f32 v51, v50  }
0x21e: {  	[tilespmem:s29+$0x6450] =	vst v51;
	v53 =	vsub.f32 $0.0e+00, v13;
	v13 =	vadd.f32 v17, v13  }
0x21f: {  	[tilespmem:s29+$0x6410] =	vst v52  }
0x220: {  	v14 =	vmul.f32 $1.442695020e+00, v53;
	[tilespmem:s13+$0xFFFFFFE0] =	vst v13  }
0x221: {  	v54 =	vld [tilespmem:s29+$0x430]  }
0x222: {  	v55 =	vld [tilespmem:s29+$0x1430];
	(erf) = vpow2.f32 v14;
	_ =	sdelay $0x1  }
0x223: {  	v56 =	vld [tilespmem:s29+$0x2430];
	_ =	sdelay $0x2  }
0x224: {  	v15 =	vadd.f32 v55, v54;
	_ =	sdelay $0x1  }
0x225: {  	v14 =	vadd.f32 v56, v15;
	_ =	sdelay $0x1  }
0x226: {  	v15 =	vsub.f32 $0.0e+00, v14;
	v57 =	vpop (erf)  }
0x227: {  	v16 =	vadd.f32 $1.000000000e+00, v57  }
0x228: {  	v15 =	vmul.f32 $1.442695020e+00, v15  }
0x229: {  	(erf) = vrcp.f32 v16  }
0x22a: {  	(erf) = vpow2.f32 v15;
	_ =	sdelay $0x3  }
0x22b: {  	v58 =	vld [tilespmem:s29+$0x460]  }
0x22c: {  	v59 =	vld [tilespmem:s29+$0x2470];
	_ =	sdelay $0x2  }
0x22d: {  	v60 =	vpop (erf)  }
0x22e: {  	v15 =	vmul.f32 v60, v58;
	v18 =	vpop (erf)  }
0x22f: {  	v14 =	vadd.f32 v59, v14;
	[tilespmem:s29+$0x6460] =	vst v60;
	v61 =	vadd.f32 $1.000000000e+00, v18  }
0x230: {  	[tilespmem:s29+$0x6420] =	vst v15  }
0x231: {  	[tilespmem:s13+$0xFFFFFFF0] =	vst v14;
	(erf) = vrcp.f32 v61  }
0x232: {  	v62 =	vld [tilespmem:s29+$0x480]  }
0x233: {  	v63 =	vld [tilespmem:s29+$0x1480];
	_ =	sdelay $0x1  }
0x234: {  	v21 =	vld [tilespmem:s29+$0x2480]  }
0x235: {  	v22 =	vld [tilespmem:s29+$0x470]  }
0x236: {  	v19 =	vld [tilespmem:s29+$0x24C0]  }
0x237: {  	v15 =	vadd.f32 v63, v62;
	_ =	sdelay $0x1  }
0x238: {  	v15 =	vadd.f32 v21, v15;
	v23 =	vpop (erf)  }
0x239: {  	v24 =	vmul.f32 v23, v22  }
0x23a: {  	[tilespmem:s29+$0x6470] =	vst v23;
	v25 =	vsub.f32 $0.0e+00, v15;
	v15 =	vadd.f32 v19, v15  }
0x23b: {  	[tilespmem:s29+$0x6430] =	vst v24  }
0x23c: {  	v16 =	vmul.f32 $1.442695020e+00, v25;
	[tilespmem:s13+$0x0] =	vst v15  }
0x23d: {  	v26 =	vld [tilespmem:s29+$0x490]  }
0x23e: {  	v27 =	vld [tilespmem:s29+$0x1490];
	(erf) = vpow2.f32 v16;
	_ =	sdelay $0x1  }
0x23f: {  	v28 =	vld [tilespmem:s29+$0x2490];
	_ =	sdelay $0x2  }
0x240: {  	v17 =	vadd.f32 v27, v26;
	_ =	sdelay $0x1  }
0x241: {  	v16 =	vadd.f32 v28, v17;
	_ =	sdelay $0x1  }
0x242: {  	v17 =	vsub.f32 $0.0e+00, v16;
	v29 =	vpop (erf)  }
0x243: {  	v18 =	vadd.f32 $1.000000000e+00, v29  }
0x244: {  	v17 =	vmul.f32 $1.442695020e+00, v17  }
0x245: {  	(erf) = vrcp.f32 v18  }
0x246: {  	(erf) = vpow2.f32 v17;
	_ =	sdelay $0x3  }
0x247: {  	v30 =	vld [tilespmem:s29+$0x4C0]  }
0x248: {  	v31 =	vld [tilespmem:s29+$0x24D0];
	_ =	sdelay $0x2  }
0x249: {  	v32 =	vpop (erf)  }
0x24a: {  	v17 =	vmul.f32 v32, v30;
	v20 =	vpop (erf)  }
0x24b: {  	v16 =	vadd.f32 v31, v16;
	[tilespmem:s29+$0x64C0] =	vst v32;
	v33 =	vadd.f32 $1.000000000e+00, v20  }
0x24c: {  	[tilespmem:s29+$0x6480] =	vst v17  }
0x24d: {  	[tilespmem:s13+$0x10] =	vst v16;
	(erf) = vrcp.f32 v33  }
0x24e: {  	v34 =	vld [tilespmem:s29+$0x14A0]  }
0x24f: {  	v35 =	vld [tilespmem:s29+$0x4A0];
	_ =	sdelay $0x1  }
0x250: {  	v36 =	vld [tilespmem:s29+$0x24A0]  }
0x251: {  	v37 =	vld [tilespmem:s29+$0x4D0]  }
0x252: {  	v21 =	vld [tilespmem:s29+$0x24E0]  }
0x253: {  	v17 =	vadd.f32 v34, v35;
	_ =	sdelay $0x1  }
0x254: {  	v17 =	vadd.f32 v36, v17;
	v38 =	vpop (erf)  }
0x255: {  	v39 =	vmul.f32 v38, v37  }
0x256: {  	[tilespmem:s29+$0x64D0] =	vst v38;
	v40 =	vsub.f32 $0.0e+00, v17;
	v17 =	vadd.f32 v21, v17  }
0x257: {  	[tilespmem:s29+$0x6490] =	vst v39  }
0x258: {  	v18 =	vmul.f32 $1.442695020e+00, v40;
	[tilespmem:s13+$0x20] =	vst v17  }
0x259: {  	v41 =	vld [tilespmem:s29+$0x4B0]  }
0x25a: {  	v42 =	vld [tilespmem:s29+$0x14B0];
	(erf) = vpow2.f32 v18;
	_ =	sdelay $0x1  }
0x25b: {  	v43 =	vld [tilespmem:s29+$0x24B0];
	_ =	sdelay $0x2  }
0x25c: {  	v19 =	vadd.f32 v42, v41;
	_ =	sdelay $0x1  }
0x25d: {  	v18 =	vadd.f32 v43, v19;
	_ =	sdelay $0x1  }
0x25e: {  	v19 =	vsub.f32 $0.0e+00, v18;
	v44 =	vpop (erf)  }
0x25f: {  	v20 =	vadd.f32 $1.000000000e+00, v44  }
0x260: {  	v19 =	vmul.f32 $1.442695020e+00, v19  }
0x261: {  	(erf) = vrcp.f32 v20  }
0x262: {  	(erf) = vpow2.f32 v19;
	_ =	sdelay $0x7  }
0x263: {  	v45 =	vld [tilespmem:s29+$0x4E0];
	v20 =	vpop (erf)  }
0x264: {  	v46 =	vld [tilespmem:s29+$0x24F0];
	v22 =	vpop (erf)  }
0x265: {  	v22 =	vadd.f32 $1.000000000e+00, v22;
	_ =	sdelay $0x1  }
0x266: {  	(erf) = vrcp.f32 v22  }
0x267: {  	v19 =	vmul.f32 v20, v45  }
0x268: {  	v18 =	vadd.f32 v46, v18;
	[tilespmem:s29+$0x64E0] =	vst v20  }
0x269: {  	[tilespmem:s29+$0x64A0] =	vst v19  }
0x26a: {  	[tilespmem:s13+$0x30] =	vst v18  }
0x26b: {  	v47 =	vld [tilespmem:s29+$0x4F0];
	_ =	sdelay $0x2  }
0x26c: {  	v48 =	vmul.f32 v11, v11  }
0x26d: {  	v5 =	vadd.f32 v11, v5;
	v4 =	vadd.f32 v12, v4;
	v49 =	vmul.f32 v12, v12;
	v50 =	vpop (erf)  }
0x26e: {  	v6 =	vadd.f32 v48, v6;
	v51 =	vmul.f32 v15, v15;
	v19 =	vmul.f32 v50, v47  }
0x26f: {  	v3 =	vadd.f32 v49, v3;
	v52 =	vmul.f32 v13, v13;
	v5 =	vadd.f32 v15, v5;
	[tilespmem:s29+$0x64F0] =	vst v50  }
0x270: {  	v10 =	vadd.f32 v13, v10;
	v6 =	vadd.f32 v51, v6;
	v53 =	vmul.f32 v16, v16;
	[tilespmem:s29+$0x64B0] =	vst v19  }
0x271: {  	v55 =	vadd.f32 v52, v8;
	v4 =	vadd.f32 v16, v4;
	[tilespmem:s19+$0x0] =	vst.add.f32.msk $0xffff, v5  }
0x272: {  	v54 =	vmul.f32 v14, v14;
	v3 =	vadd.f32 v53, v3;
	v56 =	vmul.f32 v17, v17;
	[tilespmem:s20+$0x0] =	vst.add.f32.msk $0xffff, v6  }
0x273: {  	v9 =	vadd.f32 v14, v9;
	v57 =	vadd.f32 v17, v10;
	[tilespmem:s21+$0x0] =	vst.add.f32.msk $0xffff, v4  }
0x274: {  	v59 =	vadd.f32 v54, v7;
	v58 =	vadd.f32 v56, v55;
	v60 =	vmul.f32 v18, v18;
	[tilespmem:s22+$0x0] =	vst.add.f32.msk $0xffff, v3  }
0x275: {  	s14 =	rddreg [dreg:$0xd];
	v3 =	vadd.f32 v18, v9;
	[tilespmem:s23+$0x0] =	vst.add.f32.msk $0xffff, v57  }
0x276: {  	s2 =	sor.u32 s14, s2;
	v5 =	vadd.f32 v60, v59;
	[tilespmem:s24+$0x0] =	vst.add.f32.msk $0xffff, v58  }
0x277: {  	s17 =	simm.s32 $0x800;
	s2 =	sshrl.u32 s2, $0x3;
	[tilespmem:s25+$0x0] =	vst.add.f32.msk $0xffff, v3  }
0x278: {  	s14 =	simm.s32 $0x300;
	s2 =	sadd.s32 s8, s2;
	s13 =	simm.s32 $0x8400;
	[tilespmem:s26+$0x0] =	vst.add.f32.msk $0xffff, v5  }
0x279: {  	[hbm4b:s2+s28] =	stream.strided.scatter [tilespmem:s13], [sflag:$0x9], $0x800, s17, s28, $0x38;
	[tilespmem:$0x1D800] =	vst v63  }
0x27a: {  	s10 =	rddreg [dreg:$0x2];
	s13 =	simm.s32 $0x6400;
	s17 =	simm.s32 $0x20  }
0x27b: {  	[spmem:s10] =	stream.indirect.scatter.add.f32 [tilespmem:s13], [sflag:$0x7], $0x80, s14, s17, $0xb8;
	[tilespmem:$0x1D800] =	vst v63  }
0x27c: {  	_ =	swait.ge [sflag:s0], $0x20  }
0x27d: {  	[sflag:s0] =	ssyncset.done $0x0  }
0x27e: {  	[sflag:s0] =	ssyncadd.s32 $0xFFFFFFE0  }
0x27f: {  	_ =	swait.ge [sflag:s3], $0x20  }
0x280: {  	[sflag:s3] =	ssyncset.done $0x0  }
0x281: {  	[sflag:s3] =	ssyncadd.s32 $0xFFFFFFE0  }
0x282: {  	v3 =	vld [tilespmem:$0x0]  }
0x283: {  	v61 =	vld [tilespmem:$0x100]  }
0x284: {  	v62 =	vld [tilespmem:$0x10]  }
0x285: {  	v63 =	vld [tilespmem:$0x110];
	_ =	sdelay $0x1  }
0x286: {  	v3 =	vadd.s32 v0, v3  }
0x287: {  	[tilespmem:$0x200] =	vst v3;
	v3 =	vadd.s32 v1, v61  }
0x288: {  	s17 =	sshll.u32 s18, $0x10;
	s18 =	rddreg [dreg:$0x5];
	[tilespmem:$0x220] =	vst v3;
	v3 =	vadd.s32 v0, v62  }
0x289: {  	p0 =	sne.s32 s16, $0x0;
	s29 =	smov.u32 s30;
	s2 =	sadd.s32 s17, s18;
	[tilespmem:$0x210] =	vst v3;
	v3 =	vadd.s32 v1, v63  }
0x28a: {  	s13 =	simm.s32 $0x40;
	s14 =	simm.s32 $0x200;
	s2 =	sshrl.u32 s2, $0x3;
	[tilespmem:$0x230] =	vst v3  }
0x28b: {  	[tilespmem:s28], [sflag:$0x5] =	stream.indirect.gather [hbm4b:s30+s13], $0x80, s14, s13, $0xb8;
	[tilespmem:$0x1D800] =	vst v63  }
.Ltmp2:
0x28c: {  	s2 =	sadd.s32 s7, s2;
	s30 =	simm.s32 $0x2400;
	(pc) =	sbr.rel @!p0 .LBB2_7-.Ltmp2, $4  }
0x28d: {  	[tilespmem:s30], [sflag:$0x5] =	stream.linear.gather [hbm4b:s2+s4], $0x1000, $0x38;
	[tilespmem:$0x1D800] =	vst v63  }
0x28e: {  	_ =	swait.ge [sflag:s9], $0x3000  }
0x28f: {  	[sflag:s9] =	ssyncset.done $0x0  }
0x290: {  	[sflag:s9] =	ssyncadd.s32 $0xFFFFD000  }
0x291: {  	s2 =	simm.s32 $0x8  }
0x292: {  	_ =	swait.ge [sflag:s2], $0x1000  }
0x293: {  	[sflag:s2] =	ssyncset.done $0x0  }
0x294: {  	s30 =	simm.s32 $0xA;
	[sflag:s2] =	ssyncadd.s32 $0xFFFFF000  }
0x295: {  	_ =	swait.ge [sflag:s30], $0x800  }
0x296: {  	[sflag:s30] =	ssyncset.done $0x0  }
0x297: {  	[sflag:s30] =	ssyncadd.s32 $0xFFFFF800  }
0x298: {  	v3 =	vld [tilespmem:$0x180]  }
0x299: {  	p0 =	seq.s32 s16, $0x137;
	v4 =	vld [tilespmem:$0x190]  }
.Ltmp3:
0x29a: {  	_ = 	snop;
	(pc) =	sbr.rel @p0 .LBB2_10-.Ltmp3, $4  }
.Ltmp4:
0x29b: {  	_ = 	snop;
	(pc) =	sbr.rel @!p0 .LBB2_9-.Ltmp4, $4  }
0x29c: {  	_ = 	snop  }
0x29d: {  	[tilespmem:$0x380] =	vst v3  }
0x29e: {  	[tilespmem:$0x390] =	vst v4  }
0x29f: {  	_ = 	snop  }
.LBB2_7:
0x2a0: {  	v3 =	vld [tilespmem:$0x180]  }
0x2a1: {  	v4 =	vld [tilespmem:$0x190];
	_ =	sdelay $0x3  }
0x2a2: {  	[tilespmem:$0x380] =	vst v3  }
0x2a3: {  	[tilespmem:$0x390] =	vst v4  }
.LBB2_9:
0x2a4: {  	s2 =	sshll.u32 s16, $0x7;
	s10 =	rddreg [dreg:$0x14]  }
0x2a5: {  	s2 =	sadd.s32 s10, s2  }
0x2a6: {  	s13 =	simm.s32 $0x80;
	s10 =	sadd.s32 s5, s2  }
0x2a7: {  	[tilespmem:s13], [sflag:$0x2] =	stream.linear.gather [hbm4b:s10+s4], $0x20, $0x38;
	[tilespmem:$0x1D800] =	vst v63  }
0x2a8: {  	s30 =	simm.s32 $0x180;
	s2 =	sadd.s32 s6, s2  }
0x2a9: {  	[tilespmem:s30], [sflag:$0x4] =	stream.linear.gather [hbm4b:s2+s4], $0x20, $0x38;
	[tilespmem:$0x1D800] =	vst v63  }
.LBB2_10:
0x2aa: {  	s2 =	simm.s32 $0x0  }
0x2ab: {  	v3 =	vld [tilespmem:s2+$0x3400]  }
0x2ac: {  	v4 =	vld [tilespmem:s2+$0x4400];
	_ =	sdelay $0x1  }
0x2ad: {  	v5 =	vld [tilespmem:s2+$0x5400];
	_ =	sdelay $0x2  }
0x2ae: {  	v3 =	vadd.f32 v4, v3;
	_ =	sdelay $0x1  }
0x2af: {  	v3 =	vadd.f32 v5, v3  }
0x2b0: {  	v4 =	vld [tilespmem:s2+$0x5440]  }
0x2b1: {  	v5 =	vsub.f32 $0.0e+00, v3;
	_ =	sdelay $0x1  }
0x2b2: {  	v5 =	vmul.f32 $1.442695020e+00, v5;
	_ =	sdelay $0x1  }
0x2b3: {  	v3 =	vadd.f32 v4, v3;
	(erf) = vpow2.f32 v5  }
0x2b4: {  	s10 =	simm.s32 $0x8C70  }
0x2b5: {  	[tilespmem:s10+$0xFFFFFF90] =	vst v3  }
0x2b6: {  	v4 =	vld [tilespmem:s2+$0x3410]  }
0x2b7: {  	v5 =	vld [tilespmem:s2+$0x4410];
	_ =	sdelay $0x1  }
0x2b8: {  	v6 =	vld [tilespmem:s2+$0x5410];
	_ =	sdelay $0x2  }
0x2b9: {  	v4 =	vadd.f32 v5, v4;
	v7 =	vpop (erf)  }
0x2ba: {  	v5 =	vadd.f32 $1.000000000e+00, v7  }
0x2bb: {  	v4 =	vadd.f32 v6, v4  }
0x2bc: {  	(erf) = vrcp.f32 v5  }
0x2bd: {  	v5 =	vsub.f32 $0.0e+00, v4;
	_ =	sdelay $0x1  }
0x2be: {  	v5 =	vmul.f32 $1.442695020e+00, v5;
	_ =	sdelay $0x1  }
0x2bf: {  	v6 =	vld [tilespmem:s2+$0x3440];
	(erf) = vpow2.f32 v5  }
0x2c0: {  	v5 =	vld [tilespmem:s2+$0x5450];
	_ =	sdelay $0x2  }
0x2c1: {  	v7 =	vpop (erf)  }
0x2c2: {  	v6 =	vmul.f32 v7, v6  }
0x2c3: {  	v4 =	vadd.f32 v5, v4;
	[tilespmem:s2+$0x7440] =	vst v7  }
0x2c4: {  	[tilespmem:s2+$0x7400] =	vst v6  }
0x2c5: {  	[tilespmem:s10+$0xFFFFFFA0] =	vst v4  }
0x2c6: {  	v5 =	vld [tilespmem:s2+$0x3420];
	v6 =	vpop (erf)  }
0x2c7: {  	v7 =	vld [tilespmem:s2+$0x4420];
	v6 =	vadd.f32 $1.000000000e+00, v6;
	_ =	sdelay $0x1  }
0x2c8: {  	v8 =	vld [tilespmem:s2+$0x5420];
	(erf) = vrcp.f32 v6;
	_ =	sdelay $0x2  }
0x2c9: {  	v5 =	vadd.f32 v7, v5;
	_ =	sdelay $0x1  }
0x2ca: {  	v6 =	vld [tilespmem:s2+$0x3450];
	v5 =	vadd.f32 v8, v5  }
0x2cb: {  	v7 =	vld [tilespmem:s2+$0x5460]  }
0x2cc: {  	v8 =	vsub.f32 $0.0e+00, v5;
	_ =	sdelay $0x1  }
0x2cd: {  	v8 =	vmul.f32 $1.442695020e+00, v8;
	v9 =	vpop (erf)  }
0x2ce: {  	v6 =	vmul.f32 v9, v6  }
0x2cf: {  	v7 =	vadd.f32 v7, v5;
	(erf) = vpow2.f32 v8;
	[tilespmem:s2+$0x7450] =	vst v9  }
0x2d0: {  	[tilespmem:s2+$0x7410] =	vst v6  }
0x2d1: {  	[tilespmem:s10+$0xFFFFFFB0] =	vst v7  }
0x2d2: {  	v5 =	vld [tilespmem:s2+$0x3430]  }
0x2d3: {  	v6 =	vld [tilespmem:s2+$0x4430];
	_ =	sdelay $0x1  }
0x2d4: {  	v8 =	vld [tilespmem:s2+$0x5430];
	_ =	sdelay $0x2  }
0x2d5: {  	v9 =	vpop (erf);
	v5 =	vadd.f32 v6, v5  }
0x2d6: {  	v6 =	vadd.f32 $1.000000000e+00, v9  }
0x2d7: {  	v5 =	vadd.f32 v8, v5  }
0x2d8: {  	(erf) = vrcp.f32 v6  }
0x2d9: {  	v6 =	vsub.f32 $0.0e+00, v5;
	_ =	sdelay $0x1  }
0x2da: {  	v6 =	vmul.f32 $1.442695020e+00, v6;
	_ =	sdelay $0x1  }
0x2db: {  	v8 =	vld [tilespmem:s2+$0x3460];
	(erf) = vpow2.f32 v6  }
0x2dc: {  	v6 =	vld [tilespmem:s2+$0x5470];
	_ =	sdelay $0x2  }
0x2dd: {  	v9 =	vpop (erf)  }
0x2de: {  	v8 =	vmul.f32 v9, v8  }
0x2df: {  	[tilespmem:s2+$0x7460] =	vst v9;
	v9 =	vadd.f32 v6, v5  }
0x2e0: {  	[tilespmem:s2+$0x7420] =	vst v8  }
0x2e1: {  	[tilespmem:s10+$0xFFFFFFC0] =	vst v9  }
0x2e2: {  	v5 =	vld [tilespmem:s2+$0x3480];
	v6 =	vpop (erf)  }
0x2e3: {  	v8 =	vld [tilespmem:s2+$0x4480];
	v6 =	vadd.f32 $1.000000000e+00, v6;
	_ =	sdelay $0x1  }
0x2e4: {  	v10 =	vld [tilespmem:s2+$0x5480];
	(erf) = vrcp.f32 v6;
	_ =	sdelay $0x2  }
0x2e5: {  	v5 =	vadd.f32 v8, v5;
	_ =	sdelay $0x1  }
0x2e6: {  	v6 =	vld [tilespmem:s2+$0x3470];
	v5 =	vadd.f32 v10, v5  }
0x2e7: {  	v8 =	vld [tilespmem:s2+$0x54C0]  }
0x2e8: {  	v10 =	vsub.f32 $0.0e+00, v5;
	_ =	sdelay $0x1  }
0x2e9: {  	v10 =	vmul.f32 $1.442695020e+00, v10;
	v11 =	vpop (erf)  }
0x2ea: {  	v6 =	vmul.f32 v11, v6  }
0x2eb: {  	v5 =	vadd.f32 v8, v5;
	(erf) = vpow2.f32 v10;
	[tilespmem:s2+$0x7470] =	vst v11  }
0x2ec: {  	[tilespmem:s2+$0x7430] =	vst v6  }
0x2ed: {  	[tilespmem:s10+$0xFFFFFFD0] =	vst v5  }
0x2ee: {  	v6 =	vld [tilespmem:s2+$0x3490]  }
0x2ef: {  	v8 =	vld [tilespmem:s2+$0x4490];
	_ =	sdelay $0x1  }
0x2f0: {  	v10 =	vld [tilespmem:s2+$0x5490];
	_ =	sdelay $0x2  }
0x2f1: {  	v11 =	vpop (erf);
	v6 =	vadd.f32 v8, v6  }
0x2f2: {  	v8 =	vadd.f32 $1.000000000e+00, v11  }
0x2f3: {  	v6 =	vadd.f32 v10, v6  }
0x2f4: {  	(erf) = vrcp.f32 v8  }
0x2f5: {  	v8 =	vsub.f32 $0.0e+00, v6;
	_ =	sdelay $0x1  }
0x2f6: {  	v8 =	vmul.f32 $1.442695020e+00, v8;
	_ =	sdelay $0x1  }
0x2f7: {  	v10 =	vld [tilespmem:s2+$0x34C0];
	(erf) = vpow2.f32 v8;
	_ =	sdelay $0x1  }
0x2f8: {  	v11 =	vld [tilespmem:s2+$0x54D0];
	_ =	sdelay $0x1  }
0x2f9: {  	v8 =	vpop (erf)  }
0x2fa: {  	v10 =	vmul.f32 v8, v10;
	_ =	sdelay $0x1  }
0x2fb: {  	[tilespmem:s2+$0x74C0] =	vst v8;
	v8 =	vadd.f32 v11, v6  }
0x2fc: {  	[tilespmem:s2+$0x7480] =	vst v10  }
0x2fd: {  	[tilespmem:s10+$0xFFFFFFE0] =	vst v8;
	v10 =	vpop (erf)  }
0x2fe: {  	v6 =	vld [tilespmem:s2+$0x44A0];
	v10 =	vadd.f32 $1.000000000e+00, v10  }
0x2ff: {  	v11 =	vld [tilespmem:s2+$0x34A0]  }
0x300: {  	(erf) = vrcp.f32 v10  }
0x301: {  	v12 =	vld [tilespmem:s2+$0x54A0];
	_ =	sdelay $0x2  }
0x302: {  	v6 =	vadd.f32 v6, v11  }
0x303: {  	v10 =	vld [tilespmem:s2+$0x34D0]  }
0x304: {  	v11 =	vld [tilespmem:s2+$0x54E0];
	v6 =	vadd.f32 v12, v6;
	_ =	sdelay $0x1  }
0x305: {  	v12 =	vsub.f32 $0.0e+00, v6  }
0x306: {  	v13 =	vpop (erf)  }
0x307: {  	v12 =	vmul.f32 $1.442695020e+00, v12;
	v10 =	vmul.f32 v13, v10  }
0x308: {  	v14 =	vadd.f32 v11, v6;
	[tilespmem:s2+$0x74D0] =	vst v13  }
0x309: {  	(erf) = vpow2.f32 v12;
	[tilespmem:s2+$0x7490] =	vst v10  }
0x30a: {  	[tilespmem:s10+$0xFFFFFFF0] =	vst v14  }
0x30b: {  	v6 =	vld [tilespmem:s2+$0x34B0]  }
0x30c: {  	v10 =	vld [tilespmem:s2+$0x44B0];
	_ =	sdelay $0x1  }
0x30d: {  	v11 =	vld [tilespmem:s2+$0x54B0];
	_ =	sdelay $0x2  }
0x30e: {  	v6 =	vadd.f32 v10, v6  }
0x30f: {  	v12 =	vpop (erf)  }
0x310: {  	v10 =	vadd.f32 $1.000000000e+00, v12;
	v6 =	vadd.f32 v11, v6;
	_ =	sdelay $0x1  }
0x311: {  	(erf) = vrcp.f32 v10;
	v10 =	vsub.f32 $0.0e+00, v6;
	_ =	sdelay $0x1  }
0x312: {  	v10 =	vmul.f32 $1.442695020e+00, v10;
	_ =	sdelay $0x1  }
0x313: {  	(erf) = vpow2.f32 v10;
	_ =	sdelay $0x2  }
0x314: {  	v11 =	vld [tilespmem:s2+$0x34E0];
	v10 =	vmul.f32 v3, v3  }
0x315: {  	v15 =	vimm.f32 $0.0e+00;
	v12 =	vld [tilespmem:s2+$0x54F0]  }
0x316: {  	v10 =	vadd.f32 v10, v15  }
0x317: {  	v13 =	vmul.f32 v4, v4;
	v4 =	vadd.f32 v4, v15  }
0x318: {  	v17 =	vmul.f32 v5, v5;
	v16 =	vpop (erf)  }
0x319: {  	v4 =	vadd.f32 v8, v4;
	v3 =	vadd.f32 v3, v15;
	v11 =	vmul.f32 v16, v11  }
0x31a: {  	[tilespmem:s2+$0x74E0] =	vst v16;
	v16 =	vadd.f32 v12, v6;
	v6 =	vadd.f32 v17, v10;
	v10 =	vpop (erf)  }
0x31b: {  	v5 =	vadd.f32 v5, v3;
	[tilespmem:s2+$0x74A0] =	vst v11;
	v19 =	vadd.f32 $1.000000000e+00, v10  }
0x31c: {  	s17 =	simm.s32 $0x100;
	v3 =	vadd.f32 v13, v15;
	v13 =	vmul.f32 v7, v7;
	v12 =	vmul.f32 v8, v8;
	[tilespmem:s10+$0x0] =	vst v16  }
0x31d: {  	v7 =	vadd.f32 v7, v15;
	v8 =	vmul.f32 v9, v9;
	v11 =	vld [tilespmem:s17+$0x3400];
	(erf) = vrcp.f32 v19  }
0x31e: {  	v18 =	vmul.f32 v14, v14;
	v17 =	vadd.f32 v13, v15;
	v9 =	vadd.f32 v9, v15;
	v13 =	vld [tilespmem:s17+$0x4400]  }
0x31f: {  	v3 =	vadd.f32 v12, v3;
	v20 =	vadd.f32 v8, v15;
	v21 =	vmul.f32 v16, v16;
	v12 =	vld [tilespmem:s2+$0x34F0]  }
0x320: {  	v8 =	vadd.f32 v18, v17;
	v9 =	vadd.f32 v16, v9;
	v15 =	vld [tilespmem:s17+$0x5400]  }
0x321: {  	s14 =	simm.s32 $0x800;
	v10 =	vadd.f32 v14, v7;
	v7 =	vadd.f32 v21, v20;
	v14 =	vld [tilespmem:s17+$0x5440]  }
.LBB2_11:
0x322: {  	p0 =	sne.s32 s14, $0x3C00  }
0x323: {  	s10 =	sadd.s32 $0x80, s10;
	s13 =	smov.u32 s14;
	s14 =	sadd.s32 $0x400, s14  }
0x324: {  	v11 =	vadd.f32 v13, v11;
	_ =	sdelay $0x1  }
0x325: {  	v11 =	vadd.f32 v15, v11;
	v13 =	vpop (erf)  }
0x326: {  	v12 =	vmul.f32 v13, v12;
	[tilespmem:s2+$0x74F0] =	vst v13  }
0x327: {  	v13 =	vsub.f32 $0.0e+00, v11;
	v17 =	vadd.f32 v14, v11  }
0x328: {  	[tilespmem:s2+$0x74B0] =	vst v12;
	s2 =	smov.u32 s17  }
0x329: {  	v11 =	vmul.f32 $1.442695020e+00, v13;
	[tilespmem:s10+$0xFFFFFF90] =	vst v17  }
0x32a: {  	v12 =	vld [tilespmem:s2+$0x3410]  }
0x32b: {  	v13 =	vld [tilespmem:s2+$0x4410];
	(erf) = vpow2.f32 v11;
	_ =	sdelay $0x1  }
0x32c: {  	v11 =	vld [tilespmem:s2+$0x5410];
	_ =	sdelay $0x2  }
0x32d: {  	v12 =	vadd.f32 v13, v12;
	_ =	sdelay $0x1  }
0x32e: {  	v11 =	vadd.f32 v11, v12;
	_ =	sdelay $0x1  }
0x32f: {  	v12 =	vsub.f32 $0.0e+00, v11;
	v13 =	vpop (erf)  }
0x330: {  	v13 =	vadd.f32 $1.000000000e+00, v13  }
0x331: {  	v12 =	vmul.f32 $1.442695020e+00, v12  }
0x332: {  	(erf) = vrcp.f32 v13  }
0x333: {  	(erf) = vpow2.f32 v12;
	_ =	sdelay $0x3  }
0x334: {  	v12 =	vld [tilespmem:s2+$0x3440]  }
0x335: {  	v13 =	vld [tilespmem:s2+$0x5450];
	_ =	sdelay $0x2  }
0x336: {  	v14 =	vpop (erf)  }
0x337: {  	v12 =	vmul.f32 v14, v12;
	v15 =	vpop (erf)  }
0x338: {  	[tilespmem:s2+$0x7440] =	vst v14;
	v14 =	vadd.f32 $1.000000000e+00, v15;
	v16 =	vadd.f32 v13, v11  }
0x339: {  	[tilespmem:s2+$0x7400] =	vst v12  }
0x33a: {  	[tilespmem:s10+$0xFFFFFFA0] =	vst v16;
	v15 =	vmul.f32 v16, v16;
	(erf) = vrcp.f32 v14  }
0x33b: {  	v11 =	vld [tilespmem:s2+$0x3420]  }
0x33c: {  	v12 =	vld [tilespmem:s2+$0x4420];
	_ =	sdelay $0x1  }
0x33d: {  	v13 =	vld [tilespmem:s2+$0x5420]  }
0x33e: {  	v14 =	vld [tilespmem:s2+$0x3450]  }
0x33f: {  	v18 =	vld [tilespmem:s2+$0x5460]  }
0x340: {  	v11 =	vadd.f32 v12, v11;
	_ =	sdelay $0x1  }
0x341: {  	v11 =	vadd.f32 v13, v11;
	v12 =	vpop (erf)  }
0x342: {  	v13 =	vmul.f32 v12, v14  }
0x343: {  	[tilespmem:s2+$0x7450] =	vst v12;
	v12 =	vsub.f32 $0.0e+00, v11;
	v14 =	vadd.f32 v18, v11  }
0x344: {  	[tilespmem:s2+$0x7410] =	vst v13  }
0x345: {  	v11 =	vmul.f32 $1.442695020e+00, v12;
	[tilespmem:s10+$0xFFFFFFB0] =	vst v14;
	v13 =	vmul.f32 v14, v14  }
0x346: {  	v12 =	vld [tilespmem:s2+$0x3430]  }
0x347: {  	v18 =	vld [tilespmem:s2+$0x4430];
	(erf) = vpow2.f32 v11;
	_ =	sdelay $0x1  }
0x348: {  	v11 =	vld [tilespmem:s2+$0x5430];
	_ =	sdelay $0x2  }
0x349: {  	v12 =	vadd.f32 v18, v12;
	_ =	sdelay $0x1  }
0x34a: {  	v11 =	vadd.f32 v11, v12;
	_ =	sdelay $0x1  }
0x34b: {  	v12 =	vsub.f32 $0.0e+00, v11;
	v18 =	vpop (erf)  }
0x34c: {  	v18 =	vadd.f32 $1.000000000e+00, v18  }
0x34d: {  	v12 =	vmul.f32 $1.442695020e+00, v12  }
0x34e: {  	(erf) = vrcp.f32 v18  }
0x34f: {  	(erf) = vpow2.f32 v12;
	_ =	sdelay $0x3  }
0x350: {  	v12 =	vld [tilespmem:s2+$0x3460]  }
0x351: {  	v18 =	vld [tilespmem:s2+$0x5470];
	_ =	sdelay $0x2  }
0x352: {  	v19 =	vpop (erf)  }
0x353: {  	v20 =	vmul.f32 v19, v12;
	v12 =	vpop (erf)  }
0x354: {  	[tilespmem:s2+$0x7460] =	vst v19;
	v19 =	vadd.f32 $1.000000000e+00, v12;
	v12 =	vadd.f32 v18, v11  }
0x355: {  	[tilespmem:s2+$0x7420] =	vst v20  }
0x356: {  	[tilespmem:s10+$0xFFFFFFC0] =	vst v12;
	v11 =	vmul.f32 v12, v12;
	(erf) = vrcp.f32 v19  }
0x357: {  	v18 =	vld [tilespmem:s2+$0x3480]  }
0x358: {  	v19 =	vld [tilespmem:s2+$0x4480];
	_ =	sdelay $0x1  }
0x359: {  	v20 =	vld [tilespmem:s2+$0x5480]  }
0x35a: {  	v21 =	vld [tilespmem:s2+$0x3470]  }
0x35b: {  	v22 =	vld [tilespmem:s2+$0x54C0]  }
0x35c: {  	v18 =	vadd.f32 v19, v18;
	_ =	sdelay $0x1  }
0x35d: {  	v18 =	vadd.f32 v20, v18;
	v19 =	vpop (erf)  }
0x35e: {  	v5 =	vadd.f32 v17, v5;
	v17 =	vmul.f32 v17, v17;
	v20 =	vmul.f32 v19, v21;
	[tilespmem:s2+$0x7470] =	vst v19  }
0x35f: {  	v19 =	vsub.f32 $0.0e+00, v18;
	v18 =	vadd.f32 v22, v18  }
0x360: {  	v6 =	vadd.f32 v17, v6;
	[tilespmem:s2+$0x7430] =	vst v20  }
0x361: {  	v17 =	vmul.f32 $1.442695020e+00, v19;
	[tilespmem:s10+$0xFFFFFFD0] =	vst v18;
	v5 =	vadd.f32 v18, v5;
	v18 =	vmul.f32 v18, v18  }
0x362: {  	v19 =	vld [tilespmem:s2+$0x3490]  }
0x363: {  	v6 =	vadd.f32 v18, v6;
	v18 =	vld [tilespmem:s2+$0x4490];
	(erf) = vpow2.f32 v17  }
0x364: {  	v17 =	vld [tilespmem:s2+$0x5490]  }
0x365: {  	v20 =	vld [tilespmem:s2+$0x34C0]  }
0x366: {  	v21 =	vld [tilespmem:s2+$0x54D0];
	_ =	sdelay $0x1  }
0x367: {  	v18 =	vadd.f32 v18, v19;
	_ =	sdelay $0x1  }
0x368: {  	v17 =	vadd.f32 v17, v18;
	_ =	sdelay $0x1  }
0x369: {  	v18 =	vsub.f32 $0.0e+00, v17;
	v19 =	vpop (erf)  }
0x36a: {  	v19 =	vadd.f32 $1.000000000e+00, v19  }
0x36b: {  	v18 =	vmul.f32 $1.442695020e+00, v18  }
0x36c: {  	(erf) = vrcp.f32 v19  }
0x36d: {  	(erf) = vpow2.f32 v18;
	_ =	sdelay $0x7  }
0x36e: {  	v18 =	vpop (erf)  }
0x36f: {  	v4 =	vadd.f32 v16, v4;
	v16 =	vmul.f32 v18, v20;
	[tilespmem:s2+$0x74C0] =	vst v18;
	v18 =	vpop (erf)  }
0x370: {  	v17 =	vadd.f32 v21, v17;
	v18 =	vadd.f32 $1.000000000e+00, v18  }
0x371: {  	v3 =	vadd.f32 v15, v3;
	[tilespmem:s2+$0x7480] =	vst v16  }
0x372: {  	v4 =	vadd.f32 v17, v4;
	v15 =	vmul.f32 v17, v17;
	[tilespmem:s10+$0xFFFFFFE0] =	vst v17;
	(erf) = vrcp.f32 v18  }
0x373: {  	v16 =	vld [tilespmem:s2+$0x44A0]  }
0x374: {  	v3 =	vadd.f32 v15, v3;
	v15 =	vld [tilespmem:s2+$0x34A0]  }
0x375: {  	v17 =	vld [tilespmem:s2+$0x54A0]  }
0x376: {  	v18 =	vld [tilespmem:s2+$0x34D0]  }
0x377: {  	v19 =	vld [tilespmem:s2+$0x54E0];
	_ =	sdelay $0x1  }
0x378: {  	v15 =	vadd.f32 v16, v15;
	_ =	sdelay $0x1  }
0x379: {  	v15 =	vadd.f32 v17, v15;
	v16 =	vpop (erf)  }
0x37a: {  	v10 =	vadd.f32 v14, v10;
	v14 =	vmul.f32 v16, v18;
	[tilespmem:s2+$0x74D0] =	vst v16  }
0x37b: {  	v16 =	vsub.f32 $0.0e+00, v15;
	v15 =	vadd.f32 v19, v15  }
0x37c: {  	v8 =	vadd.f32 v13, v8;
	[tilespmem:s2+$0x7490] =	vst v14  }
0x37d: {  	v13 =	vmul.f32 $1.442695020e+00, v16;
	[tilespmem:s10+$0xFFFFFFF0] =	vst v15;
	v10 =	vadd.f32 v15, v10;
	v14 =	vmul.f32 v15, v15  }
0x37e: {  	v15 =	vld [tilespmem:s2+$0x34B0]  }
0x37f: {  	v8 =	vadd.f32 v14, v8;
	v14 =	vld [tilespmem:s2+$0x44B0];
	(erf) = vpow2.f32 v13  }
0x380: {  	v13 =	vld [tilespmem:s2+$0x54B0]  }
0x381: {  	v16 =	vld [tilespmem:s2+$0x34E0]  }
0x382: {  	v17 =	vld [tilespmem:s2+$0x54F0];
	_ =	sdelay $0x1  }
0x383: {  	v14 =	vadd.f32 v14, v15;
	_ =	sdelay $0x1  }
0x384: {  	v13 =	vadd.f32 v13, v14;
	_ =	sdelay $0x1  }
0x385: {  	v14 =	vsub.f32 $0.0e+00, v13;
	v15 =	vpop (erf)  }
0x386: {  	v15 =	vadd.f32 $1.000000000e+00, v15  }
0x387: {  	v14 =	vmul.f32 $1.442695020e+00, v14  }
0x388: {  	(erf) = vrcp.f32 v15  }
0x389: {  	(erf) = vpow2.f32 v14;
	_ =	sdelay $0x7  }
0x38a: {  	v14 =	vpop (erf)  }
0x38b: {  	v9 =	vadd.f32 v12, v9;
	v12 =	vmul.f32 v14, v16;
	[tilespmem:s2+$0x74E0] =	vst v14;
	v14 =	vpop (erf)  }
0x38c: {  	v13 =	vadd.f32 v17, v13;
	v14 =	vadd.f32 $1.000000000e+00, v14  }
0x38d: {  	s17 =	sshra.s32 s13, $0x2;
	v7 =	vadd.f32 v11, v7;
	[tilespmem:s2+$0x74A0] =	vst v12  }
0x38e: {  	v9 =	vadd.f32 v13, v9;
	v12 =	vmul.f32 v13, v13;
	[tilespmem:s10+$0x0] =	vst v13;
	(erf) = vrcp.f32 v14  }
.Ltmp5:
0x38f: {  	v11 =	vld [tilespmem:s17+$0x3400];
	(pc) =	sbr.rel @p0 .LBB2_11-.Ltmp5, $4  }
0x390: {  	v7 =	vadd.f32 v12, v7;
	v13 =	vld [tilespmem:s17+$0x4400]  }
0x391: {  	v12 =	vld [tilespmem:s2+$0x34F0]  }
0x392: {  	v15 =	vld [tilespmem:s17+$0x5400]  }
0x393: {  	v14 =	vld [tilespmem:s17+$0x5440]  }
0x394: {  	_ = 	snop  }
0x395: {  	v11 =	vadd.f32 v13, v11;
	_ =	sdelay $0x1  }
0x396: {  	v11 =	vadd.f32 v15, v11;
	v39 =	vpop (erf)  }
0x397: {  	v12 =	vmul.f32 v39, v12  }
0x398: {  	[tilespmem:s2+$0x74F0] =	vst v39;
	v40 =	vsub.f32 $0.0e+00, v11;
	v11 =	vadd.f32 v14, v11  }
0x399: {  	s10 =	sadd.s32 $0x80, s10;
	[tilespmem:s2+$0x74B0] =	vst v12  }
0x39a: {  	v41 =	vmul.f32 $1.442695020e+00, v40;
	[tilespmem:s10+$0xFFFFFF90] =	vst v11  }
0x39b: {  	v42 =	vld [tilespmem:s17+$0x3410]  }
0x39c: {  	v43 =	vld [tilespmem:s17+$0x4410];
	(erf) = vpow2.f32 v41;
	_ =	sdelay $0x1  }
0x39d: {  	v44 =	vld [tilespmem:s17+$0x5410];
	_ =	sdelay $0x2  }
0x39e: {  	v13 =	vadd.f32 v43, v42;
	_ =	sdelay $0x1  }
0x39f: {  	v12 =	vadd.f32 v44, v13;
	_ =	sdelay $0x1  }
0x3a0: {  	v13 =	vsub.f32 $0.0e+00, v12;
	v45 =	vpop (erf)  }
0x3a1: {  	v14 =	vadd.f32 $1.000000000e+00, v45  }
0x3a2: {  	v13 =	vmul.f32 $1.442695020e+00, v13  }
0x3a3: {  	(erf) = vrcp.f32 v14  }
0x3a4: {  	(erf) = vpow2.f32 v13;
	_ =	sdelay $0x3  }
0x3a5: {  	v46 =	vld [tilespmem:s17+$0x3440]  }
0x3a6: {  	v47 =	vld [tilespmem:s17+$0x5450];
	_ =	sdelay $0x2  }
0x3a7: {  	v48 =	vpop (erf)  }
0x3a8: {  	v13 =	vmul.f32 v48, v46;
	v16 =	vpop (erf)  }
0x3a9: {  	v12 =	vadd.f32 v47, v12;
	[tilespmem:s17+$0x7440] =	vst v48;
	v49 =	vadd.f32 $1.000000000e+00, v16  }
0x3aa: {  	[tilespmem:s17+$0x7400] =	vst v13  }
0x3ab: {  	[tilespmem:s10+$0xFFFFFFA0] =	vst v12;
	(erf) = vrcp.f32 v49  }
0x3ac: {  	v50 =	vld [tilespmem:s17+$0x3420]  }
0x3ad: {  	v51 =	vld [tilespmem:s17+$0x4420];
	_ =	sdelay $0x1  }
0x3ae: {  	v52 =	vld [tilespmem:s17+$0x5420]  }
0x3af: {  	v53 =	vld [tilespmem:s17+$0x3450]  }
0x3b0: {  	v17 =	vld [tilespmem:s17+$0x5460]  }
0x3b1: {  	v13 =	vadd.f32 v51, v50;
	_ =	sdelay $0x1  }
0x3b2: {  	v13 =	vadd.f32 v52, v13;
	v54 =	vpop (erf)  }
0x3b3: {  	v55 =	vmul.f32 v54, v53  }
0x3b4: {  	[tilespmem:s17+$0x7450] =	vst v54;
	v56 =	vsub.f32 $0.0e+00, v13;
	v13 =	vadd.f32 v17, v13  }
0x3b5: {  	[tilespmem:s17+$0x7410] =	vst v55  }
0x3b6: {  	v14 =	vmul.f32 $1.442695020e+00, v56;
	[tilespmem:s10+$0xFFFFFFB0] =	vst v13  }
0x3b7: {  	v57 =	vld [tilespmem:s17+$0x3430]  }
0x3b8: {  	v58 =	vld [tilespmem:s17+$0x4430];
	(erf) = vpow2.f32 v14;
	_ =	sdelay $0x1  }
0x3b9: {  	v59 =	vld [tilespmem:s17+$0x5430];
	_ =	sdelay $0x2  }
0x3ba: {  	v15 =	vadd.f32 v58, v57;
	_ =	sdelay $0x1  }
0x3bb: {  	v14 =	vadd.f32 v59, v15;
	_ =	sdelay $0x1  }
0x3bc: {  	v15 =	vsub.f32 $0.0e+00, v14;
	v60 =	vpop (erf)  }
0x3bd: {  	v16 =	vadd.f32 $1.000000000e+00, v60  }
0x3be: {  	v15 =	vmul.f32 $1.442695020e+00, v15  }
0x3bf: {  	(erf) = vrcp.f32 v16  }
0x3c0: {  	(erf) = vpow2.f32 v15;
	_ =	sdelay $0x3  }
0x3c1: {  	v61 =	vld [tilespmem:s17+$0x3460]  }
0x3c2: {  	v62 =	vld [tilespmem:s17+$0x5470];
	_ =	sdelay $0x2  }
0x3c3: {  	v63 =	vpop (erf)  }
0x3c4: {  	v15 =	vmul.f32 v63, v61;
	v18 =	vpop (erf)  }
0x3c5: {  	v14 =	vadd.f32 v62, v14;
	[tilespmem:s17+$0x7460] =	vst v63;
	v21 =	vadd.f32 $1.000000000e+00, v18  }
0x3c6: {  	[tilespmem:s17+$0x7420] =	vst v15  }
0x3c7: {  	[tilespmem:s10+$0xFFFFFFC0] =	vst v14;
	(erf) = vrcp.f32 v21  }
0x3c8: {  	v22 =	vld [tilespmem:s17+$0x3480]  }
0x3c9: {  	v23 =	vld [tilespmem:s17+$0x4480];
	_ =	sdelay $0x1  }
0x3ca: {  	v24 =	vld [tilespmem:s17+$0x5480]  }
0x3cb: {  	v25 =	vld [tilespmem:s17+$0x3470]  }
0x3cc: {  	v19 =	vld [tilespmem:s17+$0x54C0]  }
0x3cd: {  	v15 =	vadd.f32 v23, v22;
	_ =	sdelay $0x1  }
0x3ce: {  	v15 =	vadd.f32 v24, v15;
	v26 =	vpop (erf)  }
0x3cf: {  	v27 =	vmul.f32 v26, v25  }
0x3d0: {  	[tilespmem:s17+$0x7470] =	vst v26;
	v28 =	vsub.f32 $0.0e+00, v15;
	v15 =	vadd.f32 v19, v15  }
0x3d1: {  	[tilespmem:s17+$0x7430] =	vst v27  }
0x3d2: {  	v16 =	vmul.f32 $1.442695020e+00, v28;
	[tilespmem:s10+$0xFFFFFFD0] =	vst v15  }
0x3d3: {  	v29 =	vld [tilespmem:s17+$0x3490]  }
0x3d4: {  	v30 =	vld [tilespmem:s17+$0x4490];
	(erf) = vpow2.f32 v16;
	_ =	sdelay $0x1  }
0x3d5: {  	v31 =	vld [tilespmem:s17+$0x5490];
	_ =	sdelay $0x2  }
0x3d6: {  	v17 =	vadd.f32 v30, v29;
	_ =	sdelay $0x1  }
0x3d7: {  	v16 =	vadd.f32 v31, v17;
	_ =	sdelay $0x1  }
0x3d8: {  	v17 =	vsub.f32 $0.0e+00, v16;
	v32 =	vpop (erf)  }
0x3d9: {  	v18 =	vadd.f32 $1.000000000e+00, v32  }
0x3da: {  	v17 =	vmul.f32 $1.442695020e+00, v17  }
0x3db: {  	(erf) = vrcp.f32 v18  }
0x3dc: {  	(erf) = vpow2.f32 v17;
	_ =	sdelay $0x3  }
0x3dd: {  	v33 =	vld [tilespmem:s17+$0x34C0]  }
0x3de: {  	v34 =	vld [tilespmem:s17+$0x54D0];
	_ =	sdelay $0x2  }
0x3df: {  	v35 =	vpop (erf)  }
0x3e0: {  	v17 =	vmul.f32 v35, v33;
	v20 =	vpop (erf)  }
0x3e1: {  	v16 =	vadd.f32 v34, v16;
	[tilespmem:s17+$0x74C0] =	vst v35;
	v36 =	vadd.f32 $1.000000000e+00, v20  }
0x3e2: {  	[tilespmem:s17+$0x7480] =	vst v17  }
0x3e3: {  	[tilespmem:s10+$0xFFFFFFE0] =	vst v16;
	(erf) = vrcp.f32 v36  }
0x3e4: {  	v37 =	vld [tilespmem:s17+$0x44A0]  }
0x3e5: {  	v38 =	vld [tilespmem:s17+$0x34A0];
	_ =	sdelay $0x1  }
0x3e6: {  	v39 =	vld [tilespmem:s17+$0x54A0]  }
0x3e7: {  	v40 =	vld [tilespmem:s17+$0x34D0]  }
0x3e8: {  	v21 =	vld [tilespmem:s17+$0x54E0]  }
0x3e9: {  	v17 =	vadd.f32 v37, v38;
	_ =	sdelay $0x1  }
0x3ea: {  	v17 =	vadd.f32 v39, v17;
	v41 =	vpop (erf)  }
0x3eb: {  	v42 =	vmul.f32 v41, v40  }
0x3ec: {  	[tilespmem:s17+$0x74D0] =	vst v41;
	v43 =	vsub.f32 $0.0e+00, v17;
	v17 =	vadd.f32 v21, v17  }
0x3ed: {  	[tilespmem:s17+$0x7490] =	vst v42  }
0x3ee: {  	v18 =	vmul.f32 $1.442695020e+00, v43;
	[tilespmem:s10+$0xFFFFFFF0] =	vst v17  }
0x3ef: {  	v44 =	vld [tilespmem:s17+$0x34B0]  }
0x3f0: {  	v45 =	vld [tilespmem:s17+$0x44B0];
	(erf) = vpow2.f32 v18;
	_ =	sdelay $0x1  }
0x3f1: {  	v46 =	vld [tilespmem:s17+$0x54B0];
	_ =	sdelay $0x2  }
0x3f2: {  	v19 =	vadd.f32 v45, v44;
	_ =	sdelay $0x1  }
0x3f3: {  	v18 =	vadd.f32 v46, v19;
	_ =	sdelay $0x1  }
0x3f4: {  	v19 =	vsub.f32 $0.0e+00, v18;
	v47 =	vpop (erf)  }
0x3f5: {  	v20 =	vadd.f32 $1.000000000e+00, v47  }
0x3f6: {  	v19 =	vmul.f32 $1.442695020e+00, v19  }
0x3f7: {  	(erf) = vrcp.f32 v20  }
0x3f8: {  	(erf) = vpow2.f32 v19;
	_ =	sdelay $0x7  }
0x3f9: {  	v48 =	vld [tilespmem:s17+$0x34E0];
	v20 =	vpop (erf)  }
0x3fa: {  	v49 =	vld [tilespmem:s17+$0x54F0];
	v22 =	vpop (erf)  }
0x3fb: {  	v22 =	vadd.f32 $1.000000000e+00, v22;
	_ =	sdelay $0x1  }
0x3fc: {  	(erf) = vrcp.f32 v22  }
0x3fd: {  	v19 =	vmul.f32 v20, v48  }
0x3fe: {  	v18 =	vadd.f32 v49, v18;
	[tilespmem:s17+$0x74E0] =	vst v20  }
0x3ff: {  	[tilespmem:s17+$0x74A0] =	vst v19  }
0x400: {  	[tilespmem:s10+$0x0] =	vst v18  }
0x401: {  	v50 =	vld [tilespmem:s17+$0x34F0];
	_ =	sdelay $0x2  }
0x402: {  	v51 =	vmul.f32 v11, v11  }
0x403: {  	v5 =	vadd.f32 v11, v5;
	v4 =	vadd.f32 v12, v4;
	v52 =	vmul.f32 v12, v12;
	v53 =	vpop (erf)  }
0x404: {  	v6 =	vadd.f32 v51, v6;
	v54 =	vmul.f32 v15, v15;
	v19 =	vmul.f32 v53, v50  }
0x405: {  	v3 =	vadd.f32 v52, v3;
	v55 =	vmul.f32 v13, v13;
	v5 =	vadd.f32 v15, v5;
	[tilespmem:s17+$0x74F0] =	vst v53  }
0x406: {  	v10 =	vadd.f32 v13, v10;
	v6 =	vadd.f32 v54, v6;
	v56 =	vmul.f32 v16, v16;
	[tilespmem:s17+$0x74B0] =	vst v19  }
0x407: {  	v58 =	vadd.f32 v55, v8;
	v4 =	vadd.f32 v16, v4;
	[tilespmem:s19+$0x0] =	vst.add.f32.msk $0xffff, v5  }
0x408: {  	v57 =	vmul.f32 v14, v14;
	v3 =	vadd.f32 v56, v3;
	v59 =	vmul.f32 v17, v17;
	[tilespmem:s20+$0x0] =	vst.add.f32.msk $0xffff, v6  }
0x409: {  	v9 =	vadd.f32 v14, v9;
	v60 =	vadd.f32 v17, v10;
	[tilespmem:s21+$0x0] =	vst.add.f32.msk $0xffff, v4  }
0x40a: {  	v62 =	vadd.f32 v57, v7;
	v61 =	vadd.f32 v59, v58;
	v63 =	vmul.f32 v18, v18;
	[tilespmem:s22+$0x0] =	vst.add.f32.msk $0xffff, v3  }
0x40b: {  	s16 =	sadd.s32 $0x1, s16;
	s10 =	rddreg [dreg:$0xb];
	v3 =	vadd.f32 v18, v9;
	[tilespmem:s23+$0x0] =	vst.add.f32.msk $0xffff, v60  }
0x40c: {  	p0 =	sne.s32 s16, $0x138;
	s2 =	sor.u32 s10, s12;
	v5 =	vadd.f32 v63, v62;
	[tilespmem:s24+$0x0] =	vst.add.f32.msk $0xffff, v61  }
.Ltmp6:
0x40d: {  	s13 =	simm.s32 $0x800;
	s2 =	sshrl.u32 s2, $0x3;
	[tilespmem:s25+$0x0] =	vst.add.f32.msk $0xffff, v3;
	(pc) =	sbr.rel @p0 .LBB2_4-.Ltmp6, $4  }
0x40e: {  	s14 =	simm.s32 $0x8C00;
	s18 =	simm.s32 $0x20;
	s2 =	sadd.s32 s8, s2;
	[tilespmem:s26+$0x0] =	vst.add.f32.msk $0xffff, v5  }
0x40f: {  	[hbm4b:s2+s28] =	stream.strided.scatter [tilespmem:s14], [sflag:$0xA], $0x800, s13, s28, $0x38;
	[tilespmem:$0x1D800] =	vst v63  }
0x410: {  	s30 =	simm.s32 $0x380;
	s17 =	rddreg [dreg:$0x2];
	s13 =	simm.s32 $0x7400  }
0x411: {  	[spmem:s17] =	stream.indirect.scatter.add.f32 [tilespmem:s13], [sflag:$0x8], $0x80, s30, s18, $0xb8;
	[tilespmem:$0x1D800] =	vst v63  }
0x412: {  	_ =	swait.ge [sflag:s11], $0x3000  }
0x413: {  	[sflag:s11] =	ssyncset.done $0x0  }
0x414: {  	s14 =	simm.s32 $0x7;
	[sflag:s11] =	ssyncadd.s32 $0xFFFFD000  }
0x415: {  	_ =	swait.ge [sflag:s14], $0x1000  }
0x416: {  	[sflag:s14] =	ssyncset.done $0x0  }
0x417: {  	s16 =	simm.s32 $0x9;
	[sflag:s14] =	ssyncadd.s32 $0xFFFFF000  }
0x418: {  	_ =	swait.ge [sflag:s16], $0x800  }
0x419: {  	[sflag:s16] =	ssyncset.done $0x0  }
0x41a: {  	[sflag:s16] =	ssyncadd.s32 $0xFFFFF800  }
0x41b: {  	v3 =	vld [tilespmem:$0x100]  }
0x41c: {  	v4 =	vld [tilespmem:$0x110];
	_ =	sdelay $0x3  }
0x41d: {  	[tilespmem:$0x300] =	vst v3  }
0x41e: {  	s1 =	simm.s32 $0x0;
	[tilespmem:$0x310] =	vst v4  }
0x41f: {  	v3 =	vld [tilespmem:s1+$0x400]  }
0x420: {  	v4 =	vld [tilespmem:s1+$0x1400];
	_ =	sdelay $0x1  }
0x421: {  	v5 =	vld [tilespmem:s1+$0x2400];
	_ =	sdelay $0x2  }
0x422: {  	v3 =	vadd.f32 v4, v3;
	_ =	sdelay $0x1  }
0x423: {  	v3 =	vadd.f32 v5, v3  }
0x424: {  	v4 =	vld [tilespmem:s1+$0x2440]  }
0x425: {  	v5 =	vsub.f32 $0.0e+00, v3;
	_ =	sdelay $0x1  }
0x426: {  	v5 =	vmul.f32 $1.442695020e+00, v5;
	_ =	sdelay $0x1  }
0x427: {  	v3 =	vadd.f32 v4, v3;
	(erf) = vpow2.f32 v5  }
0x428: {  	s2 =	simm.s32 $0x8440  }
0x429: {  	[tilespmem:s2+$0xFFFFFFC0] =	vst v3  }
0x42a: {  	v4 =	vld [tilespmem:s1+$0x410]  }
0x42b: {  	v5 =	vld [tilespmem:s1+$0x1410];
	_ =	sdelay $0x1  }
0x42c: {  	v6 =	vld [tilespmem:s1+$0x2410];
	_ =	sdelay $0x2  }
0x42d: {  	v4 =	vadd.f32 v5, v4;
	v7 =	vpop (erf)  }
0x42e: {  	v5 =	vadd.f32 $1.000000000e+00, v7  }
0x42f: {  	v4 =	vadd.f32 v6, v4  }
0x430: {  	(erf) = vrcp.f32 v5  }
0x431: {  	v5 =	vsub.f32 $0.0e+00, v4;
	_ =	sdelay $0x1  }
0x432: {  	v5 =	vmul.f32 $1.442695020e+00, v5;
	_ =	sdelay $0x1  }
0x433: {  	v6 =	vld [tilespmem:s1+$0x440];
	(erf) = vpow2.f32 v5  }
0x434: {  	v5 =	vld [tilespmem:s1+$0x2450];
	_ =	sdelay $0x2  }
0x435: {  	v7 =	vpop (erf)  }
0x436: {  	v6 =	vmul.f32 v7, v6  }
0x437: {  	v4 =	vadd.f32 v5, v4;
	[tilespmem:s1+$0x6440] =	vst v7  }
0x438: {  	[tilespmem:s1+$0x6400] =	vst v6  }
0x439: {  	[tilespmem:s2+$0xFFFFFFD0] =	vst v4  }
0x43a: {  	v5 =	vld [tilespmem:s1+$0x420];
	v6 =	vpop (erf)  }
0x43b: {  	v7 =	vld [tilespmem:s1+$0x1420];
	v6 =	vadd.f32 $1.000000000e+00, v6;
	_ =	sdelay $0x1  }
0x43c: {  	v8 =	vld [tilespmem:s1+$0x2420];
	(erf) = vrcp.f32 v6;
	_ =	sdelay $0x2  }
0x43d: {  	v5 =	vadd.f32 v7, v5;
	_ =	sdelay $0x1  }
0x43e: {  	v6 =	vld [tilespmem:s1+$0x450];
	v5 =	vadd.f32 v8, v5  }
0x43f: {  	v7 =	vld [tilespmem:s1+$0x2460]  }
0x440: {  	v8 =	vsub.f32 $0.0e+00, v5;
	_ =	sdelay $0x1  }
0x441: {  	v8 =	vmul.f32 $1.442695020e+00, v8;
	v9 =	vpop (erf)  }
0x442: {  	v6 =	vmul.f32 v9, v6  }
0x443: {  	v7 =	vadd.f32 v7, v5;
	(erf) = vpow2.f32 v8;
	[tilespmem:s1+$0x6450] =	vst v9  }
0x444: {  	[tilespmem:s1+$0x6410] =	vst v6  }
0x445: {  	[tilespmem:s2+$0xFFFFFFE0] =	vst v7  }
0x446: {  	v5 =	vld [tilespmem:s1+$0x430]  }
0x447: {  	v6 =	vld [tilespmem:s1+$0x1430];
	_ =	sdelay $0x1  }
0x448: {  	v8 =	vld [tilespmem:s1+$0x2430];
	_ =	sdelay $0x2  }
0x449: {  	v9 =	vpop (erf);
	v5 =	vadd.f32 v6, v5  }
0x44a: {  	v6 =	vadd.f32 $1.000000000e+00, v9  }
0x44b: {  	v5 =	vadd.f32 v8, v5  }
0x44c: {  	(erf) = vrcp.f32 v6  }
0x44d: {  	v6 =	vsub.f32 $0.0e+00, v5;
	_ =	sdelay $0x1  }
0x44e: {  	v6 =	vmul.f32 $1.442695020e+00, v6;
	_ =	sdelay $0x1  }
0x44f: {  	v8 =	vld [tilespmem:s1+$0x460];
	(erf) = vpow2.f32 v6  }
0x450: {  	v6 =	vld [tilespmem:s1+$0x2470];
	_ =	sdelay $0x2  }
0x451: {  	v9 =	vpop (erf)  }
0x452: {  	v8 =	vmul.f32 v9, v8  }
0x453: {  	[tilespmem:s1+$0x6460] =	vst v9;
	v9 =	vadd.f32 v6, v5  }
0x454: {  	[tilespmem:s1+$0x6420] =	vst v8  }
0x455: {  	[tilespmem:s2+$0xFFFFFFF0] =	vst v9  }
0x456: {  	v5 =	vld [tilespmem:s1+$0x480];
	v6 =	vpop (erf)  }
0x457: {  	v8 =	vld [tilespmem:s1+$0x1480];
	v6 =	vadd.f32 $1.000000000e+00, v6;
	_ =	sdelay $0x1  }
0x458: {  	v10 =	vld [tilespmem:s1+$0x2480];
	(erf) = vrcp.f32 v6;
	_ =	sdelay $0x2  }
0x459: {  	v5 =	vadd.f32 v8, v5;
	_ =	sdelay $0x1  }
0x45a: {  	v6 =	vld [tilespmem:s1+$0x470];
	v5 =	vadd.f32 v10, v5  }
0x45b: {  	v8 =	vld [tilespmem:s1+$0x24C0]  }
0x45c: {  	v10 =	vsub.f32 $0.0e+00, v5;
	_ =	sdelay $0x1  }
0x45d: {  	v10 =	vmul.f32 $1.442695020e+00, v10;
	v11 =	vpop (erf)  }
0x45e: {  	v6 =	vmul.f32 v11, v6  }
0x45f: {  	v5 =	vadd.f32 v8, v5;
	(erf) = vpow2.f32 v10;
	[tilespmem:s1+$0x6470] =	vst v11  }
0x460: {  	[tilespmem:s1+$0x6430] =	vst v6  }
0x461: {  	[tilespmem:s2+$0x0] =	vst v5  }
0x462: {  	v6 =	vld [tilespmem:s1+$0x490]  }
0x463: {  	v8 =	vld [tilespmem:s1+$0x1490];
	_ =	sdelay $0x1  }
0x464: {  	v10 =	vld [tilespmem:s1+$0x2490];
	_ =	sdelay $0x2  }
0x465: {  	v11 =	vpop (erf);
	v6 =	vadd.f32 v8, v6  }
0x466: {  	v8 =	vadd.f32 $1.000000000e+00, v11  }
0x467: {  	v6 =	vadd.f32 v10, v6  }
0x468: {  	(erf) = vrcp.f32 v8  }
0x469: {  	v8 =	vsub.f32 $0.0e+00, v6;
	_ =	sdelay $0x1  }
0x46a: {  	v8 =	vmul.f32 $1.442695020e+00, v8;
	_ =	sdelay $0x1  }
0x46b: {  	v10 =	vld [tilespmem:s1+$0x4C0];
	(erf) = vpow2.f32 v8;
	_ =	sdelay $0x1  }
0x46c: {  	v11 =	vld [tilespmem:s1+$0x24D0];
	_ =	sdelay $0x1  }
0x46d: {  	v8 =	vpop (erf)  }
0x46e: {  	v10 =	vmul.f32 v8, v10;
	_ =	sdelay $0x1  }
0x46f: {  	[tilespmem:s1+$0x64C0] =	vst v8;
	v8 =	vadd.f32 v11, v6  }
0x470: {  	[tilespmem:s1+$0x6480] =	vst v10  }
0x471: {  	[tilespmem:s2+$0x10] =	vst v8;
	v10 =	vpop (erf)  }
0x472: {  	v6 =	vld [tilespmem:s1+$0x14A0];
	v10 =	vadd.f32 $1.000000000e+00, v10  }
0x473: {  	v11 =	vld [tilespmem:s1+$0x4A0]  }
0x474: {  	(erf) = vrcp.f32 v10  }
0x475: {  	v12 =	vld [tilespmem:s1+$0x24A0];
	_ =	sdelay $0x2  }
0x476: {  	v6 =	vadd.f32 v6, v11  }
0x477: {  	v10 =	vld [tilespmem:s1+$0x4D0]  }
0x478: {  	v11 =	vld [tilespmem:s1+$0x24E0];
	v6 =	vadd.f32 v12, v6;
	_ =	sdelay $0x1  }
0x479: {  	v12 =	vsub.f32 $0.0e+00, v6  }
0x47a: {  	v13 =	vpop (erf)  }
0x47b: {  	v12 =	vmul.f32 $1.442695020e+00, v12;
	v10 =	vmul.f32 v13, v10  }
0x47c: {  	v14 =	vadd.f32 v11, v6;
	[tilespmem:s1+$0x64D0] =	vst v13  }
0x47d: {  	(erf) = vpow2.f32 v12;
	[tilespmem:s1+$0x6490] =	vst v10  }
0x47e: {  	[tilespmem:s2+$0x20] =	vst v14  }
0x47f: {  	v6 =	vld [tilespmem:s1+$0x4B0]  }
0x480: {  	v10 =	vld [tilespmem:s1+$0x14B0];
	_ =	sdelay $0x1  }
0x481: {  	v11 =	vld [tilespmem:s1+$0x24B0];
	_ =	sdelay $0x2  }
0x482: {  	v6 =	vadd.f32 v10, v6  }
0x483: {  	v12 =	vpop (erf)  }
0x484: {  	v10 =	vadd.f32 $1.000000000e+00, v12;
	v6 =	vadd.f32 v11, v6;
	_ =	sdelay $0x1  }
0x485: {  	(erf) = vrcp.f32 v10;
	v10 =	vsub.f32 $0.0e+00, v6;
	_ =	sdelay $0x1  }
0x486: {  	v10 =	vmul.f32 $1.442695020e+00, v10;
	_ =	sdelay $0x1  }
0x487: {  	(erf) = vpow2.f32 v10;
	_ =	sdelay $0x2  }
0x488: {  	v11 =	vld [tilespmem:s1+$0x4E0];
	v10 =	vmul.f32 v3, v3  }
0x489: {  	v15 =	vimm.f32 $0.0e+00;
	v12 =	vld [tilespmem:s1+$0x24F0]  }
0x48a: {  	v10 =	vadd.f32 v10, v15  }
0x48b: {  	v13 =	vmul.f32 v4, v4;
	v4 =	vadd.f32 v4, v15  }
0x48c: {  	v17 =	vmul.f32 v5, v5;
	v16 =	vpop (erf)  }
0x48d: {  	v4 =	vadd.f32 v8, v4;
	v3 =	vadd.f32 v3, v15;
	v11 =	vmul.f32 v16, v11  }
0x48e: {  	[tilespmem:s1+$0x64E0] =	vst v16;
	v16 =	vadd.f32 v12, v6;
	v6 =	vadd.f32 v17, v10;
	v10 =	vpop (erf)  }
0x48f: {  	v5 =	vadd.f32 v5, v3;
	[tilespmem:s1+$0x64A0] =	vst v11;
	v19 =	vadd.f32 $1.000000000e+00, v10  }
0x490: {  	s13 =	simm.s32 $0x100;
	v3 =	vadd.f32 v13, v15;
	v13 =	vmul.f32 v7, v7;
	v12 =	vmul.f32 v8, v8;
	[tilespmem:s2+$0x30] =	vst v16  }
0x491: {  	v7 =	vadd.f32 v7, v15;
	v8 =	vmul.f32 v9, v9;
	v11 =	vld [tilespmem:s13+$0x400];
	(erf) = vrcp.f32 v19  }
0x492: {  	v18 =	vmul.f32 v14, v14;
	v17 =	vadd.f32 v13, v15;
	v9 =	vadd.f32 v9, v15;
	v13 =	vld [tilespmem:s13+$0x1400]  }
0x493: {  	v3 =	vadd.f32 v12, v3;
	v20 =	vadd.f32 v8, v15;
	v21 =	vmul.f32 v16, v16;
	v12 =	vld [tilespmem:s1+$0x4F0]  }
0x494: {  	v8 =	vadd.f32 v18, v17;
	v9 =	vadd.f32 v16, v9;
	v15 =	vld [tilespmem:s13+$0x2400]  }
0x495: {  	s10 =	simm.s32 $0x800;
	v10 =	vadd.f32 v14, v7;
	v7 =	vadd.f32 v21, v20;
	v14 =	vld [tilespmem:s13+$0x2440]  }
.LBB2_14:
0x496: {  	p0 =	sne.s32 s10, $0x3C00  }
0x497: {  	s2 =	sadd.s32 $0x80, s2;
	s12 =	smov.u32 s10;
	s10 =	sadd.s32 $0x400, s10  }
0x498: {  	v11 =	vadd.f32 v13, v11;
	_ =	sdelay $0x1  }
0x499: {  	v11 =	vadd.f32 v15, v11;
	v13 =	vpop (erf)  }
0x49a: {  	v12 =	vmul.f32 v13, v12;
	[tilespmem:s1+$0x64F0] =	vst v13  }
0x49b: {  	v13 =	vsub.f32 $0.0e+00, v11;
	v17 =	vadd.f32 v14, v11  }
0x49c: {  	[tilespmem:s1+$0x64B0] =	vst v12;
	s1 =	smov.u32 s13  }
0x49d: {  	v11 =	vmul.f32 $1.442695020e+00, v13;
	[tilespmem:s2+$0xFFFFFFC0] =	vst v17  }
0x49e: {  	v12 =	vld [tilespmem:s1+$0x410]  }
0x49f: {  	v13 =	vld [tilespmem:s1+$0x1410];
	(erf) = vpow2.f32 v11;
	_ =	sdelay $0x1  }
0x4a0: {  	v11 =	vld [tilespmem:s1+$0x2410];
	_ =	sdelay $0x2  }
0x4a1: {  	v12 =	vadd.f32 v13, v12;
	_ =	sdelay $0x1  }
0x4a2: {  	v11 =	vadd.f32 v11, v12;
	_ =	sdelay $0x1  }
0x4a3: {  	v12 =	vsub.f32 $0.0e+00, v11;
	v13 =	vpop (erf)  }
0x4a4: {  	v13 =	vadd.f32 $1.000000000e+00, v13  }
0x4a5: {  	v12 =	vmul.f32 $1.442695020e+00, v12  }
0x4a6: {  	(erf) = vrcp.f32 v13  }
0x4a7: {  	(erf) = vpow2.f32 v12;
	_ =	sdelay $0x3  }
0x4a8: {  	v12 =	vld [tilespmem:s1+$0x440]  }
0x4a9: {  	v13 =	vld [tilespmem:s1+$0x2450];
	_ =	sdelay $0x2  }
0x4aa: {  	v14 =	vpop (erf)  }
0x4ab: {  	v12 =	vmul.f32 v14, v12;
	v15 =	vpop (erf)  }
0x4ac: {  	[tilespmem:s1+$0x6440] =	vst v14;
	v14 =	vadd.f32 $1.000000000e+00, v15;
	v16 =	vadd.f32 v13, v11  }
0x4ad: {  	[tilespmem:s1+$0x6400] =	vst v12  }
0x4ae: {  	[tilespmem:s2+$0xFFFFFFD0] =	vst v16;
	v15 =	vmul.f32 v16, v16;
	(erf) = vrcp.f32 v14  }
0x4af: {  	v11 =	vld [tilespmem:s1+$0x420]  }
0x4b0: {  	v12 =	vld [tilespmem:s1+$0x1420];
	_ =	sdelay $0x1  }
0x4b1: {  	v13 =	vld [tilespmem:s1+$0x2420]  }
0x4b2: {  	v14 =	vld [tilespmem:s1+$0x450]  }
0x4b3: {  	v18 =	vld [tilespmem:s1+$0x2460]  }
0x4b4: {  	v11 =	vadd.f32 v12, v11;
	_ =	sdelay $0x1  }
0x4b5: {  	v11 =	vadd.f32 v13, v11;
	v12 =	vpop (erf)  }
0x4b6: {  	v13 =	vmul.f32 v12, v14  }
0x4b7: {  	[tilespmem:s1+$0x6450] =	vst v12;
	v12 =	vsub.f32 $0.0e+00, v11;
	v14 =	vadd.f32 v18, v11  }
0x4b8: {  	[tilespmem:s1+$0x6410] =	vst v13  }
0x4b9: {  	v11 =	vmul.f32 $1.442695020e+00, v12;
	[tilespmem:s2+$0xFFFFFFE0] =	vst v14;
	v13 =	vmul.f32 v14, v14  }
0x4ba: {  	v12 =	vld [tilespmem:s1+$0x430]  }
0x4bb: {  	v18 =	vld [tilespmem:s1+$0x1430];
	(erf) = vpow2.f32 v11;
	_ =	sdelay $0x1  }
0x4bc: {  	v11 =	vld [tilespmem:s1+$0x2430];
	_ =	sdelay $0x2  }
0x4bd: {  	v12 =	vadd.f32 v18, v12;
	_ =	sdelay $0x1  }
0x4be: {  	v11 =	vadd.f32 v11, v12;
	_ =	sdelay $0x1  }
0x4bf: {  	v12 =	vsub.f32 $0.0e+00, v11;
	v18 =	vpop (erf)  }
0x4c0: {  	v18 =	vadd.f32 $1.000000000e+00, v18  }
0x4c1: {  	v12 =	vmul.f32 $1.442695020e+00, v12  }
0x4c2: {  	(erf) = vrcp.f32 v18  }
0x4c3: {  	(erf) = vpow2.f32 v12;
	_ =	sdelay $0x3  }
0x4c4: {  	v12 =	vld [tilespmem:s1+$0x460]  }
0x4c5: {  	v18 =	vld [tilespmem:s1+$0x2470];
	_ =	sdelay $0x2  }
0x4c6: {  	v19 =	vpop (erf)  }
0x4c7: {  	v20 =	vmul.f32 v19, v12;
	v12 =	vpop (erf)  }
0x4c8: {  	[tilespmem:s1+$0x6460] =	vst v19;
	v19 =	vadd.f32 $1.000000000e+00, v12;
	v12 =	vadd.f32 v18, v11  }
0x4c9: {  	[tilespmem:s1+$0x6420] =	vst v20  }
0x4ca: {  	[tilespmem:s2+$0xFFFFFFF0] =	vst v12;
	v11 =	vmul.f32 v12, v12;
	(erf) = vrcp.f32 v19  }
0x4cb: {  	v18 =	vld [tilespmem:s1+$0x480]  }
0x4cc: {  	v19 =	vld [tilespmem:s1+$0x1480];
	_ =	sdelay $0x1  }
0x4cd: {  	v20 =	vld [tilespmem:s1+$0x2480]  }
0x4ce: {  	v21 =	vld [tilespmem:s1+$0x470]  }
0x4cf: {  	v22 =	vld [tilespmem:s1+$0x24C0]  }
0x4d0: {  	v18 =	vadd.f32 v19, v18;
	_ =	sdelay $0x1  }
0x4d1: {  	v18 =	vadd.f32 v20, v18;
	v19 =	vpop (erf)  }
0x4d2: {  	v5 =	vadd.f32 v17, v5;
	v17 =	vmul.f32 v17, v17;
	v20 =	vmul.f32 v19, v21;
	[tilespmem:s1+$0x6470] =	vst v19  }
0x4d3: {  	v19 =	vsub.f32 $0.0e+00, v18;
	v18 =	vadd.f32 v22, v18  }
0x4d4: {  	v6 =	vadd.f32 v17, v6;
	[tilespmem:s1+$0x6430] =	vst v20  }
0x4d5: {  	v17 =	vmul.f32 $1.442695020e+00, v19;
	[tilespmem:s2+$0x0] =	vst v18;
	v5 =	vadd.f32 v18, v5;
	v18 =	vmul.f32 v18, v18  }
0x4d6: {  	v19 =	vld [tilespmem:s1+$0x490]  }
0x4d7: {  	v6 =	vadd.f32 v18, v6;
	v18 =	vld [tilespmem:s1+$0x1490];
	(erf) = vpow2.f32 v17  }
0x4d8: {  	v17 =	vld [tilespmem:s1+$0x2490]  }
0x4d9: {  	v20 =	vld [tilespmem:s1+$0x4C0]  }
0x4da: {  	v21 =	vld [tilespmem:s1+$0x24D0];
	_ =	sdelay $0x1  }
0x4db: {  	v18 =	vadd.f32 v18, v19;
	_ =	sdelay $0x1  }
0x4dc: {  	v17 =	vadd.f32 v17, v18;
	_ =	sdelay $0x1  }
0x4dd: {  	v18 =	vsub.f32 $0.0e+00, v17;
	v19 =	vpop (erf)  }
0x4de: {  	v19 =	vadd.f32 $1.000000000e+00, v19  }
0x4df: {  	v18 =	vmul.f32 $1.442695020e+00, v18  }
0x4e0: {  	(erf) = vrcp.f32 v19  }
0x4e1: {  	(erf) = vpow2.f32 v18;
	_ =	sdelay $0x7  }
0x4e2: {  	v18 =	vpop (erf)  }
0x4e3: {  	v4 =	vadd.f32 v16, v4;
	v16 =	vmul.f32 v18, v20;
	[tilespmem:s1+$0x64C0] =	vst v18;
	v18 =	vpop (erf)  }
0x4e4: {  	v17 =	vadd.f32 v21, v17;
	v18 =	vadd.f32 $1.000000000e+00, v18  }
0x4e5: {  	v3 =	vadd.f32 v15, v3;
	[tilespmem:s1+$0x6480] =	vst v16  }
0x4e6: {  	v4 =	vadd.f32 v17, v4;
	v15 =	vmul.f32 v17, v17;
	[tilespmem:s2+$0x10] =	vst v17;
	(erf) = vrcp.f32 v18  }
0x4e7: {  	v16 =	vld [tilespmem:s1+$0x14A0]  }
0x4e8: {  	v3 =	vadd.f32 v15, v3;
	v15 =	vld [tilespmem:s1+$0x4A0]  }
0x4e9: {  	v17 =	vld [tilespmem:s1+$0x24A0]  }
0x4ea: {  	v18 =	vld [tilespmem:s1+$0x4D0]  }
0x4eb: {  	v19 =	vld [tilespmem:s1+$0x24E0];
	_ =	sdelay $0x1  }
0x4ec: {  	v15 =	vadd.f32 v16, v15;
	_ =	sdelay $0x1  }
0x4ed: {  	v15 =	vadd.f32 v17, v15;
	v16 =	vpop (erf)  }
0x4ee: {  	v10 =	vadd.f32 v14, v10;
	v14 =	vmul.f32 v16, v18;
	[tilespmem:s1+$0x64D0] =	vst v16  }
0x4ef: {  	v16 =	vsub.f32 $0.0e+00, v15;
	v15 =	vadd.f32 v19, v15  }
0x4f0: {  	v8 =	vadd.f32 v13, v8;
	[tilespmem:s1+$0x6490] =	vst v14  }
0x4f1: {  	v13 =	vmul.f32 $1.442695020e+00, v16;
	[tilespmem:s2+$0x20] =	vst v15;
	v10 =	vadd.f32 v15, v10;
	v14 =	vmul.f32 v15, v15  }
0x4f2: {  	v15 =	vld [tilespmem:s1+$0x4B0]  }
0x4f3: {  	v8 =	vadd.f32 v14, v8;
	v14 =	vld [tilespmem:s1+$0x14B0];
	(erf) = vpow2.f32 v13  }
0x4f4: {  	v13 =	vld [tilespmem:s1+$0x24B0]  }
0x4f5: {  	v16 =	vld [tilespmem:s1+$0x4E0]  }
0x4f6: {  	v17 =	vld [tilespmem:s1+$0x24F0];
	_ =	sdelay $0x1  }
0x4f7: {  	v14 =	vadd.f32 v14, v15;
	_ =	sdelay $0x1  }
0x4f8: {  	v13 =	vadd.f32 v13, v14;
	_ =	sdelay $0x1  }
0x4f9: {  	v14 =	vsub.f32 $0.0e+00, v13;
	v15 =	vpop (erf)  }
0x4fa: {  	v15 =	vadd.f32 $1.000000000e+00, v15  }
0x4fb: {  	v14 =	vmul.f32 $1.442695020e+00, v14  }
0x4fc: {  	(erf) = vrcp.f32 v15  }
0x4fd: {  	(erf) = vpow2.f32 v14;
	_ =	sdelay $0x7  }
0x4fe: {  	v14 =	vpop (erf)  }
0x4ff: {  	v9 =	vadd.f32 v12, v9;
	v12 =	vmul.f32 v14, v16;
	[tilespmem:s1+$0x64E0] =	vst v14;
	v14 =	vpop (erf)  }
0x500: {  	v13 =	vadd.f32 v17, v13;
	v14 =	vadd.f32 $1.000000000e+00, v14  }
0x501: {  	s13 =	sshra.s32 s12, $0x2;
	v7 =	vadd.f32 v11, v7;
	[tilespmem:s1+$0x64A0] =	vst v12  }
0x502: {  	v9 =	vadd.f32 v13, v9;
	v12 =	vmul.f32 v13, v13;
	[tilespmem:s2+$0x30] =	vst v13;
	(erf) = vrcp.f32 v14  }
.Ltmp7:
0x503: {  	v11 =	vld [tilespmem:s13+$0x400];
	(pc) =	sbr.rel @p0 .LBB2_14-.Ltmp7, $4  }
0x504: {  	v7 =	vadd.f32 v12, v7;
	v13 =	vld [tilespmem:s13+$0x1400]  }
0x505: {  	v12 =	vld [tilespmem:s1+$0x4F0]  }
0x506: {  	v15 =	vld [tilespmem:s13+$0x2400]  }
0x507: {  	v14 =	vld [tilespmem:s13+$0x2440]  }
0x508: {  	_ = 	snop  }
0x509: {  	v11 =	vadd.f32 v13, v11;
	_ =	sdelay $0x1  }
0x50a: {  	v11 =	vadd.f32 v15, v11;
	v39 =	vpop (erf)  }
0x50b: {  	v12 =	vmul.f32 v39, v12  }
0x50c: {  	[tilespmem:s1+$0x64F0] =	vst v39;
	v40 =	vsub.f32 $0.0e+00, v11;
	v11 =	vadd.f32 v14, v11  }
0x50d: {  	s10 =	sadd.s32 $0x80, s2;
	[tilespmem:s1+$0x64B0] =	vst v12  }
0x50e: {  	v41 =	vmul.f32 $1.442695020e+00, v40;
	[tilespmem:s10+$0xFFFFFFC0] =	vst v11  }
0x50f: {  	v42 =	vld [tilespmem:s13+$0x410]  }
0x510: {  	v43 =	vld [tilespmem:s13+$0x1410];
	(erf) = vpow2.f32 v41;
	_ =	sdelay $0x1  }
0x511: {  	v44 =	vld [tilespmem:s13+$0x2410];
	_ =	sdelay $0x2  }
0x512: {  	v13 =	vadd.f32 v43, v42;
	_ =	sdelay $0x1  }
0x513: {  	v12 =	vadd.f32 v44, v13;
	_ =	sdelay $0x1  }
0x514: {  	v13 =	vsub.f32 $0.0e+00, v12;
	v45 =	vpop (erf)  }
0x515: {  	v14 =	vadd.f32 $1.000000000e+00, v45  }
0x516: {  	v13 =	vmul.f32 $1.442695020e+00, v13  }
0x517: {  	(erf) = vrcp.f32 v14  }
0x518: {  	(erf) = vpow2.f32 v13;
	_ =	sdelay $0x3  }
0x519: {  	v46 =	vld [tilespmem:s13+$0x440]  }
0x51a: {  	v47 =	vld [tilespmem:s13+$0x2450];
	_ =	sdelay $0x2  }
0x51b: {  	v48 =	vpop (erf)  }
0x51c: {  	v13 =	vmul.f32 v48, v46;
	v16 =	vpop (erf)  }
0x51d: {  	v12 =	vadd.f32 v47, v12;
	[tilespmem:s13+$0x6440] =	vst v48;
	v49 =	vadd.f32 $1.000000000e+00, v16  }
0x51e: {  	[tilespmem:s13+$0x6400] =	vst v13  }
0x51f: {  	[tilespmem:s10+$0xFFFFFFD0] =	vst v12;
	(erf) = vrcp.f32 v49  }
0x520: {  	v50 =	vld [tilespmem:s13+$0x420]  }
0x521: {  	v51 =	vld [tilespmem:s13+$0x1420];
	_ =	sdelay $0x1  }
0x522: {  	v52 =	vld [tilespmem:s13+$0x2420]  }
0x523: {  	v53 =	vld [tilespmem:s13+$0x450]  }
0x524: {  	v17 =	vld [tilespmem:s13+$0x2460]  }
0x525: {  	v13 =	vadd.f32 v51, v50;
	_ =	sdelay $0x1  }
0x526: {  	v13 =	vadd.f32 v52, v13;
	v54 =	vpop (erf)  }
0x527: {  	v55 =	vmul.f32 v54, v53  }
0x528: {  	[tilespmem:s13+$0x6450] =	vst v54;
	v56 =	vsub.f32 $0.0e+00, v13;
	v13 =	vadd.f32 v17, v13  }
0x529: {  	[tilespmem:s13+$0x6410] =	vst v55  }
0x52a: {  	v14 =	vmul.f32 $1.442695020e+00, v56;
	[tilespmem:s10+$0xFFFFFFE0] =	vst v13  }
0x52b: {  	v57 =	vld [tilespmem:s13+$0x430]  }
0x52c: {  	v58 =	vld [tilespmem:s13+$0x1430];
	(erf) = vpow2.f32 v14;
	_ =	sdelay $0x1  }
0x52d: {  	v59 =	vld [tilespmem:s13+$0x2430];
	_ =	sdelay $0x2  }
0x52e: {  	v15 =	vadd.f32 v58, v57;
	_ =	sdelay $0x1  }
0x52f: {  	v14 =	vadd.f32 v59, v15;
	_ =	sdelay $0x1  }
0x530: {  	v15 =	vsub.f32 $0.0e+00, v14;
	v60 =	vpop (erf)  }
0x531: {  	v16 =	vadd.f32 $1.000000000e+00, v60  }
0x532: {  	v15 =	vmul.f32 $1.442695020e+00, v15  }
0x533: {  	(erf) = vrcp.f32 v16  }
0x534: {  	(erf) = vpow2.f32 v15;
	_ =	sdelay $0x3  }
0x535: {  	v61 =	vld [tilespmem:s13+$0x460]  }
0x536: {  	v62 =	vld [tilespmem:s13+$0x2470];
	_ =	sdelay $0x2  }
0x537: {  	v63 =	vpop (erf)  }
0x538: {  	v15 =	vmul.f32 v63, v61;
	v18 =	vpop (erf)  }
0x539: {  	v14 =	vadd.f32 v62, v14;
	[tilespmem:s13+$0x6460] =	vst v63;
	v21 =	vadd.f32 $1.000000000e+00, v18  }
0x53a: {  	[tilespmem:s13+$0x6420] =	vst v15  }
0x53b: {  	[tilespmem:s10+$0xFFFFFFF0] =	vst v14;
	(erf) = vrcp.f32 v21  }
0x53c: {  	v22 =	vld [tilespmem:s13+$0x480]  }
0x53d: {  	v23 =	vld [tilespmem:s13+$0x1480];
	_ =	sdelay $0x1  }
0x53e: {  	v24 =	vld [tilespmem:s13+$0x2480]  }
0x53f: {  	v25 =	vld [tilespmem:s13+$0x470]  }
0x540: {  	v19 =	vld [tilespmem:s13+$0x24C0]  }
0x541: {  	v15 =	vadd.f32 v23, v22;
	_ =	sdelay $0x1  }
0x542: {  	v15 =	vadd.f32 v24, v15;
	v26 =	vpop (erf)  }
0x543: {  	v27 =	vmul.f32 v26, v25  }
0x544: {  	[tilespmem:s13+$0x6470] =	vst v26;
	v28 =	vsub.f32 $0.0e+00, v15;
	v15 =	vadd.f32 v19, v15  }
0x545: {  	[tilespmem:s13+$0x6430] =	vst v27  }
0x546: {  	v16 =	vmul.f32 $1.442695020e+00, v28;
	[tilespmem:s10+$0x0] =	vst v15  }
0x547: {  	v29 =	vld [tilespmem:s13+$0x490]  }
0x548: {  	v30 =	vld [tilespmem:s13+$0x1490];
	(erf) = vpow2.f32 v16;
	_ =	sdelay $0x1  }
0x549: {  	v31 =	vld [tilespmem:s13+$0x2490];
	_ =	sdelay $0x2  }
0x54a: {  	v17 =	vadd.f32 v30, v29;
	_ =	sdelay $0x1  }
0x54b: {  	v16 =	vadd.f32 v31, v17;
	_ =	sdelay $0x1  }
0x54c: {  	v17 =	vsub.f32 $0.0e+00, v16;
	v32 =	vpop (erf)  }
0x54d: {  	v18 =	vadd.f32 $1.000000000e+00, v32  }
0x54e: {  	v17 =	vmul.f32 $1.442695020e+00, v17  }
0x54f: {  	(erf) = vrcp.f32 v18  }
0x550: {  	(erf) = vpow2.f32 v17;
	_ =	sdelay $0x3  }
0x551: {  	v33 =	vld [tilespmem:s13+$0x4C0]  }
0x552: {  	v34 =	vld [tilespmem:s13+$0x24D0];
	_ =	sdelay $0x2  }
0x553: {  	v35 =	vpop (erf)  }
0x554: {  	v17 =	vmul.f32 v35, v33;
	v20 =	vpop (erf)  }
0x555: {  	v16 =	vadd.f32 v34, v16;
	[tilespmem:s13+$0x64C0] =	vst v35;
	v36 =	vadd.f32 $1.000000000e+00, v20  }
0x556: {  	[tilespmem:s13+$0x6480] =	vst v17  }
0x557: {  	[tilespmem:s10+$0x10] =	vst v16;
	(erf) = vrcp.f32 v36  }
0x558: {  	v37 =	vld [tilespmem:s13+$0x14A0]  }
0x559: {  	v38 =	vld [tilespmem:s13+$0x4A0];
	_ =	sdelay $0x1  }
0x55a: {  	v39 =	vld [tilespmem:s13+$0x24A0]  }
0x55b: {  	v40 =	vld [tilespmem:s13+$0x4D0]  }
0x55c: {  	v21 =	vld [tilespmem:s13+$0x24E0]  }
0x55d: {  	v17 =	vadd.f32 v37, v38;
	_ =	sdelay $0x1  }
0x55e: {  	v17 =	vadd.f32 v39, v17;
	v41 =	vpop (erf)  }
0x55f: {  	v42 =	vmul.f32 v41, v40  }
0x560: {  	[tilespmem:s13+$0x64D0] =	vst v41;
	v43 =	vsub.f32 $0.0e+00, v17;
	v17 =	vadd.f32 v21, v17  }
0x561: {  	[tilespmem:s13+$0x6490] =	vst v42  }
0x562: {  	v18 =	vmul.f32 $1.442695020e+00, v43;
	[tilespmem:s10+$0x20] =	vst v17  }
0x563: {  	v44 =	vld [tilespmem:s13+$0x4B0]  }
0x564: {  	v45 =	vld [tilespmem:s13+$0x14B0];
	(erf) = vpow2.f32 v18;
	_ =	sdelay $0x1  }
0x565: {  	v46 =	vld [tilespmem:s13+$0x24B0];
	_ =	sdelay $0x2  }
0x566: {  	v19 =	vadd.f32 v45, v44;
	_ =	sdelay $0x1  }
0x567: {  	v18 =	vadd.f32 v46, v19;
	_ =	sdelay $0x1  }
0x568: {  	v19 =	vsub.f32 $0.0e+00, v18;
	v47 =	vpop (erf)  }
0x569: {  	v20 =	vadd.f32 $1.000000000e+00, v47  }
0x56a: {  	v19 =	vmul.f32 $1.442695020e+00, v19  }
0x56b: {  	(erf) = vrcp.f32 v20  }
0x56c: {  	(erf) = vpow2.f32 v19;
	_ =	sdelay $0x7  }
0x56d: {  	v48 =	vld [tilespmem:s13+$0x4E0];
	v20 =	vpop (erf)  }
0x56e: {  	v49 =	vld [tilespmem:s13+$0x24F0];
	v22 =	vpop (erf)  }
0x56f: {  	v22 =	vadd.f32 $1.000000000e+00, v22;
	_ =	sdelay $0x1  }
0x570: {  	(erf) = vrcp.f32 v22  }
0x571: {  	v19 =	vmul.f32 v20, v48  }
0x572: {  	v18 =	vadd.f32 v49, v18;
	[tilespmem:s13+$0x64E0] =	vst v20  }
0x573: {  	[tilespmem:s13+$0x64A0] =	vst v19  }
0x574: {  	[tilespmem:s10+$0x30] =	vst v18  }
0x575: {  	v50 =	vld [tilespmem:s13+$0x4F0];
	_ =	sdelay $0x2  }
0x576: {  	v51 =	vmul.f32 v11, v11  }
0x577: {  	v5 =	vadd.f32 v11, v5;
	v4 =	vadd.f32 v12, v4;
	v52 =	vmul.f32 v12, v12;
	v53 =	vpop (erf)  }
0x578: {  	v6 =	vadd.f32 v51, v6;
	v54 =	vmul.f32 v15, v15;
	v19 =	vmul.f32 v53, v50  }
0x579: {  	v3 =	vadd.f32 v52, v3;
	v55 =	vmul.f32 v13, v13;
	v5 =	vadd.f32 v15, v5;
	[tilespmem:s13+$0x64F0] =	vst v53  }
0x57a: {  	v10 =	vadd.f32 v13, v10;
	v6 =	vadd.f32 v54, v6;
	v56 =	vmul.f32 v16, v16;
	[tilespmem:s13+$0x64B0] =	vst v19  }
0x57b: {  	v58 =	vadd.f32 v55, v8;
	v4 =	vadd.f32 v16, v4;
	[tilespmem:s19+$0x0] =	vst.add.f32.msk $0xffff, v5  }
0x57c: {  	v57 =	vmul.f32 v14, v14;
	v3 =	vadd.f32 v56, v3;
	v59 =	vmul.f32 v17, v17;
	[tilespmem:s20+$0x0] =	vst.add.f32.msk $0xffff, v6  }
0x57d: {  	v9 =	vadd.f32 v14, v9;
	v60 =	vadd.f32 v17, v10;
	[tilespmem:s21+$0x0] =	vst.add.f32.msk $0xffff, v4  }
0x57e: {  	v62 =	vadd.f32 v57, v7;
	v61 =	vadd.f32 v59, v58;
	v63 =	vmul.f32 v18, v18;
	[tilespmem:s22+$0x0] =	vst.add.f32.msk $0xffff, v3  }
0x57f: {  	v3 =	vadd.f32 v18, v9;
	[tilespmem:s23+$0x0] =	vst.add.f32.msk $0xffff, v60  }
0x580: {  	v5 =	vadd.f32 v63, v62;
	[tilespmem:s24+$0x0] =	vst.add.f32.msk $0xffff, v61  }
0x581: {  	s12 =	rddreg [dreg:$0xe];
	[tilespmem:s25+$0x0] =	vst.add.f32.msk $0xffff, v3  }
0x582: {  	s17 =	rddreg [dreg:$0x2];
	s10 =	simm.s32 $0x8400;
	s13 =	simm.s32 $0x800;
	[tilespmem:s26+$0x0] =	vst.add.f32.msk $0xffff, v5  }
0x583: {  	[hbm4b:s12+s28] =	stream.strided.scatter [tilespmem:s10], [sflag:$0x9], $0x800, s13, s28, $0x38;
	[tilespmem:$0x1D800] =	vst v63  }
0x584: {  	s18 =	simm.s32 $0x6400;
	s30 =	simm.s32 $0x20;
	s12 =	simm.s32 $0x300  }
0x585: {  	[spmem:s17] =	stream.indirect.scatter.add.f32 [tilespmem:s18], [sflag:$0x7], $0x80, s12, s30, $0xb8;
	[tilespmem:$0x1D800] =	vst v63  }
0x586: {  	_ =	swait.ge [sflag:s14], $0x1000  }
0x587: {  	[sflag:s14] =	ssyncset.done $0x0  }
0x588: {  	[sflag:s14] =	ssyncadd.s32 $0xFFFFF000  }
0x589: {  	_ =	swait.ge [sflag:s16], $0x800  }
0x58a: {  	[sflag:s16] =	ssyncset.done $0x0  }
0x58b: {  	s2 =	simm.s32 $0x8;
	[sflag:s16] =	ssyncadd.s32 $0xFFFFF800  }
0x58c: {  	_ =	swait.ge [sflag:s2], $0x1000  }
0x58d: {  	[sflag:s2] =	ssyncset.done $0x0  }
0x58e: {  	s10 =	simm.s32 $0xA;
	[sflag:s2] =	ssyncadd.s32 $0xFFFFF000  }
0x58f: {  	_ =	swait.ge [sflag:s10], $0x800  }
0x590: {  	[sflag:s10] =	ssyncset.done $0x0  }
0x591: {  	s13 =	simm.s32 $0x9400;
	s12 =	rddreg [dreg:$0xf];
	[sflag:s10] =	ssyncadd.s32 $0xFFFFF800  }
0x592: {  	[hbm4b:s12+s4] =	stream.linear.scatter [tilespmem:s13], [sflag:$0xB], $0x400, $0x38;
	[tilespmem:$0x1D800] =	vst v63  }
0x593: {  	s12 =	simm.s32 $0xB  }
0x594: {  	_ =	swait.ge [sflag:s12], $0x400  }
0x595: {  	[sflag:s12] =	ssyncset.done $0x0  }
0x596: {  	[sflag:s12] =	ssyncadd.s32 $0xFFFFFC00  }
0x597: {  	s14 =	stileid.u32;
	[bflag:$0x0] =	sbarrier.arrive $0xFFFF  }
0x598: {  	s1 =	sshll.u32 s14, $0x6;
	s13 =	rddreg [dreg:$0x6]  }
0x599: {  	s1 =	sor.u32 $0x1C0B, s1;
	s17 =	rddreg [dreg:$0x10];
	s16 =	sshrl.u32 s13, $0x3  }
0x59a: {  	[hbm:s17], [sflag:s1] =	dma.local [spmem:s16], $0x2800  }
0x59b: {  	_ =	swait.ge [sflag:s12], $0x2800  }
0x59c: {  	s18 =	sld [smem:$0x7F5];
	_ =	sdelay $0x2  }
0x59d: {  	s30 =	rddreg [dreg:$0x11];
	s2 =	sadd.s32 $0x1, s18  }
0x59e: {  	p0 =	sne.s32 s2, s30  }
.Ltmp8:
0x59f: {  	_ = 	snop;
	(pc) =	sbr.rel @p0 .LBB2_1-.Ltmp8, $3  }
0x5a0: {  	_ =	sdelay $0x1  }
0x5a1: {  	[sflag:s12] =	ssyncset.done $0x0  }
0x5a2: {  	[sflag:s12] =	ssyncadd.s32 $0xFFFFD800  }
0x5a3: {  	_ =	sfence.sel $0x180000  }
0x5a4: {  	[bflag:$0x0] =	sbarrier.arrive $0xFFFF  }
0x5a5: {  	_ =	strace $0x90000047  }
0x5a6: {  	s0 =	stileid.u32;
	[bflag:$0x2] =	sbarrier.arrive $0xFFFF  }
0x5a7: {  	p0 =	sne.s32 s0, $0x0;
	s0 =	rddreg [dreg:$0x3]  }
0x5a8: {  	s0 =	sadd.s32 @!p0 $0x100000, s0  }
0x5a9: {  	[sflag:s0] =	ssyncadd.tile.s32 @!p0 $0x1;
	_ =	shalt  }
.Lfunc_end2:
_tile_overlayer_lowered:
.L_overlay_start_2:
0x5aa: {  	(tag) =	ssettag $0x2  }
0x5ab: {  	s0 =	rddreg [dreg:$0x0];
	s2 =	stileid.u32  }
0x5ac: {  	s1 =	rddreg [dreg:$0x1];
	p0 =	sne.s32 s2, $0x0  }
0x5ad: {  	s3 =	rddreg [dreg:$0x2];
	[bflag:$0x3] =	sbarrier.arrive $0xFFFF;
	s2 =	simm.s32 @!p0 $0x1C0B  }
0x5ae: {  	[timem:s3], [sflag:s2] =	dma.local @!p0 [hbm:s0], s1  }
0x5af: {  	s0 =	simm.s32 @!p0 $0xB  }
0x5b0: {  	_ =	swait.ge @!p0 [sflag:s0], s1  }
0x5b1: {  	s1 =	ssub.s32 @!p0 $0x0, s1;
	[sflag:s0] =	ssyncset.done @!p0 $0x0  }
0x5b2: {  	[sflag:s0] =	ssyncadd.s32 @!p0 s1  }
0x5b3: {  	[bflag:$0x3] =	sbarrier.arrive $0xFFFF  }
0x5b4: {  	_ =	shalt  }

</sc_bundles>
